<compile_context>
chip_gen: v7x
topology: tpu7x:2x2x1
jax: 0.10.2.dev20260603
libtpu: 0.0.44.dev20260713+nightly
codegen_flags: <defaults>
</compile_context>

<pallas_src>
import jax
import jax.numpy as jnp
import numpy as np
from jax import lax
from jax.experimental import pallas as pl
from jax.experimental.pallas import tpu as pltpu
from jax.experimental.pallas import tpu_sc as plsc

B, H, W = 8, 512, 512
STRIDE = np.float32((2 * 512 + 11 - 12) / (512 - 1))
THRESH = np.float32(0.6)

NC, NS = 2, 16
CJ = 64
NJC = H // CJ
CPITCH = 132
BPITCH = 516


def _truncv(v):
    return v.astype(jnp.int32).astype(jnp.float32)


def _body(cls_hbm, bbr_hbm, ish_hbm, p1, p2, ish_out,
          cls_v0, cls_v1, bbr_v0, bbr_v1, out_v0, out_v1,
          tj_tab, ti_tab, ish_v, sin0, sin1, sout0, sout1):
    cid = lax.axis_index("c")
    sid = lax.axis_index("s")
    wid = sid * NC + cid
    b = wid // 4
    q = wid % 4

    iota = lax.iota(jnp.int32, 16)
    cls_bufs = (cls_v0, cls_v1)
    bbr_bufs = (bbr_v0, bbr_v1)
    out_bufs = (out_v0, out_v1)
    sin = (sin0, sin1)
    sout = (sout0, sout1)

    def tjinit(g, carry):
        fj = (g * 16 + iota).astype(jnp.float32)
        tj_tab[pl.ds(g * 16, 16)] = _truncv(STRIDE * fj)
        return carry

    lax.fori_loop(0, H // 16, tjinit, 0)

    def tiinit(r, carry):
        fi = jnp.full((16,), q * 128 + r, dtype=jnp.int32).astype(jnp.float32)
        ti_tab[r] = _truncv(STRIDE * fi)
        return carry

    lax.fori_loop(0, 128, tiinit, 0)

    rows = [iota + (jg * 16) for jg in range(CJ // 16)]

    def issue_in(c):
        slot = c % 2
        j0 = c * CJ
        dc = pltpu.async_copy(
            cls_hbm.at[b, pl.ds(j0, CJ), q, 1, :],
            cls_bufs[slot].at[:, pl.ds(0, 128)], sin[slot])
        db = pltpu.async_copy(
            bbr_hbm.at[b, pl.ds(j0, CJ), q, :],
            bbr_bufs[slot].at[:, pl.ds(0, 512)], sin[slot])
        return dc, db

    pend = issue_in(0)

    @pl.when(wid == 0)
    def _():
        pltpu.sync_copy(ish_hbm, ish_v)
        ish_v[...] = ish_v[...] + 1.0
        pltpu.sync_copy(ish_v, ish_out)

    def wait_in(slot):
        pltpu.make_async_copy(
            cls_hbm.at[b, pl.ds(0, CJ), q, 1, :],
            cls_bufs[slot].at[:, pl.ds(0, 128)], sin[slot]).wait()
        pltpu.make_async_copy(
            bbr_hbm.at[b, pl.ds(0, CJ), q, :],
            bbr_bufs[slot].at[:, pl.ds(0, 512)], sin[slot]).wait()

    def wait_out(f):
        for dst in (p1, p2):
            pltpu.make_async_copy(
                out_bufs[f], dst.at[:, pl.ds(f * 64, 64), 0, b, pl.ds(0, CJ)],
                sout[f]).wait()

    def run_chunk(c, out_guard, slot, nxt):
        j0 = c * CJ
        jc = j0 // 128
        jn = j0 - jc * 128
        cls_v, bbr_v = cls_bufs[slot], bbr_bufs[slot]

        wait_in(slot)
        if nxt is not None:
            guard, nc = nxt
            if guard is None:
                issue_in_traced(nc, 1 - slot)
            else:
                @pl.when(guard)
                def _():
                    issue_in_traced(nc, 1 - slot)

        for f in range(2):
            out_v = out_bufs[f]

            if out_guard is None:
                wait_out(f)
            else:
                @pl.when(out_guard)
                def _():
                    wait_out(f)

            @plsc.parallel_loop(f * 64, f * 64 + 64, unroll=2)
            def _iloop(il, cls_v=cls_v, bbr_v=bbr_v, out_v=out_v, j0=j0, f=f):
                ti = ti_tab[il]
                ti11 = ti + 11.0
                colv = jnp.full((16,), il, dtype=jnp.int32)
                for jg in range(CJ // 16):
                    jb = jg * 16
                    rowv = rows[jg]
                    tj = tj_tab[pl.ds(j0 + jb, 16)]
                    tj11 = tj + 11.0
                    sc = plsc.load_gather(cls_v, [rowv, colv])
                    o0 = plsc.load_gather(bbr_v, [rowv, colv])
                    o1 = plsc.load_gather(bbr_v, [rowv, colv + 128])
                    o2 = plsc.load_gather(bbr_v, [rowv, colv + 256])
                    o3 = plsc.load_gather(bbr_v, [rowv, colv + 384])
                    r0 = ti + 12.0 * o0
                    r1 = tj + 12.0 * o1
                    r2 = ti11 + 12.0 * o2
                    r3 = tj11 + 12.0 * o3
                    w = r2 - r0
                    h = r3 - r1
                    l = jnp.maximum(w, h)
                    hl = l * 0.5
                    x1 = r0 + w * 0.5 - hl
                    y1 = r1 + h * 0.5 - hl
                    m = sc >= THRESH
                    zero = jnp.zeros((16,), jnp.float32)
                    out_v[0, il - f * 64, pl.ds(jb, 16)] = jnp.where(m, x1, zero)
                    out_v[1, il - f * 64, pl.ds(jb, 16)] = jnp.where(m, y1, zero)
                    out_v[2, il - f * 64, pl.ds(jb, 16)] = jnp.where(m, x1 + l, zero)
                    out_v[3, il - f * 64, pl.ds(jb, 16)] = jnp.where(m, y1 + l, zero)
                    out_v[4, il - f * 64, pl.ds(jb, 16)] = jnp.where(m, sc, zero)

            pltpu.async_copy(
                out_v, p1.at[:, pl.ds(q * 128 + f * 64, 64), jc, b, pl.ds(jn, CJ)],
                sout[f])
            pltpu.async_copy(
                out_v, p2.at[:, pl.ds(q * 128 + f * 64, 64), jc, b, pl.ds(jn, CJ)],
                sout[f])

    def issue_in_traced(c, slot):
        j0 = c * CJ
        pltpu.async_copy(
            cls_hbm.at[b, pl.ds(j0, CJ), q, 1, :],
            cls_bufs[slot].at[:, pl.ds(0, 128)], sin[slot])
        pltpu.async_copy(
            bbr_hbm.at[b, pl.ds(j0, CJ), q, :],
            bbr_bufs[slot].at[:, pl.ds(0, 512)], sin[slot])

    def super_chunk(cc, carry):
        cA = cc * 2
        run_chunk(cA, cc > 0, 0, (None, cA + 1))
        run_chunk(cA + 1, None, 1, (cA + 2 < NJC, cA + 2))
        return carry

    lax.fori_loop(0, NJC // 2, super_chunk, 0)

    for f in range(2):
        wait_out(f)


def kernel(classifier, bbox_regress, img_shape):
    cls_lin = classifier.reshape(B, H, 4, 128, 2).transpose(0, 1, 2, 4, 3)
    bbr_lin = (bbox_regress.reshape(B, H, 4, 128, 4)
               .transpose(0, 1, 2, 4, 3).reshape(B, H, 4, 512))
    ish_lin = img_shape.reshape(16)
    mesh = plsc.VectorSubcoreMesh(core_axis_name="c", subcore_axis_name="s")
    pshape = jax.ShapeDtypeStruct((5, W, 4, B, 128), jnp.float32)
    p1, p2, ish_out = pl.kernel(
        _body,
        out_type=[pshape, pshape, jax.ShapeDtypeStruct((16,), jnp.float32)],
        mesh=mesh,
        compiler_params=pltpu.CompilerParams(
            use_tc_tiling_on_sc=False, needs_layout_passes=False),
        scratch_types=[
            pltpu.VMEM((CJ, CPITCH), jnp.float32),
            pltpu.VMEM((CJ, CPITCH), jnp.float32),
            pltpu.VMEM((CJ, BPITCH), jnp.float32),
            pltpu.VMEM((CJ, BPITCH), jnp.float32),
            pltpu.VMEM((5, 64, CJ), jnp.float32),
            pltpu.VMEM((5, 64, CJ), jnp.float32),
            pltpu.VMEM((H,), jnp.float32),
            pltpu.VMEM((128, 16), jnp.float32),
            pltpu.VMEM((16,), jnp.float32),
            pltpu.SemaphoreType.DMA,
            pltpu.SemaphoreType.DMA,
            pltpu.SemaphoreType.DMA,
            pltpu.SemaphoreType.DMA,
        ],
    )(cls_lin, bbr_lin, ish_lin)
    o1 = p1.transpose(3, 1, 2, 4, 0).reshape(B, W * H, 5)
    o2 = p2.transpose(3, 1, 2, 4, 0).reshape(B, W * H, 5)
    return (o1, o2, ish_out.reshape(B, 2))

# --- scband reference (transcript-rebuilt; emitter-appended) ---
"""Pipeline reference for scband-pnet-post-82841329205498 (READ-ONLY COPY).

The authoritative reference and input builder live on the scoring server;
editing this copy changes nothing except your own understanding.
"""

import jax, jax.numpy as jnp
import numpy as np

THRESH = 0.6
SCALE = 1.0

def _tffix(mat):
    # tf.where(mat>=0, floor, ceil) -> truncate toward zero
    return jnp.where(mat >= 0, jnp.floor(mat), jnp.ceil(mat)).astype(jnp.float32)

def _rec2square(r):
    w = r[:, 2] - r[:, 0]
    h = r[:, 3] - r[:, 1]
    l = jnp.maximum(w, h)
    x1 = r[:, 0] + w * 0.5 - l * 0.5
    y1 = r[:, 1] + h * 0.5 - l * 0.5
    return jnp.stack([x1, y1, x1 + l, y1 + l, r[:, 4]], axis=1)

def _post_one(cls, bbr, ishp):
    # cls: [H, W, 2]; bbr: [H, W, 4]; ishp: [2]
    Cls_pro = jnp.transpose(cls[:, :, 1:2], (1, 0, 2))   # [W, H, 1]
    Roi = jnp.transpose(bbr, (2, 1, 0))                  # [4, W, H]
    Wd, Hd = Cls_pro.shape[0], Cls_pro.shape[1]
    out_side = max(Wd, Hd)
    in_side = 2 * out_side + 11
    if 2 * out_side != 11:
        stride = jnp.float32((in_side - 12) / (out_side - 1))
    else:
        stride = jnp.float32(0.0)
    cls_coor = Cls_pro[:, :, 0]                          # [W, H]
    # Static-shape adaptation of tf.where(thresh): compute decode densely over the
    # full grid (same row-major order as tf.where) and zero out rows below threshold.
    mask = (cls_coor >= THRESH).reshape(-1, 1).astype(jnp.float32)  # [WH, 1]
    ii, jj = jnp.meshgrid(jnp.arange(Wd), jnp.arange(Hd), indexing='ij')
    grid = jnp.stack([ii.reshape(-1), jj.reshape(-1)], axis=1).astype(jnp.float32)  # [WH, 2]
    bb1 = _tffix(stride * grid)
    bb2 = _tffix(stride * grid + 11.0)
    bbox = jnp.concatenate([bb1, bb2], axis=1)           # [WH, 4]
    offset = jnp.stack([Roi[0].reshape(-1), Roi[1].reshape(-1),
                        Roi[2].reshape(-1), Roi[3].reshape(-1)], axis=1)  # [WH, 4]
    score = cls_coor.reshape(-1, 1)                      # [WH, 1]
    bbox = bbox + offset * 12.0 * SCALE
    rect = jnp.concatenate([bbox, score], axis=1)        # [WH, 5]
    rect = _rec2square(rect) * mask
    return rect, rect, ishp + 1.0

def setup_inputs(seed: int = 0) -> dict:
    key = jax.random.key(seed)
    k1, k2, k3 = jax.random.split(key, 3)
    B, H, W = 8, 512, 512
    classifier = jax.random.uniform(k1, (B, H, W, 2), dtype=jnp.float32)
    bbox_regress = jax.random.normal(k2, (B, H, W, 4), dtype=jnp.float32)
    img_shape = jax.random.uniform(k3, (B, 2), dtype=jnp.float32)
    return {'classifier': classifier, 'bbox_regress': bbox_regress, 'img_shape': img_shape}

def reference(classifier, bbox_regress, img_shape):
    bb1, bb2, bb3 = jax.vmap(_post_one)(classifier, bbox_regress, img_shape)
    return (bb1, bb2, bb3)

if __name__ == "__main__":
    import jax
    _d = setup_inputs()
    print(jax.jit(kernel)(*tuple(_d.values())))

</pallas_src>

<mosaic_0001>
#map = affine_map<(d0, d1) -> (0, 0, 0, 0, 0)>
#map1 = affine_map<(d0, d1) -> (0, 0, 0, 0)>
#map2 = affine_map<(d0, d1) -> (0)>
module attributes {stable_mosaic.version = 14 : i64} {
  func.func @_body(%arg0: i32, %arg1: i32, %arg2: memref<8x512x4x2x128xf32, #tpu.memory_space<hbm>>, %arg3: memref<8x512x4x512xf32, #tpu.memory_space<hbm>>, %arg4: memref<16xf32, #tpu.memory_space<hbm>>, %arg5: memref<5x512x4x8x128xf32, #tpu.memory_space<hbm>>, %arg6: memref<5x512x4x8x128xf32, #tpu.memory_space<hbm>>, %arg7: memref<16xf32, #tpu.memory_space<hbm>>, %arg8: memref<64x132xf32, #tpu.memory_space<vmem>>, %arg9: memref<64x132xf32, #tpu.memory_space<vmem>>, %arg10: memref<64x516xf32, #tpu.memory_space<vmem>>, %arg11: memref<64x516xf32, #tpu.memory_space<vmem>>, %arg12: memref<5x64x64xf32, #tpu.memory_space<vmem>>, %arg13: memref<5x64x64xf32, #tpu.memory_space<vmem>>, %arg14: memref<512xf32, #tpu.memory_space<vmem>>, %arg15: memref<128x16xf32, #tpu.memory_space<vmem>>, %arg16: memref<16xf32, #tpu.memory_space<vmem>>, %arg17: memref<!tpu.dma_semaphore, #tpu.memory_space<semaphore_mem>>, %arg18: memref<!tpu.dma_semaphore, #tpu.memory_space<semaphore_mem>>, %arg19: memref<!tpu.dma_semaphore, #tpu.memory_space<semaphore_mem>>, %arg20: memref<!tpu.dma_semaphore, #tpu.memory_space<semaphore_mem>>) attributes {dimension_semantics = [#tpu.dimension_semantics<core_parallel>, #tpu.dimension_semantics<subcore_parallel>], iteration_bounds = array<i64: 2, 16>, scalar_prefetch = 0 : i64, scratch_operands = 13 : i64, tpu.core_type = #tpu.core_type<sc_vector_subcore>, window_params = [{transform_indices = #map}, {transform_indices = #map1}, {transform_indices = #map2}, {transform_indices = #map}, {transform_indices = #map}, {transform_indices = #map2}]} {
    %mul3A = arith.constant 2 : i32
    %mul3A_0 = arith.muli %arg1, %mul3A : i32
    %add3A = arith.addi %mul3A_0, %arg0 : i32
    %jit3A = arith.constant 4 : i32
    %div3A = arith.divsi %add3A, %jit3A : i32
    %sign3A = arith.constant 0 : i32
    %sign3A_1 = arith.cmpi sgt, %add3A, %sign3A : i32
    %sign3A_2 = arith.extui %sign3A_1 : i1 to i32
    %sign3A_3 = arith.constant 0 : i32
    %sign3A_4 = arith.cmpi slt, %add3A, %sign3A_3 : i32
    %sign3A_5 = arith.extui %sign3A_4 : i1 to i32
    %sign3A_6 = arith.subi %sign3A_2, %sign3A_5 : i32
    %sign3A_7 = arith.constant 0 : i32
    %sign3A_8 = arith.cmpi sgt, %jit3A, %sign3A_7 : i32
    %sign3A_9 = arith.extui %sign3A_8 : i1 to i32
    %sign3A_10 = arith.constant 0 : i32
    %sign3A_11 = arith.cmpi slt, %jit3A, %sign3A_10 : i32
    %sign3A_12 = arith.extui %sign3A_11 : i1 to i32
    %sign3A_13 = arith.subi %sign3A_9, %sign3A_12 : i32
    %ne3A = arith.cmpi ne, %sign3A_6, %sign3A_13 : i32
    %rem3A = arith.remsi %add3A, %jit3A : i32
    %ne3A_14 = arith.constant 0 : i32
    %ne3A_15 = arith.cmpi ne, %rem3A, %ne3A_14 : i32
    %and3A = arith.andi %ne3A, %ne3A_15 : i1
    %sub3A = arith.constant 1 : i32
    %sub3A_16 = arith.subi %div3A, %sub3A : i32
    %select_n3A = arith.select %and3A, %sub3A_16, %div3A : i32
    %jit3A_17 = arith.constant 4 : i32
    %eq3A = arith.constant 0 : i32
    %eq3A_18 = arith.cmpi eq, %jit3A_17, %eq3A : i32
    %jit3A_19 = arith.constant 1 : i32
    %select_n3A_20 = arith.select %eq3A_18, %jit3A_19, %jit3A_17 : i32
    %rem3A_21 = arith.remsi %add3A, %select_n3A_20 : i32
    %ne3A_22 = arith.constant 0 : i32
    %ne3A_23 = arith.cmpi ne, %rem3A_21, %ne3A_22 : i32
    %lt3A = arith.constant 0 : i32
    %lt3A_24 = arith.cmpi slt, %rem3A_21, %lt3A : i32
    %lt3A_25 = arith.constant 0 : i32
    %lt3A_26 = arith.cmpi slt, %select_n3A_20, %lt3A_25 : i32
    %ne3A_27 = arith.xori %lt3A_24, %lt3A_26 : i1
    %and3A_28 = arith.andi %ne3A_27, %ne3A_23 : i1
    %add3A_29 = arith.addi %rem3A_21, %select_n3A_20 : i32
    %select_n3A_30 = arith.select %and3A_28, %add3A_29, %rem3A_21 : i32
    %iota3A = tpu.iota {dimensions = array<i32: 0>} : vector<16xi32>
    %scan3A = arith.constant 0 : i32
    %scan3A_31 = arith.constant 0 : i32
    %scan3A_32 = arith.constant 32 : i32
    %scan3A_33 = arith.addi %scan3A_31, %scan3A_32 : i32
    %scan3A_34 = arith.constant 1 : i32
    scf.for %scan3A_134 = %scan3A_31 to %scan3A_33 step %scan3A_34  : i32 {
      %mul3A_135 = arith.constant 16 : i32
      %mul3A_136 = arith.muli %scan3A_134, %mul3A_135 : i32
      %add3A_137 = vector.broadcast %mul3A_136 : i32 to vector<16xi32>
      %add3A_138 = arith.addi %add3A_137, %iota3A : vector<16xi32>
      %convert_element_type3A_139 = arith.sitofp %add3A_138 : vector<16xi32> to vector<16xf32>
      %mul3A_140 = arith.constant 2.00195694 : f32
      %mul3A_141 = vector.broadcast %mul3A_140 : f32 to vector<16xf32>
      %mul3A_142 = arith.mulf %mul3A_141, %convert_element_type3A_139 : vector<16xf32>
      %convert_element_type3A_143 = arith.fptosi %mul3A_142 : vector<16xf32> to vector<16xi32>
      %convert_element_type3A_144 = arith.sitofp %convert_element_type3A_143 : vector<16xi32> to vector<16xf32>
      %mul3A_145 = arith.constant 16 : i32
      %mul3A_146 = arith.muli %scan3A_134, %mul3A_145 : i32
      %swap3A = arith.index_cast %mul3A_146 : i32 to index
      %swap3A_147 = tpu.vector_load %arg14[%swap3A] {strides = array<i32>} : memref<512xf32, #tpu.memory_space<vmem>>, vector<16xf32>,
      tpu.vector_store %arg14[%swap3A], %convert_element_type3A_144 {strides = array<i32>} : memref<512xf32, #tpu.memory_space<vmem>>, vector<16xf32>,
    }
    %scan3A_35 = arith.constant 32 : i32
    %scan3A_36 = arith.constant 0 : i32
    %scan3A_37 = arith.constant 0 : i32
    %scan3A_38 = arith.constant 128 : i32
    %scan3A_39 = arith.addi %scan3A_37, %scan3A_38 : i32
    %scan3A_40 = arith.constant 1 : i32
    scf.for %scan3A_134 = %scan3A_37 to %scan3A_39 step %scan3A_40  : i32 {
      %mul3A_135 = arith.constant 128 : i32
      %mul3A_136 = arith.muli %select_n3A_30, %mul3A_135 : i32
      %add3A_137 = arith.addi %mul3A_136, %scan3A_134 : i32
      %broadcast_in_dim3A = vector.broadcast %add3A_137 : i32 to vector<16xi32>
      %convert_element_type3A_138 = arith.sitofp %broadcast_in_dim3A : vector<16xi32> to vector<16xf32>
      %mul3A_139 = arith.constant 2.00195694 : f32
      %mul3A_140 = vector.broadcast %mul3A_139 : f32 to vector<16xf32>
      %mul3A_141 = arith.mulf %mul3A_140, %convert_element_type3A_138 : vector<16xf32>
      %convert_element_type3A_142 = arith.fptosi %mul3A_141 : vector<16xf32> to vector<16xi32>
      %convert_element_type3A_143 = arith.sitofp %convert_element_type3A_142 : vector<16xi32> to vector<16xf32>
      %swap3A = arith.index_cast %scan3A_134 : i32 to index
      %swap3A_144 = arith.constant 0 : index
      %swap3A_145 = tpu.vector_load %arg15[%swap3A, %swap3A_144] {strides = array<i32>} : memref<128x16xf32, #tpu.memory_space<vmem>>, vector<16xf32>,
      tpu.vector_store %arg15[%swap3A, %swap3A_144], %convert_element_type3A_143 {strides = array<i32>} : memref<128x16xf32, #tpu.memory_space<vmem>>, vector<16xf32>,
    }
    %scan3A_41 = arith.constant 128 : i32
    %add3A_42 = arith.constant 0 : i32
    %add3A_43 = vector.broadcast %add3A_42 : i32 to vector<16xi32>
    %add3A_44 = arith.addi %iota3A, %add3A_43 : vector<16xi32>
    %add3A_45 = arith.constant 16 : i32
    %add3A_46 = vector.broadcast %add3A_45 : i32 to vector<16xi32>
    %add3A_47 = arith.addi %iota3A, %add3A_46 : vector<16xi32>
    %add3A_48 = arith.constant 32 : i32
    %add3A_49 = vector.broadcast %add3A_48 : i32 to vector<16xi32>
    %add3A_50 = arith.addi %iota3A, %add3A_49 : vector<16xi32>
    %add3A_51 = arith.constant 48 : i32
    %add3A_52 = vector.broadcast %add3A_51 : i32 to vector<16xi32>
    %add3A_53 = arith.addi %iota3A, %add3A_52 : vector<16xi32>
    %dma_start3A = arith.constant 1 : i32
    %dma_start3A_54 = arith.constant 0 : i32
    %dma_start3A_55 = arith.constant 0 : i32
    %dma_start3A_56 = tpu.memref_slice %arg8[%dma_start3A_54, %dma_start3A_55] : memref<64x132xf32, #tpu.memory_space<vmem>> -> memref<64x128xf32, #tpu.memory_space<vmem>>
    %dma_start3A_57 = arith.constant 0 : i32
    %dma_start3A_58 = arith.constant 0 : i32
    %dma_start3A_59 = tpu.memref_slice %arg2[%select_n3A, %dma_start3A_57, %select_n3A_30, %dma_start3A, %dma_start3A_58] : memref<8x512x4x2x128xf32, #tpu.memory_space<hbm>> -> memref<1x64x1x1x128xf32, #tpu.memory_space<hbm>>
    %dma_start3A_60 = tpu.memref_squeeze %dma_start3A_59 : memref<1x64x1x1x128xf32, #tpu.memory_space<hbm>> -> memref<64x128xf32, #tpu.memory_space<hbm>>
    %dma_start3A_61 = arith.constant 0 : i32
    %dma_start3A_62 = arith.constant 0 : i32
    %dma_start3A_63 = tpu.memref_slice %arg8[%dma_start3A_61, %dma_start3A_62] : memref<64x132xf32, #tpu.memory_space<vmem>> -> memref<64x128xf32, #tpu.memory_space<vmem>>
    %dma_start3A_64 = arith.constant 0 : i32
    %dma_start3A_65 = arith.constant 0 : i32
    %dma_start3A_66 = tpu.memref_slice %arg2[%select_n3A, %dma_start3A_64, %select_n3A_30, %dma_start3A, %dma_start3A_65] : memref<8x512x4x2x128xf32, #tpu.memory_space<hbm>> -> memref<1x64x1x1x128xf32, #tpu.memory_space<hbm>>
    %dma_start3A_67 = tpu.memref_squeeze %dma_start3A_66 : memref<1x64x1x1x128xf32, #tpu.memory_space<hbm>> -> memref<64x128xf32, #tpu.memory_space<hbm>>
    tpu.enqueue_dma source(%dma_start3A_67 : memref<64x128xf32, #tpu.memory_space<hbm>>) target(%dma_start3A_63 : memref<64x128xf32, #tpu.memory_space<vmem>>) target_semaphore(%arg17 : memref<!tpu.dma_semaphore, #tpu.memory_space<semaphore_mem>>)
    %dma_start3A_68 = arith.constant 0 : i32
    %dma_start3A_69 = arith.constant 0 : i32
    %dma_start3A_70 = tpu.memref_slice %arg10[%dma_start3A_68, %dma_start3A_69] : memref<64x516xf32, #tpu.memory_space<vmem>> -> memref<64x512xf32, #tpu.memory_space<vmem>>
    %dma_start3A_71 = arith.constant 0 : i32
    %dma_start3A_72 = arith.constant 0 : i32
    %dma_start3A_73 = tpu.memref_slice %arg3[%select_n3A, %dma_start3A_71, %select_n3A_30, %dma_start3A_72] : memref<8x512x4x512xf32, #tpu.memory_space<hbm>> -> memref<1x64x1x512xf32, #tpu.memory_space<hbm>>
    %dma_start3A_74 = tpu.memref_squeeze %dma_start3A_73 : memref<1x64x1x512xf32, #tpu.memory_space<hbm>> -> memref<64x512xf32, #tpu.memory_space<hbm>>
    %dma_start3A_75 = arith.constant 0 : i32
    %dma_start3A_76 = arith.constant 0 : i32
    %dma_start3A_77 = tpu.memref_slice %arg10[%dma_start3A_75, %dma_start3A_76] : memref<64x516xf32, #tpu.memory_space<vmem>> -> memref<64x512xf32, #tpu.memory_space<vmem>>
    %dma_start3A_78 = arith.constant 0 : i32
    %dma_start3A_79 = arith.constant 0 : i32
    %dma_start3A_80 = tpu.memref_slice %arg3[%select_n3A, %dma_start3A_78, %select_n3A_30, %dma_start3A_79] : memref<8x512x4x512xf32, #tpu.memory_space<hbm>> -> memref<1x64x1x512xf32, #tpu.memory_space<hbm>>
    %dma_start3A_81 = tpu.memref_squeeze %dma_start3A_80 : memref<1x64x1x512xf32, #tpu.memory_space<hbm>> -> memref<64x512xf32, #tpu.memory_space<hbm>>
    tpu.enqueue_dma source(%dma_start3A_81 : memref<64x512xf32, #tpu.memory_space<hbm>>) target(%dma_start3A_77 : memref<64x512xf32, #tpu.memory_space<vmem>>) target_semaphore(%arg17 : memref<!tpu.dma_semaphore, #tpu.memory_space<semaphore_mem>>)
    %eq3A_82 = arith.constant 0 : i32
    %eq3A_83 = arith.cmpi eq, %add3A, %eq3A_82 : i32
    %convert_element_type3A = arith.extui %eq3A_83 : i1 to i32
    %cond3A = arith.constant 0 : i32
    %cond3A_84 = arith.cmpi ne, %convert_element_type3A, %cond3A : i32
    scf.if %cond3A_84 {
      "tpu.region"() ({
        %run_scoped3A = tpu.sem_alloc : memref<!tpu.dma_semaphore, #tpu.memory_space<semaphore_mem>>
        tpu.enqueue_dma source(%arg4 : memref<16xf32, #tpu.memory_space<hbm>>) target(%arg16 : memref<16xf32, #tpu.memory_space<vmem>>) target_semaphore(%run_scoped3A : memref<!tpu.dma_semaphore, #tpu.memory_space<semaphore_mem>>)
        tpu.wait_dma2 semaphore(%run_scoped3A : memref<!tpu.dma_semaphore, #tpu.memory_space<semaphore_mem>>) src(%arg4 : memref<16xf32, #tpu.memory_space<hbm>>) dst(%arg16 : memref<16xf32, #tpu.memory_space<vmem>>)
        tpu.yield
      }) : () -> ()
      %get3A = arith.constant 0 : index
      %get3A_134 = tpu.vector_load %arg16[%get3A] {strides = array<i32>} : memref<16xf32, #tpu.memory_space<vmem>>, vector<16xf32>,
      %add3A_135 = arith.constant 1.000000e+00 : f32
      %add3A_136 = vector.broadcast %add3A_135 : f32 to vector<16xf32>
      %add3A_137 = arith.addf %get3A_134, %add3A_136 : vector<16xf32>
      %swap3A = arith.constant 0 : index
      %swap3A_138 = tpu.vector_load %arg16[%swap3A] {strides = array<i32>} : memref<16xf32, #tpu.memory_space<vmem>>, vector<16xf32>,
      tpu.vector_store %arg16[%swap3A], %add3A_137 {strides = array<i32>} : memref<16xf32, #tpu.memory_space<vmem>>, vector<16xf32>,
      "tpu.region"() ({
        %run_scoped3A = tpu.sem_alloc : memref<!tpu.dma_semaphore, #tpu.memory_space<semaphore_mem>>
        tpu.enqueue_dma source(%arg16 : memref<16xf32, #tpu.memory_space<vmem>>) target(%arg7 : memref<16xf32, #tpu.memory_space<hbm>>) target_semaphore(%run_scoped3A : memref<!tpu.dma_semaphore, #tpu.memory_space<semaphore_mem>>)
        tpu.wait_dma2 semaphore(%run_scoped3A : memref<!tpu.dma_semaphore, #tpu.memory_space<semaphore_mem>>) src(%arg16 : memref<16xf32, #tpu.memory_space<vmem>>) dst(%arg7 : memref<16xf32, #tpu.memory_space<hbm>>)
        tpu.yield
      }) : () -> ()
    } else {
    }
    %scan3A_85 = arith.constant 0 : i32
    %scan3A_86 = arith.constant 0 : i32
    %scan3A_87 = arith.constant 4 : i32
    %scan3A_88 = arith.addi %scan3A_86, %scan3A_87 : i32
    %scan3A_89 = arith.constant 1 : i32
    scf.for %scan3A_134 = %scan3A_86 to %scan3A_88 step %scan3A_89  : i32 {
      %mul3A_135 = arith.constant 2 : i32
      %mul3A_136 = arith.muli %scan3A_134, %mul3A_135 : i32
      %gt3A = arith.constant 0 : i32
      %gt3A_137 = arith.cmpi sgt, %scan3A_134, %gt3A : i32
      %add3A_138 = arith.constant 1 : i32
      %add3A_139 = arith.addi %mul3A_136, %add3A_138 : i32
      %mul3A_140 = arith.constant 64 : i32
      %mul3A_141 = arith.muli %mul3A_136, %mul3A_140 : i32
      %jit3A_142 = arith.constant 128 : i32
      %div3A_143 = arith.divsi %mul3A_141, %jit3A_142 : i32
      %sign3A_144 = arith.constant 0 : i32
      %sign3A_145 = arith.cmpi sgt, %mul3A_141, %sign3A_144 : i32
      %sign3A_146 = arith.extui %sign3A_145 : i1 to i32
      %sign3A_147 = arith.constant 0 : i32
      %sign3A_148 = arith.cmpi slt, %mul3A_141, %sign3A_147 : i32
      %sign3A_149 = arith.extui %sign3A_148 : i1 to i32
      %sign3A_150 = arith.subi %sign3A_146, %sign3A_149 : i32
      %sign3A_151 = arith.constant 0 : i32
      %sign3A_152 = arith.cmpi sgt, %jit3A_142, %sign3A_151 : i32
      %sign3A_153 = arith.extui %sign3A_152 : i1 to i32
      %sign3A_154 = arith.constant 0 : i32
      %sign3A_155 = arith.cmpi slt, %jit3A_142, %sign3A_154 : i32
      %sign3A_156 = arith.extui %sign3A_155 : i1 to i32
      %sign3A_157 = arith.subi %sign3A_153, %sign3A_156 : i32
      %ne3A_158 = arith.cmpi ne, %sign3A_150, %sign3A_157 : i32
      %rem3A_159 = arith.remsi %mul3A_141, %jit3A_142 : i32
      %ne3A_160 = arith.constant 0 : i32
      %ne3A_161 = arith.cmpi ne, %rem3A_159, %ne3A_160 : i32
      %and3A_162 = arith.andi %ne3A_158, %ne3A_161 : i1
      %sub3A_163 = arith.constant 1 : i32
      %sub3A_164 = arith.subi %div3A_143, %sub3A_163 : i32
      %select_n3A_165 = arith.select %and3A_162, %sub3A_164, %div3A_143 : i32
      %mul3A_166 = arith.constant 128 : i32
      %mul3A_167 = arith.muli %select_n3A_165, %mul3A_166 : i32
      %sub3A_168 = arith.subi %mul3A_141, %mul3A_167 : i32
      %dma_wait3A_169 = arith.constant 1 : i32
      %dma_wait3A_170 = arith.constant 0 : i32
      %dma_wait3A_171 = arith.constant 0 : i32
      %dma_wait3A_172 = tpu.memref_slice %arg8[%dma_wait3A_170, %dma_wait3A_171] : memref<64x132xf32, #tpu.memory_space<vmem>> -> memref<64x128xf32, #tpu.memory_space<vmem>>
      %dma_wait3A_173 = arith.constant 0 : i32
      %dma_wait3A_174 = arith.constant 0 : i32
      %dma_wait3A_175 = tpu.memref_slice %arg2[%select_n3A, %dma_wait3A_173, %select_n3A_30, %dma_wait3A_169, %dma_wait3A_174] : memref<8x512x4x2x128xf32, #tpu.memory_space<hbm>> -> memref<1x64x1x1x128xf32, #tpu.memory_space<hbm>>
      %dma_wait3A_176 = tpu.memref_squeeze %dma_wait3A_175 : memref<1x64x1x1x128xf32, #tpu.memory_space<hbm>> -> memref<64x128xf32, #tpu.memory_space<hbm>>
      %dma_wait3A_177 = arith.constant 0 : i32
      %dma_wait3A_178 = arith.constant 0 : i32
      %dma_wait3A_179 = tpu.memref_slice %arg8[%dma_wait3A_177, %dma_wait3A_178] : memref<64x132xf32, #tpu.memory_space<vmem>> -> memref<64x128xf32, #tpu.memory_space<vmem>>
      %dma_wait3A_180 = arith.constant 0 : i32
      %dma_wait3A_181 = arith.constant 0 : i32
      %dma_wait3A_182 = tpu.memref_slice %arg2[%select_n3A, %dma_wait3A_180, %select_n3A_30, %dma_wait3A_169, %dma_wait3A_181] : memref<8x512x4x2x128xf32, #tpu.memory_space<hbm>> -> memref<1x64x1x1x128xf32, #tpu.memory_space<hbm>>
      %dma_wait3A_183 = tpu.memref_squeeze %dma_wait3A_182 : memref<1x64x1x1x128xf32, #tpu.memory_space<hbm>> -> memref<64x128xf32, #tpu.memory_space<hbm>>
      tpu.wait_dma2 semaphore(%arg17 : memref<!tpu.dma_semaphore, #tpu.memory_space<semaphore_mem>>) src(%dma_wait3A_183 : memref<64x128xf32, #tpu.memory_space<hbm>>) dst(%dma_wait3A_179 : memref<64x128xf32, #tpu.memory_space<vmem>>)
      %dma_wait3A_184 = arith.constant 0 : i32
      %dma_wait3A_185 = arith.constant 0 : i32
      %dma_wait3A_186 = tpu.memref_slice %arg10[%dma_wait3A_184, %dma_wait3A_185] : memref<64x516xf32, #tpu.memory_space<vmem>> -> memref<64x512xf32, #tpu.memory_space<vmem>>
      %dma_wait3A_187 = arith.constant 0 : i32
      %dma_wait3A_188 = arith.constant 0 : i32
      %dma_wait3A_189 = tpu.memref_slice %arg3[%select_n3A, %dma_wait3A_187, %select_n3A_30, %dma_wait3A_188] : memref<8x512x4x512xf32, #tpu.memory_space<hbm>> -> memref<1x64x1x512xf32, #tpu.memory_space<hbm>>
      %dma_wait3A_190 = tpu.memref_squeeze %dma_wait3A_189 : memref<1x64x1x512xf32, #tpu.memory_space<hbm>> -> memref<64x512xf32, #tpu.memory_space<hbm>>
      %dma_wait3A_191 = arith.constant 0 : i32
      %dma_wait3A_192 = arith.constant 0 : i32
      %dma_wait3A_193 = tpu.memref_slice %arg10[%dma_wait3A_191, %dma_wait3A_192] : memref<64x516xf32, #tpu.memory_space<vmem>> -> memref<64x512xf32, #tpu.memory_space<vmem>>
      %dma_wait3A_194 = arith.constant 0 : i32
      %dma_wait3A_195 = arith.constant 0 : i32
      %dma_wait3A_196 = tpu.memref_slice %arg3[%select_n3A, %dma_wait3A_194, %select_n3A_30, %dma_wait3A_195] : memref<8x512x4x512xf32, #tpu.memory_space<hbm>> -> memref<1x64x1x512xf32, #tpu.memory_space<hbm>>
      %dma_wait3A_197 = tpu.memref_squeeze %dma_wait3A_196 : memref<1x64x1x512xf32, #tpu.memory_space<hbm>> -> memref<64x512xf32, #tpu.memory_space<hbm>>
      tpu.wait_dma2 semaphore(%arg17 : memref<!tpu.dma_semaphore, #tpu.memory_space<semaphore_mem>>) src(%dma_wait3A_197 : memref<64x512xf32, #tpu.memory_space<hbm>>) dst(%dma_wait3A_193 : memref<64x512xf32, #tpu.memory_space<vmem>>)
      %mul3A_198 = arith.constant 64 : i32
      %mul3A_199 = arith.muli %add3A_139, %mul3A_198 : i32
      %dma_start3A_200 = arith.constant 1 : i32
      %dma_start3A_201 = arith.constant 0 : i32
      %dma_start3A_202 = arith.constant 0 : i32
      %dma_start3A_203 = tpu.memref_slice %arg9[%dma_start3A_201, %dma_start3A_202] : memref<64x132xf32, #tpu.memory_space<vmem>> -> memref<64x128xf32, #tpu.memory_space<vmem>>
      %dma_start3A_204 = arith.constant 0 : i32
      %dma_start3A_205 = tpu.memref_slice %arg2[%select_n3A, %mul3A_199, %select_n3A_30, %dma_start3A_200, %dma_start3A_204] : memref<8x512x4x2x128xf32, #tpu.memory_space<hbm>> -> memref<1x64x1x1x128xf32, #tpu.memory_space<hbm>>
      %dma_start3A_206 = tpu.memref_squeeze %dma_start3A_205 : memref<1x64x1x1x128xf32, #tpu.memory_space<hbm>> -> memref<64x128xf32, #tpu.memory_space<hbm>>
      %dma_start3A_207 = arith.constant 0 : i32
      %dma_start3A_208 = arith.constant 0 : i32
      %dma_start3A_209 = tpu.memref_slice %arg9[%dma_start3A_207, %dma_start3A_208] : memref<64x132xf32, #tpu.memory_space<vmem>> -> memref<64x128xf32, #tpu.memory_space<vmem>>
      %dma_start3A_210 = arith.constant 0 : i32
      %dma_start3A_211 = tpu.memref_slice %arg2[%select_n3A, %mul3A_199, %select_n3A_30, %dma_start3A_200, %dma_start3A_210] : memref<8x512x4x2x128xf32, #tpu.memory_space<hbm>> -> memref<1x64x1x1x128xf32, #tpu.memory_space<hbm>>
      %dma_start3A_212 = tpu.memref_squeeze %dma_start3A_211 : memref<1x64x1x1x128xf32, #tpu.memory_space<hbm>> -> memref<64x128xf32, #tpu.memory_space<hbm>>
      tpu.enqueue_dma source(%dma_start3A_212 : memref<64x128xf32, #tpu.memory_space<hbm>>) target(%dma_start3A_209 : memref<64x128xf32, #tpu.memory_space<vmem>>) target_semaphore(%arg18 : memref<!tpu.dma_semaphore, #tpu.memory_space<semaphore_mem>>)
      %dma_start3A_213 = arith.constant 0 : i32
      %dma_start3A_214 = arith.constant 0 : i32
      %dma_start3A_215 = tpu.memref_slice %arg11[%dma_start3A_213, %dma_start3A_214] : memref<64x516xf32, #tpu.memory_space<vmem>> -> memref<64x512xf32, #tpu.memory_space<vmem>>
      %dma_start3A_216 = arith.constant 0 : i32
      %dma_start3A_217 = tpu.memref_slice %arg3[%select_n3A, %mul3A_199, %select_n3A_30, %dma_start3A_216] : memref<8x512x4x512xf32, #tpu.memory_space<hbm>> -> memref<1x64x1x512xf32, #tpu.memory_space<hbm>>
      %dma_start3A_218 = tpu.memref_squeeze %dma_start3A_217 : memref<1x64x1x512xf32, #tpu.memory_space<hbm>> -> memref<64x512xf32, #tpu.memory_space<hbm>>
      %dma_start3A_219 = arith.constant 0 : i32
      %dma_start3A_220 = arith.constant 0 : i32
      %dma_start3A_221 = tpu.memref_slice %arg11[%dma_start3A_219, %dma_start3A_220] : memref<64x516xf32, #tpu.memory_space<vmem>> -> memref<64x512xf32, #tpu.memory_space<vmem>>
      %dma_start3A_222 = arith.constant 0 : i32
      %dma_start3A_223 = tpu.memref_slice %arg3[%select_n3A, %mul3A_199, %select_n3A_30, %dma_start3A_222] : memref<8x512x4x512xf32, #tpu.memory_space<hbm>> -> memref<1x64x1x512xf32, #tpu.memory_space<hbm>>
      %dma_start3A_224 = tpu.memref_squeeze %dma_start3A_223 : memref<1x64x1x512xf32, #tpu.memory_space<hbm>> -> memref<64x512xf32, #tpu.memory_space<hbm>>
      tpu.enqueue_dma source(%dma_start3A_224 : memref<64x512xf32, #tpu.memory_space<hbm>>) target(%dma_start3A_221 : memref<64x512xf32, #tpu.memory_space<vmem>>) target_semaphore(%arg18 : memref<!tpu.dma_semaphore, #tpu.memory_space<semaphore_mem>>)
      %convert_element_type3A_225 = arith.extui %gt3A_137 : i1 to i32
      %cond3A_226 = arith.constant 0 : i32
      %cond3A_227 = arith.cmpi ne, %convert_element_type3A_225, %cond3A_226 : i32
      scf.if %cond3A_227 {
        %dma_wait3A_435 = arith.constant 0 : i32
        %dma_wait3A_436 = arith.constant 0 : i32
        %dma_wait3A_437 = arith.constant 0 : i32
        %dma_wait3A_438 = arith.constant 0 : i32
        %dma_wait3A_439 = tpu.memref_slice %arg5[%dma_wait3A_436, %dma_wait3A_437, %dma_wait3A_435, %select_n3A, %dma_wait3A_438] : memref<5x512x4x8x128xf32, #tpu.memory_space<hbm>> -> memref<5x64x1x1x64xf32, #tpu.memory_space<hbm>>
        %dma_wait3A_440 = tpu.memref_squeeze %dma_wait3A_439 : memref<5x64x1x1x64xf32, #tpu.memory_space<hbm>> -> memref<5x64x64xf32, #tpu.memory_space<hbm>>
        %dma_wait3A_441 = arith.constant 0 : i32
        %dma_wait3A_442 = arith.constant 0 : i32
        %dma_wait3A_443 = arith.constant 0 : i32
        %dma_wait3A_444 = tpu.memref_slice %arg5[%dma_wait3A_441, %dma_wait3A_442, %dma_wait3A_435, %select_n3A, %dma_wait3A_443] : memref<5x512x4x8x128xf32, #tpu.memory_space<hbm>> -> memref<5x64x1x1x64xf32, #tpu.memory_space<hbm>>
        %dma_wait3A_445 = tpu.memref_squeeze %dma_wait3A_444 : memref<5x64x1x1x64xf32, #tpu.memory_space<hbm>> -> memref<5x64x64xf32, #tpu.memory_space<hbm>>
        tpu.wait_dma2 semaphore(%arg19 : memref<!tpu.dma_semaphore, #tpu.memory_space<semaphore_mem>>) src(%arg12 : memref<5x64x64xf32, #tpu.memory_space<vmem>>) dst(%dma_wait3A_445 : memref<5x64x64xf32, #tpu.memory_space<hbm>>)
        %dma_wait3A_446 = arith.constant 0 : i32
        %dma_wait3A_447 = arith.constant 0 : i32
        %dma_wait3A_448 = arith.constant 0 : i32
        %dma_wait3A_449 = arith.constant 0 : i32
        %dma_wait3A_450 = tpu.memref_slice %arg6[%dma_wait3A_447, %dma_wait3A_448, %dma_wait3A_446, %select_n3A, %dma_wait3A_449] : memref<5x512x4x8x128xf32, #tpu.memory_space<hbm>> -> memref<5x64x1x1x64xf32, #tpu.memory_space<hbm>>
        %dma_wait3A_451 = tpu.memref_squeeze %dma_wait3A_450 : memref<5x64x1x1x64xf32, #tpu.memory_space<hbm>> -> memref<5x64x64xf32, #tpu.memory_space<hbm>>
        %dma_wait3A_452 = arith.constant 0 : i32
        %dma_wait3A_453 = arith.constant 0 : i32
        %dma_wait3A_454 = arith.constant 0 : i32
        %dma_wait3A_455 = tpu.memref_slice %arg6[%dma_wait3A_452, %dma_wait3A_453, %dma_wait3A_446, %select_n3A, %dma_wait3A_454] : memref<5x512x4x8x128xf32, #tpu.memory_space<hbm>> -> memref<5x64x1x1x64xf32, #tpu.memory_space<hbm>>
        %dma_wait3A_456 = tpu.memref_squeeze %dma_wait3A_455 : memref<5x64x1x1x64xf32, #tpu.memory_space<hbm>> -> memref<5x64x64xf32, #tpu.memory_space<hbm>>
        tpu.wait_dma2 semaphore(%arg19 : memref<!tpu.dma_semaphore, #tpu.memory_space<semaphore_mem>>) src(%arg12 : memref<5x64x64xf32, #tpu.memory_space<vmem>>) dst(%dma_wait3A_456 : memref<5x64x64xf32, #tpu.memory_space<hbm>>)
      } else {
      }
      %parallel_loop3A = arith.constant 0 : i32
      %parallel_loop3A_228 = arith.constant 64 : i32
      %parallel_loop3A_229 = arith.constant 1 : i32
      scf.for %parallel_loop3A_435 = %parallel_loop3A to %parallel_loop3A_228 step %parallel_loop3A_229  : i32 {
        %parallel_loop3A_436 = arith.index_cast %parallel_loop3A_435 : i32 to index
        %parallel_loop3A_437 = arith.constant 0 : index
        %parallel_loop3A_438 = tpu.vector_load %arg15[%parallel_loop3A_436, %parallel_loop3A_437] {strides = array<i32>} : memref<128x16xf32, #tpu.memory_space<vmem>>, vector<16xf32>,
        %parallel_loop3A_439 = arith.constant 1.100000e+01 : f32
        %parallel_loop3A_440 = vector.broadcast %parallel_loop3A_439 : f32 to vector<16xf32>
        %parallel_loop3A_441 = arith.addf %parallel_loop3A_438, %parallel_loop3A_440 : vector<16xf32>
        %parallel_loop3A_442 = vector.broadcast %parallel_loop3A_435 : i32 to vector<16xi32>
        %parallel_loop3A_443 = arith.constant 0 : i32
        %parallel_loop3A_444 = arith.addi %mul3A_141, %parallel_loop3A_443 : i32
        %parallel_loop3A_445 = arith.index_cast %parallel_loop3A_444 : i32 to index
        %parallel_loop3A_446 = tpu.vector_load %arg14[%parallel_loop3A_445] {strides = array<i32>} : memref<512xf32, #tpu.memory_space<vmem>>, vector<16xf32>,
        %parallel_loop3A_447 = arith.constant 1.100000e+01 : f32
        %parallel_loop3A_448 = vector.broadcast %parallel_loop3A_447 : f32 to vector<16xf32>
        %parallel_loop3A_449 = arith.addf %parallel_loop3A_446, %parallel_loop3A_448 : vector<16xf32>
        %parallel_loop3A_450 = tpu.vector_load_idx %arg8[%add3A_44, %parallel_loop3A_442] : memref<64x132xf32, #tpu.memory_space<vmem>>[vector<16xi32>, vector<16xi32>], vector<16xf32>,
        %parallel_loop3A_451 = tpu.vector_load_idx %arg10[%add3A_44, %parallel_loop3A_442] : memref<64x516xf32, #tpu.memory_space<vmem>>[vector<16xi32>, vector<16xi32>], vector<16xf32>,
        %parallel_loop3A_452 = arith.constant 128 : i32
        %parallel_loop3A_453 = vector.broadcast %parallel_loop3A_452 : i32 to vector<16xi32>
        %parallel_loop3A_454 = arith.addi %parallel_loop3A_442, %parallel_loop3A_453 : vector<16xi32>
        %parallel_loop3A_455 = tpu.vector_load_idx %arg10[%add3A_44, %parallel_loop3A_454] : memref<64x516xf32, #tpu.memory_space<vmem>>[vector<16xi32>, vector<16xi32>], vector<16xf32>,
        %parallel_loop3A_456 = arith.constant 256 : i32
        %parallel_loop3A_457 = vector.broadcast %parallel_loop3A_456 : i32 to vector<16xi32>
        %parallel_loop3A_458 = arith.addi %parallel_loop3A_442, %parallel_loop3A_457 : vector<16xi32>
        %parallel_loop3A_459 = tpu.vector_load_idx %arg10[%add3A_44, %parallel_loop3A_458] : memref<64x516xf32, #tpu.memory_space<vmem>>[vector<16xi32>, vector<16xi32>], vector<16xf32>,
        %parallel_loop3A_460 = arith.constant 384 : i32
        %parallel_loop3A_461 = vector.broadcast %parallel_loop3A_460 : i32 to vector<16xi32>
        %parallel_loop3A_462 = arith.addi %parallel_loop3A_442, %parallel_loop3A_461 : vector<16xi32>
        %parallel_loop3A_463 = tpu.vector_load_idx %arg10[%add3A_44, %parallel_loop3A_462] : memref<64x516xf32, #tpu.memory_space<vmem>>[vector<16xi32>, vector<16xi32>], vector<16xf32>,
        %parallel_loop3A_464 = arith.constant 1.200000e+01 : f32
        %parallel_loop3A_465 = vector.broadcast %parallel_loop3A_464 : f32 to vector<16xf32>
        %parallel_loop3A_466 = arith.mulf %parallel_loop3A_465, %parallel_loop3A_451 : vector<16xf32>
        %parallel_loop3A_467 = arith.addf %parallel_loop3A_438, %parallel_loop3A_466 : vector<16xf32>
        %parallel_loop3A_468 = arith.constant 1.200000e+01 : f32
        %parallel_loop3A_469 = vector.broadcast %parallel_loop3A_468 : f32 to vector<16xf32>
        %parallel_loop3A_470 = arith.mulf %parallel_loop3A_469, %parallel_loop3A_455 : vector<16xf32>
        %parallel_loop3A_471 = arith.addf %parallel_loop3A_446, %parallel_loop3A_470 : vector<16xf32>
        %parallel_loop3A_472 = arith.constant 1.200000e+01 : f32
        %parallel_loop3A_473 = vector.broadcast %parallel_loop3A_472 : f32 to vector<16xf32>
        %parallel_loop3A_474 = arith.mulf %parallel_loop3A_473, %parallel_loop3A_459 : vector<16xf32>
        %parallel_loop3A_475 = arith.addf %parallel_loop3A_441, %parallel_loop3A_474 : vector<16xf32>
        %parallel_loop3A_476 = arith.constant 1.200000e+01 : f32
        %parallel_loop3A_477 = vector.broadcast %parallel_loop3A_476 : f32 to vector<16xf32>
        %parallel_loop3A_478 = arith.mulf %parallel_loop3A_477, %parallel_loop3A_463 : vector<16xf32>
        %parallel_loop3A_479 = arith.addf %parallel_loop3A_449, %parallel_loop3A_478 : vector<16xf32>
        %parallel_loop3A_480 = arith.subf %parallel_loop3A_475, %parallel_loop3A_467 : vector<16xf32>
        %parallel_loop3A_481 = arith.subf %parallel_loop3A_479, %parallel_loop3A_471 : vector<16xf32>
        %parallel_loop3A_482 = arith.maximumf %parallel_loop3A_480, %parallel_loop3A_481 : vector<16xf32>
        %parallel_loop3A_483 = arith.constant 5.000000e-01 : f32
        %parallel_loop3A_484 = vector.broadcast %parallel_loop3A_483 : f32 to vector<16xf32>
        %parallel_loop3A_485 = arith.mulf %parallel_loop3A_482, %parallel_loop3A_484 : vector<16xf32>
        %parallel_loop3A_486 = arith.constant 5.000000e-01 : f32
        %parallel_loop3A_487 = vector.broadcast %parallel_loop3A_486 : f32 to vector<16xf32>
        %parallel_loop3A_488 = arith.mulf %parallel_loop3A_480, %parallel_loop3A_487 : vector<16xf32>
        %parallel_loop3A_489 = arith.addf %parallel_loop3A_467, %parallel_loop3A_488 : vector<16xf32>
        %parallel_loop3A_490 = arith.subf %parallel_loop3A_489, %parallel_loop3A_485 : vector<16xf32>
        %parallel_loop3A_491 = arith.constant 5.000000e-01 : f32
        %parallel_loop3A_492 = vector.broadcast %parallel_loop3A_491 : f32 to vector<16xf32>
        %parallel_loop3A_493 = arith.mulf %parallel_loop3A_481, %parallel_loop3A_492 : vector<16xf32>
        %parallel_loop3A_494 = arith.addf %parallel_loop3A_471, %parallel_loop3A_493 : vector<16xf32>
        %parallel_loop3A_495 = arith.subf %parallel_loop3A_494, %parallel_loop3A_485 : vector<16xf32>
        %parallel_loop3A_496 = arith.constant 6.000000e-01 : f32
        %parallel_loop3A_497 = vector.broadcast %parallel_loop3A_496 : f32 to vector<16xf32>
        %parallel_loop3A_498 = arith.cmpf oge, %parallel_loop3A_450, %parallel_loop3A_497 : vector<16xf32>
        %parallel_loop3A_499 = arith.constant 0.000000e+00 : f32
        %parallel_loop3A_500 = vector.broadcast %parallel_loop3A_499 : f32 to vector<16xf32>
        %parallel_loop3A_501 = arith.select %parallel_loop3A_498, %parallel_loop3A_490, %parallel_loop3A_500 : vector<16xi1>, vector<16xf32>
        %parallel_loop3A_502 = arith.constant 0 : i32
        %parallel_loop3A_503 = arith.subi %parallel_loop3A_435, %parallel_loop3A_502 : i32
        %parallel_loop3A_504 = arith.constant 0 : i32
        %parallel_loop3A_505 = arith.index_cast %parallel_loop3A_504 : i32 to index
        %parallel_loop3A_506 = arith.index_cast %parallel_loop3A_503 : i32 to index
        %parallel_loop3A_507 = arith.constant 0 : index
        %parallel_loop3A_508 = tpu.vector_load %arg12[%parallel_loop3A_505, %parallel_loop3A_506, %parallel_loop3A_507] {strides = array<i32>} : memref<5x64x64xf32, #tpu.memory_space<vmem>>, vector<16xf32>,
        tpu.vector_store %arg12[%parallel_loop3A_505, %parallel_loop3A_506, %parallel_loop3A_507], %parallel_loop3A_501 {strides = array<i32>} : memref<5x64x64xf32, #tpu.memory_space<vmem>>, vector<16xf32>,
        %parallel_loop3A_509 = arith.select %parallel_loop3A_498, %parallel_loop3A_495, %parallel_loop3A_500 : vector<16xi1>, vector<16xf32>
        %parallel_loop3A_510 = arith.constant 0 : i32
        %parallel_loop3A_511 = arith.subi %parallel_loop3A_435, %parallel_loop3A_510 : i32
        %parallel_loop3A_512 = arith.constant 1 : i32
        %parallel_loop3A_513 = arith.index_cast %parallel_loop3A_512 : i32 to index
        %parallel_loop3A_514 = arith.index_cast %parallel_loop3A_511 : i32 to index
        %parallel_loop3A_515 = arith.constant 0 : index
        %parallel_loop3A_516 = tpu.vector_load %arg12[%parallel_loop3A_513, %parallel_loop3A_514, %parallel_loop3A_515] {strides = array<i32>} : memref<5x64x64xf32, #tpu.memory_space<vmem>>, vector<16xf32>,
        tpu.vector_store %arg12[%parallel_loop3A_513, %parallel_loop3A_514, %parallel_loop3A_515], %parallel_loop3A_509 {strides = array<i32>} : memref<5x64x64xf32, #tpu.memory_space<vmem>>, vector<16xf32>,
        %parallel_loop3A_517 = arith.addf %parallel_loop3A_490, %parallel_loop3A_482 : vector<16xf32>
        %parallel_loop3A_518 = arith.select %parallel_loop3A_498, %parallel_loop3A_517, %parallel_loop3A_500 : vector<16xi1>, vector<16xf32>
        %parallel_loop3A_519 = arith.constant 0 : i32
        %parallel_loop3A_520 = arith.subi %parallel_loop3A_435, %parallel_loop3A_519 : i32
        %parallel_loop3A_521 = arith.constant 2 : i32
        %parallel_loop3A_522 = arith.index_cast %parallel_loop3A_521 : i32 to index
        %parallel_loop3A_523 = arith.index_cast %parallel_loop3A_520 : i32 to index
        %parallel_loop3A_524 = arith.constant 0 : index
        %parallel_loop3A_525 = tpu.vector_load %arg12[%parallel_loop3A_522, %parallel_loop3A_523, %parallel_loop3A_524] {strides = array<i32>} : memref<5x64x64xf32, #tpu.memory_space<vmem>>, vector<16xf32>,
        tpu.vector_store %arg12[%parallel_loop3A_522, %parallel_loop3A_523, %parallel_loop3A_524], %parallel_loop3A_518 {strides = array<i32>} : memref<5x64x64xf32, #tpu.memory_space<vmem>>, vector<16xf32>,
        %parallel_loop3A_526 = arith.addf %parallel_loop3A_495, %parallel_loop3A_482 : vector<16xf32>
        %parallel_loop3A_527 = arith.select %parallel_loop3A_498, %parallel_loop3A_526, %parallel_loop3A_500 : vector<16xi1>, vector<16xf32>
        %parallel_loop3A_528 = arith.constant 0 : i32
        %parallel_loop3A_529 = arith.subi %parallel_loop3A_435, %parallel_loop3A_528 : i32
        %parallel_loop3A_530 = arith.constant 3 : i32
        %parallel_loop3A_531 = arith.index_cast %parallel_loop3A_530 : i32 to index
        %parallel_loop3A_532 = arith.index_cast %parallel_loop3A_529 : i32 to index
        %parallel_loop3A_533 = arith.constant 0 : index
        %parallel_loop3A_534 = tpu.vector_load %arg12[%parallel_loop3A_531, %parallel_loop3A_532, %parallel_loop3A_533] {strides = array<i32>} : memref<5x64x64xf32, #tpu.memory_space<vmem>>, vector<16xf32>,
        tpu.vector_store %arg12[%parallel_loop3A_531, %parallel_loop3A_532, %parallel_loop3A_533], %parallel_loop3A_527 {strides = array<i32>} : memref<5x64x64xf32, #tpu.memory_space<vmem>>, vector<16xf32>,
        %parallel_loop3A_535 = arith.select %parallel_loop3A_498, %parallel_loop3A_450, %parallel_loop3A_500 : vector<16xi1>, vector<16xf32>
        %parallel_loop3A_536 = arith.constant 0 : i32
        %parallel_loop3A_537 = arith.subi %parallel_loop3A_435, %parallel_loop3A_536 : i32
        %parallel_loop3A_538 = arith.constant 4 : i32
        %parallel_loop3A_539 = arith.index_cast %parallel_loop3A_538 : i32 to index
        %parallel_loop3A_540 = arith.index_cast %parallel_loop3A_537 : i32 to index
        %parallel_loop3A_541 = arith.constant 0 : index
        %parallel_loop3A_542 = tpu.vector_load %arg12[%parallel_loop3A_539, %parallel_loop3A_540, %parallel_loop3A_541] {strides = array<i32>} : memref<5x64x64xf32, #tpu.memory_space<vmem>>, vector<16xf32>,
        tpu.vector_store %arg12[%parallel_loop3A_539, %parallel_loop3A_540, %parallel_loop3A_541], %parallel_loop3A_535 {strides = array<i32>} : memref<5x64x64xf32, #tpu.memory_space<vmem>>, vector<16xf32>,
        %parallel_loop3A_543 = arith.constant 16 : i32
        %parallel_loop3A_544 = arith.addi %mul3A_141, %parallel_loop3A_543 : i32
        %parallel_loop3A_545 = arith.index_cast %parallel_loop3A_544 : i32 to index
        %parallel_loop3A_546 = tpu.vector_load %arg14[%parallel_loop3A_545] {strides = array<i32>} : memref<512xf32, #tpu.memory_space<vmem>>, vector<16xf32>,
        %parallel_loop3A_547 = arith.constant 1.100000e+01 : f32
        %parallel_loop3A_548 = vector.broadcast %parallel_loop3A_547 : f32 to vector<16xf32>
        %parallel_loop3A_549 = arith.addf %parallel_loop3A_546, %parallel_loop3A_548 : vector<16xf32>
        %parallel_loop3A_550 = tpu.vector_load_idx %arg8[%add3A_47, %parallel_loop3A_442] : memref<64x132xf32, #tpu.memory_space<vmem>>[vector<16xi32>, vector<16xi32>], vector<16xf32>,
        %parallel_loop3A_551 = tpu.vector_load_idx %arg10[%add3A_47, %parallel_loop3A_442] : memref<64x516xf32, #tpu.memory_space<vmem>>[vector<16xi32>, vector<16xi32>], vector<16xf32>,
        %parallel_loop3A_552 = arith.constant 128 : i32
        %parallel_loop3A_553 = vector.broadcast %parallel_loop3A_552 : i32 to vector<16xi32>
        %parallel_loop3A_554 = arith.addi %parallel_loop3A_442, %parallel_loop3A_553 : vector<16xi32>
        %parallel_loop3A_555 = tpu.vector_load_idx %arg10[%add3A_47, %parallel_loop3A_554] : memref<64x516xf32, #tpu.memory_space<vmem>>[vector<16xi32>, vector<16xi32>], vector<16xf32>,
        %parallel_loop3A_556 = arith.constant 256 : i32
        %parallel_loop3A_557 = vector.broadcast %parallel_loop3A_556 : i32 to vector<16xi32>
        %parallel_loop3A_558 = arith.addi %parallel_loop3A_442, %parallel_loop3A_557 : vector<16xi32>
        %parallel_loop3A_559 = tpu.vector_load_idx %arg10[%add3A_47, %parallel_loop3A_558] : memref<64x516xf32, #tpu.memory_space<vmem>>[vector<16xi32>, vector<16xi32>], vector<16xf32>,
        %parallel_loop3A_560 = arith.constant 384 : i32
        %parallel_loop3A_561 = vector.broadcast %parallel_loop3A_560 : i32 to vector<16xi32>
        %parallel_loop3A_562 = arith.addi %parallel_loop3A_442, %parallel_loop3A_561 : vector<16xi32>
        %parallel_loop3A_563 = tpu.vector_load_idx %arg10[%add3A_47, %parallel_loop3A_562] : memref<64x516xf32, #tpu.memory_space<vmem>>[vector<16xi32>, vector<16xi32>], vector<16xf32>,
        %parallel_loop3A_564 = arith.constant 1.200000e+01 : f32
        %parallel_loop3A_565 = vector.broadcast %parallel_loop3A_564 : f32 to vector<16xf32>
        %parallel_loop3A_566 = arith.mulf %parallel_loop3A_565, %parallel_loop3A_551 : vector<16xf32>
        %parallel_loop3A_567 = arith.addf %parallel_loop3A_438, %parallel_loop3A_566 : vector<16xf32>
        %parallel_loop3A_568 = arith.constant 1.200000e+01 : f32
        %parallel_loop3A_569 = vector.broadcast %parallel_loop3A_568 : f32 to vector<16xf32>
        %parallel_loop3A_570 = arith.mulf %parallel_loop3A_569, %parallel_loop3A_555 : vector<16xf32>
        %parallel_loop3A_571 = arith.addf %parallel_loop3A_546, %parallel_loop3A_570 : vector<16xf32>
        %parallel_loop3A_572 = arith.constant 1.200000e+01 : f32
        %parallel_loop3A_573 = vector.broadcast %parallel_loop3A_572 : f32 to vector<16xf32>
        %parallel_loop3A_574 = arith.mulf %parallel_loop3A_573, %parallel_loop3A_559 : vector<16xf32>
        %parallel_loop3A_575 = arith.addf %parallel_loop3A_441, %parallel_loop3A_574 : vector<16xf32>
        %parallel_loop3A_576 = arith.constant 1.200000e+01 : f32
        %parallel_loop3A_577 = vector.broadcast %parallel_loop3A_576 : f32 to vector<16xf32>
        %parallel_loop3A_578 = arith.mulf %parallel_loop3A_577, %parallel_loop3A_563 : vector<16xf32>
        %parallel_loop3A_579 = arith.addf %parallel_loop3A_549, %parallel_loop3A_578 : vector<16xf32>
        %parallel_loop3A_580 = arith.subf %parallel_loop3A_575, %parallel_loop3A_567 : vector<16xf32>
        %parallel_loop3A_581 = arith.subf %parallel_loop3A_579, %parallel_loop3A_571 : vector<16xf32>
        %parallel_loop3A_582 = arith.maximumf %parallel_loop3A_580, %parallel_loop3A_581 : vector<16xf32>
        %parallel_loop3A_583 = arith.constant 5.000000e-01 : f32
        %parallel_loop3A_584 = vector.broadcast %parallel_loop3A_583 : f32 to vector<16xf32>
        %parallel_loop3A_585 = arith.mulf %parallel_loop3A_582, %parallel_loop3A_584 : vector<16xf32>
        %parallel_loop3A_586 = arith.constant 5.000000e-01 : f32
        %parallel_loop3A_587 = vector.broadcast %parallel_loop3A_586 : f32 to vector<16xf32>
        %parallel_loop3A_588 = arith.mulf %parallel_loop3A_580, %parallel_loop3A_587 : vector<16xf32>
        %parallel_loop3A_589 = arith.addf %parallel_loop3A_567, %parallel_loop3A_588 : vector<16xf32>
        %parallel_loop3A_590 = arith.subf %parallel_loop3A_589, %parallel_loop3A_585 : vector<16xf32>
        %parallel_loop3A_591 = arith.constant 5.000000e-01 : f32
        %parallel_loop3A_592 = vector.broadcast %parallel_loop3A_591 : f32 to vector<16xf32>
        %parallel_loop3A_593 = arith.mulf %parallel_loop3A_581, %parallel_loop3A_592 : vector<16xf32>
        %parallel_loop3A_594 = arith.addf %parallel_loop3A_571, %parallel_loop3A_593 : vector<16xf32>
        %parallel_loop3A_595 = arith.subf %parallel_loop3A_594, %parallel_loop3A_585 : vector<16xf32>
        %parallel_loop3A_596 = arith.constant 6.000000e-01 : f32
        %parallel_loop3A_597 = vector.broadcast %parallel_loop3A_596 : f32 to vector<16xf32>
        %parallel_loop3A_598 = arith.cmpf oge, %parallel_loop3A_550, %parallel_loop3A_597 : vector<16xf32>
        %parallel_loop3A_599 = arith.constant 0.000000e+00 : f32
        %parallel_loop3A_600 = vector.broadcast %parallel_loop3A_599 : f32 to vector<16xf32>
        %parallel_loop3A_601 = arith.select %parallel_loop3A_598, %parallel_loop3A_590, %parallel_loop3A_600 : vector<16xi1>, vector<16xf32>
        %parallel_loop3A_602 = arith.constant 0 : i32
        %parallel_loop3A_603 = arith.subi %parallel_loop3A_435, %parallel_loop3A_602 : i32
        %parallel_loop3A_604 = arith.constant 0 : i32
        %parallel_loop3A_605 = arith.index_cast %parallel_loop3A_604 : i32 to index
        %parallel_loop3A_606 = arith.index_cast %parallel_loop3A_603 : i32 to index
        %parallel_loop3A_607 = arith.constant 16 : index
        %parallel_loop3A_608 = tpu.vector_load %arg12[%parallel_loop3A_605, %parallel_loop3A_606, %parallel_loop3A_607] {strides = array<i32>} : memref<5x64x64xf32, #tpu.memory_space<vmem>>, vector<16xf32>,
        tpu.vector_store %arg12[%parallel_loop3A_605, %parallel_loop3A_606, %parallel_loop3A_607], %parallel_loop3A_601 {strides = array<i32>} : memref<5x64x64xf32, #tpu.memory_space<vmem>>, vector<16xf32>,
        %parallel_loop3A_609 = arith.select %parallel_loop3A_598, %parallel_loop3A_595, %parallel_loop3A_600 : vector<16xi1>, vector<16xf32>
        %parallel_loop3A_610 = arith.constant 0 : i32
        %parallel_loop3A_611 = arith.subi %parallel_loop3A_435, %parallel_loop3A_610 : i32
        %parallel_loop3A_612 = arith.constant 1 : i32
        %parallel_loop3A_613 = arith.index_cast %parallel_loop3A_612 : i32 to index
        %parallel_loop3A_614 = arith.index_cast %parallel_loop3A_611 : i32 to index
        %parallel_loop3A_615 = arith.constant 16 : index
        %parallel_loop3A_616 = tpu.vector_load %arg12[%parallel_loop3A_613, %parallel_loop3A_614, %parallel_loop3A_615] {strides = array<i32>} : memref<5x64x64xf32, #tpu.memory_space<vmem>>, vector<16xf32>,
        tpu.vector_store %arg12[%parallel_loop3A_613, %parallel_loop3A_614, %parallel_loop3A_615], %parallel_loop3A_609 {strides = array<i32>} : memref<5x64x64xf32, #tpu.memory_space<vmem>>, vector<16xf32>,
        %parallel_loop3A_617 = arith.addf %parallel_loop3A_590, %parallel_loop3A_582 : vector<16xf32>
        %parallel_loop3A_618 = arith.select %parallel_loop3A_598, %parallel_loop3A_617, %parallel_loop3A_600 : vector<16xi1>, vector<16xf32>
        %parallel_loop3A_619 = arith.constant 0 : i32
        %parallel_loop3A_620 = arith.subi %parallel_loop3A_435, %parallel_loop3A_619 : i32
        %parallel_loop3A_621 = arith.constant 2 : i32
        %parallel_loop3A_622 = arith.index_cast %parallel_loop3A_621 : i32 to index
        %parallel_loop3A_623 = arith.index_cast %parallel_loop3A_620 : i32 to index
        %parallel_loop3A_624 = arith.constant 16 : index
        %parallel_loop3A_625 = tpu.vector_load %arg12[%parallel_loop3A_622, %parallel_loop3A_623, %parallel_loop3A_624] {strides = array<i32>} : memref<5x64x64xf32, #tpu.memory_space<vmem>>, vector<16xf32>,
        tpu.vector_store %arg12[%parallel_loop3A_622, %parallel_loop3A_623, %parallel_loop3A_624], %parallel_loop3A_618 {strides = array<i32>} : memref<5x64x64xf32, #tpu.memory_space<vmem>>, vector<16xf32>,
        %parallel_loop3A_626 = arith.addf %parallel_loop3A_595, %parallel_loop3A_582 : vector<16xf32>
        %parallel_loop3A_627 = arith.select %parallel_loop3A_598, %parallel_loop3A_626, %parallel_loop3A_600 : vector<16xi1>, vector<16xf32>
        %parallel_loop3A_628 = arith.constant 0 : i32
        %parallel_loop3A_629 = arith.subi %parallel_loop3A_435, %parallel_loop3A_628 : i32
        %parallel_loop3A_630 = arith.constant 3 : i32
        %parallel_loop3A_631 = arith.index_cast %parallel_loop3A_630 : i32 to index
        %parallel_loop3A_632 = arith.index_cast %parallel_loop3A_629 : i32 to index
        %parallel_loop3A_633 = arith.constant 16 : index
        %parallel_loop3A_634 = tpu.vector_load %arg12[%parallel_loop3A_631, %parallel_loop3A_632, %parallel_loop3A_633] {strides = array<i32>} : memref<5x64x64xf32, #tpu.memory_space<vmem>>, vector<16xf32>,
        tpu.vector_store %arg12[%parallel_loop3A_631, %parallel_loop3A_632, %parallel_loop3A_633], %parallel_loop3A_627 {strides = array<i32>} : memref<5x64x64xf32, #tpu.memory_space<vmem>>, vector<16xf32>,
        %parallel_loop3A_635 = arith.select %parallel_loop3A_598, %parallel_loop3A_550, %parallel_loop3A_600 : vector<16xi1>, vector<16xf32>
        %parallel_loop3A_636 = arith.constant 0 : i32
        %parallel_loop3A_637 = arith.subi %parallel_loop3A_435, %parallel_loop3A_636 : i32
        %parallel_loop3A_638 = arith.constant 4 : i32
        %parallel_loop3A_639 = arith.index_cast %parallel_loop3A_638 : i32 to index
        %parallel_loop3A_640 = arith.index_cast %parallel_loop3A_637 : i32 to index
        %parallel_loop3A_641 = arith.constant 16 : index
        %parallel_loop3A_642 = tpu.vector_load %arg12[%parallel_loop3A_639, %parallel_loop3A_640, %parallel_loop3A_641] {strides = array<i32>} : memref<5x64x64xf32, #tpu.memory_space<vmem>>, vector<16xf32>,
        tpu.vector_store %arg12[%parallel_loop3A_639, %parallel_loop3A_640, %parallel_loop3A_641], %parallel_loop3A_635 {strides = array<i32>} : memref<5x64x64xf32, #tpu.memory_space<vmem>>, vector<16xf32>,
        %parallel_loop3A_643 = arith.constant 32 : i32
        %parallel_loop3A_644 = arith.addi %mul3A_141, %parallel_loop3A_643 : i32
        %parallel_loop3A_645 = arith.index_cast %parallel_loop3A_644 : i32 to index
        %parallel_loop3A_646 = tpu.vector_load %arg14[%parallel_loop3A_645] {strides = array<i32>} : memref<512xf32, #tpu.memory_space<vmem>>, vector<16xf32>,
        %parallel_loop3A_647 = arith.constant 1.100000e+01 : f32
        %parallel_loop3A_648 = vector.broadcast %parallel_loop3A_647 : f32 to vector<16xf32>
        %parallel_loop3A_649 = arith.addf %parallel_loop3A_646, %parallel_loop3A_648 : vector<16xf32>
        %parallel_loop3A_650 = tpu.vector_load_idx %arg8[%add3A_50, %parallel_loop3A_442] : memref<64x132xf32, #tpu.memory_space<vmem>>[vector<16xi32>, vector<16xi32>], vector<16xf32>,
        %parallel_loop3A_651 = tpu.vector_load_idx %arg10[%add3A_50, %parallel_loop3A_442] : memref<64x516xf32, #tpu.memory_space<vmem>>[vector<16xi32>, vector<16xi32>], vector<16xf32>,
        %parallel_loop3A_652 = arith.constant 128 : i32
        %parallel_loop3A_653 = vector.broadcast %parallel_loop3A_652 : i32 to vector<16xi32>
        %parallel_loop3A_654 = arith.addi %parallel_loop3A_442, %parallel_loop3A_653 : vector<16xi32>
        %parallel_loop3A_655 = tpu.vector_load_idx %arg10[%add3A_50, %parallel_loop3A_654] : memref<64x516xf32, #tpu.memory_space<vmem>>[vector<16xi32>, vector<16xi32>], vector<16xf32>,
        %parallel_loop3A_656 = arith.constant 256 : i32
        %parallel_loop3A_657 = vector.broadcast %parallel_loop3A_656 : i32 to vector<16xi32>
        %parallel_loop3A_658 = arith.addi %parallel_loop3A_442, %parallel_loop3A_657 : vector<16xi32>
        %parallel_loop3A_659 = tpu.vector_load_idx %arg10[%add3A_50, %parallel_loop3A_658] : memref<64x516xf32, #tpu.memory_space<vmem>>[vector<16xi32>, vector<16xi32>], vector<16xf32>,
        %parallel_loop3A_660 = arith.constant 384 : i32
        %parallel_loop3A_661 = vector.broadcast %parallel_loop3A_660 : i32 to vector<16xi32>
        %parallel_loop3A_662 = arith.addi %parallel_loop3A_442, %parallel_loop3A_661 : vector<16xi32>
        %parallel_loop3A_663 = tpu.vector_load_idx %arg10[%add3A_50, %parallel_loop3A_662] : memref<64x516xf32, #tpu.memory_space<vmem>>[vector<16xi32>, vector<16xi32>], vector<16xf32>,
        %parallel_loop3A_664 = arith.constant 1.200000e+01 : f32
        %parallel_loop3A_665 = vector.broadcast %parallel_loop3A_664 : f32 to vector<16xf32>
        %parallel_loop3A_666 = arith.mulf %parallel_loop3A_665, %parallel_loop3A_651 : vector<16xf32>
        %parallel_loop3A_667 = arith.addf %parallel_loop3A_438, %parallel_loop3A_666 : vector<16xf32>
        %parallel_loop3A_668 = arith.constant 1.200000e+01 : f32
        %parallel_loop3A_669 = vector.broadcast %parallel_loop3A_668 : f32 to vector<16xf32>
        %parallel_loop3A_670 = arith.mulf %parallel_loop3A_669, %parallel_loop3A_655 : vector<16xf32>
        %parallel_loop3A_671 = arith.addf %parallel_loop3A_646, %parallel_loop3A_670 : vector<16xf32>
        %parallel_loop3A_672 = arith.constant 1.200000e+01 : f32
        %parallel_loop3A_673 = vector.broadcast %parallel_loop3A_672 : f32 to vector<16xf32>
        %parallel_loop3A_674 = arith.mulf %parallel_loop3A_673, %parallel_loop3A_659 : vector<16xf32>
        %parallel_loop3A_675 = arith.addf %parallel_loop3A_441, %parallel_loop3A_674 : vector<16xf32>
        %parallel_loop3A_676 = arith.constant 1.200000e+01 : f32
        %parallel_loop3A_677 = vector.broadcast %parallel_loop3A_676 : f32 to vector<16xf32>
        %parallel_loop3A_678 = arith.mulf %parallel_loop3A_677, %parallel_loop3A_663 : vector<16xf32>
        %parallel_loop3A_679 = arith.addf %parallel_loop3A_649, %parallel_loop3A_678 : vector<16xf32>
        %parallel_loop3A_680 = arith.subf %parallel_loop3A_675, %parallel_loop3A_667 : vector<16xf32>
        %parallel_loop3A_681 = arith.subf %parallel_loop3A_679, %parallel_loop3A_671 : vector<16xf32>
        %parallel_loop3A_682 = arith.maximumf %parallel_loop3A_680, %parallel_loop3A_681 : vector<16xf32>
        %parallel_loop3A_683 = arith.constant 5.000000e-01 : f32
        %parallel_loop3A_684 = vector.broadcast %parallel_loop3A_683 : f32 to vector<16xf32>
        %parallel_loop3A_685 = arith.mulf %parallel_loop3A_682, %parallel_loop3A_684 : vector<16xf32>
        %parallel_loop3A_686 = arith.constant 5.000000e-01 : f32
        %parallel_loop3A_687 = vector.broadcast %parallel_loop3A_686 : f32 to vector<16xf32>
        %parallel_loop3A_688 = arith.mulf %parallel_loop3A_680, %parallel_loop3A_687 : vector<16xf32>
        %parallel_loop3A_689 = arith.addf %parallel_loop3A_667, %parallel_loop3A_688 : vector<16xf32>
        %parallel_loop3A_690 = arith.subf %parallel_loop3A_689, %parallel_loop3A_685 : vector<16xf32>
        %parallel_loop3A_691 = arith.constant 5.000000e-01 : f32
        %parallel_loop3A_692 = vector.broadcast %parallel_loop3A_691 : f32 to vector<16xf32>
        %parallel_loop3A_693 = arith.mulf %parallel_loop3A_681, %parallel_loop3A_692 : vector<16xf32>
        %parallel_loop3A_694 = arith.addf %parallel_loop3A_671, %parallel_loop3A_693 : vector<16xf32>
        %parallel_loop3A_695 = arith.subf %parallel_loop3A_694, %parallel_loop3A_685 : vector<16xf32>
        %parallel_loop3A_696 = arith.constant 6.000000e-01 : f32
        %parallel_loop3A_697 = vector.broadcast %parallel_loop3A_696 : f32 to vector<16xf32>
        %parallel_loop3A_698 = arith.cmpf oge, %parallel_loop3A_650, %parallel_loop3A_697 : vector<16xf32>
        %parallel_loop3A_699 = arith.constant 0.000000e+00 : f32
        %parallel_loop3A_700 = vector.broadcast %parallel_loop3A_699 : f32 to vector<16xf32>
        %parallel_loop3A_701 = arith.select %parallel_loop3A_698, %parallel_loop3A_690, %parallel_loop3A_700 : vector<16xi1>, vector<16xf32>
        %parallel_loop3A_702 = arith.constant 0 : i32
        %parallel_loop3A_703 = arith.subi %parallel_loop3A_435, %parallel_loop3A_702 : i32
        %parallel_loop3A_704 = arith.constant 0 : i32
        %parallel_loop3A_705 = arith.index_cast %parallel_loop3A_704 : i32 to index
        %parallel_loop3A_706 = arith.index_cast %parallel_loop3A_703 : i32 to index
        %parallel_loop3A_707 = arith.constant 32 : index
        %parallel_loop3A_708 = tpu.vector_load %arg12[%parallel_loop3A_705, %parallel_loop3A_706, %parallel_loop3A_707] {strides = array<i32>} : memref<5x64x64xf32, #tpu.memory_space<vmem>>, vector<16xf32>,
        tpu.vector_store %arg12[%parallel_loop3A_705, %parallel_loop3A_706, %parallel_loop3A_707], %parallel_loop3A_701 {strides = array<i32>} : memref<5x64x64xf32, #tpu.memory_space<vmem>>, vector<16xf32>,
        %parallel_loop3A_709 = arith.select %parallel_loop3A_698, %parallel_loop3A_695, %parallel_loop3A_700 : vector<16xi1>, vector<16xf32>
        %parallel_loop3A_710 = arith.constant 0 : i32
        %parallel_loop3A_711 = arith.subi %parallel_loop3A_435, %parallel_loop3A_710 : i32
        %parallel_loop3A_712 = arith.constant 1 : i32
        %parallel_loop3A_713 = arith.index_cast %parallel_loop3A_712 : i32 to index
        %parallel_loop3A_714 = arith.index_cast %parallel_loop3A_711 : i32 to index
        %parallel_loop3A_715 = arith.constant 32 : index
        %parallel_loop3A_716 = tpu.vector_load %arg12[%parallel_loop3A_713, %parallel_loop3A_714, %parallel_loop3A_715] {strides = array<i32>} : memref<5x64x64xf32, #tpu.memory_space<vmem>>, vector<16xf32>,
        tpu.vector_store %arg12[%parallel_loop3A_713, %parallel_loop3A_714, %parallel_loop3A_715], %parallel_loop3A_709 {strides = array<i32>} : memref<5x64x64xf32, #tpu.memory_space<vmem>>, vector<16xf32>,
        %parallel_loop3A_717 = arith.addf %parallel_loop3A_690, %parallel_loop3A_682 : vector<16xf32>
        %parallel_loop3A_718 = arith.select %parallel_loop3A_698, %parallel_loop3A_717, %parallel_loop3A_700 : vector<16xi1>, vector<16xf32>
        %parallel_loop3A_719 = arith.constant 0 : i32
        %parallel_loop3A_720 = arith.subi %parallel_loop3A_435, %parallel_loop3A_719 : i32
        %parallel_loop3A_721 = arith.constant 2 : i32
        %parallel_loop3A_722 = arith.index_cast %parallel_loop3A_721 : i32 to index
        %parallel_loop3A_723 = arith.index_cast %parallel_loop3A_720 : i32 to index
        %parallel_loop3A_724 = arith.constant 32 : index
        %parallel_loop3A_725 = tpu.vector_load %arg12[%parallel_loop3A_722, %parallel_loop3A_723, %parallel_loop3A_724] {strides = array<i32>} : memref<5x64x64xf32, #tpu.memory_space<vmem>>, vector<16xf32>,
        tpu.vector_store %arg12[%parallel_loop3A_722, %parallel_loop3A_723, %parallel_loop3A_724], %parallel_loop3A_718 {strides = array<i32>} : memref<5x64x64xf32, #tpu.memory_space<vmem>>, vector<16xf32>,
        %parallel_loop3A_726 = arith.addf %parallel_loop3A_695, %parallel_loop3A_682 : vector<16xf32>
        %parallel_loop3A_727 = arith.select %parallel_loop3A_698, %parallel_loop3A_726, %parallel_loop3A_700 : vector<16xi1>, vector<16xf32>
        %parallel_loop3A_728 = arith.constant 0 : i32
        %parallel_loop3A_729 = arith.subi %parallel_loop3A_435, %parallel_loop3A_728 : i32
        %parallel_loop3A_730 = arith.constant 3 : i32
        %parallel_loop3A_731 = arith.index_cast %parallel_loop3A_730 : i32 to index
        %parallel_loop3A_732 = arith.index_cast %parallel_loop3A_729 : i32 to index
        %parallel_loop3A_733 = arith.constant 32 : index
        %parallel_loop3A_734 = tpu.vector_load %arg12[%parallel_loop3A_731, %parallel_loop3A_732, %parallel_loop3A_733] {strides = array<i32>} : memref<5x64x64xf32, #tpu.memory_space<vmem>>, vector<16xf32>,
        tpu.vector_store %arg12[%parallel_loop3A_731, %parallel_loop3A_732, %parallel_loop3A_733], %parallel_loop3A_727 {strides = array<i32>} : memref<5x64x64xf32, #tpu.memory_space<vmem>>, vector<16xf32>,
        %parallel_loop3A_735 = arith.select %parallel_loop3A_698, %parallel_loop3A_650, %parallel_loop3A_700 : vector<16xi1>, vector<16xf32>
        %parallel_loop3A_736 = arith.constant 0 : i32
        %parallel_loop3A_737 = arith.subi %parallel_loop3A_435, %parallel_loop3A_736 : i32
        %parallel_loop3A_738 = arith.constant 4 : i32
        %parallel_loop3A_739 = arith.index_cast %parallel_loop3A_738 : i32 to index
        %parallel_loop3A_740 = arith.index_cast %parallel_loop3A_737 : i32 to index
        %parallel_loop3A_741 = arith.constant 32 : index
        %parallel_loop3A_742 = tpu.vector_load %arg12[%parallel_loop3A_739, %parallel_loop3A_740, %parallel_loop3A_741] {strides = array<i32>} : memref<5x64x64xf32, #tpu.memory_space<vmem>>, vector<16xf32>,
        tpu.vector_store %arg12[%parallel_loop3A_739, %parallel_loop3A_740, %parallel_loop3A_741], %parallel_loop3A_735 {strides = array<i32>} : memref<5x64x64xf32, #tpu.memory_space<vmem>>, vector<16xf32>,
        %parallel_loop3A_743 = arith.constant 48 : i32
        %parallel_loop3A_744 = arith.addi %mul3A_141, %parallel_loop3A_743 : i32
        %parallel_loop3A_745 = arith.index_cast %parallel_loop3A_744 : i32 to index
        %parallel_loop3A_746 = tpu.vector_load %arg14[%parallel_loop3A_745] {strides = array<i32>} : memref<512xf32, #tpu.memory_space<vmem>>, vector<16xf32>,
        %parallel_loop3A_747 = arith.constant 1.100000e+01 : f32
        %parallel_loop3A_748 = vector.broadcast %parallel_loop3A_747 : f32 to vector<16xf32>
        %parallel_loop3A_749 = arith.addf %parallel_loop3A_746, %parallel_loop3A_748 : vector<16xf32>
        %parallel_loop3A_750 = tpu.vector_load_idx %arg8[%add3A_53, %parallel_loop3A_442] : memref<64x132xf32, #tpu.memory_space<vmem>>[vector<16xi32>, vector<16xi32>], vector<16xf32>,
        %parallel_loop3A_751 = tpu.vector_load_idx %arg10[%add3A_53, %parallel_loop3A_442] : memref<64x516xf32, #tpu.memory_space<vmem>>[vector<16xi32>, vector<16xi32>], vector<16xf32>,
        %parallel_loop3A_752 = arith.constant 128 : i32
        %parallel_loop3A_753 = vector.broadcast %parallel_loop3A_752 : i32 to vector<16xi32>
        %parallel_loop3A_754 = arith.addi %parallel_loop3A_442, %parallel_loop3A_753 : vector<16xi32>
        %parallel_loop3A_755 = tpu.vector_load_idx %arg10[%add3A_53, %parallel_loop3A_754] : memref<64x516xf32, #tpu.memory_space<vmem>>[vector<16xi32>, vector<16xi32>], vector<16xf32>,
        %parallel_loop3A_756 = arith.constant 256 : i32
        %parallel_loop3A_757 = vector.broadcast %parallel_loop3A_756 : i32 to vector<16xi32>
        %parallel_loop3A_758 = arith.addi %parallel_loop3A_442, %parallel_loop3A_757 : vector<16xi32>
        %parallel_loop3A_759 = tpu.vector_load_idx %arg10[%add3A_53, %parallel_loop3A_758] : memref<64x516xf32, #tpu.memory_space<vmem>>[vector<16xi32>, vector<16xi32>], vector<16xf32>,
        %parallel_loop3A_760 = arith.constant 384 : i32
        %parallel_loop3A_761 = vector.broadcast %parallel_loop3A_760 : i32 to vector<16xi32>
        %parallel_loop3A_762 = arith.addi %parallel_loop3A_442, %parallel_loop3A_761 : vector<16xi32>
        %parallel_loop3A_763 = tpu.vector_load_idx %arg10[%add3A_53, %parallel_loop3A_762] : memref<64x516xf32, #tpu.memory_space<vmem>>[vector<16xi32>, vector<16xi32>], vector<16xf32>,
        %parallel_loop3A_764 = arith.constant 1.200000e+01 : f32
        %parallel_loop3A_765 = vector.broadcast %parallel_loop3A_764 : f32 to vector<16xf32>
        %parallel_loop3A_766 = arith.mulf %parallel_loop3A_765, %parallel_loop3A_751 : vector<16xf32>
        %parallel_loop3A_767 = arith.addf %parallel_loop3A_438, %parallel_loop3A_766 : vector<16xf32>
        %parallel_loop3A_768 = arith.constant 1.200000e+01 : f32
        %parallel_loop3A_769 = vector.broadcast %parallel_loop3A_768 : f32 to vector<16xf32>
        %parallel_loop3A_770 = arith.mulf %parallel_loop3A_769, %parallel_loop3A_755 : vector<16xf32>
        %parallel_loop3A_771 = arith.addf %parallel_loop3A_746, %parallel_loop3A_770 : vector<16xf32>
        %parallel_loop3A_772 = arith.constant 1.200000e+01 : f32
        %parallel_loop3A_773 = vector.broadcast %parallel_loop3A_772 : f32 to vector<16xf32>
        %parallel_loop3A_774 = arith.mulf %parallel_loop3A_773, %parallel_loop3A_759 : vector<16xf32>
        %parallel_loop3A_775 = arith.addf %parallel_loop3A_441, %parallel_loop3A_774 : vector<16xf32>
        %parallel_loop3A_776 = arith.constant 1.200000e+01 : f32
        %parallel_loop3A_777 = vector.broadcast %parallel_loop3A_776 : f32 to vector<16xf32>
        %parallel_loop3A_778 = arith.mulf %parallel_loop3A_777, %parallel_loop3A_763 : vector<16xf32>
        %parallel_loop3A_779 = arith.addf %parallel_loop3A_749, %parallel_loop3A_778 : vector<16xf32>
        %parallel_loop3A_780 = arith.subf %parallel_loop3A_775, %parallel_loop3A_767 : vector<16xf32>
        %parallel_loop3A_781 = arith.subf %parallel_loop3A_779, %parallel_loop3A_771 : vector<16xf32>
        %parallel_loop3A_782 = arith.maximumf %parallel_loop3A_780, %parallel_loop3A_781 : vector<16xf32>
        %parallel_loop3A_783 = arith.constant 5.000000e-01 : f32
        %parallel_loop3A_784 = vector.broadcast %parallel_loop3A_783 : f32 to vector<16xf32>
        %parallel_loop3A_785 = arith.mulf %parallel_loop3A_782, %parallel_loop3A_784 : vector<16xf32>
        %parallel_loop3A_786 = arith.constant 5.000000e-01 : f32
        %parallel_loop3A_787 = vector.broadcast %parallel_loop3A_786 : f32 to vector<16xf32>
        %parallel_loop3A_788 = arith.mulf %parallel_loop3A_780, %parallel_loop3A_787 : vector<16xf32>
        %parallel_loop3A_789 = arith.addf %parallel_loop3A_767, %parallel_loop3A_788 : vector<16xf32>
        %parallel_loop3A_790 = arith.subf %parallel_loop3A_789, %parallel_loop3A_785 : vector<16xf32>
        %parallel_loop3A_791 = arith.constant 5.000000e-01 : f32
        %parallel_loop3A_792 = vector.broadcast %parallel_loop3A_791 : f32 to vector<16xf32>
        %parallel_loop3A_793 = arith.mulf %parallel_loop3A_781, %parallel_loop3A_792 : vector<16xf32>
        %parallel_loop3A_794 = arith.addf %parallel_loop3A_771, %parallel_loop3A_793 : vector<16xf32>
        %parallel_loop3A_795 = arith.subf %parallel_loop3A_794, %parallel_loop3A_785 : vector<16xf32>
        %parallel_loop3A_796 = arith.constant 6.000000e-01 : f32
        %parallel_loop3A_797 = vector.broadcast %parallel_loop3A_796 : f32 to vector<16xf32>
        %parallel_loop3A_798 = arith.cmpf oge, %parallel_loop3A_750, %parallel_loop3A_797 : vector<16xf32>
        %parallel_loop3A_799 = arith.constant 0.000000e+00 : f32
        %parallel_loop3A_800 = vector.broadcast %parallel_loop3A_799 : f32 to vector<16xf32>
        %parallel_loop3A_801 = arith.select %parallel_loop3A_798, %parallel_loop3A_790, %parallel_loop3A_800 : vector<16xi1>, vector<16xf32>
        %parallel_loop3A_802 = arith.constant 0 : i32
        %parallel_loop3A_803 = arith.subi %parallel_loop3A_435, %parallel_loop3A_802 : i32
        %parallel_loop3A_804 = arith.constant 0 : i32
        %parallel_loop3A_805 = arith.index_cast %parallel_loop3A_804 : i32 to index
        %parallel_loop3A_806 = arith.index_cast %parallel_loop3A_803 : i32 to index
        %parallel_loop3A_807 = arith.constant 48 : index
        %parallel_loop3A_808 = tpu.vector_load %arg12[%parallel_loop3A_805, %parallel_loop3A_806, %parallel_loop3A_807] {strides = array<i32>} : memref<5x64x64xf32, #tpu.memory_space<vmem>>, vector<16xf32>,
        tpu.vector_store %arg12[%parallel_loop3A_805, %parallel_loop3A_806, %parallel_loop3A_807], %parallel_loop3A_801 {strides = array<i32>} : memref<5x64x64xf32, #tpu.memory_space<vmem>>, vector<16xf32>,
        %parallel_loop3A_809 = arith.select %parallel_loop3A_798, %parallel_loop3A_795, %parallel_loop3A_800 : vector<16xi1>, vector<16xf32>
        %parallel_loop3A_810 = arith.constant 0 : i32
        %parallel_loop3A_811 = arith.subi %parallel_loop3A_435, %parallel_loop3A_810 : i32
        %parallel_loop3A_812 = arith.constant 1 : i32
        %parallel_loop3A_813 = arith.index_cast %parallel_loop3A_812 : i32 to index
        %parallel_loop3A_814 = arith.index_cast %parallel_loop3A_811 : i32 to index
        %parallel_loop3A_815 = arith.constant 48 : index
        %parallel_loop3A_816 = tpu.vector_load %arg12[%parallel_loop3A_813, %parallel_loop3A_814, %parallel_loop3A_815] {strides = array<i32>} : memref<5x64x64xf32, #tpu.memory_space<vmem>>, vector<16xf32>,
        tpu.vector_store %arg12[%parallel_loop3A_813, %parallel_loop3A_814, %parallel_loop3A_815], %parallel_loop3A_809 {strides = array<i32>} : memref<5x64x64xf32, #tpu.memory_space<vmem>>, vector<16xf32>,
        %parallel_loop3A_817 = arith.addf %parallel_loop3A_790, %parallel_loop3A_782 : vector<16xf32>
        %parallel_loop3A_818 = arith.select %parallel_loop3A_798, %parallel_loop3A_817, %parallel_loop3A_800 : vector<16xi1>, vector<16xf32>
        %parallel_loop3A_819 = arith.constant 0 : i32
        %parallel_loop3A_820 = arith.subi %parallel_loop3A_435, %parallel_loop3A_819 : i32
        %parallel_loop3A_821 = arith.constant 2 : i32
        %parallel_loop3A_822 = arith.index_cast %parallel_loop3A_821 : i32 to index
        %parallel_loop3A_823 = arith.index_cast %parallel_loop3A_820 : i32 to index
        %parallel_loop3A_824 = arith.constant 48 : index
        %parallel_loop3A_825 = tpu.vector_load %arg12[%parallel_loop3A_822, %parallel_loop3A_823, %parallel_loop3A_824] {strides = array<i32>} : memref<5x64x64xf32, #tpu.memory_space<vmem>>, vector<16xf32>,
        tpu.vector_store %arg12[%parallel_loop3A_822, %parallel_loop3A_823, %parallel_loop3A_824], %parallel_loop3A_818 {strides = array<i32>} : memref<5x64x64xf32, #tpu.memory_space<vmem>>, vector<16xf32>,
        %parallel_loop3A_826 = arith.addf %parallel_loop3A_795, %parallel_loop3A_782 : vector<16xf32>
        %parallel_loop3A_827 = arith.select %parallel_loop3A_798, %parallel_loop3A_826, %parallel_loop3A_800 : vector<16xi1>, vector<16xf32>
        %parallel_loop3A_828 = arith.constant 0 : i32
        %parallel_loop3A_829 = arith.subi %parallel_loop3A_435, %parallel_loop3A_828 : i32
        %parallel_loop3A_830 = arith.constant 3 : i32
        %parallel_loop3A_831 = arith.index_cast %parallel_loop3A_830 : i32 to index
        %parallel_loop3A_832 = arith.index_cast %parallel_loop3A_829 : i32 to index
        %parallel_loop3A_833 = arith.constant 48 : index
        %parallel_loop3A_834 = tpu.vector_load %arg12[%parallel_loop3A_831, %parallel_loop3A_832, %parallel_loop3A_833] {strides = array<i32>} : memref<5x64x64xf32, #tpu.memory_space<vmem>>, vector<16xf32>,
        tpu.vector_store %arg12[%parallel_loop3A_831, %parallel_loop3A_832, %parallel_loop3A_833], %parallel_loop3A_827 {strides = array<i32>} : memref<5x64x64xf32, #tpu.memory_space<vmem>>, vector<16xf32>,
        %parallel_loop3A_835 = arith.select %parallel_loop3A_798, %parallel_loop3A_750, %parallel_loop3A_800 : vector<16xi1>, vector<16xf32>
        %parallel_loop3A_836 = arith.constant 0 : i32
        %parallel_loop3A_837 = arith.subi %parallel_loop3A_435, %parallel_loop3A_836 : i32
        %parallel_loop3A_838 = arith.constant 4 : i32
        %parallel_loop3A_839 = arith.index_cast %parallel_loop3A_838 : i32 to index
        %parallel_loop3A_840 = arith.index_cast %parallel_loop3A_837 : i32 to index
        %parallel_loop3A_841 = arith.constant 48 : index
        %parallel_loop3A_842 = tpu.vector_load %arg12[%parallel_loop3A_839, %parallel_loop3A_840, %parallel_loop3A_841] {strides = array<i32>} : memref<5x64x64xf32, #tpu.memory_space<vmem>>, vector<16xf32>,
        tpu.vector_store %arg12[%parallel_loop3A_839, %parallel_loop3A_840, %parallel_loop3A_841], %parallel_loop3A_835 {strides = array<i32>} : memref<5x64x64xf32, #tpu.memory_space<vmem>>, vector<16xf32>,
      } {sc.loop_unroll_factor = 2 : i64, sc.parallel_access}
      %mul3A_230 = arith.constant 128 : i32
      %mul3A_231 = arith.muli %select_n3A_30, %mul3A_230 : i32
      %add3A_232 = arith.constant 0 : i32
      %add3A_233 = arith.addi %mul3A_231, %add3A_232 : i32
      %dma_start3A_234 = arith.constant 0 : i32
      %dma_start3A_235 = tpu.memref_slice %arg5[%dma_start3A_234, %add3A_233, %select_n3A_165, %select_n3A, %sub3A_168] : memref<5x512x4x8x128xf32, #tpu.memory_space<hbm>> -> memref<5x64x1x1x64xf32, #tpu.memory_space<hbm>>
      %dma_start3A_236 = tpu.memref_squeeze %dma_start3A_235 : memref<5x64x1x1x64xf32, #tpu.memory_space<hbm>> -> memref<5x64x64xf32, #tpu.memory_space<hbm>>
      %dma_start3A_237 = arith.constant 0 : i32
      %dma_start3A_238 = tpu.memref_slice %arg5[%dma_start3A_237, %add3A_233, %select_n3A_165, %select_n3A, %sub3A_168] : memref<5x512x4x8x128xf32, #tpu.memory_space<hbm>> -> memref<5x64x1x1x64xf32, #tpu.memory_space<hbm>>
      %dma_start3A_239 = tpu.memref_squeeze %dma_start3A_238 : memref<5x64x1x1x64xf32, #tpu.memory_space<hbm>> -> memref<5x64x64xf32, #tpu.memory_space<hbm>>
      tpu.enqueue_dma source(%arg12 : memref<5x64x64xf32, #tpu.memory_space<vmem>>) target(%dma_start3A_239 : memref<5x64x64xf32, #tpu.memory_space<hbm>>) target_semaphore(%arg19 : memref<!tpu.dma_semaphore, #tpu.memory_space<semaphore_mem>>)
      %mul3A_240 = arith.constant 128 : i32
      %mul3A_241 = arith.muli %select_n3A_30, %mul3A_240 : i32
      %add3A_242 = arith.constant 0 : i32
      %add3A_243 = arith.addi %mul3A_241, %add3A_242 : i32
      %dma_start3A_244 = arith.constant 0 : i32
      %dma_start3A_245 = tpu.memref_slice %arg6[%dma_start3A_244, %add3A_243, %select_n3A_165, %select_n3A, %sub3A_168] : memref<5x512x4x8x128xf32, #tpu.memory_space<hbm>> -> memref<5x64x1x1x64xf32, #tpu.memory_space<hbm>>
      %dma_start3A_246 = tpu.memref_squeeze %dma_start3A_245 : memref<5x64x1x1x64xf32, #tpu.memory_space<hbm>> -> memref<5x64x64xf32, #tpu.memory_space<hbm>>
      %dma_start3A_247 = arith.constant 0 : i32
      %dma_start3A_248 = tpu.memref_slice %arg6[%dma_start3A_247, %add3A_243, %select_n3A_165, %select_n3A, %sub3A_168] : memref<5x512x4x8x128xf32, #tpu.memory_space<hbm>> -> memref<5x64x1x1x64xf32, #tpu.memory_space<hbm>>
      %dma_start3A_249 = tpu.memref_squeeze %dma_start3A_248 : memref<5x64x1x1x64xf32, #tpu.memory_space<hbm>> -> memref<5x64x64xf32, #tpu.memory_space<hbm>>
      tpu.enqueue_dma source(%arg12 : memref<5x64x64xf32, #tpu.memory_space<vmem>>) target(%dma_start3A_249 : memref<5x64x64xf32, #tpu.memory_space<hbm>>) target_semaphore(%arg19 : memref<!tpu.dma_semaphore, #tpu.memory_space<semaphore_mem>>)
      %convert_element_type3A_250 = arith.extui %gt3A_137 : i1 to i32
      %cond3A_251 = arith.constant 0 : i32
      %cond3A_252 = arith.cmpi ne, %convert_element_type3A_250, %cond3A_251 : i32
      scf.if %cond3A_252 {
        %dma_wait3A_435 = arith.constant 0 : i32
        %dma_wait3A_436 = arith.constant 0 : i32
        %dma_wait3A_437 = arith.constant 64 : i32
        %dma_wait3A_438 = arith.constant 0 : i32
        %dma_wait3A_439 = tpu.memref_slice %arg5[%dma_wait3A_436, %dma_wait3A_437, %dma_wait3A_435, %select_n3A, %dma_wait3A_438] : memref<5x512x4x8x128xf32, #tpu.memory_space<hbm>> -> memref<5x64x1x1x64xf32, #tpu.memory_space<hbm>>
        %dma_wait3A_440 = tpu.memref_squeeze %dma_wait3A_439 : memref<5x64x1x1x64xf32, #tpu.memory_space<hbm>> -> memref<5x64x64xf32, #tpu.memory_space<hbm>>
        %dma_wait3A_441 = arith.constant 0 : i32
        %dma_wait3A_442 = arith.constant 64 : i32
        %dma_wait3A_443 = arith.constant 0 : i32
        %dma_wait3A_444 = tpu.memref_slice %arg5[%dma_wait3A_441, %dma_wait3A_442, %dma_wait3A_435, %select_n3A, %dma_wait3A_443] : memref<5x512x4x8x128xf32, #tpu.memory_space<hbm>> -> memref<5x64x1x1x64xf32, #tpu.memory_space<hbm>>
        %dma_wait3A_445 = tpu.memref_squeeze %dma_wait3A_444 : memref<5x64x1x1x64xf32, #tpu.memory_space<hbm>> -> memref<5x64x64xf32, #tpu.memory_space<hbm>>
        tpu.wait_dma2 semaphore(%arg20 : memref<!tpu.dma_semaphore, #tpu.memory_space<semaphore_mem>>) src(%arg13 : memref<5x64x64xf32, #tpu.memory_space<vmem>>) dst(%dma_wait3A_445 : memref<5x64x64xf32, #tpu.memory_space<hbm>>)
        %dma_wait3A_446 = arith.constant 0 : i32
        %dma_wait3A_447 = arith.constant 0 : i32
        %dma_wait3A_448 = arith.constant 64 : i32
        %dma_wait3A_449 = arith.constant 0 : i32
        %dma_wait3A_450 = tpu.memref_slice %arg6[%dma_wait3A_447, %dma_wait3A_448, %dma_wait3A_446, %select_n3A, %dma_wait3A_449] : memref<5x512x4x8x128xf32, #tpu.memory_space<hbm>> -> memref<5x64x1x1x64xf32, #tpu.memory_space<hbm>>
        %dma_wait3A_451 = tpu.memref_squeeze %dma_wait3A_450 : memref<5x64x1x1x64xf32, #tpu.memory_space<hbm>> -> memref<5x64x64xf32, #tpu.memory_space<hbm>>
        %dma_wait3A_452 = arith.constant 0 : i32
        %dma_wait3A_453 = arith.constant 64 : i32
        %dma_wait3A_454 = arith.constant 0 : i32
        %dma_wait3A_455 = tpu.memref_slice %arg6[%dma_wait3A_452, %dma_wait3A_453, %dma_wait3A_446, %select_n3A, %dma_wait3A_454] : memref<5x512x4x8x128xf32, #tpu.memory_space<hbm>> -> memref<5x64x1x1x64xf32, #tpu.memory_space<hbm>>
        %dma_wait3A_456 = tpu.memref_squeeze %dma_wait3A_455 : memref<5x64x1x1x64xf32, #tpu.memory_space<hbm>> -> memref<5x64x64xf32, #tpu.memory_space<hbm>>
        tpu.wait_dma2 semaphore(%arg20 : memref<!tpu.dma_semaphore, #tpu.memory_space<semaphore_mem>>) src(%arg13 : memref<5x64x64xf32, #tpu.memory_space<vmem>>) dst(%dma_wait3A_456 : memref<5x64x64xf32, #tpu.memory_space<hbm>>)
      } else {
      }
      %parallel_loop3A_253 = arith.constant 64 : i32
      %parallel_loop3A_254 = arith.constant 128 : i32
      %parallel_loop3A_255 = arith.constant 1 : i32
      scf.for %parallel_loop3A_435 = %parallel_loop3A_253 to %parallel_loop3A_254 step %parallel_loop3A_255  : i32 {
        %parallel_loop3A_436 = arith.index_cast %parallel_loop3A_435 : i32 to index
        %parallel_loop3A_437 = arith.constant 0 : index
        %parallel_loop3A_438 = tpu.vector_load %arg15[%parallel_loop3A_436, %parallel_loop3A_437] {strides = array<i32>} : memref<128x16xf32, #tpu.memory_space<vmem>>, vector<16xf32>,
        %parallel_loop3A_439 = arith.constant 1.100000e+01 : f32
        %parallel_loop3A_440 = vector.broadcast %parallel_loop3A_439 : f32 to vector<16xf32>
        %parallel_loop3A_441 = arith.addf %parallel_loop3A_438, %parallel_loop3A_440 : vector<16xf32>
        %parallel_loop3A_442 = vector.broadcast %parallel_loop3A_435 : i32 to vector<16xi32>
        %parallel_loop3A_443 = arith.constant 0 : i32
        %parallel_loop3A_444 = arith.addi %mul3A_141, %parallel_loop3A_443 : i32
        %parallel_loop3A_445 = arith.index_cast %parallel_loop3A_444 : i32 to index
        %parallel_loop3A_446 = tpu.vector_load %arg14[%parallel_loop3A_445] {strides = array<i32>} : memref<512xf32, #tpu.memory_space<vmem>>, vector<16xf32>,
        %parallel_loop3A_447 = arith.constant 1.100000e+01 : f32
        %parallel_loop3A_448 = vector.broadcast %parallel_loop3A_447 : f32 to vector<16xf32>
        %parallel_loop3A_449 = arith.addf %parallel_loop3A_446, %parallel_loop3A_448 : vector<16xf32>
        %parallel_loop3A_450 = tpu.vector_load_idx %arg8[%add3A_44, %parallel_loop3A_442] : memref<64x132xf32, #tpu.memory_space<vmem>>[vector<16xi32>, vector<16xi32>], vector<16xf32>,
        %parallel_loop3A_451 = tpu.vector_load_idx %arg10[%add3A_44, %parallel_loop3A_442] : memref<64x516xf32, #tpu.memory_space<vmem>>[vector<16xi32>, vector<16xi32>], vector<16xf32>,
        %parallel_loop3A_452 = arith.constant 128 : i32
        %parallel_loop3A_453 = vector.broadcast %parallel_loop3A_452 : i32 to vector<16xi32>
        %parallel_loop3A_454 = arith.addi %parallel_loop3A_442, %parallel_loop3A_453 : vector<16xi32>
        %parallel_loop3A_455 = tpu.vector_load_idx %arg10[%add3A_44, %parallel_loop3A_454] : memref<64x516xf32, #tpu.memory_space<vmem>>[vector<16xi32>, vector<16xi32>], vector<16xf32>,
        %parallel_loop3A_456 = arith.constant 256 : i32
        %parallel_loop3A_457 = vector.broadcast %parallel_loop3A_456 : i32 to vector<16xi32>
        %parallel_loop3A_458 = arith.addi %parallel_loop3A_442, %parallel_loop3A_457 : vector<16xi32>
        %parallel_loop3A_459 = tpu.vector_load_idx %arg10[%add3A_44, %parallel_loop3A_458] : memref<64x516xf32, #tpu.memory_space<vmem>>[vector<16xi32>, vector<16xi32>], vector<16xf32>,
        %parallel_loop3A_460 = arith.constant 384 : i32
        %parallel_loop3A_461 = vector.broadcast %parallel_loop3A_460 : i32 to vector<16xi32>
        %parallel_loop3A_462 = arith.addi %parallel_loop3A_442, %parallel_loop3A_461 : vector<16xi32>
        %parallel_loop3A_463 = tpu.vector_load_idx %arg10[%add3A_44, %parallel_loop3A_462] : memref<64x516xf32, #tpu.memory_space<vmem>>[vector<16xi32>, vector<16xi32>], vector<16xf32>,
        %parallel_loop3A_464 = arith.constant 1.200000e+01 : f32
        %parallel_loop3A_465 = vector.broadcast %parallel_loop3A_464 : f32 to vector<16xf32>
        %parallel_loop3A_466 = arith.mulf %parallel_loop3A_465, %parallel_loop3A_451 : vector<16xf32>
        %parallel_loop3A_467 = arith.addf %parallel_loop3A_438, %parallel_loop3A_466 : vector<16xf32>
        %parallel_loop3A_468 = arith.constant 1.200000e+01 : f32
        %parallel_loop3A_469 = vector.broadcast %parallel_loop3A_468 : f32 to vector<16xf32>
        %parallel_loop3A_470 = arith.mulf %parallel_loop3A_469, %parallel_loop3A_455 : vector<16xf32>
        %parallel_loop3A_471 = arith.addf %parallel_loop3A_446, %parallel_loop3A_470 : vector<16xf32>
        %parallel_loop3A_472 = arith.constant 1.200000e+01 : f32
        %parallel_loop3A_473 = vector.broadcast %parallel_loop3A_472 : f32 to vector<16xf32>
        %parallel_loop3A_474 = arith.mulf %parallel_loop3A_473, %parallel_loop3A_459 : vector<16xf32>
        %parallel_loop3A_475 = arith.addf %parallel_loop3A_441, %parallel_loop3A_474 : vector<16xf32>
        %parallel_loop3A_476 = arith.constant 1.200000e+01 : f32
        %parallel_loop3A_477 = vector.broadcast %parallel_loop3A_476 : f32 to vector<16xf32>
        %parallel_loop3A_478 = arith.mulf %parallel_loop3A_477, %parallel_loop3A_463 : vector<16xf32>
        %parallel_loop3A_479 = arith.addf %parallel_loop3A_449, %parallel_loop3A_478 : vector<16xf32>
        %parallel_loop3A_480 = arith.subf %parallel_loop3A_475, %parallel_loop3A_467 : vector<16xf32>
        %parallel_loop3A_481 = arith.subf %parallel_loop3A_479, %parallel_loop3A_471 : vector<16xf32>
        %parallel_loop3A_482 = arith.maximumf %parallel_loop3A_480, %parallel_loop3A_481 : vector<16xf32>
        %parallel_loop3A_483 = arith.constant 5.000000e-01 : f32
        %parallel_loop3A_484 = vector.broadcast %parallel_loop3A_483 : f32 to vector<16xf32>
        %parallel_loop3A_485 = arith.mulf %parallel_loop3A_482, %parallel_loop3A_484 : vector<16xf32>
        %parallel_loop3A_486 = arith.constant 5.000000e-01 : f32
        %parallel_loop3A_487 = vector.broadcast %parallel_loop3A_486 : f32 to vector<16xf32>
        %parallel_loop3A_488 = arith.mulf %parallel_loop3A_480, %parallel_loop3A_487 : vector<16xf32>
        %parallel_loop3A_489 = arith.addf %parallel_loop3A_467, %parallel_loop3A_488 : vector<16xf32>
        %parallel_loop3A_490 = arith.subf %parallel_loop3A_489, %parallel_loop3A_485 : vector<16xf32>
        %parallel_loop3A_491 = arith.constant 5.000000e-01 : f32
        %parallel_loop3A_492 = vector.broadcast %parallel_loop3A_491 : f32 to vector<16xf32>
        %parallel_loop3A_493 = arith.mulf %parallel_loop3A_481, %parallel_loop3A_492 : vector<16xf32>
        %parallel_loop3A_494 = arith.addf %parallel_loop3A_471, %parallel_loop3A_493 : vector<16xf32>
        %parallel_loop3A_495 = arith.subf %parallel_loop3A_494, %parallel_loop3A_485 : vector<16xf32>
        %parallel_loop3A_496 = arith.constant 6.000000e-01 : f32
        %parallel_loop3A_497 = vector.broadcast %parallel_loop3A_496 : f32 to vector<16xf32>
        %parallel_loop3A_498 = arith.cmpf oge, %parallel_loop3A_450, %parallel_loop3A_497 : vector<16xf32>
        %parallel_loop3A_499 = arith.constant 0.000000e+00 : f32
        %parallel_loop3A_500 = vector.broadcast %parallel_loop3A_499 : f32 to vector<16xf32>
        %parallel_loop3A_501 = arith.select %parallel_loop3A_498, %parallel_loop3A_490, %parallel_loop3A_500 : vector<16xi1>, vector<16xf32>
        %parallel_loop3A_502 = arith.constant 64 : i32
        %parallel_loop3A_503 = arith.subi %parallel_loop3A_435, %parallel_loop3A_502 : i32
        %parallel_loop3A_504 = arith.constant 0 : i32
        %parallel_loop3A_505 = arith.index_cast %parallel_loop3A_504 : i32 to index
        %parallel_loop3A_506 = arith.index_cast %parallel_loop3A_503 : i32 to index
        %parallel_loop3A_507 = arith.constant 0 : index
        %parallel_loop3A_508 = tpu.vector_load %arg13[%parallel_loop3A_505, %parallel_loop3A_506, %parallel_loop3A_507] {strides = array<i32>} : memref<5x64x64xf32, #tpu.memory_space<vmem>>, vector<16xf32>,
        tpu.vector_store %arg13[%parallel_loop3A_505, %parallel_loop3A_506, %parallel_loop3A_507], %parallel_loop3A_501 {strides = array<i32>} : memref<5x64x64xf32, #tpu.memory_space<vmem>>, vector<16xf32>,
        %parallel_loop3A_509 = arith.select %parallel_loop3A_498, %parallel_loop3A_495, %parallel_loop3A_500 : vector<16xi1>, vector<16xf32>
        %parallel_loop3A_510 = arith.constant 64 : i32
        %parallel_loop3A_511 = arith.subi %parallel_loop3A_435, %parallel_loop3A_510 : i32
        %parallel_loop3A_512 = arith.constant 1 : i32
        %parallel_loop3A_513 = arith.index_cast %parallel_loop3A_512 : i32 to index
        %parallel_loop3A_514 = arith.index_cast %parallel_loop3A_511 : i32 to index
        %parallel_loop3A_515 = arith.constant 0 : index
        %parallel_loop3A_516 = tpu.vector_load %arg13[%parallel_loop3A_513, %parallel_loop3A_514, %parallel_loop3A_515] {strides = array<i32>} : memref<5x64x64xf32, #tpu.memory_space<vmem>>, vector<16xf32>,
        tpu.vector_store %arg13[%parallel_loop3A_513, %parallel_loop3A_514, %parallel_loop3A_515], %parallel_loop3A_509 {strides = array<i32>} : memref<5x64x64xf32, #tpu.memory_space<vmem>>, vector<16xf32>,
        %parallel_loop3A_517 = arith.addf %parallel_loop3A_490, %parallel_loop3A_482 : vector<16xf32>
        %parallel_loop3A_518 = arith.select %parallel_loop3A_498, %parallel_loop3A_517, %parallel_loop3A_500 : vector<16xi1>, vector<16xf32>
        %parallel_loop3A_519 = arith.constant 64 : i32
        %parallel_loop3A_520 = arith.subi %parallel_loop3A_435, %parallel_loop3A_519 : i32
        %parallel_loop3A_521 = arith.constant 2 : i32
        %parallel_loop3A_522 = arith.index_cast %parallel_loop3A_521 : i32 to index
        %parallel_loop3A_523 = arith.index_cast %parallel_loop3A_520 : i32 to index
        %parallel_loop3A_524 = arith.constant 0 : index
        %parallel_loop3A_525 = tpu.vector_load %arg13[%parallel_loop3A_522, %parallel_loop3A_523, %parallel_loop3A_524] {strides = array<i32>} : memref<5x64x64xf32, #tpu.memory_space<vmem>>, vector<16xf32>,
        tpu.vector_store %arg13[%parallel_loop3A_522, %parallel_loop3A_523, %parallel_loop3A_524], %parallel_loop3A_518 {strides = array<i32>} : memref<5x64x64xf32, #tpu.memory_space<vmem>>, vector<16xf32>,
        %parallel_loop3A_526 = arith.addf %parallel_loop3A_495, %parallel_loop3A_482 : vector<16xf32>
        %parallel_loop3A_527 = arith.select %parallel_loop3A_498, %parallel_loop3A_526, %parallel_loop3A_500 : vector<16xi1>, vector<16xf32>
        %parallel_loop3A_528 = arith.constant 64 : i32
        %parallel_loop3A_529 = arith.subi %parallel_loop3A_435, %parallel_loop3A_528 : i32
        %parallel_loop3A_530 = arith.constant 3 : i32
        %parallel_loop3A_531 = arith.index_cast %parallel_loop3A_530 : i32 to index
        %parallel_loop3A_532 = arith.index_cast %parallel_loop3A_529 : i32 to index
        %parallel_loop3A_533 = arith.constant 0 : index
        %parallel_loop3A_534 = tpu.vector_load %arg13[%parallel_loop3A_531, %parallel_loop3A_532, %parallel_loop3A_533] {strides = array<i32>} : memref<5x64x64xf32, #tpu.memory_space<vmem>>, vector<16xf32>,
        tpu.vector_store %arg13[%parallel_loop3A_531, %parallel_loop3A_532, %parallel_loop3A_533], %parallel_loop3A_527 {strides = array<i32>} : memref<5x64x64xf32, #tpu.memory_space<vmem>>, vector<16xf32>,
        %parallel_loop3A_535 = arith.select %parallel_loop3A_498, %parallel_loop3A_450, %parallel_loop3A_500 : vector<16xi1>, vector<16xf32>
        %parallel_loop3A_536 = arith.constant 64 : i32
        %parallel_loop3A_537 = arith.subi %parallel_loop3A_435, %parallel_loop3A_536 : i32
        %parallel_loop3A_538 = arith.constant 4 : i32
        %parallel_loop3A_539 = arith.index_cast %parallel_loop3A_538 : i32 to index
        %parallel_loop3A_540 = arith.index_cast %parallel_loop3A_537 : i32 to index
        %parallel_loop3A_541 = arith.constant 0 : index
        %parallel_loop3A_542 = tpu.vector_load %arg13[%parallel_loop3A_539, %parallel_loop3A_540, %parallel_loop3A_541] {strides = array<i32>} : memref<5x64x64xf32, #tpu.memory_space<vmem>>, vector<16xf32>,
        tpu.vector_store %arg13[%parallel_loop3A_539, %parallel_loop3A_540, %parallel_loop3A_541], %parallel_loop3A_535 {strides = array<i32>} : memref<5x64x64xf32, #tpu.memory_space<vmem>>, vector<16xf32>,
        %parallel_loop3A_543 = arith.constant 16 : i32
        %parallel_loop3A_544 = arith.addi %mul3A_141, %parallel_loop3A_543 : i32
        %parallel_loop3A_545 = arith.index_cast %parallel_loop3A_544 : i32 to index
        %parallel_loop3A_546 = tpu.vector_load %arg14[%parallel_loop3A_545] {strides = array<i32>} : memref<512xf32, #tpu.memory_space<vmem>>, vector<16xf32>,
        %parallel_loop3A_547 = arith.constant 1.100000e+01 : f32
        %parallel_loop3A_548 = vector.broadcast %parallel_loop3A_547 : f32 to vector<16xf32>
        %parallel_loop3A_549 = arith.addf %parallel_loop3A_546, %parallel_loop3A_548 : vector<16xf32>
        %parallel_loop3A_550 = tpu.vector_load_idx %arg8[%add3A_47, %parallel_loop3A_442] : memref<64x132xf32, #tpu.memory_space<vmem>>[vector<16xi32>, vector<16xi32>], vector<16xf32>,
        %parallel_loop3A_551 = tpu.vector_load_idx %arg10[%add3A_47, %parallel_loop3A_442] : memref<64x516xf32, #tpu.memory_space<vmem>>[vector<16xi32>, vector<16xi32>], vector<16xf32>,
        %parallel_loop3A_552 = arith.constant 128 : i32
        %parallel_loop3A_553 = vector.broadcast %parallel_loop3A_552 : i32 to vector<16xi32>
        %parallel_loop3A_554 = arith.addi %parallel_loop3A_442, %parallel_loop3A_553 : vector<16xi32>
        %parallel_loop3A_555 = tpu.vector_load_idx %arg10[%add3A_47, %parallel_loop3A_554] : memref<64x516xf32, #tpu.memory_space<vmem>>[vector<16xi32>, vector<16xi32>], vector<16xf32>,
        %parallel_loop3A_556 = arith.constant 256 : i32
        %parallel_loop3A_557 = vector.broadcast %parallel_loop3A_556 : i32 to vector<16xi32>
        %parallel_loop3A_558 = arith.addi %parallel_loop3A_442, %parallel_loop3A_557 : vector<16xi32>
        %parallel_loop3A_559 = tpu.vector_load_idx %arg10[%add3A_47, %parallel_loop3A_558] : memref<64x516xf32, #tpu.memory_space<vmem>>[vector<16xi32>, vector<16xi32>], vector<16xf32>,
        %parallel_loop3A_560 = arith.constant 384 : i32
        %parallel_loop3A_561 = vector.broadcast %parallel_loop3A_560 : i32 to vector<16xi32>
        %parallel_loop3A_562 = arith.addi %parallel_loop3A_442, %parallel_loop3A_561 : vector<16xi32>
        %parallel_loop3A_563 = tpu.vector_load_idx %arg10[%add3A_47, %parallel_loop3A_562] : memref<64x516xf32, #tpu.memory_space<vmem>>[vector<16xi32>, vector<16xi32>], vector<16xf32>,
        %parallel_loop3A_564 = arith.constant 1.200000e+01 : f32
        %parallel_loop3A_565 = vector.broadcast %parallel_loop3A_564 : f32 to vector<16xf32>
        %parallel_loop3A_566 = arith.mulf %parallel_loop3A_565, %parallel_loop3A_551 : vector<16xf32>
        %parallel_loop3A_567 = arith.addf %parallel_loop3A_438, %parallel_loop3A_566 : vector<16xf32>
        %parallel_loop3A_568 = arith.constant 1.200000e+01 : f32
        %parallel_loop3A_569 = vector.broadcast %parallel_loop3A_568 : f32 to vector<16xf32>
        %parallel_loop3A_570 = arith.mulf %parallel_loop3A_569, %parallel_loop3A_555 : vector<16xf32>
        %parallel_loop3A_571 = arith.addf %parallel_loop3A_546, %parallel_loop3A_570 : vector<16xf32>
        %parallel_loop3A_572 = arith.constant 1.200000e+01 : f32
        %parallel_loop3A_573 = vector.broadcast %parallel_loop3A_572 : f32 to vector<16xf32>
        %parallel_loop3A_574 = arith.mulf %parallel_loop3A_573, %parallel_loop3A_559 : vector<16xf32>
        %parallel_loop3A_575 = arith.addf %parallel_loop3A_441, %parallel_loop3A_574 : vector<16xf32>
        %parallel_loop3A_576 = arith.constant 1.200000e+01 : f32
        %parallel_loop3A_577 = vector.broadcast %parallel_loop3A_576 : f32 to vector<16xf32>
        %parallel_loop3A_578 = arith.mulf %parallel_loop3A_577, %parallel_loop3A_563 : vector<16xf32>
        %parallel_loop3A_579 = arith.addf %parallel_loop3A_549, %parallel_loop3A_578 : vector<16xf32>
        %parallel_loop3A_580 = arith.subf %parallel_loop3A_575, %parallel_loop3A_567 : vector<16xf32>
        %parallel_loop3A_581 = arith.subf %parallel_loop3A_579, %parallel_loop3A_571 : vector<16xf32>
        %parallel_loop3A_582 = arith.maximumf %parallel_loop3A_580, %parallel_loop3A_581 : vector<16xf32>
        %parallel_loop3A_583 = arith.constant 5.000000e-01 : f32
        %parallel_loop3A_584 = vector.broadcast %parallel_loop3A_583 : f32 to vector<16xf32>
        %parallel_loop3A_585 = arith.mulf %parallel_loop3A_582, %parallel_loop3A_584 : vector<16xf32>
        %parallel_loop3A_586 = arith.constant 5.000000e-01 : f32
        %parallel_loop3A_587 = vector.broadcast %parallel_loop3A_586 : f32 to vector<16xf32>
        %parallel_loop3A_588 = arith.mulf %parallel_loop3A_580, %parallel_loop3A_587 : vector<16xf32>
        %parallel_loop3A_589 = arith.addf %parallel_loop3A_567, %parallel_loop3A_588 : vector<16xf32>
        %parallel_loop3A_590 = arith.subf %parallel_loop3A_589, %parallel_loop3A_585 : vector<16xf32>
        %parallel_loop3A_591 = arith.constant 5.000000e-01 : f32
        %parallel_loop3A_592 = vector.broadcast %parallel_loop3A_591 : f32 to vector<16xf32>
        %parallel_loop3A_593 = arith.mulf %parallel_loop3A_581, %parallel_loop3A_592 : vector<16xf32>
        %parallel_loop3A_594 = arith.addf %parallel_loop3A_571, %parallel_loop3A_593 : vector<16xf32>
        %parallel_loop3A_595 = arith.subf %parallel_loop3A_594, %parallel_loop3A_585 : vector<16xf32>
        %parallel_loop3A_596 = arith.constant 6.000000e-01 : f32
        %parallel_loop3A_597 = vector.broadcast %parallel_loop3A_596 : f32 to vector<16xf32>
        %parallel_loop3A_598 = arith.cmpf oge, %parallel_loop3A_550, %parallel_loop3A_597 : vector<16xf32>
        %parallel_loop3A_599 = arith.constant 0.000000e+00 : f32
        %parallel_loop3A_600 = vector.broadcast %parallel_loop3A_599 : f32 to vector<16xf32>
        %parallel_loop3A_601 = arith.select %parallel_loop3A_598, %parallel_loop3A_590, %parallel_loop3A_600 : vector<16xi1>, vector<16xf32>
        %parallel_loop3A_602 = arith.constant 64 : i32
        %parallel_loop3A_603 = arith.subi %parallel_loop3A_435, %parallel_loop3A_602 : i32
        %parallel_loop3A_604 = arith.constant 0 : i32
        %parallel_loop3A_605 = arith.index_cast %parallel_loop3A_604 : i32 to index
        %parallel_loop3A_606 = arith.index_cast %parallel_loop3A_603 : i32 to index
        %parallel_loop3A_607 = arith.constant 16 : index
        %parallel_loop3A_608 = tpu.vector_load %arg13[%parallel_loop3A_605, %parallel_loop3A_606, %parallel_loop3A_607] {strides = array<i32>} : memref<5x64x64xf32, #tpu.memory_space<vmem>>, vector<16xf32>,
        tpu.vector_store %arg13[%parallel_loop3A_605, %parallel_loop3A_606, %parallel_loop3A_607], %parallel_loop3A_601 {strides = array<i32>} : memref<5x64x64xf32, #tpu.memory_space<vmem>>, vector<16xf32>,
        %parallel_loop3A_609 = arith.select %parallel_loop3A_598, %parallel_loop3A_595, %parallel_loop3A_600 : vector<16xi1>, vector<16xf32>
        %parallel_loop3A_610 = arith.constant 64 : i32
        %parallel_loop3A_611 = arith.subi %parallel_loop3A_435, %parallel_loop3A_610 : i32
        %parallel_loop3A_612 = arith.constant 1 : i32
        %parallel_loop3A_613 = arith.index_cast %parallel_loop3A_612 : i32 to index
        %parallel_loop3A_614 = arith.index_cast %parallel_loop3A_611 : i32 to index
        %parallel_loop3A_615 = arith.constant 16 : index
        %parallel_loop3A_616 = tpu.vector_load %arg13[%parallel_loop3A_613, %parallel_loop3A_614, %parallel_loop3A_615] {strides = array<i32>} : memref<5x64x64xf32, #tpu.memory_space<vmem>>, vector<16xf32>,
        tpu.vector_store %arg13[%parallel_loop3A_613, %parallel_loop3A_614, %parallel_loop3A_615], %parallel_loop3A_609 {strides = array<i32>} : memref<5x64x64xf32, #tpu.memory_space<vmem>>, vector<16xf32>,
        %parallel_loop3A_617 = arith.addf %parallel_loop3A_590, %parallel_loop3A_582 : vector<16xf32>
        %parallel_loop3A_618 = arith.select %parallel_loop3A_598, %parallel_loop3A_617, %parallel_loop3A_600 : vector<16xi1>, vector<16xf32>
        %parallel_loop3A_619 = arith.constant 64 : i32
        %parallel_loop3A_620 = arith.subi %parallel_loop3A_435, %parallel_loop3A_619 : i32
        %parallel_loop3A_621 = arith.constant 2 : i32
        %parallel_loop3A_622 = arith.index_cast %parallel_loop3A_621 : i32 to index
        %parallel_loop3A_623 = arith.index_cast %parallel_loop3A_620 : i32 to index
        %parallel_loop3A_624 = arith.constant 16 : index
        %parallel_loop3A_625 = tpu.vector_load %arg13[%parallel_loop3A_622, %parallel_loop3A_623, %parallel_loop3A_624] {strides = array<i32>} : memref<5x64x64xf32, #tpu.memory_space<vmem>>, vector<16xf32>,
        tpu.vector_store %arg13[%parallel_loop3A_622, %parallel_loop3A_623, %parallel_loop3A_624], %parallel_loop3A_618 {strides = array<i32>} : memref<5x64x64xf32, #tpu.memory_space<vmem>>, vector<16xf32>,
        %parallel_loop3A_626 = arith.addf %parallel_loop3A_595, %parallel_loop3A_582 : vector<16xf32>
        %parallel_loop3A_627 = arith.select %parallel_loop3A_598, %parallel_loop3A_626, %parallel_loop3A_600 : vector<16xi1>, vector<16xf32>
        %parallel_loop3A_628 = arith.constant 64 : i32
        %parallel_loop3A_629 = arith.subi %parallel_loop3A_435, %parallel_loop3A_628 : i32
        %parallel_loop3A_630 = arith.constant 3 : i32
        %parallel_loop3A_631 = arith.index_cast %parallel_loop3A_630 : i32 to index
        %parallel_loop3A_632 = arith.index_cast %parallel_loop3A_629 : i32 to index
        %parallel_loop3A_633 = arith.constant 16 : index
        %parallel_loop3A_634 = tpu.vector_load %arg13[%parallel_loop3A_631, %parallel_loop3A_632, %parallel_loop3A_633] {strides = array<i32>} : memref<5x64x64xf32, #tpu.memory_space<vmem>>, vector<16xf32>,
        tpu.vector_store %arg13[%parallel_loop3A_631, %parallel_loop3A_632, %parallel_loop3A_633], %parallel_loop3A_627 {strides = array<i32>} : memref<5x64x64xf32, #tpu.memory_space<vmem>>, vector<16xf32>,
        %parallel_loop3A_635 = arith.select %parallel_loop3A_598, %parallel_loop3A_550, %parallel_loop3A_600 : vector<16xi1>, vector<16xf32>
        %parallel_loop3A_636 = arith.constant 64 : i32
        %parallel_loop3A_637 = arith.subi %parallel_loop3A_435, %parallel_loop3A_636 : i32
        %parallel_loop3A_638 = arith.constant 4 : i32
        %parallel_loop3A_639 = arith.index_cast %parallel_loop3A_638 : i32 to index
        %parallel_loop3A_640 = arith.index_cast %parallel_loop3A_637 : i32 to index
        %parallel_loop3A_641 = arith.constant 16 : index
        %parallel_loop3A_642 = tpu.vector_load %arg13[%parallel_loop3A_639, %parallel_loop3A_640, %parallel_loop3A_641] {strides = array<i32>} : memref<5x64x64xf32, #tpu.memory_space<vmem>>, vector<16xf32>,
        tpu.vector_store %arg13[%parallel_loop3A_639, %parallel_loop3A_640, %parallel_loop3A_641], %parallel_loop3A_635 {strides = array<i32>} : memref<5x64x64xf32, #tpu.memory_space<vmem>>, vector<16xf32>,
        %parallel_loop3A_643 = arith.constant 32 : i32
        %parallel_loop3A_644 = arith.addi %mul3A_141, %parallel_loop3A_643 : i32
        %parallel_loop3A_645 = arith.index_cast %parallel_loop3A_644 : i32 to index
        %parallel_loop3A_646 = tpu.vector_load %arg14[%parallel_loop3A_645] {strides = array<i32>} : memref<512xf32, #tpu.memory_space<vmem>>, vector<16xf32>,
        %parallel_loop3A_647 = arith.constant 1.100000e+01 : f32
        %parallel_loop3A_648 = vector.broadcast %parallel_loop3A_647 : f32 to vector<16xf32>
        %parallel_loop3A_649 = arith.addf %parallel_loop3A_646, %parallel_loop3A_648 : vector<16xf32>
        %parallel_loop3A_650 = tpu.vector_load_idx %arg8[%add3A_50, %parallel_loop3A_442] : memref<64x132xf32, #tpu.memory_space<vmem>>[vector<16xi32>, vector<16xi32>], vector<16xf32>,
        %parallel_loop3A_651 = tpu.vector_load_idx %arg10[%add3A_50, %parallel_loop3A_442] : memref<64x516xf32, #tpu.memory_space<vmem>>[vector<16xi32>, vector<16xi32>], vector<16xf32>,
        %parallel_loop3A_652 = arith.constant 128 : i32
        %parallel_loop3A_653 = vector.broadcast %parallel_loop3A_652 : i32 to vector<16xi32>
        %parallel_loop3A_654 = arith.addi %parallel_loop3A_442, %parallel_loop3A_653 : vector<16xi32>
        %parallel_loop3A_655 = tpu.vector_load_idx %arg10[%add3A_50, %parallel_loop3A_654] : memref<64x516xf32, #tpu.memory_space<vmem>>[vector<16xi32>, vector<16xi32>], vector<16xf32>,
        %parallel_loop3A_656 = arith.constant 256 : i32
        %parallel_loop3A_657 = vector.broadcast %parallel_loop3A_656 : i32 to vector<16xi32>
        %parallel_loop3A_658 = arith.addi %parallel_loop3A_442, %parallel_loop3A_657 : vector<16xi32>
        %parallel_loop3A_659 = tpu.vector_load_idx %arg10[%add3A_50, %parallel_loop3A_658] : memref<64x516xf32, #tpu.memory_space<vmem>>[vector<16xi32>, vector<16xi32>], vector<16xf32>,
        %parallel_loop3A_660 = arith.constant 384 : i32
        %parallel_loop3A_661 = vector.broadcast %parallel_loop3A_660 : i32 to vector<16xi32>
        %parallel_loop3A_662 = arith.addi %parallel_loop3A_442, %parallel_loop3A_661 : vector<16xi32>
        %parallel_loop3A_663 = tpu.vector_load_idx %arg10[%add3A_50, %parallel_loop3A_662] : memref<64x516xf32, #tpu.memory_space<vmem>>[vector<16xi32>, vector<16xi32>], vector<16xf32>,
        %parallel_loop3A_664 = arith.constant 1.200000e+01 : f32
        %parallel_loop3A_665 = vector.broadcast %parallel_loop3A_664 : f32 to vector<16xf32>
        %parallel_loop3A_666 = arith.mulf %parallel_loop3A_665, %parallel_loop3A_651 : vector<16xf32>
        %parallel_loop3A_667 = arith.addf %parallel_loop3A_438, %parallel_loop3A_666 : vector<16xf32>
        %parallel_loop3A_668 = arith.constant 1.200000e+01 : f32
        %parallel_loop3A_669 = vector.broadcast %parallel_loop3A_668 : f32 to vector<16xf32>
        %parallel_loop3A_670 = arith.mulf %parallel_loop3A_669, %parallel_loop3A_655 : vector<16xf32>
        %parallel_loop3A_671 = arith.addf %parallel_loop3A_646, %parallel_loop3A_670 : vector<16xf32>
        %parallel_loop3A_672 = arith.constant 1.200000e+01 : f32
        %parallel_loop3A_673 = vector.broadcast %parallel_loop3A_672 : f32 to vector<16xf32>
        %parallel_loop3A_674 = arith.mulf %parallel_loop3A_673, %parallel_loop3A_659 : vector<16xf32>
        %parallel_loop3A_675 = arith.addf %parallel_loop3A_441, %parallel_loop3A_674 : vector<16xf32>
        %parallel_loop3A_676 = arith.constant 1.200000e+01 : f32
        %parallel_loop3A_677 = vector.broadcast %parallel_loop3A_676 : f32 to vector<16xf32>
        %parallel_loop3A_678 = arith.mulf %parallel_loop3A_677, %parallel_loop3A_663 : vector<16xf32>
        %parallel_loop3A_679 = arith.addf %parallel_loop3A_649, %parallel_loop3A_678 : vector<16xf32>
        %parallel_loop3A_680 = arith.subf %parallel_loop3A_675, %parallel_loop3A_667 : vector<16xf32>
        %parallel_loop3A_681 = arith.subf %parallel_loop3A_679, %parallel_loop3A_671 : vector<16xf32>
        %parallel_loop3A_682 = arith.maximumf %parallel_loop3A_680, %parallel_loop3A_681 : vector<16xf32>
        %parallel_loop3A_683 = arith.constant 5.000000e-01 : f32
        %parallel_loop3A_684 = vector.broadcast %parallel_loop3A_683 : f32 to vector<16xf32>
        %parallel_loop3A_685 = arith.mulf %parallel_loop3A_682, %parallel_loop3A_684 : vector<16xf32>
        %parallel_loop3A_686 = arith.constant 5.000000e-01 : f32
        %parallel_loop3A_687 = vector.broadcast %parallel_loop3A_686 : f32 to vector<16xf32>
        %parallel_loop3A_688 = arith.mulf %parallel_loop3A_680, %parallel_loop3A_687 : vector<16xf32>
        %parallel_loop3A_689 = arith.addf %parallel_loop3A_667, %parallel_loop3A_688 : vector<16xf32>
        %parallel_loop3A_690 = arith.subf %parallel_loop3A_689, %parallel_loop3A_685 : vector<16xf32>
        %parallel_loop3A_691 = arith.constant 5.000000e-01 : f32
        %parallel_loop3A_692 = vector.broadcast %parallel_loop3A_691 : f32 to vector<16xf32>
        %parallel_loop3A_693 = arith.mulf %parallel_loop3A_681, %parallel_loop3A_692 : vector<16xf32>
        %parallel_loop3A_694 = arith.addf %parallel_loop3A_671, %parallel_loop3A_693 : vector<16xf32>
        %parallel_loop3A_695 = arith.subf %parallel_loop3A_694, %parallel_loop3A_685 : vector<16xf32>
        %parallel_loop3A_696 = arith.constant 6.000000e-01 : f32
        %parallel_loop3A_697 = vector.broadcast %parallel_loop3A_696 : f32 to vector<16xf32>
        %parallel_loop3A_698 = arith.cmpf oge, %parallel_loop3A_650, %parallel_loop3A_697 : vector<16xf32>
        %parallel_loop3A_699 = arith.constant 0.000000e+00 : f32
        %parallel_loop3A_700 = vector.broadcast %parallel_loop3A_699 : f32 to vector<16xf32>
        %parallel_loop3A_701 = arith.select %parallel_loop3A_698, %parallel_loop3A_690, %parallel_loop3A_700 : vector<16xi1>, vector<16xf32>
        %parallel_loop3A_702 = arith.constant 64 : i32
        %parallel_loop3A_703 = arith.subi %parallel_loop3A_435, %parallel_loop3A_702 : i32
        %parallel_loop3A_704 = arith.constant 0 : i32
        %parallel_loop3A_705 = arith.index_cast %parallel_loop3A_704 : i32 to index
        %parallel_loop3A_706 = arith.index_cast %parallel_loop3A_703 : i32 to index
        %parallel_loop3A_707 = arith.constant 32 : index
        %parallel_loop3A_708 = tpu.vector_load %arg13[%parallel_loop3A_705, %parallel_loop3A_706, %parallel_loop3A_707] {strides = array<i32>} : memref<5x64x64xf32, #tpu.memory_space<vmem>>, vector<16xf32>,
        tpu.vector_store %arg13[%parallel_loop3A_705, %parallel_loop3A_706, %parallel_loop3A_707], %parallel_loop3A_701 {strides = array<i32>} : memref<5x64x64xf32, #tpu.memory_space<vmem>>, vector<16xf32>,
        %parallel_loop3A_709 = arith.select %parallel_loop3A_698, %parallel_loop3A_695, %parallel_loop3A_700 : vector<16xi1>, vector<16xf32>
        %parallel_loop3A_710 = arith.constant 64 : i32
        %parallel_loop3A_711 = arith.subi %parallel_loop3A_435, %parallel_loop3A_710 : i32
        %parallel_loop3A_712 = arith.constant 1 : i32
        %parallel_loop3A_713 = arith.index_cast %parallel_loop3A_712 : i32 to index
        %parallel_loop3A_714 = arith.index_cast %parallel_loop3A_711 : i32 to index
        %parallel_loop3A_715 = arith.constant 32 : index
        %parallel_loop3A_716 = tpu.vector_load %arg13[%parallel_loop3A_713, %parallel_loop3A_714, %parallel_loop3A_715] {strides = array<i32>} : memref<5x64x64xf32, #tpu.memory_space<vmem>>, vector<16xf32>,
        tpu.vector_store %arg13[%parallel_loop3A_713, %parallel_loop3A_714, %parallel_loop3A_715], %parallel_loop3A_709 {strides = array<i32>} : memref<5x64x64xf32, #tpu.memory_space<vmem>>, vector<16xf32>,
        %parallel_loop3A_717 = arith.addf %parallel_loop3A_690, %parallel_loop3A_682 : vector<16xf32>
        %parallel_loop3A_718 = arith.select %parallel_loop3A_698, %parallel_loop3A_717, %parallel_loop3A_700 : vector<16xi1>, vector<16xf32>
        %parallel_loop3A_719 = arith.constant 64 : i32
        %parallel_loop3A_720 = arith.subi %parallel_loop3A_435, %parallel_loop3A_719 : i32
        %parallel_loop3A_721 = arith.constant 2 : i32
        %parallel_loop3A_722 = arith.index_cast %parallel_loop3A_721 : i32 to index
        %parallel_loop3A_723 = arith.index_cast %parallel_loop3A_720 : i32 to index
        %parallel_loop3A_724 = arith.constant 32 : index
        %parallel_loop3A_725 = tpu.vector_load %arg13[%parallel_loop3A_722, %parallel_loop3A_723, %parallel_loop3A_724] {strides = array<i32>} : memref<5x64x64xf32, #tpu.memory_space<vmem>>, vector<16xf32>,
        tpu.vector_store %arg13[%parallel_loop3A_722, %parallel_loop3A_723, %parallel_loop3A_724], %parallel_loop3A_718 {strides = array<i32>} : memref<5x64x64xf32, #tpu.memory_space<vmem>>, vector<16xf32>,
        %parallel_loop3A_726 = arith.addf %parallel_loop3A_695, %parallel_loop3A_682 : vector<16xf32>
        %parallel_loop3A_727 = arith.select %parallel_loop3A_698, %parallel_loop3A_726, %parallel_loop3A_700 : vector<16xi1>, vector<16xf32>
        %parallel_loop3A_728 = arith.constant 64 : i32
        %parallel_loop3A_729 = arith.subi %parallel_loop3A_435, %parallel_loop3A_728 : i32
        %parallel_loop3A_730 = arith.constant 3 : i32
        %parallel_loop3A_731 = arith.index_cast %parallel_loop3A_730 : i32 to index
        %parallel_loop3A_732 = arith.index_cast %parallel_loop3A_729 : i32 to index
        %parallel_loop3A_733 = arith.constant 32 : index
        %parallel_loop3A_734 = tpu.vector_load %arg13[%parallel_loop3A_731, %parallel_loop3A_732, %parallel_loop3A_733] {strides = array<i32>} : memref<5x64x64xf32, #tpu.memory_space<vmem>>, vector<16xf32>,
        tpu.vector_store %arg13[%parallel_loop3A_731, %parallel_loop3A_732, %parallel_loop3A_733], %parallel_loop3A_727 {strides = array<i32>} : memref<5x64x64xf32, #tpu.memory_space<vmem>>, vector<16xf32>,
        %parallel_loop3A_735 = arith.select %parallel_loop3A_698, %parallel_loop3A_650, %parallel_loop3A_700 : vector<16xi1>, vector<16xf32>
        %parallel_loop3A_736 = arith.constant 64 : i32
        %parallel_loop3A_737 = arith.subi %parallel_loop3A_435, %parallel_loop3A_736 : i32
        %parallel_loop3A_738 = arith.constant 4 : i32
        %parallel_loop3A_739 = arith.index_cast %parallel_loop3A_738 : i32 to index
        %parallel_loop3A_740 = arith.index_cast %parallel_loop3A_737 : i32 to index
        %parallel_loop3A_741 = arith.constant 32 : index
        %parallel_loop3A_742 = tpu.vector_load %arg13[%parallel_loop3A_739, %parallel_loop3A_740, %parallel_loop3A_741] {strides = array<i32>} : memref<5x64x64xf32, #tpu.memory_space<vmem>>, vector<16xf32>,
        tpu.vector_store %arg13[%parallel_loop3A_739, %parallel_loop3A_740, %parallel_loop3A_741], %parallel_loop3A_735 {strides = array<i32>} : memref<5x64x64xf32, #tpu.memory_space<vmem>>, vector<16xf32>,
        %parallel_loop3A_743 = arith.constant 48 : i32
        %parallel_loop3A_744 = arith.addi %mul3A_141, %parallel_loop3A_743 : i32
        %parallel_loop3A_745 = arith.index_cast %parallel_loop3A_744 : i32 to index
        %parallel_loop3A_746 = tpu.vector_load %arg14[%parallel_loop3A_745] {strides = array<i32>} : memref<512xf32, #tpu.memory_space<vmem>>, vector<16xf32>,
        %parallel_loop3A_747 = arith.constant 1.100000e+01 : f32
        %parallel_loop3A_748 = vector.broadcast %parallel_loop3A_747 : f32 to vector<16xf32>
        %parallel_loop3A_749 = arith.addf %parallel_loop3A_746, %parallel_loop3A_748 : vector<16xf32>
        %parallel_loop3A_750 = tpu.vector_load_idx %arg8[%add3A_53, %parallel_loop3A_442] : memref<64x132xf32, #tpu.memory_space<vmem>>[vector<16xi32>, vector<16xi32>], vector<16xf32>,
        %parallel_loop3A_751 = tpu.vector_load_idx %arg10[%add3A_53, %parallel_loop3A_442] : memref<64x516xf32, #tpu.memory_space<vmem>>[vector<16xi32>, vector<16xi32>], vector<16xf32>,
        %parallel_loop3A_752 = arith.constant 128 : i32
        %parallel_loop3A_753 = vector.broadcast %parallel_loop3A_752 : i32 to vector<16xi32>
        %parallel_loop3A_754 = arith.addi %parallel_loop3A_442, %parallel_loop3A_753 : vector<16xi32>
        %parallel_loop3A_755 = tpu.vector_load_idx %arg10[%add3A_53, %parallel_loop3A_754] : memref<64x516xf32, #tpu.memory_space<vmem>>[vector<16xi32>, vector<16xi32>], vector<16xf32>,
        %parallel_loop3A_756 = arith.constant 256 : i32
        %parallel_loop3A_757 = vector.broadcast %parallel_loop3A_756 : i32 to vector<16xi32>
        %parallel_loop3A_758 = arith.addi %parallel_loop3A_442, %parallel_loop3A_757 : vector<16xi32>
        %parallel_loop3A_759 = tpu.vector_load_idx %arg10[%add3A_53, %parallel_loop3A_758] : memref<64x516xf32, #tpu.memory_space<vmem>>[vector<16xi32>, vector<16xi32>], vector<16xf32>,
        %parallel_loop3A_760 = arith.constant 384 : i32
        %parallel_loop3A_761 = vector.broadcast %parallel_loop3A_760 : i32 to vector<16xi32>
        %parallel_loop3A_762 = arith.addi %parallel_loop3A_442, %parallel_loop3A_761 : vector<16xi32>
        %parallel_loop3A_763 = tpu.vector_load_idx %arg10[%add3A_53, %parallel_loop3A_762] : memref<64x516xf32, #tpu.memory_space<vmem>>[vector<16xi32>, vector<16xi32>], vector<16xf32>,
        %parallel_loop3A_764 = arith.constant 1.200000e+01 : f32
        %parallel_loop3A_765 = vector.broadcast %parallel_loop3A_764 : f32 to vector<16xf32>
        %parallel_loop3A_766 = arith.mulf %parallel_loop3A_765, %parallel_loop3A_751 : vector<16xf32>
        %parallel_loop3A_767 = arith.addf %parallel_loop3A_438, %parallel_loop3A_766 : vector<16xf32>
        %parallel_loop3A_768 = arith.constant 1.200000e+01 : f32
        %parallel_loop3A_769 = vector.broadcast %parallel_loop3A_768 : f32 to vector<16xf32>
        %parallel_loop3A_770 = arith.mulf %parallel_loop3A_769, %parallel_loop3A_755 : vector<16xf32>
        %parallel_loop3A_771 = arith.addf %parallel_loop3A_746, %parallel_loop3A_770 : vector<16xf32>
        %parallel_loop3A_772 = arith.constant 1.200000e+01 : f32
        %parallel_loop3A_773 = vector.broadcast %parallel_loop3A_772 : f32 to vector<16xf32>
        %parallel_loop3A_774 = arith.mulf %parallel_loop3A_773, %parallel_loop3A_759 : vector<16xf32>
        %parallel_loop3A_775 = arith.addf %parallel_loop3A_441, %parallel_loop3A_774 : vector<16xf32>
        %parallel_loop3A_776 = arith.constant 1.200000e+01 : f32
        %parallel_loop3A_777 = vector.broadcast %parallel_loop3A_776 : f32 to vector<16xf32>
        %parallel_loop3A_778 = arith.mulf %parallel_loop3A_777, %parallel_loop3A_763 : vector<16xf32>
        %parallel_loop3A_779 = arith.addf %parallel_loop3A_749, %parallel_loop3A_778 : vector<16xf32>
        %parallel_loop3A_780 = arith.subf %parallel_loop3A_775, %parallel_loop3A_767 : vector<16xf32>
        %parallel_loop3A_781 = arith.subf %parallel_loop3A_779, %parallel_loop3A_771 : vector<16xf32>
        %parallel_loop3A_782 = arith.maximumf %parallel_loop3A_780, %parallel_loop3A_781 : vector<16xf32>
        %parallel_loop3A_783 = arith.constant 5.000000e-01 : f32
        %parallel_loop3A_784 = vector.broadcast %parallel_loop3A_783 : f32 to vector<16xf32>
        %parallel_loop3A_785 = arith.mulf %parallel_loop3A_782, %parallel_loop3A_784 : vector<16xf32>
        %parallel_loop3A_786 = arith.constant 5.000000e-01 : f32
        %parallel_loop3A_787 = vector.broadcast %parallel_loop3A_786 : f32 to vector<16xf32>
        %parallel_loop3A_788 = arith.mulf %parallel_loop3A_780, %parallel_loop3A_787 : vector<16xf32>
        %parallel_loop3A_789 = arith.addf %parallel_loop3A_767, %parallel_loop3A_788 : vector<16xf32>
        %parallel_loop3A_790 = arith.subf %parallel_loop3A_789, %parallel_loop3A_785 : vector<16xf32>
        %parallel_loop3A_791 = arith.constant 5.000000e-01 : f32
        %parallel_loop3A_792 = vector.broadcast %parallel_loop3A_791 : f32 to vector<16xf32>
        %parallel_loop3A_793 = arith.mulf %parallel_loop3A_781, %parallel_loop3A_792 : vector<16xf32>
        %parallel_loop3A_794 = arith.addf %parallel_loop3A_771, %parallel_loop3A_793 : vector<16xf32>
        %parallel_loop3A_795 = arith.subf %parallel_loop3A_794, %parallel_loop3A_785 : vector<16xf32>
        %parallel_loop3A_796 = arith.constant 6.000000e-01 : f32
        %parallel_loop3A_797 = vector.broadcast %parallel_loop3A_796 : f32 to vector<16xf32>
        %parallel_loop3A_798 = arith.cmpf oge, %parallel_loop3A_750, %parallel_loop3A_797 : vector<16xf32>
        %parallel_loop3A_799 = arith.constant 0.000000e+00 : f32
        %parallel_loop3A_800 = vector.broadcast %parallel_loop3A_799 : f32 to vector<16xf32>
        %parallel_loop3A_801 = arith.select %parallel_loop3A_798, %parallel_loop3A_790, %parallel_loop3A_800 : vector<16xi1>, vector<16xf32>
        %parallel_loop3A_802 = arith.constant 64 : i32
        %parallel_loop3A_803 = arith.subi %parallel_loop3A_435, %parallel_loop3A_802 : i32
        %parallel_loop3A_804 = arith.constant 0 : i32
        %parallel_loop3A_805 = arith.index_cast %parallel_loop3A_804 : i32 to index
        %parallel_loop3A_806 = arith.index_cast %parallel_loop3A_803 : i32 to index
        %parallel_loop3A_807 = arith.constant 48 : index
        %parallel_loop3A_808 = tpu.vector_load %arg13[%parallel_loop3A_805, %parallel_loop3A_806, %parallel_loop3A_807] {strides = array<i32>} : memref<5x64x64xf32, #tpu.memory_space<vmem>>, vector<16xf32>,
        tpu.vector_store %arg13[%parallel_loop3A_805, %parallel_loop3A_806, %parallel_loop3A_807], %parallel_loop3A_801 {strides = array<i32>} : memref<5x64x64xf32, #tpu.memory_space<vmem>>, vector<16xf32>,
        %parallel_loop3A_809 = arith.select %parallel_loop3A_798, %parallel_loop3A_795, %parallel_loop3A_800 : vector<16xi1>, vector<16xf32>
        %parallel_loop3A_810 = arith.constant 64 : i32
        %parallel_loop3A_811 = arith.subi %parallel_loop3A_435, %parallel_loop3A_810 : i32
        %parallel_loop3A_812 = arith.constant 1 : i32
        %parallel_loop3A_813 = arith.index_cast %parallel_loop3A_812 : i32 to index
        %parallel_loop3A_814 = arith.index_cast %parallel_loop3A_811 : i32 to index
        %parallel_loop3A_815 = arith.constant 48 : index
        %parallel_loop3A_816 = tpu.vector_load %arg13[%parallel_loop3A_813, %parallel_loop3A_814, %parallel_loop3A_815] {strides = array<i32>} : memref<5x64x64xf32, #tpu.memory_space<vmem>>, vector<16xf32>,
        tpu.vector_store %arg13[%parallel_loop3A_813, %parallel_loop3A_814, %parallel_loop3A_815], %parallel_loop3A_809 {strides = array<i32>} : memref<5x64x64xf32, #tpu.memory_space<vmem>>, vector<16xf32>,
        %parallel_loop3A_817 = arith.addf %parallel_loop3A_790, %parallel_loop3A_782 : vector<16xf32>
        %parallel_loop3A_818 = arith.select %parallel_loop3A_798, %parallel_loop3A_817, %parallel_loop3A_800 : vector<16xi1>, vector<16xf32>
        %parallel_loop3A_819 = arith.constant 64 : i32
        %parallel_loop3A_820 = arith.subi %parallel_loop3A_435, %parallel_loop3A_819 : i32
        %parallel_loop3A_821 = arith.constant 2 : i32
        %parallel_loop3A_822 = arith.index_cast %parallel_loop3A_821 : i32 to index
        %parallel_loop3A_823 = arith.index_cast %parallel_loop3A_820 : i32 to index
        %parallel_loop3A_824 = arith.constant 48 : index
        %parallel_loop3A_825 = tpu.vector_load %arg13[%parallel_loop3A_822, %parallel_loop3A_823, %parallel_loop3A_824] {strides = array<i32>} : memref<5x64x64xf32, #tpu.memory_space<vmem>>, vector<16xf32>,
        tpu.vector_store %arg13[%parallel_loop3A_822, %parallel_loop3A_823, %parallel_loop3A_824], %parallel_loop3A_818 {strides = array<i32>} : memref<5x64x64xf32, #tpu.memory_space<vmem>>, vector<16xf32>,
        %parallel_loop3A_826 = arith.addf %parallel_loop3A_795, %parallel_loop3A_782 : vector<16xf32>
        %parallel_loop3A_827 = arith.select %parallel_loop3A_798, %parallel_loop3A_826, %parallel_loop3A_800 : vector<16xi1>, vector<16xf32>
        %parallel_loop3A_828 = arith.constant 64 : i32
        %parallel_loop3A_829 = arith.subi %parallel_loop3A_435, %parallel_loop3A_828 : i32
        %parallel_loop3A_830 = arith.constant 3 : i32
        %parallel_loop3A_831 = arith.index_cast %parallel_loop3A_830 : i32 to index
        %parallel_loop3A_832 = arith.index_cast %parallel_loop3A_829 : i32 to index
        %parallel_loop3A_833 = arith.constant 48 : index
        %parallel_loop3A_834 = tpu.vector_load %arg13[%parallel_loop3A_831, %parallel_loop3A_832, %parallel_loop3A_833] {strides = array<i32>} : memref<5x64x64xf32, #tpu.memory_space<vmem>>, vector<16xf32>,
        tpu.vector_store %arg13[%parallel_loop3A_831, %parallel_loop3A_832, %parallel_loop3A_833], %parallel_loop3A_827 {strides = array<i32>} : memref<5x64x64xf32, #tpu.memory_space<vmem>>, vector<16xf32>,
        %parallel_loop3A_835 = arith.select %parallel_loop3A_798, %parallel_loop3A_750, %parallel_loop3A_800 : vector<16xi1>, vector<16xf32>
        %parallel_loop3A_836 = arith.constant 64 : i32
        %parallel_loop3A_837 = arith.subi %parallel_loop3A_435, %parallel_loop3A_836 : i32
        %parallel_loop3A_838 = arith.constant 4 : i32
        %parallel_loop3A_839 = arith.index_cast %parallel_loop3A_838 : i32 to index
        %parallel_loop3A_840 = arith.index_cast %parallel_loop3A_837 : i32 to index
        %parallel_loop3A_841 = arith.constant 48 : index
        %parallel_loop3A_842 = tpu.vector_load %arg13[%parallel_loop3A_839, %parallel_loop3A_840, %parallel_loop3A_841] {strides = array<i32>} : memref<5x64x64xf32, #tpu.memory_space<vmem>>, vector<16xf32>,
        tpu.vector_store %arg13[%parallel_loop3A_839, %parallel_loop3A_840, %parallel_loop3A_841], %parallel_loop3A_835 {strides = array<i32>} : memref<5x64x64xf32, #tpu.memory_space<vmem>>, vector<16xf32>,
      } {sc.loop_unroll_factor = 2 : i64, sc.parallel_access}
      %mul3A_256 = arith.constant 128 : i32
      %mul3A_257 = arith.muli %select_n3A_30, %mul3A_256 : i32
      %add3A_258 = arith.constant 64 : i32
      %add3A_259 = arith.addi %mul3A_257, %add3A_258 : i32
      %dma_start3A_260 = arith.constant 0 : i32
      %dma_start3A_261 = tpu.memref_slice %arg5[%dma_start3A_260, %add3A_259, %select_n3A_165, %select_n3A, %sub3A_168] : memref<5x512x4x8x128xf32, #tpu.memory_space<hbm>> -> memref<5x64x1x1x64xf32, #tpu.memory_space<hbm>>
      %dma_start3A_262 = tpu.memref_squeeze %dma_start3A_261 : memref<5x64x1x1x64xf32, #tpu.memory_space<hbm>> -> memref<5x64x64xf32, #tpu.memory_space<hbm>>
      %dma_start3A_263 = arith.constant 0 : i32
      %dma_start3A_264 = tpu.memref_slice %arg5[%dma_start3A_263, %add3A_259, %select_n3A_165, %select_n3A, %sub3A_168] : memref<5x512x4x8x128xf32, #tpu.memory_space<hbm>> -> memref<5x64x1x1x64xf32, #tpu.memory_space<hbm>>
      %dma_start3A_265 = tpu.memref_squeeze %dma_start3A_264 : memref<5x64x1x1x64xf32, #tpu.memory_space<hbm>> -> memref<5x64x64xf32, #tpu.memory_space<hbm>>
      tpu.enqueue_dma source(%arg13 : memref<5x64x64xf32, #tpu.memory_space<vmem>>) target(%dma_start3A_265 : memref<5x64x64xf32, #tpu.memory_space<hbm>>) target_semaphore(%arg20 : memref<!tpu.dma_semaphore, #tpu.memory_space<semaphore_mem>>)
      %mul3A_266 = arith.constant 128 : i32
      %mul3A_267 = arith.muli %select_n3A_30, %mul3A_266 : i32
      %add3A_268 = arith.constant 64 : i32
      %add3A_269 = arith.addi %mul3A_267, %add3A_268 : i32
      %dma_start3A_270 = arith.constant 0 : i32
      %dma_start3A_271 = tpu.memref_slice %arg6[%dma_start3A_270, %add3A_269, %select_n3A_165, %select_n3A, %sub3A_168] : memref<5x512x4x8x128xf32, #tpu.memory_space<hbm>> -> memref<5x64x1x1x64xf32, #tpu.memory_space<hbm>>
      %dma_start3A_272 = tpu.memref_squeeze %dma_start3A_271 : memref<5x64x1x1x64xf32, #tpu.memory_space<hbm>> -> memref<5x64x64xf32, #tpu.memory_space<hbm>>
      %dma_start3A_273 = arith.constant 0 : i32
      %dma_start3A_274 = tpu.memref_slice %arg6[%dma_start3A_273, %add3A_269, %select_n3A_165, %select_n3A, %sub3A_168] : memref<5x512x4x8x128xf32, #tpu.memory_space<hbm>> -> memref<5x64x1x1x64xf32, #tpu.memory_space<hbm>>
      %dma_start3A_275 = tpu.memref_squeeze %dma_start3A_274 : memref<5x64x1x1x64xf32, #tpu.memory_space<hbm>> -> memref<5x64x64xf32, #tpu.memory_space<hbm>>
      tpu.enqueue_dma source(%arg13 : memref<5x64x64xf32, #tpu.memory_space<vmem>>) target(%dma_start3A_275 : memref<5x64x64xf32, #tpu.memory_space<hbm>>) target_semaphore(%arg20 : memref<!tpu.dma_semaphore, #tpu.memory_space<semaphore_mem>>)
      %add3A_276 = arith.constant 1 : i32
      %add3A_277 = arith.addi %mul3A_136, %add3A_276 : i32
      %add3A_278 = arith.constant 2 : i32
      %add3A_279 = arith.addi %mul3A_136, %add3A_278 : i32
      %lt3A_280 = arith.constant 8 : i32
      %lt3A_281 = arith.cmpi slt, %add3A_279, %lt3A_280 : i32
      %add3A_282 = arith.constant 2 : i32
      %add3A_283 = arith.addi %mul3A_136, %add3A_282 : i32
      %mul3A_284 = arith.constant 64 : i32
      %mul3A_285 = arith.muli %add3A_277, %mul3A_284 : i32
      %jit3A_286 = arith.constant 128 : i32
      %div3A_287 = arith.divsi %mul3A_285, %jit3A_286 : i32
      %sign3A_288 = arith.constant 0 : i32
      %sign3A_289 = arith.cmpi sgt, %mul3A_285, %sign3A_288 : i32
      %sign3A_290 = arith.extui %sign3A_289 : i1 to i32
      %sign3A_291 = arith.constant 0 : i32
      %sign3A_292 = arith.cmpi slt, %mul3A_285, %sign3A_291 : i32
      %sign3A_293 = arith.extui %sign3A_292 : i1 to i32
      %sign3A_294 = arith.subi %sign3A_290, %sign3A_293 : i32
      %sign3A_295 = arith.constant 0 : i32
      %sign3A_296 = arith.cmpi sgt, %jit3A_286, %sign3A_295 : i32
      %sign3A_297 = arith.extui %sign3A_296 : i1 to i32
      %sign3A_298 = arith.constant 0 : i32
      %sign3A_299 = arith.cmpi slt, %jit3A_286, %sign3A_298 : i32
      %sign3A_300 = arith.extui %sign3A_299 : i1 to i32
      %sign3A_301 = arith.subi %sign3A_297, %sign3A_300 : i32
      %ne3A_302 = arith.cmpi ne, %sign3A_294, %sign3A_301 : i32
      %rem3A_303 = arith.remsi %mul3A_285, %jit3A_286 : i32
      %ne3A_304 = arith.constant 0 : i32
      %ne3A_305 = arith.cmpi ne, %rem3A_303, %ne3A_304 : i32
      %and3A_306 = arith.andi %ne3A_302, %ne3A_305 : i1
      %sub3A_307 = arith.constant 1 : i32
      %sub3A_308 = arith.subi %div3A_287, %sub3A_307 : i32
      %select_n3A_309 = arith.select %and3A_306, %sub3A_308, %div3A_287 : i32
      %mul3A_310 = arith.constant 128 : i32
      %mul3A_311 = arith.muli %select_n3A_309, %mul3A_310 : i32
      %sub3A_312 = arith.subi %mul3A_285, %mul3A_311 : i32
      %dma_wait3A_313 = arith.constant 1 : i32
      %dma_wait3A_314 = arith.constant 0 : i32
      %dma_wait3A_315 = arith.constant 0 : i32
      %dma_wait3A_316 = tpu.memref_slice %arg9[%dma_wait3A_314, %dma_wait3A_315] : memref<64x132xf32, #tpu.memory_space<vmem>> -> memref<64x128xf32, #tpu.memory_space<vmem>>
      %dma_wait3A_317 = arith.constant 0 : i32
      %dma_wait3A_318 = arith.constant 0 : i32
      %dma_wait3A_319 = tpu.memref_slice %arg2[%select_n3A, %dma_wait3A_317, %select_n3A_30, %dma_wait3A_313, %dma_wait3A_318] : memref<8x512x4x2x128xf32, #tpu.memory_space<hbm>> -> memref<1x64x1x1x128xf32, #tpu.memory_space<hbm>>
      %dma_wait3A_320 = tpu.memref_squeeze %dma_wait3A_319 : memref<1x64x1x1x128xf32, #tpu.memory_space<hbm>> -> memref<64x128xf32, #tpu.memory_space<hbm>>
      %dma_wait3A_321 = arith.constant 0 : i32
      %dma_wait3A_322 = arith.constant 0 : i32
      %dma_wait3A_323 = tpu.memref_slice %arg9[%dma_wait3A_321, %dma_wait3A_322] : memref<64x132xf32, #tpu.memory_space<vmem>> -> memref<64x128xf32, #tpu.memory_space<vmem>>
      %dma_wait3A_324 = arith.constant 0 : i32
      %dma_wait3A_325 = arith.constant 0 : i32
      %dma_wait3A_326 = tpu.memref_slice %arg2[%select_n3A, %dma_wait3A_324, %select_n3A_30, %dma_wait3A_313, %dma_wait3A_325] : memref<8x512x4x2x128xf32, #tpu.memory_space<hbm>> -> memref<1x64x1x1x128xf32, #tpu.memory_space<hbm>>
      %dma_wait3A_327 = tpu.memref_squeeze %dma_wait3A_326 : memref<1x64x1x1x128xf32, #tpu.memory_space<hbm>> -> memref<64x128xf32, #tpu.memory_space<hbm>>
      tpu.wait_dma2 semaphore(%arg18 : memref<!tpu.dma_semaphore, #tpu.memory_space<semaphore_mem>>) src(%dma_wait3A_327 : memref<64x128xf32, #tpu.memory_space<hbm>>) dst(%dma_wait3A_323 : memref<64x128xf32, #tpu.memory_space<vmem>>)
      %dma_wait3A_328 = arith.constant 0 : i32
      %dma_wait3A_329 = arith.constant 0 : i32
      %dma_wait3A_330 = tpu.memref_slice %arg11[%dma_wait3A_328, %dma_wait3A_329] : memref<64x516xf32, #tpu.memory_space<vmem>> -> memref<64x512xf32, #tpu.memory_space<vmem>>
      %dma_wait3A_331 = arith.constant 0 : i32
      %dma_wait3A_332 = arith.constant 0 : i32
      %dma_wait3A_333 = tpu.memref_slice %arg3[%select_n3A, %dma_wait3A_331, %select_n3A_30, %dma_wait3A_332] : memref<8x512x4x512xf32, #tpu.memory_space<hbm>> -> memref<1x64x1x512xf32, #tpu.memory_space<hbm>>
      %dma_wait3A_334 = tpu.memref_squeeze %dma_wait3A_333 : memref<1x64x1x512xf32, #tpu.memory_space<hbm>> -> memref<64x512xf32, #tpu.memory_space<hbm>>
      %dma_wait3A_335 = arith.constant 0 : i32
      %dma_wait3A_336 = arith.constant 0 : i32
      %dma_wait3A_337 = tpu.memref_slice %arg11[%dma_wait3A_335, %dma_wait3A_336] : memref<64x516xf32, #tpu.memory_space<vmem>> -> memref<64x512xf32, #tpu.memory_space<vmem>>
      %dma_wait3A_338 = arith.constant 0 : i32
      %dma_wait3A_339 = arith.constant 0 : i32
      %dma_wait3A_340 = tpu.memref_slice %arg3[%select_n3A, %dma_wait3A_338, %select_n3A_30, %dma_wait3A_339] : memref<8x512x4x512xf32, #tpu.memory_space<hbm>> -> memref<1x64x1x512xf32, #tpu.memory_space<hbm>>
      %dma_wait3A_341 = tpu.memref_squeeze %dma_wait3A_340 : memref<1x64x1x512xf32, #tpu.memory_space<hbm>> -> memref<64x512xf32, #tpu.memory_space<hbm>>
      tpu.wait_dma2 semaphore(%arg18 : memref<!tpu.dma_semaphore, #tpu.memory_space<semaphore_mem>>) src(%dma_wait3A_341 : memref<64x512xf32, #tpu.memory_space<hbm>>) dst(%dma_wait3A_337 : memref<64x512xf32, #tpu.memory_space<vmem>>)
      %convert_element_type3A_342 = arith.extui %lt3A_281 : i1 to i32
      %cond3A_343 = arith.constant 0 : i32
      %cond3A_344 = arith.cmpi ne, %convert_element_type3A_342, %cond3A_343 : i32
      scf.if %cond3A_344 {
        %mul3A_435 = arith.constant 64 : i32
        %mul3A_436 = arith.muli %add3A_283, %mul3A_435 : i32
        %dma_start3A_437 = arith.constant 1 : i32
        %dma_start3A_438 = arith.constant 0 : i32
        %dma_start3A_439 = arith.constant 0 : i32
        %dma_start3A_440 = tpu.memref_slice %arg8[%dma_start3A_438, %dma_start3A_439] : memref<64x132xf32, #tpu.memory_space<vmem>> -> memref<64x128xf32, #tpu.memory_space<vmem>>
        %dma_start3A_441 = arith.constant 0 : i32
        %dma_start3A_442 = tpu.memref_slice %arg2[%select_n3A, %mul3A_436, %select_n3A_30, %dma_start3A_437, %dma_start3A_441] : memref<8x512x4x2x128xf32, #tpu.memory_space<hbm>> -> memref<1x64x1x1x128xf32, #tpu.memory_space<hbm>>
        %dma_start3A_443 = tpu.memref_squeeze %dma_start3A_442 : memref<1x64x1x1x128xf32, #tpu.memory_space<hbm>> -> memref<64x128xf32, #tpu.memory_space<hbm>>
        %dma_start3A_444 = arith.constant 0 : i32
        %dma_start3A_445 = arith.constant 0 : i32
        %dma_start3A_446 = tpu.memref_slice %arg8[%dma_start3A_444, %dma_start3A_445] : memref<64x132xf32, #tpu.memory_space<vmem>> -> memref<64x128xf32, #tpu.memory_space<vmem>>
        %dma_start3A_447 = arith.constant 0 : i32
        %dma_start3A_448 = tpu.memref_slice %arg2[%select_n3A, %mul3A_436, %select_n3A_30, %dma_start3A_437, %dma_start3A_447] : memref<8x512x4x2x128xf32, #tpu.memory_space<hbm>> -> memref<1x64x1x1x128xf32, #tpu.memory_space<hbm>>
        %dma_start3A_449 = tpu.memref_squeeze %dma_start3A_448 : memref<1x64x1x1x128xf32, #tpu.memory_space<hbm>> -> memref<64x128xf32, #tpu.memory_space<hbm>>
        tpu.enqueue_dma source(%dma_start3A_449 : memref<64x128xf32, #tpu.memory_space<hbm>>) target(%dma_start3A_446 : memref<64x128xf32, #tpu.memory_space<vmem>>) target_semaphore(%arg17 : memref<!tpu.dma_semaphore, #tpu.memory_space<semaphore_mem>>)
        %dma_start3A_450 = arith.constant 0 : i32
        %dma_start3A_451 = arith.constant 0 : i32
        %dma_start3A_452 = tpu.memref_slice %arg10[%dma_start3A_450, %dma_start3A_451] : memref<64x516xf32, #tpu.memory_space<vmem>> -> memref<64x512xf32, #tpu.memory_space<vmem>>
        %dma_start3A_453 = arith.constant 0 : i32
        %dma_start3A_454 = tpu.memref_slice %arg3[%select_n3A, %mul3A_436, %select_n3A_30, %dma_start3A_453] : memref<8x512x4x512xf32, #tpu.memory_space<hbm>> -> memref<1x64x1x512xf32, #tpu.memory_space<hbm>>
        %dma_start3A_455 = tpu.memref_squeeze %dma_start3A_454 : memref<1x64x1x512xf32, #tpu.memory_space<hbm>> -> memref<64x512xf32, #tpu.memory_space<hbm>>
        %dma_start3A_456 = arith.constant 0 : i32
        %dma_start3A_457 = arith.constant 0 : i32
        %dma_start3A_458 = tpu.memref_slice %arg10[%dma_start3A_456, %dma_start3A_457] : memref<64x516xf32, #tpu.memory_space<vmem>> -> memref<64x512xf32, #tpu.memory_space<vmem>>
        %dma_start3A_459 = arith.constant 0 : i32
        %dma_start3A_460 = tpu.memref_slice %arg3[%select_n3A, %mul3A_436, %select_n3A_30, %dma_start3A_459] : memref<8x512x4x512xf32, #tpu.memory_space<hbm>> -> memref<1x64x1x512xf32, #tpu.memory_space<hbm>>
        %dma_start3A_461 = tpu.memref_squeeze %dma_start3A_460 : memref<1x64x1x512xf32, #tpu.memory_space<hbm>> -> memref<64x512xf32, #tpu.memory_space<hbm>>
        tpu.enqueue_dma source(%dma_start3A_461 : memref<64x512xf32, #tpu.memory_space<hbm>>) target(%dma_start3A_458 : memref<64x512xf32, #tpu.memory_space<vmem>>) target_semaphore(%arg17 : memref<!tpu.dma_semaphore, #tpu.memory_space<semaphore_mem>>)
      } else {
      }
      %dma_wait3A_345 = arith.constant 0 : i32
      %dma_wait3A_346 = arith.constant 0 : i32
      %dma_wait3A_347 = arith.constant 0 : i32
      %dma_wait3A_348 = arith.constant 0 : i32
      %dma_wait3A_349 = tpu.memref_slice %arg5[%dma_wait3A_346, %dma_wait3A_347, %dma_wait3A_345, %select_n3A, %dma_wait3A_348] : memref<5x512x4x8x128xf32, #tpu.memory_space<hbm>> -> memref<5x64x1x1x64xf32, #tpu.memory_space<hbm>>
      %dma_wait3A_350 = tpu.memref_squeeze %dma_wait3A_349 : memref<5x64x1x1x64xf32, #tpu.memory_space<hbm>> -> memref<5x64x64xf32, #tpu.memory_space<hbm>>
      %dma_wait3A_351 = arith.constant 0 : i32
      %dma_wait3A_352 = arith.constant 0 : i32
      %dma_wait3A_353 = arith.constant 0 : i32
      %dma_wait3A_354 = tpu.memref_slice %arg5[%dma_wait3A_351, %dma_wait3A_352, %dma_wait3A_345, %select_n3A, %dma_wait3A_353] : memref<5x512x4x8x128xf32, #tpu.memory_space<hbm>> -> memref<5x64x1x1x64xf32, #tpu.memory_space<hbm>>
      %dma_wait3A_355 = tpu.memref_squeeze %dma_wait3A_354 : memref<5x64x1x1x64xf32, #tpu.memory_space<hbm>> -> memref<5x64x64xf32, #tpu.memory_space<hbm>>
      tpu.wait_dma2 semaphore(%arg19 : memref<!tpu.dma_semaphore, #tpu.memory_space<semaphore_mem>>) src(%arg12 : memref<5x64x64xf32, #tpu.memory_space<vmem>>) dst(%dma_wait3A_355 : memref<5x64x64xf32, #tpu.memory_space<hbm>>)
      %dma_wait3A_356 = arith.constant 0 : i32
      %dma_wait3A_357 = arith.constant 0 : i32
      %dma_wait3A_358 = arith.constant 0 : i32
      %dma_wait3A_359 = arith.constant 0 : i32
      %dma_wait3A_360 = tpu.memref_slice %arg6[%dma_wait3A_357, %dma_wait3A_358, %dma_wait3A_356, %select_n3A, %dma_wait3A_359] : memref<5x512x4x8x128xf32, #tpu.memory_space<hbm>> -> memref<5x64x1x1x64xf32, #tpu.memory_space<hbm>>
      %dma_wait3A_361 = tpu.memref_squeeze %dma_wait3A_360 : memref<5x64x1x1x64xf32, #tpu.memory_space<hbm>> -> memref<5x64x64xf32, #tpu.memory_space<hbm>>
      %dma_wait3A_362 = arith.constant 0 : i32
      %dma_wait3A_363 = arith.constant 0 : i32
      %dma_wait3A_364 = arith.constant 0 : i32
      %dma_wait3A_365 = tpu.memref_slice %arg6[%dma_wait3A_362, %dma_wait3A_363, %dma_wait3A_356, %select_n3A, %dma_wait3A_364] : memref<5x512x4x8x128xf32, #tpu.memory_space<hbm>> -> memref<5x64x1x1x64xf32, #tpu.memory_space<hbm>>
      %dma_wait3A_366 = tpu.memref_squeeze %dma_wait3A_365 : memref<5x64x1x1x64xf32, #tpu.memory_space<hbm>> -> memref<5x64x64xf32, #tpu.memory_space<hbm>>
      tpu.wait_dma2 semaphore(%arg19 : memref<!tpu.dma_semaphore, #tpu.memory_space<semaphore_mem>>) src(%arg12 : memref<5x64x64xf32, #tpu.memory_space<vmem>>) dst(%dma_wait3A_366 : memref<5x64x64xf32, #tpu.memory_space<hbm>>)
      %parallel_loop3A_367 = arith.constant 0 : i32
      %parallel_loop3A_368 = arith.constant 64 : i32
      %parallel_loop3A_369 = arith.constant 1 : i32
      scf.for %parallel_loop3A_435 = %parallel_loop3A_367 to %parallel_loop3A_368 step %parallel_loop3A_369  : i32 {
        %parallel_loop3A_436 = arith.index_cast %parallel_loop3A_435 : i32 to index
        %parallel_loop3A_437 = arith.constant 0 : index
        %parallel_loop3A_438 = tpu.vector_load %arg15[%parallel_loop3A_436, %parallel_loop3A_437] {strides = array<i32>} : memref<128x16xf32, #tpu.memory_space<vmem>>, vector<16xf32>,
        %parallel_loop3A_439 = arith.constant 1.100000e+01 : f32
        %parallel_loop3A_440 = vector.broadcast %parallel_loop3A_439 : f32 to vector<16xf32>
        %parallel_loop3A_441 = arith.addf %parallel_loop3A_438, %parallel_loop3A_440 : vector<16xf32>
        %parallel_loop3A_442 = vector.broadcast %parallel_loop3A_435 : i32 to vector<16xi32>
        %parallel_loop3A_443 = arith.constant 0 : i32
        %parallel_loop3A_444 = arith.addi %mul3A_285, %parallel_loop3A_443 : i32
        %parallel_loop3A_445 = arith.index_cast %parallel_loop3A_444 : i32 to index
        %parallel_loop3A_446 = tpu.vector_load %arg14[%parallel_loop3A_445] {strides = array<i32>} : memref<512xf32, #tpu.memory_space<vmem>>, vector<16xf32>,
        %parallel_loop3A_447 = arith.constant 1.100000e+01 : f32
        %parallel_loop3A_448 = vector.broadcast %parallel_loop3A_447 : f32 to vector<16xf32>
        %parallel_loop3A_449 = arith.addf %parallel_loop3A_446, %parallel_loop3A_448 : vector<16xf32>
        %parallel_loop3A_450 = tpu.vector_load_idx %arg9[%add3A_44, %parallel_loop3A_442] : memref<64x132xf32, #tpu.memory_space<vmem>>[vector<16xi32>, vector<16xi32>], vector<16xf32>,
        %parallel_loop3A_451 = tpu.vector_load_idx %arg11[%add3A_44, %parallel_loop3A_442] : memref<64x516xf32, #tpu.memory_space<vmem>>[vector<16xi32>, vector<16xi32>], vector<16xf32>,
        %parallel_loop3A_452 = arith.constant 128 : i32
        %parallel_loop3A_453 = vector.broadcast %parallel_loop3A_452 : i32 to vector<16xi32>
        %parallel_loop3A_454 = arith.addi %parallel_loop3A_442, %parallel_loop3A_453 : vector<16xi32>
        %parallel_loop3A_455 = tpu.vector_load_idx %arg11[%add3A_44, %parallel_loop3A_454] : memref<64x516xf32, #tpu.memory_space<vmem>>[vector<16xi32>, vector<16xi32>], vector<16xf32>,
        %parallel_loop3A_456 = arith.constant 256 : i32
        %parallel_loop3A_457 = vector.broadcast %parallel_loop3A_456 : i32 to vector<16xi32>
        %parallel_loop3A_458 = arith.addi %parallel_loop3A_442, %parallel_loop3A_457 : vector<16xi32>
        %parallel_loop3A_459 = tpu.vector_load_idx %arg11[%add3A_44, %parallel_loop3A_458] : memref<64x516xf32, #tpu.memory_space<vmem>>[vector<16xi32>, vector<16xi32>], vector<16xf32>,
        %parallel_loop3A_460 = arith.constant 384 : i32
        %parallel_loop3A_461 = vector.broadcast %parallel_loop3A_460 : i32 to vector<16xi32>
        %parallel_loop3A_462 = arith.addi %parallel_loop3A_442, %parallel_loop3A_461 : vector<16xi32>
        %parallel_loop3A_463 = tpu.vector_load_idx %arg11[%add3A_44, %parallel_loop3A_462] : memref<64x516xf32, #tpu.memory_space<vmem>>[vector<16xi32>, vector<16xi32>], vector<16xf32>,
        %parallel_loop3A_464 = arith.constant 1.200000e+01 : f32
        %parallel_loop3A_465 = vector.broadcast %parallel_loop3A_464 : f32 to vector<16xf32>
        %parallel_loop3A_466 = arith.mulf %parallel_loop3A_465, %parallel_loop3A_451 : vector<16xf32>
        %parallel_loop3A_467 = arith.addf %parallel_loop3A_438, %parallel_loop3A_466 : vector<16xf32>
        %parallel_loop3A_468 = arith.constant 1.200000e+01 : f32
        %parallel_loop3A_469 = vector.broadcast %parallel_loop3A_468 : f32 to vector<16xf32>
        %parallel_loop3A_470 = arith.mulf %parallel_loop3A_469, %parallel_loop3A_455 : vector<16xf32>
        %parallel_loop3A_471 = arith.addf %parallel_loop3A_446, %parallel_loop3A_470 : vector<16xf32>
        %parallel_loop3A_472 = arith.constant 1.200000e+01 : f32
        %parallel_loop3A_473 = vector.broadcast %parallel_loop3A_472 : f32 to vector<16xf32>
        %parallel_loop3A_474 = arith.mulf %parallel_loop3A_473, %parallel_loop3A_459 : vector<16xf32>
        %parallel_loop3A_475 = arith.addf %parallel_loop3A_441, %parallel_loop3A_474 : vector<16xf32>
        %parallel_loop3A_476 = arith.constant 1.200000e+01 : f32
        %parallel_loop3A_477 = vector.broadcast %parallel_loop3A_476 : f32 to vector<16xf32>
        %parallel_loop3A_478 = arith.mulf %parallel_loop3A_477, %parallel_loop3A_463 : vector<16xf32>
        %parallel_loop3A_479 = arith.addf %parallel_loop3A_449, %parallel_loop3A_478 : vector<16xf32>
        %parallel_loop3A_480 = arith.subf %parallel_loop3A_475, %parallel_loop3A_467 : vector<16xf32>
        %parallel_loop3A_481 = arith.subf %parallel_loop3A_479, %parallel_loop3A_471 : vector<16xf32>
        %parallel_loop3A_482 = arith.maximumf %parallel_loop3A_480, %parallel_loop3A_481 : vector<16xf32>
        %parallel_loop3A_483 = arith.constant 5.000000e-01 : f32
        %parallel_loop3A_484 = vector.broadcast %parallel_loop3A_483 : f32 to vector<16xf32>
        %parallel_loop3A_485 = arith.mulf %parallel_loop3A_482, %parallel_loop3A_484 : vector<16xf32>
        %parallel_loop3A_486 = arith.constant 5.000000e-01 : f32
        %parallel_loop3A_487 = vector.broadcast %parallel_loop3A_486 : f32 to vector<16xf32>
        %parallel_loop3A_488 = arith.mulf %parallel_loop3A_480, %parallel_loop3A_487 : vector<16xf32>
        %parallel_loop3A_489 = arith.addf %parallel_loop3A_467, %parallel_loop3A_488 : vector<16xf32>
        %parallel_loop3A_490 = arith.subf %parallel_loop3A_489, %parallel_loop3A_485 : vector<16xf32>
        %parallel_loop3A_491 = arith.constant 5.000000e-01 : f32
        %parallel_loop3A_492 = vector.broadcast %parallel_loop3A_491 : f32 to vector<16xf32>
        %parallel_loop3A_493 = arith.mulf %parallel_loop3A_481, %parallel_loop3A_492 : vector<16xf32>
        %parallel_loop3A_494 = arith.addf %parallel_loop3A_471, %parallel_loop3A_493 : vector<16xf32>
        %parallel_loop3A_495 = arith.subf %parallel_loop3A_494, %parallel_loop3A_485 : vector<16xf32>
        %parallel_loop3A_496 = arith.constant 6.000000e-01 : f32
        %parallel_loop3A_497 = vector.broadcast %parallel_loop3A_496 : f32 to vector<16xf32>
        %parallel_loop3A_498 = arith.cmpf oge, %parallel_loop3A_450, %parallel_loop3A_497 : vector<16xf32>
        %parallel_loop3A_499 = arith.constant 0.000000e+00 : f32
        %parallel_loop3A_500 = vector.broadcast %parallel_loop3A_499 : f32 to vector<16xf32>
        %parallel_loop3A_501 = arith.select %parallel_loop3A_498, %parallel_loop3A_490, %parallel_loop3A_500 : vector<16xi1>, vector<16xf32>
        %parallel_loop3A_502 = arith.constant 0 : i32
        %parallel_loop3A_503 = arith.subi %parallel_loop3A_435, %parallel_loop3A_502 : i32
        %parallel_loop3A_504 = arith.constant 0 : i32
        %parallel_loop3A_505 = arith.index_cast %parallel_loop3A_504 : i32 to index
        %parallel_loop3A_506 = arith.index_cast %parallel_loop3A_503 : i32 to index
        %parallel_loop3A_507 = arith.constant 0 : index
        %parallel_loop3A_508 = tpu.vector_load %arg12[%parallel_loop3A_505, %parallel_loop3A_506, %parallel_loop3A_507] {strides = array<i32>} : memref<5x64x64xf32, #tpu.memory_space<vmem>>, vector<16xf32>,
        tpu.vector_store %arg12[%parallel_loop3A_505, %parallel_loop3A_506, %parallel_loop3A_507], %parallel_loop3A_501 {strides = array<i32>} : memref<5x64x64xf32, #tpu.memory_space<vmem>>, vector<16xf32>,
        %parallel_loop3A_509 = arith.select %parallel_loop3A_498, %parallel_loop3A_495, %parallel_loop3A_500 : vector<16xi1>, vector<16xf32>
        %parallel_loop3A_510 = arith.constant 0 : i32
        %parallel_loop3A_511 = arith.subi %parallel_loop3A_435, %parallel_loop3A_510 : i32
        %parallel_loop3A_512 = arith.constant 1 : i32
        %parallel_loop3A_513 = arith.index_cast %parallel_loop3A_512 : i32 to index
        %parallel_loop3A_514 = arith.index_cast %parallel_loop3A_511 : i32 to index
        %parallel_loop3A_515 = arith.constant 0 : index
        %parallel_loop3A_516 = tpu.vector_load %arg12[%parallel_loop3A_513, %parallel_loop3A_514, %parallel_loop3A_515] {strides = array<i32>} : memref<5x64x64xf32, #tpu.memory_space<vmem>>, vector<16xf32>,
        tpu.vector_store %arg12[%parallel_loop3A_513, %parallel_loop3A_514, %parallel_loop3A_515], %parallel_loop3A_509 {strides = array<i32>} : memref<5x64x64xf32, #tpu.memory_space<vmem>>, vector<16xf32>,
        %parallel_loop3A_517 = arith.addf %parallel_loop3A_490, %parallel_loop3A_482 : vector<16xf32>
        %parallel_loop3A_518 = arith.select %parallel_loop3A_498, %parallel_loop3A_517, %parallel_loop3A_500 : vector<16xi1>, vector<16xf32>
        %parallel_loop3A_519 = arith.constant 0 : i32
        %parallel_loop3A_520 = arith.subi %parallel_loop3A_435, %parallel_loop3A_519 : i32
        %parallel_loop3A_521 = arith.constant 2 : i32
        %parallel_loop3A_522 = arith.index_cast %parallel_loop3A_521 : i32 to index
        %parallel_loop3A_523 = arith.index_cast %parallel_loop3A_520 : i32 to index
        %parallel_loop3A_524 = arith.constant 0 : index
        %parallel_loop3A_525 = tpu.vector_load %arg12[%parallel_loop3A_522, %parallel_loop3A_523, %parallel_loop3A_524] {strides = array<i32>} : memref<5x64x64xf32, #tpu.memory_space<vmem>>, vector<16xf32>,
        tpu.vector_store %arg12[%parallel_loop3A_522, %parallel_loop3A_523, %parallel_loop3A_524], %parallel_loop3A_518 {strides = array<i32>} : memref<5x64x64xf32, #tpu.memory_space<vmem>>, vector<16xf32>,
        %parallel_loop3A_526 = arith.addf %parallel_loop3A_495, %parallel_loop3A_482 : vector<16xf32>
        %parallel_loop3A_527 = arith.select %parallel_loop3A_498, %parallel_loop3A_526, %parallel_loop3A_500 : vector<16xi1>, vector<16xf32>
        %parallel_loop3A_528 = arith.constant 0 : i32
        %parallel_loop3A_529 = arith.subi %parallel_loop3A_435, %parallel_loop3A_528 : i32
        %parallel_loop3A_530 = arith.constant 3 : i32
        %parallel_loop3A_531 = arith.index_cast %parallel_loop3A_530 : i32 to index
        %parallel_loop3A_532 = arith.index_cast %parallel_loop3A_529 : i32 to index
        %parallel_loop3A_533 = arith.constant 0 : index
        %parallel_loop3A_534 = tpu.vector_load %arg12[%parallel_loop3A_531, %parallel_loop3A_532, %parallel_loop3A_533] {strides = array<i32>} : memref<5x64x64xf32, #tpu.memory_space<vmem>>, vector<16xf32>,
        tpu.vector_store %arg12[%parallel_loop3A_531, %parallel_loop3A_532, %parallel_loop3A_533], %parallel_loop3A_527 {strides = array<i32>} : memref<5x64x64xf32, #tpu.memory_space<vmem>>, vector<16xf32>,
        %parallel_loop3A_535 = arith.select %parallel_loop3A_498, %parallel_loop3A_450, %parallel_loop3A_500 : vector<16xi1>, vector<16xf32>
        %parallel_loop3A_536 = arith.constant 0 : i32
        %parallel_loop3A_537 = arith.subi %parallel_loop3A_435, %parallel_loop3A_536 : i32
        %parallel_loop3A_538 = arith.constant 4 : i32
        %parallel_loop3A_539 = arith.index_cast %parallel_loop3A_538 : i32 to index
        %parallel_loop3A_540 = arith.index_cast %parallel_loop3A_537 : i32 to index
        %parallel_loop3A_541 = arith.constant 0 : index
        %parallel_loop3A_542 = tpu.vector_load %arg12[%parallel_loop3A_539, %parallel_loop3A_540, %parallel_loop3A_541] {strides = array<i32>} : memref<5x64x64xf32, #tpu.memory_space<vmem>>, vector<16xf32>,
        tpu.vector_store %arg12[%parallel_loop3A_539, %parallel_loop3A_540, %parallel_loop3A_541], %parallel_loop3A_535 {strides = array<i32>} : memref<5x64x64xf32, #tpu.memory_space<vmem>>, vector<16xf32>,
        %parallel_loop3A_543 = arith.constant 16 : i32
        %parallel_loop3A_544 = arith.addi %mul3A_285, %parallel_loop3A_543 : i32
        %parallel_loop3A_545 = arith.index_cast %parallel_loop3A_544 : i32 to index
        %parallel_loop3A_546 = tpu.vector_load %arg14[%parallel_loop3A_545] {strides = array<i32>} : memref<512xf32, #tpu.memory_space<vmem>>, vector<16xf32>,
        %parallel_loop3A_547 = arith.constant 1.100000e+01 : f32
        %parallel_loop3A_548 = vector.broadcast %parallel_loop3A_547 : f32 to vector<16xf32>
        %parallel_loop3A_549 = arith.addf %parallel_loop3A_546, %parallel_loop3A_548 : vector<16xf32>
        %parallel_loop3A_550 = tpu.vector_load_idx %arg9[%add3A_47, %parallel_loop3A_442] : memref<64x132xf32, #tpu.memory_space<vmem>>[vector<16xi32>, vector<16xi32>], vector<16xf32>,
        %parallel_loop3A_551 = tpu.vector_load_idx %arg11[%add3A_47, %parallel_loop3A_442] : memref<64x516xf32, #tpu.memory_space<vmem>>[vector<16xi32>, vector<16xi32>], vector<16xf32>,
        %parallel_loop3A_552 = arith.constant 128 : i32
        %parallel_loop3A_553 = vector.broadcast %parallel_loop3A_552 : i32 to vector<16xi32>
        %parallel_loop3A_554 = arith.addi %parallel_loop3A_442, %parallel_loop3A_553 : vector<16xi32>
        %parallel_loop3A_555 = tpu.vector_load_idx %arg11[%add3A_47, %parallel_loop3A_554] : memref<64x516xf32, #tpu.memory_space<vmem>>[vector<16xi32>, vector<16xi32>], vector<16xf32>,
        %parallel_loop3A_556 = arith.constant 256 : i32
        %parallel_loop3A_557 = vector.broadcast %parallel_loop3A_556 : i32 to vector<16xi32>
        %parallel_loop3A_558 = arith.addi %parallel_loop3A_442, %parallel_loop3A_557 : vector<16xi32>
        %parallel_loop3A_559 = tpu.vector_load_idx %arg11[%add3A_47, %parallel_loop3A_558] : memref<64x516xf32, #tpu.memory_space<vmem>>[vector<16xi32>, vector<16xi32>], vector<16xf32>,
        %parallel_loop3A_560 = arith.constant 384 : i32
        %parallel_loop3A_561 = vector.broadcast %parallel_loop3A_560 : i32 to vector<16xi32>
        %parallel_loop3A_562 = arith.addi %parallel_loop3A_442, %parallel_loop3A_561 : vector<16xi32>
        %parallel_loop3A_563 = tpu.vector_load_idx %arg11[%add3A_47, %parallel_loop3A_562] : memref<64x516xf32, #tpu.memory_space<vmem>>[vector<16xi32>, vector<16xi32>], vector<16xf32>,
        %parallel_loop3A_564 = arith.constant 1.200000e+01 : f32
        %parallel_loop3A_565 = vector.broadcast %parallel_loop3A_564 : f32 to vector<16xf32>
        %parallel_loop3A_566 = arith.mulf %parallel_loop3A_565, %parallel_loop3A_551 : vector<16xf32>
        %parallel_loop3A_567 = arith.addf %parallel_loop3A_438, %parallel_loop3A_566 : vector<16xf32>
        %parallel_loop3A_568 = arith.constant 1.200000e+01 : f32
        %parallel_loop3A_569 = vector.broadcast %parallel_loop3A_568 : f32 to vector<16xf32>
        %parallel_loop3A_570 = arith.mulf %parallel_loop3A_569, %parallel_loop3A_555 : vector<16xf32>
        %parallel_loop3A_571 = arith.addf %parallel_loop3A_546, %parallel_loop3A_570 : vector<16xf32>
        %parallel_loop3A_572 = arith.constant 1.200000e+01 : f32
        %parallel_loop3A_573 = vector.broadcast %parallel_loop3A_572 : f32 to vector<16xf32>
        %parallel_loop3A_574 = arith.mulf %parallel_loop3A_573, %parallel_loop3A_559 : vector<16xf32>
        %parallel_loop3A_575 = arith.addf %parallel_loop3A_441, %parallel_loop3A_574 : vector<16xf32>
        %parallel_loop3A_576 = arith.constant 1.200000e+01 : f32
        %parallel_loop3A_577 = vector.broadcast %parallel_loop3A_576 : f32 to vector<16xf32>
        %parallel_loop3A_578 = arith.mulf %parallel_loop3A_577, %parallel_loop3A_563 : vector<16xf32>
        %parallel_loop3A_579 = arith.addf %parallel_loop3A_549, %parallel_loop3A_578 : vector<16xf32>
        %parallel_loop3A_580 = arith.subf %parallel_loop3A_575, %parallel_loop3A_567 : vector<16xf32>
        %parallel_loop3A_581 = arith.subf %parallel_loop3A_579, %parallel_loop3A_571 : vector<16xf32>
        %parallel_loop3A_582 = arith.maximumf %parallel_loop3A_580, %parallel_loop3A_581 : vector<16xf32>
        %parallel_loop3A_583 = arith.constant 5.000000e-01 : f32
        %parallel_loop3A_584 = vector.broadcast %parallel_loop3A_583 : f32 to vector<16xf32>
        %parallel_loop3A_585 = arith.mulf %parallel_loop3A_582, %parallel_loop3A_584 : vector<16xf32>
        %parallel_loop3A_586 = arith.constant 5.000000e-01 : f32
        %parallel_loop3A_587 = vector.broadcast %parallel_loop3A_586 : f32 to vector<16xf32>
        %parallel_loop3A_588 = arith.mulf %parallel_loop3A_580, %parallel_loop3A_587 : vector<16xf32>
        %parallel_loop3A_589 = arith.addf %parallel_loop3A_567, %parallel_loop3A_588 : vector<16xf32>
        %parallel_loop3A_590 = arith.subf %parallel_loop3A_589, %parallel_loop3A_585 : vector<16xf32>
        %parallel_loop3A_591 = arith.constant 5.000000e-01 : f32
        %parallel_loop3A_592 = vector.broadcast %parallel_loop3A_591 : f32 to vector<16xf32>
        %parallel_loop3A_593 = arith.mulf %parallel_loop3A_581, %parallel_loop3A_592 : vector<16xf32>
        %parallel_loop3A_594 = arith.addf %parallel_loop3A_571, %parallel_loop3A_593 : vector<16xf32>
        %parallel_loop3A_595 = arith.subf %parallel_loop3A_594, %parallel_loop3A_585 : vector<16xf32>
        %parallel_loop3A_596 = arith.constant 6.000000e-01 : f32
        %parallel_loop3A_597 = vector.broadcast %parallel_loop3A_596 : f32 to vector<16xf32>
        %parallel_loop3A_598 = arith.cmpf oge, %parallel_loop3A_550, %parallel_loop3A_597 : vector<16xf32>
        %parallel_loop3A_599 = arith.constant 0.000000e+00 : f32
        %parallel_loop3A_600 = vector.broadcast %parallel_loop3A_599 : f32 to vector<16xf32>
        %parallel_loop3A_601 = arith.select %parallel_loop3A_598, %parallel_loop3A_590, %parallel_loop3A_600 : vector<16xi1>, vector<16xf32>
        %parallel_loop3A_602 = arith.constant 0 : i32
        %parallel_loop3A_603 = arith.subi %parallel_loop3A_435, %parallel_loop3A_602 : i32
        %parallel_loop3A_604 = arith.constant 0 : i32
        %parallel_loop3A_605 = arith.index_cast %parallel_loop3A_604 : i32 to index
        %parallel_loop3A_606 = arith.index_cast %parallel_loop3A_603 : i32 to index
        %parallel_loop3A_607 = arith.constant 16 : index
        %parallel_loop3A_608 = tpu.vector_load %arg12[%parallel_loop3A_605, %parallel_loop3A_606, %parallel_loop3A_607] {strides = array<i32>} : memref<5x64x64xf32, #tpu.memory_space<vmem>>, vector<16xf32>,
        tpu.vector_store %arg12[%parallel_loop3A_605, %parallel_loop3A_606, %parallel_loop3A_607], %parallel_loop3A_601 {strides = array<i32>} : memref<5x64x64xf32, #tpu.memory_space<vmem>>, vector<16xf32>,
        %parallel_loop3A_609 = arith.select %parallel_loop3A_598, %parallel_loop3A_595, %parallel_loop3A_600 : vector<16xi1>, vector<16xf32>
        %parallel_loop3A_610 = arith.constant 0 : i32
        %parallel_loop3A_611 = arith.subi %parallel_loop3A_435, %parallel_loop3A_610 : i32
        %parallel_loop3A_612 = arith.constant 1 : i32
        %parallel_loop3A_613 = arith.index_cast %parallel_loop3A_612 : i32 to index
        %parallel_loop3A_614 = arith.index_cast %parallel_loop3A_611 : i32 to index
        %parallel_loop3A_615 = arith.constant 16 : index
        %parallel_loop3A_616 = tpu.vector_load %arg12[%parallel_loop3A_613, %parallel_loop3A_614, %parallel_loop3A_615] {strides = array<i32>} : memref<5x64x64xf32, #tpu.memory_space<vmem>>, vector<16xf32>,
        tpu.vector_store %arg12[%parallel_loop3A_613, %parallel_loop3A_614, %parallel_loop3A_615], %parallel_loop3A_609 {strides = array<i32>} : memref<5x64x64xf32, #tpu.memory_space<vmem>>, vector<16xf32>,
        %parallel_loop3A_617 = arith.addf %parallel_loop3A_590, %parallel_loop3A_582 : vector<16xf32>
        %parallel_loop3A_618 = arith.select %parallel_loop3A_598, %parallel_loop3A_617, %parallel_loop3A_600 : vector<16xi1>, vector<16xf32>
        %parallel_loop3A_619 = arith.constant 0 : i32
        %parallel_loop3A_620 = arith.subi %parallel_loop3A_435, %parallel_loop3A_619 : i32
        %parallel_loop3A_621 = arith.constant 2 : i32
        %parallel_loop3A_622 = arith.index_cast %parallel_loop3A_621 : i32 to index
        %parallel_loop3A_623 = arith.index_cast %parallel_loop3A_620 : i32 to index
        %parallel_loop3A_624 = arith.constant 16 : index
        %parallel_loop3A_625 = tpu.vector_load %arg12[%parallel_loop3A_622, %parallel_loop3A_623, %parallel_loop3A_624] {strides = array<i32>} : memref<5x64x64xf32, #tpu.memory_space<vmem>>, vector<16xf32>,
        tpu.vector_store %arg12[%parallel_loop3A_622, %parallel_loop3A_623, %parallel_loop3A_624], %parallel_loop3A_618 {strides = array<i32>} : memref<5x64x64xf32, #tpu.memory_space<vmem>>, vector<16xf32>,
        %parallel_loop3A_626 = arith.addf %parallel_loop3A_595, %parallel_loop3A_582 : vector<16xf32>
        %parallel_loop3A_627 = arith.select %parallel_loop3A_598, %parallel_loop3A_626, %parallel_loop3A_600 : vector<16xi1>, vector<16xf32>
        %parallel_loop3A_628 = arith.constant 0 : i32
        %parallel_loop3A_629 = arith.subi %parallel_loop3A_435, %parallel_loop3A_628 : i32
        %parallel_loop3A_630 = arith.constant 3 : i32
        %parallel_loop3A_631 = arith.index_cast %parallel_loop3A_630 : i32 to index
        %parallel_loop3A_632 = arith.index_cast %parallel_loop3A_629 : i32 to index
        %parallel_loop3A_633 = arith.constant 16 : index
        %parallel_loop3A_634 = tpu.vector_load %arg12[%parallel_loop3A_631, %parallel_loop3A_632, %parallel_loop3A_633] {strides = array<i32>} : memref<5x64x64xf32, #tpu.memory_space<vmem>>, vector<16xf32>,
        tpu.vector_store %arg12[%parallel_loop3A_631, %parallel_loop3A_632, %parallel_loop3A_633], %parallel_loop3A_627 {strides = array<i32>} : memref<5x64x64xf32, #tpu.memory_space<vmem>>, vector<16xf32>,
        %parallel_loop3A_635 = arith.select %parallel_loop3A_598, %parallel_loop3A_550, %parallel_loop3A_600 : vector<16xi1>, vector<16xf32>
        %parallel_loop3A_636 = arith.constant 0 : i32
        %parallel_loop3A_637 = arith.subi %parallel_loop3A_435, %parallel_loop3A_636 : i32
        %parallel_loop3A_638 = arith.constant 4 : i32
        %parallel_loop3A_639 = arith.index_cast %parallel_loop3A_638 : i32 to index
        %parallel_loop3A_640 = arith.index_cast %parallel_loop3A_637 : i32 to index
        %parallel_loop3A_641 = arith.constant 16 : index
        %parallel_loop3A_642 = tpu.vector_load %arg12[%parallel_loop3A_639, %parallel_loop3A_640, %parallel_loop3A_641] {strides = array<i32>} : memref<5x64x64xf32, #tpu.memory_space<vmem>>, vector<16xf32>,
        tpu.vector_store %arg12[%parallel_loop3A_639, %parallel_loop3A_640, %parallel_loop3A_641], %parallel_loop3A_635 {strides = array<i32>} : memref<5x64x64xf32, #tpu.memory_space<vmem>>, vector<16xf32>,
        %parallel_loop3A_643 = arith.constant 32 : i32
        %parallel_loop3A_644 = arith.addi %mul3A_285, %parallel_loop3A_643 : i32
        %parallel_loop3A_645 = arith.index_cast %parallel_loop3A_644 : i32 to index
        %parallel_loop3A_646 = tpu.vector_load %arg14[%parallel_loop3A_645] {strides = array<i32>} : memref<512xf32, #tpu.memory_space<vmem>>, vector<16xf32>,
        %parallel_loop3A_647 = arith.constant 1.100000e+01 : f32
        %parallel_loop3A_648 = vector.broadcast %parallel_loop3A_647 : f32 to vector<16xf32>
        %parallel_loop3A_649 = arith.addf %parallel_loop3A_646, %parallel_loop3A_648 : vector<16xf32>
        %parallel_loop3A_650 = tpu.vector_load_idx %arg9[%add3A_50, %parallel_loop3A_442] : memref<64x132xf32, #tpu.memory_space<vmem>>[vector<16xi32>, vector<16xi32>], vector<16xf32>,
        %parallel_loop3A_651 = tpu.vector_load_idx %arg11[%add3A_50, %parallel_loop3A_442] : memref<64x516xf32, #tpu.memory_space<vmem>>[vector<16xi32>, vector<16xi32>], vector<16xf32>,
        %parallel_loop3A_652 = arith.constant 128 : i32
        %parallel_loop3A_653 = vector.broadcast %parallel_loop3A_652 : i32 to vector<16xi32>
        %parallel_loop3A_654 = arith.addi %parallel_loop3A_442, %parallel_loop3A_653 : vector<16xi32>
        %parallel_loop3A_655 = tpu.vector_load_idx %arg11[%add3A_50, %parallel_loop3A_654] : memref<64x516xf32, #tpu.memory_space<vmem>>[vector<16xi32>, vector<16xi32>], vector<16xf32>,
        %parallel_loop3A_656 = arith.constant 256 : i32
        %parallel_loop3A_657 = vector.broadcast %parallel_loop3A_656 : i32 to vector<16xi32>
        %parallel_loop3A_658 = arith.addi %parallel_loop3A_442, %parallel_loop3A_657 : vector<16xi32>
        %parallel_loop3A_659 = tpu.vector_load_idx %arg11[%add3A_50, %parallel_loop3A_658] : memref<64x516xf32, #tpu.memory_space<vmem>>[vector<16xi32>, vector<16xi32>], vector<16xf32>,
        %parallel_loop3A_660 = arith.constant 384 : i32
        %parallel_loop3A_661 = vector.broadcast %parallel_loop3A_660 : i32 to vector<16xi32>
        %parallel_loop3A_662 = arith.addi %parallel_loop3A_442, %parallel_loop3A_661 : vector<16xi32>
        %parallel_loop3A_663 = tpu.vector_load_idx %arg11[%add3A_50, %parallel_loop3A_662] : memref<64x516xf32, #tpu.memory_space<vmem>>[vector<16xi32>, vector<16xi32>], vector<16xf32>,
        %parallel_loop3A_664 = arith.constant 1.200000e+01 : f32
        %parallel_loop3A_665 = vector.broadcast %parallel_loop3A_664 : f32 to vector<16xf32>
        %parallel_loop3A_666 = arith.mulf %parallel_loop3A_665, %parallel_loop3A_651 : vector<16xf32>
        %parallel_loop3A_667 = arith.addf %parallel_loop3A_438, %parallel_loop3A_666 : vector<16xf32>
        %parallel_loop3A_668 = arith.constant 1.200000e+01 : f32
        %parallel_loop3A_669 = vector.broadcast %parallel_loop3A_668 : f32 to vector<16xf32>
        %parallel_loop3A_670 = arith.mulf %parallel_loop3A_669, %parallel_loop3A_655 : vector<16xf32>
        %parallel_loop3A_671 = arith.addf %parallel_loop3A_646, %parallel_loop3A_670 : vector<16xf32>
        %parallel_loop3A_672 = arith.constant 1.200000e+01 : f32
        %parallel_loop3A_673 = vector.broadcast %parallel_loop3A_672 : f32 to vector<16xf32>
        %parallel_loop3A_674 = arith.mulf %parallel_loop3A_673, %parallel_loop3A_659 : vector<16xf32>
        %parallel_loop3A_675 = arith.addf %parallel_loop3A_441, %parallel_loop3A_674 : vector<16xf32>
        %parallel_loop3A_676 = arith.constant 1.200000e+01 : f32
        %parallel_loop3A_677 = vector.broadcast %parallel_loop3A_676 : f32 to vector<16xf32>
        %parallel_loop3A_678 = arith.mulf %parallel_loop3A_677, %parallel_loop3A_663 : vector<16xf32>
        %parallel_loop3A_679 = arith.addf %parallel_loop3A_649, %parallel_loop3A_678 : vector<16xf32>
        %parallel_loop3A_680 = arith.subf %parallel_loop3A_675, %parallel_loop3A_667 : vector<16xf32>
        %parallel_loop3A_681 = arith.subf %parallel_loop3A_679, %parallel_loop3A_671 : vector<16xf32>
        %parallel_loop3A_682 = arith.maximumf %parallel_loop3A_680, %parallel_loop3A_681 : vector<16xf32>
        %parallel_loop3A_683 = arith.constant 5.000000e-01 : f32
        %parallel_loop3A_684 = vector.broadcast %parallel_loop3A_683 : f32 to vector<16xf32>
        %parallel_loop3A_685 = arith.mulf %parallel_loop3A_682, %parallel_loop3A_684 : vector<16xf32>
        %parallel_loop3A_686 = arith.constant 5.000000e-01 : f32
        %parallel_loop3A_687 = vector.broadcast %parallel_loop3A_686 : f32 to vector<16xf32>
        %parallel_loop3A_688 = arith.mulf %parallel_loop3A_680, %parallel_loop3A_687 : vector<16xf32>
        %parallel_loop3A_689 = arith.addf %parallel_loop3A_667, %parallel_loop3A_688 : vector<16xf32>
        %parallel_loop3A_690 = arith.subf %parallel_loop3A_689, %parallel_loop3A_685 : vector<16xf32>
        %parallel_loop3A_691 = arith.constant 5.000000e-01 : f32
        %parallel_loop3A_692 = vector.broadcast %parallel_loop3A_691 : f32 to vector<16xf32>
        %parallel_loop3A_693 = arith.mulf %parallel_loop3A_681, %parallel_loop3A_692 : vector<16xf32>
        %parallel_loop3A_694 = arith.addf %parallel_loop3A_671, %parallel_loop3A_693 : vector<16xf32>
        %parallel_loop3A_695 = arith.subf %parallel_loop3A_694, %parallel_loop3A_685 : vector<16xf32>
        %parallel_loop3A_696 = arith.constant 6.000000e-01 : f32
        %parallel_loop3A_697 = vector.broadcast %parallel_loop3A_696 : f32 to vector<16xf32>
        %parallel_loop3A_698 = arith.cmpf oge, %parallel_loop3A_650, %parallel_loop3A_697 : vector<16xf32>
        %parallel_loop3A_699 = arith.constant 0.000000e+00 : f32
        %parallel_loop3A_700 = vector.broadcast %parallel_loop3A_699 : f32 to vector<16xf32>
        %parallel_loop3A_701 = arith.select %parallel_loop3A_698, %parallel_loop3A_690, %parallel_loop3A_700 : vector<16xi1>, vector<16xf32>
        %parallel_loop3A_702 = arith.constant 0 : i32
        %parallel_loop3A_703 = arith.subi %parallel_loop3A_435, %parallel_loop3A_702 : i32
        %parallel_loop3A_704 = arith.constant 0 : i32
        %parallel_loop3A_705 = arith.index_cast %parallel_loop3A_704 : i32 to index
        %parallel_loop3A_706 = arith.index_cast %parallel_loop3A_703 : i32 to index
        %parallel_loop3A_707 = arith.constant 32 : index
        %parallel_loop3A_708 = tpu.vector_load %arg12[%parallel_loop3A_705, %parallel_loop3A_706, %parallel_loop3A_707] {strides = array<i32>} : memref<5x64x64xf32, #tpu.memory_space<vmem>>, vector<16xf32>,
        tpu.vector_store %arg12[%parallel_loop3A_705, %parallel_loop3A_706, %parallel_loop3A_707], %parallel_loop3A_701 {strides = array<i32>} : memref<5x64x64xf32, #tpu.memory_space<vmem>>, vector<16xf32>,
        %parallel_loop3A_709 = arith.select %parallel_loop3A_698, %parallel_loop3A_695, %parallel_loop3A_700 : vector<16xi1>, vector<16xf32>
        %parallel_loop3A_710 = arith.constant 0 : i32
        %parallel_loop3A_711 = arith.subi %parallel_loop3A_435, %parallel_loop3A_710 : i32
        %parallel_loop3A_712 = arith.constant 1 : i32
        %parallel_loop3A_713 = arith.index_cast %parallel_loop3A_712 : i32 to index
        %parallel_loop3A_714 = arith.index_cast %parallel_loop3A_711 : i32 to index
        %parallel_loop3A_715 = arith.constant 32 : index
        %parallel_loop3A_716 = tpu.vector_load %arg12[%parallel_loop3A_713, %parallel_loop3A_714, %parallel_loop3A_715] {strides = array<i32>} : memref<5x64x64xf32, #tpu.memory_space<vmem>>, vector<16xf32>,
        tpu.vector_store %arg12[%parallel_loop3A_713, %parallel_loop3A_714, %parallel_loop3A_715], %parallel_loop3A_709 {strides = array<i32>} : memref<5x64x64xf32, #tpu.memory_space<vmem>>, vector<16xf32>,
        %parallel_loop3A_717 = arith.addf %parallel_loop3A_690, %parallel_loop3A_682 : vector<16xf32>
        %parallel_loop3A_718 = arith.select %parallel_loop3A_698, %parallel_loop3A_717, %parallel_loop3A_700 : vector<16xi1>, vector<16xf32>
        %parallel_loop3A_719 = arith.constant 0 : i32
        %parallel_loop3A_720 = arith.subi %parallel_loop3A_435, %parallel_loop3A_719 : i32
        %parallel_loop3A_721 = arith.constant 2 : i32
        %parallel_loop3A_722 = arith.index_cast %parallel_loop3A_721 : i32 to index
        %parallel_loop3A_723 = arith.index_cast %parallel_loop3A_720 : i32 to index
        %parallel_loop3A_724 = arith.constant 32 : index
        %parallel_loop3A_725 = tpu.vector_load %arg12[%parallel_loop3A_722, %parallel_loop3A_723, %parallel_loop3A_724] {strides = array<i32>} : memref<5x64x64xf32, #tpu.memory_space<vmem>>, vector<16xf32>,
        tpu.vector_store %arg12[%parallel_loop3A_722, %parallel_loop3A_723, %parallel_loop3A_724], %parallel_loop3A_718 {strides = array<i32>} : memref<5x64x64xf32, #tpu.memory_space<vmem>>, vector<16xf32>,
        %parallel_loop3A_726 = arith.addf %parallel_loop3A_695, %parallel_loop3A_682 : vector<16xf32>
        %parallel_loop3A_727 = arith.select %parallel_loop3A_698, %parallel_loop3A_726, %parallel_loop3A_700 : vector<16xi1>, vector<16xf32>
        %parallel_loop3A_728 = arith.constant 0 : i32
        %parallel_loop3A_729 = arith.subi %parallel_loop3A_435, %parallel_loop3A_728 : i32
        %parallel_loop3A_730 = arith.constant 3 : i32
        %parallel_loop3A_731 = arith.index_cast %parallel_loop3A_730 : i32 to index
        %parallel_loop3A_732 = arith.index_cast %parallel_loop3A_729 : i32 to index
        %parallel_loop3A_733 = arith.constant 32 : index
        %parallel_loop3A_734 = tpu.vector_load %arg12[%parallel_loop3A_731, %parallel_loop3A_732, %parallel_loop3A_733] {strides = array<i32>} : memref<5x64x64xf32, #tpu.memory_space<vmem>>, vector<16xf32>,
        tpu.vector_store %arg12[%parallel_loop3A_731, %parallel_loop3A_732, %parallel_loop3A_733], %parallel_loop3A_727 {strides = array<i32>} : memref<5x64x64xf32, #tpu.memory_space<vmem>>, vector<16xf32>,
        %parallel_loop3A_735 = arith.select %parallel_loop3A_698, %parallel_loop3A_650, %parallel_loop3A_700 : vector<16xi1>, vector<16xf32>
        %parallel_loop3A_736 = arith.constant 0 : i32
        %parallel_loop3A_737 = arith.subi %parallel_loop3A_435, %parallel_loop3A_736 : i32
        %parallel_loop3A_738 = arith.constant 4 : i32
        %parallel_loop3A_739 = arith.index_cast %parallel_loop3A_738 : i32 to index
        %parallel_loop3A_740 = arith.index_cast %parallel_loop3A_737 : i32 to index
        %parallel_loop3A_741 = arith.constant 32 : index
        %parallel_loop3A_742 = tpu.vector_load %arg12[%parallel_loop3A_739, %parallel_loop3A_740, %parallel_loop3A_741] {strides = array<i32>} : memref<5x64x64xf32, #tpu.memory_space<vmem>>, vector<16xf32>,
        tpu.vector_store %arg12[%parallel_loop3A_739, %parallel_loop3A_740, %parallel_loop3A_741], %parallel_loop3A_735 {strides = array<i32>} : memref<5x64x64xf32, #tpu.memory_space<vmem>>, vector<16xf32>,
        %parallel_loop3A_743 = arith.constant 48 : i32
        %parallel_loop3A_744 = arith.addi %mul3A_285, %parallel_loop3A_743 : i32
        %parallel_loop3A_745 = arith.index_cast %parallel_loop3A_744 : i32 to index
        %parallel_loop3A_746 = tpu.vector_load %arg14[%parallel_loop3A_745] {strides = array<i32>} : memref<512xf32, #tpu.memory_space<vmem>>, vector<16xf32>,
        %parallel_loop3A_747 = arith.constant 1.100000e+01 : f32
        %parallel_loop3A_748 = vector.broadcast %parallel_loop3A_747 : f32 to vector<16xf32>
        %parallel_loop3A_749 = arith.addf %parallel_loop3A_746, %parallel_loop3A_748 : vector<16xf32>
        %parallel_loop3A_750 = tpu.vector_load_idx %arg9[%add3A_53, %parallel_loop3A_442] : memref<64x132xf32, #tpu.memory_space<vmem>>[vector<16xi32>, vector<16xi32>], vector<16xf32>,
        %parallel_loop3A_751 = tpu.vector_load_idx %arg11[%add3A_53, %parallel_loop3A_442] : memref<64x516xf32, #tpu.memory_space<vmem>>[vector<16xi32>, vector<16xi32>], vector<16xf32>,
        %parallel_loop3A_752 = arith.constant 128 : i32
        %parallel_loop3A_753 = vector.broadcast %parallel_loop3A_752 : i32 to vector<16xi32>
        %parallel_loop3A_754 = arith.addi %parallel_loop3A_442, %parallel_loop3A_753 : vector<16xi32>
        %parallel_loop3A_755 = tpu.vector_load_idx %arg11[%add3A_53, %parallel_loop3A_754] : memref<64x516xf32, #tpu.memory_space<vmem>>[vector<16xi32>, vector<16xi32>], vector<16xf32>,
        %parallel_loop3A_756 = arith.constant 256 : i32
        %parallel_loop3A_757 = vector.broadcast %parallel_loop3A_756 : i32 to vector<16xi32>
        %parallel_loop3A_758 = arith.addi %parallel_loop3A_442, %parallel_loop3A_757 : vector<16xi32>
        %parallel_loop3A_759 = tpu.vector_load_idx %arg11[%add3A_53, %parallel_loop3A_758] : memref<64x516xf32, #tpu.memory_space<vmem>>[vector<16xi32>, vector<16xi32>], vector<16xf32>,
        %parallel_loop3A_760 = arith.constant 384 : i32
        %parallel_loop3A_761 = vector.broadcast %parallel_loop3A_760 : i32 to vector<16xi32>
        %parallel_loop3A_762 = arith.addi %parallel_loop3A_442, %parallel_loop3A_761 : vector<16xi32>
        %parallel_loop3A_763 = tpu.vector_load_idx %arg11[%add3A_53, %parallel_loop3A_762] : memref<64x516xf32, #tpu.memory_space<vmem>>[vector<16xi32>, vector<16xi32>], vector<16xf32>,
        %parallel_loop3A_764 = arith.constant 1.200000e+01 : f32
        %parallel_loop3A_765 = vector.broadcast %parallel_loop3A_764 : f32 to vector<16xf32>
        %parallel_loop3A_766 = arith.mulf %parallel_loop3A_765, %parallel_loop3A_751 : vector<16xf32>
        %parallel_loop3A_767 = arith.addf %parallel_loop3A_438, %parallel_loop3A_766 : vector<16xf32>
        %parallel_loop3A_768 = arith.constant 1.200000e+01 : f32
        %parallel_loop3A_769 = vector.broadcast %parallel_loop3A_768 : f32 to vector<16xf32>
        %parallel_loop3A_770 = arith.mulf %parallel_loop3A_769, %parallel_loop3A_755 : vector<16xf32>
        %parallel_loop3A_771 = arith.addf %parallel_loop3A_746, %parallel_loop3A_770 : vector<16xf32>
        %parallel_loop3A_772 = arith.constant 1.200000e+01 : f32
        %parallel_loop3A_773 = vector.broadcast %parallel_loop3A_772 : f32 to vector<16xf32>
        %parallel_loop3A_774 = arith.mulf %parallel_loop3A_773, %parallel_loop3A_759 : vector<16xf32>
        %parallel_loop3A_775 = arith.addf %parallel_loop3A_441, %parallel_loop3A_774 : vector<16xf32>
        %parallel_loop3A_776 = arith.constant 1.200000e+01 : f32
        %parallel_loop3A_777 = vector.broadcast %parallel_loop3A_776 : f32 to vector<16xf32>
        %parallel_loop3A_778 = arith.mulf %parallel_loop3A_777, %parallel_loop3A_763 : vector<16xf32>
        %parallel_loop3A_779 = arith.addf %parallel_loop3A_749, %parallel_loop3A_778 : vector<16xf32>
        %parallel_loop3A_780 = arith.subf %parallel_loop3A_775, %parallel_loop3A_767 : vector<16xf32>
        %parallel_loop3A_781 = arith.subf %parallel_loop3A_779, %parallel_loop3A_771 : vector<16xf32>
        %parallel_loop3A_782 = arith.maximumf %parallel_loop3A_780, %parallel_loop3A_781 : vector<16xf32>
        %parallel_loop3A_783 = arith.constant 5.000000e-01 : f32
        %parallel_loop3A_784 = vector.broadcast %parallel_loop3A_783 : f32 to vector<16xf32>
        %parallel_loop3A_785 = arith.mulf %parallel_loop3A_782, %parallel_loop3A_784 : vector<16xf32>
        %parallel_loop3A_786 = arith.constant 5.000000e-01 : f32
        %parallel_loop3A_787 = vector.broadcast %parallel_loop3A_786 : f32 to vector<16xf32>
        %parallel_loop3A_788 = arith.mulf %parallel_loop3A_780, %parallel_loop3A_787 : vector<16xf32>
        %parallel_loop3A_789 = arith.addf %parallel_loop3A_767, %parallel_loop3A_788 : vector<16xf32>
        %parallel_loop3A_790 = arith.subf %parallel_loop3A_789, %parallel_loop3A_785 : vector<16xf32>
        %parallel_loop3A_791 = arith.constant 5.000000e-01 : f32
        %parallel_loop3A_792 = vector.broadcast %parallel_loop3A_791 : f32 to vector<16xf32>
        %parallel_loop3A_793 = arith.mulf %parallel_loop3A_781, %parallel_loop3A_792 : vector<16xf32>
        %parallel_loop3A_794 = arith.addf %parallel_loop3A_771, %parallel_loop3A_793 : vector<16xf32>
        %parallel_loop3A_795 = arith.subf %parallel_loop3A_794, %parallel_loop3A_785 : vector<16xf32>
        %parallel_loop3A_796 = arith.constant 6.000000e-01 : f32
        %parallel_loop3A_797 = vector.broadcast %parallel_loop3A_796 : f32 to vector<16xf32>
        %parallel_loop3A_798 = arith.cmpf oge, %parallel_loop3A_750, %parallel_loop3A_797 : vector<16xf32>
        %parallel_loop3A_799 = arith.constant 0.000000e+00 : f32
        %parallel_loop3A_800 = vector.broadcast %parallel_loop3A_799 : f32 to vector<16xf32>
        %parallel_loop3A_801 = arith.select %parallel_loop3A_798, %parallel_loop3A_790, %parallel_loop3A_800 : vector<16xi1>, vector<16xf32>
        %parallel_loop3A_802 = arith.constant 0 : i32
        %parallel_loop3A_803 = arith.subi %parallel_loop3A_435, %parallel_loop3A_802 : i32
        %parallel_loop3A_804 = arith.constant 0 : i32
        %parallel_loop3A_805 = arith.index_cast %parallel_loop3A_804 : i32 to index
        %parallel_loop3A_806 = arith.index_cast %parallel_loop3A_803 : i32 to index
        %parallel_loop3A_807 = arith.constant 48 : index
        %parallel_loop3A_808 = tpu.vector_load %arg12[%parallel_loop3A_805, %parallel_loop3A_806, %parallel_loop3A_807] {strides = array<i32>} : memref<5x64x64xf32, #tpu.memory_space<vmem>>, vector<16xf32>,
        tpu.vector_store %arg12[%parallel_loop3A_805, %parallel_loop3A_806, %parallel_loop3A_807], %parallel_loop3A_801 {strides = array<i32>} : memref<5x64x64xf32, #tpu.memory_space<vmem>>, vector<16xf32>,
        %parallel_loop3A_809 = arith.select %parallel_loop3A_798, %parallel_loop3A_795, %parallel_loop3A_800 : vector<16xi1>, vector<16xf32>
        %parallel_loop3A_810 = arith.constant 0 : i32
        %parallel_loop3A_811 = arith.subi %parallel_loop3A_435, %parallel_loop3A_810 : i32
        %parallel_loop3A_812 = arith.constant 1 : i32
        %parallel_loop3A_813 = arith.index_cast %parallel_loop3A_812 : i32 to index
        %parallel_loop3A_814 = arith.index_cast %parallel_loop3A_811 : i32 to index
        %parallel_loop3A_815 = arith.constant 48 : index
        %parallel_loop3A_816 = tpu.vector_load %arg12[%parallel_loop3A_813, %parallel_loop3A_814, %parallel_loop3A_815] {strides = array<i32>} : memref<5x64x64xf32, #tpu.memory_space<vmem>>, vector<16xf32>,
        tpu.vector_store %arg12[%parallel_loop3A_813, %parallel_loop3A_814, %parallel_loop3A_815], %parallel_loop3A_809 {strides = array<i32>} : memref<5x64x64xf32, #tpu.memory_space<vmem>>, vector<16xf32>,
        %parallel_loop3A_817 = arith.addf %parallel_loop3A_790, %parallel_loop3A_782 : vector<16xf32>
        %parallel_loop3A_818 = arith.select %parallel_loop3A_798, %parallel_loop3A_817, %parallel_loop3A_800 : vector<16xi1>, vector<16xf32>
        %parallel_loop3A_819 = arith.constant 0 : i32
        %parallel_loop3A_820 = arith.subi %parallel_loop3A_435, %parallel_loop3A_819 : i32
        %parallel_loop3A_821 = arith.constant 2 : i32
        %parallel_loop3A_822 = arith.index_cast %parallel_loop3A_821 : i32 to index
        %parallel_loop3A_823 = arith.index_cast %parallel_loop3A_820 : i32 to index
        %parallel_loop3A_824 = arith.constant 48 : index
        %parallel_loop3A_825 = tpu.vector_load %arg12[%parallel_loop3A_822, %parallel_loop3A_823, %parallel_loop3A_824] {strides = array<i32>} : memref<5x64x64xf32, #tpu.memory_space<vmem>>, vector<16xf32>,
        tpu.vector_store %arg12[%parallel_loop3A_822, %parallel_loop3A_823, %parallel_loop3A_824], %parallel_loop3A_818 {strides = array<i32>} : memref<5x64x64xf32, #tpu.memory_space<vmem>>, vector<16xf32>,
        %parallel_loop3A_826 = arith.addf %parallel_loop3A_795, %parallel_loop3A_782 : vector<16xf32>
        %parallel_loop3A_827 = arith.select %parallel_loop3A_798, %parallel_loop3A_826, %parallel_loop3A_800 : vector<16xi1>, vector<16xf32>
        %parallel_loop3A_828 = arith.constant 0 : i32
        %parallel_loop3A_829 = arith.subi %parallel_loop3A_435, %parallel_loop3A_828 : i32
        %parallel_loop3A_830 = arith.constant 3 : i32
        %parallel_loop3A_831 = arith.index_cast %parallel_loop3A_830 : i32 to index
        %parallel_loop3A_832 = arith.index_cast %parallel_loop3A_829 : i32 to index
        %parallel_loop3A_833 = arith.constant 48 : index
        %parallel_loop3A_834 = tpu.vector_load %arg12[%parallel_loop3A_831, %parallel_loop3A_832, %parallel_loop3A_833] {strides = array<i32>} : memref<5x64x64xf32, #tpu.memory_space<vmem>>, vector<16xf32>,
        tpu.vector_store %arg12[%parallel_loop3A_831, %parallel_loop3A_832, %parallel_loop3A_833], %parallel_loop3A_827 {strides = array<i32>} : memref<5x64x64xf32, #tpu.memory_space<vmem>>, vector<16xf32>,
        %parallel_loop3A_835 = arith.select %parallel_loop3A_798, %parallel_loop3A_750, %parallel_loop3A_800 : vector<16xi1>, vector<16xf32>
        %parallel_loop3A_836 = arith.constant 0 : i32
        %parallel_loop3A_837 = arith.subi %parallel_loop3A_435, %parallel_loop3A_836 : i32
        %parallel_loop3A_838 = arith.constant 4 : i32
        %parallel_loop3A_839 = arith.index_cast %parallel_loop3A_838 : i32 to index
        %parallel_loop3A_840 = arith.index_cast %parallel_loop3A_837 : i32 to index
        %parallel_loop3A_841 = arith.constant 48 : index
        %parallel_loop3A_842 = tpu.vector_load %arg12[%parallel_loop3A_839, %parallel_loop3A_840, %parallel_loop3A_841] {strides = array<i32>} : memref<5x64x64xf32, #tpu.memory_space<vmem>>, vector<16xf32>,
        tpu.vector_store %arg12[%parallel_loop3A_839, %parallel_loop3A_840, %parallel_loop3A_841], %parallel_loop3A_835 {strides = array<i32>} : memref<5x64x64xf32, #tpu.memory_space<vmem>>, vector<16xf32>,
      } {sc.loop_unroll_factor = 2 : i64, sc.parallel_access}
      %mul3A_370 = arith.constant 128 : i32
      %mul3A_371 = arith.muli %select_n3A_30, %mul3A_370 : i32
      %add3A_372 = arith.constant 0 : i32
      %add3A_373 = arith.addi %mul3A_371, %add3A_372 : i32
      %dma_start3A_374 = arith.constant 0 : i32
      %dma_start3A_375 = tpu.memref_slice %arg5[%dma_start3A_374, %add3A_373, %select_n3A_309, %select_n3A, %sub3A_312] : memref<5x512x4x8x128xf32, #tpu.memory_space<hbm>> -> memref<5x64x1x1x64xf32, #tpu.memory_space<hbm>>
      %dma_start3A_376 = tpu.memref_squeeze %dma_start3A_375 : memref<5x64x1x1x64xf32, #tpu.memory_space<hbm>> -> memref<5x64x64xf32, #tpu.memory_space<hbm>>
      %dma_start3A_377 = arith.constant 0 : i32
      %dma_start3A_378 = tpu.memref_slice %arg5[%dma_start3A_377, %add3A_373, %select_n3A_309, %select_n3A, %sub3A_312] : memref<5x512x4x8x128xf32, #tpu.memory_space<hbm>> -> memref<5x64x1x1x64xf32, #tpu.memory_space<hbm>>
      %dma_start3A_379 = tpu.memref_squeeze %dma_start3A_378 : memref<5x64x1x1x64xf32, #tpu.memory_space<hbm>> -> memref<5x64x64xf32, #tpu.memory_space<hbm>>
      tpu.enqueue_dma source(%arg12 : memref<5x64x64xf32, #tpu.memory_space<vmem>>) target(%dma_start3A_379 : memref<5x64x64xf32, #tpu.memory_space<hbm>>) target_semaphore(%arg19 : memref<!tpu.dma_semaphore, #tpu.memory_space<semaphore_mem>>)
      %mul3A_380 = arith.constant 128 : i32
      %mul3A_381 = arith.muli %select_n3A_30, %mul3A_380 : i32
      %add3A_382 = arith.constant 0 : i32
      %add3A_383 = arith.addi %mul3A_381, %add3A_382 : i32
      %dma_start3A_384 = arith.constant 0 : i32
      %dma_start3A_385 = tpu.memref_slice %arg6[%dma_start3A_384, %add3A_383, %select_n3A_309, %select_n3A, %sub3A_312] : memref<5x512x4x8x128xf32, #tpu.memory_space<hbm>> -> memref<5x64x1x1x64xf32, #tpu.memory_space<hbm>>
      %dma_start3A_386 = tpu.memref_squeeze %dma_start3A_385 : memref<5x64x1x1x64xf32, #tpu.memory_space<hbm>> -> memref<5x64x64xf32, #tpu.memory_space<hbm>>
      %dma_start3A_387 = arith.constant 0 : i32
      %dma_start3A_388 = tpu.memref_slice %arg6[%dma_start3A_387, %add3A_383, %select_n3A_309, %select_n3A, %sub3A_312] : memref<5x512x4x8x128xf32, #tpu.memory_space<hbm>> -> memref<5x64x1x1x64xf32, #tpu.memory_space<hbm>>
      %dma_start3A_389 = tpu.memref_squeeze %dma_start3A_388 : memref<5x64x1x1x64xf32, #tpu.memory_space<hbm>> -> memref<5x64x64xf32, #tpu.memory_space<hbm>>
      tpu.enqueue_dma source(%arg12 : memref<5x64x64xf32, #tpu.memory_space<vmem>>) target(%dma_start3A_389 : memref<5x64x64xf32, #tpu.memory_space<hbm>>) target_semaphore(%arg19 : memref<!tpu.dma_semaphore, #tpu.memory_space<semaphore_mem>>)
      %dma_wait3A_390 = arith.constant 0 : i32
      %dma_wait3A_391 = arith.constant 0 : i32
      %dma_wait3A_392 = arith.constant 64 : i32
      %dma_wait3A_393 = arith.constant 0 : i32
      %dma_wait3A_394 = tpu.memref_slice %arg5[%dma_wait3A_391, %dma_wait3A_392, %dma_wait3A_390, %select_n3A, %dma_wait3A_393] : memref<5x512x4x8x128xf32, #tpu.memory_space<hbm>> -> memref<5x64x1x1x64xf32, #tpu.memory_space<hbm>>
      %dma_wait3A_395 = tpu.memref_squeeze %dma_wait3A_394 : memref<5x64x1x1x64xf32, #tpu.memory_space<hbm>> -> memref<5x64x64xf32, #tpu.memory_space<hbm>>
      %dma_wait3A_396 = arith.constant 0 : i32
      %dma_wait3A_397 = arith.constant 64 : i32
      %dma_wait3A_398 = arith.constant 0 : i32
      %dma_wait3A_399 = tpu.memref_slice %arg5[%dma_wait3A_396, %dma_wait3A_397, %dma_wait3A_390, %select_n3A, %dma_wait3A_398] : memref<5x512x4x8x128xf32, #tpu.memory_space<hbm>> -> memref<5x64x1x1x64xf32, #tpu.memory_space<hbm>>
      %dma_wait3A_400 = tpu.memref_squeeze %dma_wait3A_399 : memref<5x64x1x1x64xf32, #tpu.memory_space<hbm>> -> memref<5x64x64xf32, #tpu.memory_space<hbm>>
      tpu.wait_dma2 semaphore(%arg20 : memref<!tpu.dma_semaphore, #tpu.memory_space<semaphore_mem>>) src(%arg13 : memref<5x64x64xf32, #tpu.memory_space<vmem>>) dst(%dma_wait3A_400 : memref<5x64x64xf32, #tpu.memory_space<hbm>>)
      %dma_wait3A_401 = arith.constant 0 : i32
      %dma_wait3A_402 = arith.constant 0 : i32
      %dma_wait3A_403 = arith.constant 64 : i32
      %dma_wait3A_404 = arith.constant 0 : i32
      %dma_wait3A_405 = tpu.memref_slice %arg6[%dma_wait3A_402, %dma_wait3A_403, %dma_wait3A_401, %select_n3A, %dma_wait3A_404] : memref<5x512x4x8x128xf32, #tpu.memory_space<hbm>> -> memref<5x64x1x1x64xf32, #tpu.memory_space<hbm>>
      %dma_wait3A_406 = tpu.memref_squeeze %dma_wait3A_405 : memref<5x64x1x1x64xf32, #tpu.memory_space<hbm>> -> memref<5x64x64xf32, #tpu.memory_space<hbm>>
      %dma_wait3A_407 = arith.constant 0 : i32
      %dma_wait3A_408 = arith.constant 64 : i32
      %dma_wait3A_409 = arith.constant 0 : i32
      %dma_wait3A_410 = tpu.memref_slice %arg6[%dma_wait3A_407, %dma_wait3A_408, %dma_wait3A_401, %select_n3A, %dma_wait3A_409] : memref<5x512x4x8x128xf32, #tpu.memory_space<hbm>> -> memref<5x64x1x1x64xf32, #tpu.memory_space<hbm>>
      %dma_wait3A_411 = tpu.memref_squeeze %dma_wait3A_410 : memref<5x64x1x1x64xf32, #tpu.memory_space<hbm>> -> memref<5x64x64xf32, #tpu.memory_space<hbm>>
      tpu.wait_dma2 semaphore(%arg20 : memref<!tpu.dma_semaphore, #tpu.memory_space<semaphore_mem>>) src(%arg13 : memref<5x64x64xf32, #tpu.memory_space<vmem>>) dst(%dma_wait3A_411 : memref<5x64x64xf32, #tpu.memory_space<hbm>>)
      %parallel_loop3A_412 = arith.constant 64 : i32
      %parallel_loop3A_413 = arith.constant 128 : i32
      %parallel_loop3A_414 = arith.constant 1 : i32
      scf.for %parallel_loop3A_435 = %parallel_loop3A_412 to %parallel_loop3A_413 step %parallel_loop3A_414  : i32 {
        %parallel_loop3A_436 = arith.index_cast %parallel_loop3A_435 : i32 to index
        %parallel_loop3A_437 = arith.constant 0 : index
        %parallel_loop3A_438 = tpu.vector_load %arg15[%parallel_loop3A_436, %parallel_loop3A_437] {strides = array<i32>} : memref<128x16xf32, #tpu.memory_space<vmem>>, vector<16xf32>,
        %parallel_loop3A_439 = arith.constant 1.100000e+01 : f32
        %parallel_loop3A_440 = vector.broadcast %parallel_loop3A_439 : f32 to vector<16xf32>
        %parallel_loop3A_441 = arith.addf %parallel_loop3A_438, %parallel_loop3A_440 : vector<16xf32>
        %parallel_loop3A_442 = vector.broadcast %parallel_loop3A_435 : i32 to vector<16xi32>
        %parallel_loop3A_443 = arith.constant 0 : i32
        %parallel_loop3A_444 = arith.addi %mul3A_285, %parallel_loop3A_443 : i32
        %parallel_loop3A_445 = arith.index_cast %parallel_loop3A_444 : i32 to index
        %parallel_loop3A_446 = tpu.vector_load %arg14[%parallel_loop3A_445] {strides = array<i32>} : memref<512xf32, #tpu.memory_space<vmem>>, vector<16xf32>,
        %parallel_loop3A_447 = arith.constant 1.100000e+01 : f32
        %parallel_loop3A_448 = vector.broadcast %parallel_loop3A_447 : f32 to vector<16xf32>
        %parallel_loop3A_449 = arith.addf %parallel_loop3A_446, %parallel_loop3A_448 : vector<16xf32>
        %parallel_loop3A_450 = tpu.vector_load_idx %arg9[%add3A_44, %parallel_loop3A_442] : memref<64x132xf32, #tpu.memory_space<vmem>>[vector<16xi32>, vector<16xi32>], vector<16xf32>,
        %parallel_loop3A_451 = tpu.vector_load_idx %arg11[%add3A_44, %parallel_loop3A_442] : memref<64x516xf32, #tpu.memory_space<vmem>>[vector<16xi32>, vector<16xi32>], vector<16xf32>,
        %parallel_loop3A_452 = arith.constant 128 : i32
        %parallel_loop3A_453 = vector.broadcast %parallel_loop3A_452 : i32 to vector<16xi32>
        %parallel_loop3A_454 = arith.addi %parallel_loop3A_442, %parallel_loop3A_453 : vector<16xi32>
        %parallel_loop3A_455 = tpu.vector_load_idx %arg11[%add3A_44, %parallel_loop3A_454] : memref<64x516xf32, #tpu.memory_space<vmem>>[vector<16xi32>, vector<16xi32>], vector<16xf32>,
        %parallel_loop3A_456 = arith.constant 256 : i32
        %parallel_loop3A_457 = vector.broadcast %parallel_loop3A_456 : i32 to vector<16xi32>
        %parallel_loop3A_458 = arith.addi %parallel_loop3A_442, %parallel_loop3A_457 : vector<16xi32>
        %parallel_loop3A_459 = tpu.vector_load_idx %arg11[%add3A_44, %parallel_loop3A_458] : memref<64x516xf32, #tpu.memory_space<vmem>>[vector<16xi32>, vector<16xi32>], vector<16xf32>,
        %parallel_loop3A_460 = arith.constant 384 : i32
        %parallel_loop3A_461 = vector.broadcast %parallel_loop3A_460 : i32 to vector<16xi32>
        %parallel_loop3A_462 = arith.addi %parallel_loop3A_442, %parallel_loop3A_461 : vector<16xi32>
        %parallel_loop3A_463 = tpu.vector_load_idx %arg11[%add3A_44, %parallel_loop3A_462] : memref<64x516xf32, #tpu.memory_space<vmem>>[vector<16xi32>, vector<16xi32>], vector<16xf32>,
        %parallel_loop3A_464 = arith.constant 1.200000e+01 : f32
        %parallel_loop3A_465 = vector.broadcast %parallel_loop3A_464 : f32 to vector<16xf32>
        %parallel_loop3A_466 = arith.mulf %parallel_loop3A_465, %parallel_loop3A_451 : vector<16xf32>
        %parallel_loop3A_467 = arith.addf %parallel_loop3A_438, %parallel_loop3A_466 : vector<16xf32>
        %parallel_loop3A_468 = arith.constant 1.200000e+01 : f32
        %parallel_loop3A_469 = vector.broadcast %parallel_loop3A_468 : f32 to vector<16xf32>
        %parallel_loop3A_470 = arith.mulf %parallel_loop3A_469, %parallel_loop3A_455 : vector<16xf32>
        %parallel_loop3A_471 = arith.addf %parallel_loop3A_446, %parallel_loop3A_470 : vector<16xf32>
        %parallel_loop3A_472 = arith.constant 1.200000e+01 : f32
        %parallel_loop3A_473 = vector.broadcast %parallel_loop3A_472 : f32 to vector<16xf32>
        %parallel_loop3A_474 = arith.mulf %parallel_loop3A_473, %parallel_loop3A_459 : vector<16xf32>
        %parallel_loop3A_475 = arith.addf %parallel_loop3A_441, %parallel_loop3A_474 : vector<16xf32>
        %parallel_loop3A_476 = arith.constant 1.200000e+01 : f32
        %parallel_loop3A_477 = vector.broadcast %parallel_loop3A_476 : f32 to vector<16xf32>
        %parallel_loop3A_478 = arith.mulf %parallel_loop3A_477, %parallel_loop3A_463 : vector<16xf32>
        %parallel_loop3A_479 = arith.addf %parallel_loop3A_449, %parallel_loop3A_478 : vector<16xf32>
        %parallel_loop3A_480 = arith.subf %parallel_loop3A_475, %parallel_loop3A_467 : vector<16xf32>
        %parallel_loop3A_481 = arith.subf %parallel_loop3A_479, %parallel_loop3A_471 : vector<16xf32>
        %parallel_loop3A_482 = arith.maximumf %parallel_loop3A_480, %parallel_loop3A_481 : vector<16xf32>
        %parallel_loop3A_483 = arith.constant 5.000000e-01 : f32
        %parallel_loop3A_484 = vector.broadcast %parallel_loop3A_483 : f32 to vector<16xf32>
        %parallel_loop3A_485 = arith.mulf %parallel_loop3A_482, %parallel_loop3A_484 : vector<16xf32>
        %parallel_loop3A_486 = arith.constant 5.000000e-01 : f32
        %parallel_loop3A_487 = vector.broadcast %parallel_loop3A_486 : f32 to vector<16xf32>
        %parallel_loop3A_488 = arith.mulf %parallel_loop3A_480, %parallel_loop3A_487 : vector<16xf32>
        %parallel_loop3A_489 = arith.addf %parallel_loop3A_467, %parallel_loop3A_488 : vector<16xf32>
        %parallel_loop3A_490 = arith.subf %parallel_loop3A_489, %parallel_loop3A_485 : vector<16xf32>
        %parallel_loop3A_491 = arith.constant 5.000000e-01 : f32
        %parallel_loop3A_492 = vector.broadcast %parallel_loop3A_491 : f32 to vector<16xf32>
        %parallel_loop3A_493 = arith.mulf %parallel_loop3A_481, %parallel_loop3A_492 : vector<16xf32>
        %parallel_loop3A_494 = arith.addf %parallel_loop3A_471, %parallel_loop3A_493 : vector<16xf32>
        %parallel_loop3A_495 = arith.subf %parallel_loop3A_494, %parallel_loop3A_485 : vector<16xf32>
        %parallel_loop3A_496 = arith.constant 6.000000e-01 : f32
        %parallel_loop3A_497 = vector.broadcast %parallel_loop3A_496 : f32 to vector<16xf32>
        %parallel_loop3A_498 = arith.cmpf oge, %parallel_loop3A_450, %parallel_loop3A_497 : vector<16xf32>
        %parallel_loop3A_499 = arith.constant 0.000000e+00 : f32
        %parallel_loop3A_500 = vector.broadcast %parallel_loop3A_499 : f32 to vector<16xf32>
        %parallel_loop3A_501 = arith.select %parallel_loop3A_498, %parallel_loop3A_490, %parallel_loop3A_500 : vector<16xi1>, vector<16xf32>
        %parallel_loop3A_502 = arith.constant 64 : i32
        %parallel_loop3A_503 = arith.subi %parallel_loop3A_435, %parallel_loop3A_502 : i32
        %parallel_loop3A_504 = arith.constant 0 : i32
        %parallel_loop3A_505 = arith.index_cast %parallel_loop3A_504 : i32 to index
        %parallel_loop3A_506 = arith.index_cast %parallel_loop3A_503 : i32 to index
        %parallel_loop3A_507 = arith.constant 0 : index
        %parallel_loop3A_508 = tpu.vector_load %arg13[%parallel_loop3A_505, %parallel_loop3A_506, %parallel_loop3A_507] {strides = array<i32>} : memref<5x64x64xf32, #tpu.memory_space<vmem>>, vector<16xf32>,
        tpu.vector_store %arg13[%parallel_loop3A_505, %parallel_loop3A_506, %parallel_loop3A_507], %parallel_loop3A_501 {strides = array<i32>} : memref<5x64x64xf32, #tpu.memory_space<vmem>>, vector<16xf32>,
        %parallel_loop3A_509 = arith.select %parallel_loop3A_498, %parallel_loop3A_495, %parallel_loop3A_500 : vector<16xi1>, vector<16xf32>
        %parallel_loop3A_510 = arith.constant 64 : i32
        %parallel_loop3A_511 = arith.subi %parallel_loop3A_435, %parallel_loop3A_510 : i32
        %parallel_loop3A_512 = arith.constant 1 : i32
        %parallel_loop3A_513 = arith.index_cast %parallel_loop3A_512 : i32 to index
        %parallel_loop3A_514 = arith.index_cast %parallel_loop3A_511 : i32 to index
        %parallel_loop3A_515 = arith.constant 0 : index
        %parallel_loop3A_516 = tpu.vector_load %arg13[%parallel_loop3A_513, %parallel_loop3A_514, %parallel_loop3A_515] {strides = array<i32>} : memref<5x64x64xf32, #tpu.memory_space<vmem>>, vector<16xf32>,
        tpu.vector_store %arg13[%parallel_loop3A_513, %parallel_loop3A_514, %parallel_loop3A_515], %parallel_loop3A_509 {strides = array<i32>} : memref<5x64x64xf32, #tpu.memory_space<vmem>>, vector<16xf32>,
        %parallel_loop3A_517 = arith.addf %parallel_loop3A_490, %parallel_loop3A_482 : vector<16xf32>
        %parallel_loop3A_518 = arith.select %parallel_loop3A_498, %parallel_loop3A_517, %parallel_loop3A_500 : vector<16xi1>, vector<16xf32>
        %parallel_loop3A_519 = arith.constant 64 : i32
        %parallel_loop3A_520 = arith.subi %parallel_loop3A_435, %parallel_loop3A_519 : i32
        %parallel_loop3A_521 = arith.constant 2 : i32
        %parallel_loop3A_522 = arith.index_cast %parallel_loop3A_521 : i32 to index
        %parallel_loop3A_523 = arith.index_cast %parallel_loop3A_520 : i32 to index
        %parallel_loop3A_524 = arith.constant 0 : index
        %parallel_loop3A_525 = tpu.vector_load %arg13[%parallel_loop3A_522, %parallel_loop3A_523, %parallel_loop3A_524] {strides = array<i32>} : memref<5x64x64xf32, #tpu.memory_space<vmem>>, vector<16xf32>,
        tpu.vector_store %arg13[%parallel_loop3A_522, %parallel_loop3A_523, %parallel_loop3A_524], %parallel_loop3A_518 {strides = array<i32>} : memref<5x64x64xf32, #tpu.memory_space<vmem>>, vector<16xf32>,
        %parallel_loop3A_526 = arith.addf %parallel_loop3A_495, %parallel_loop3A_482 : vector<16xf32>
        %parallel_loop3A_527 = arith.select %parallel_loop3A_498, %parallel_loop3A_526, %parallel_loop3A_500 : vector<16xi1>, vector<16xf32>
        %parallel_loop3A_528 = arith.constant 64 : i32
        %parallel_loop3A_529 = arith.subi %parallel_loop3A_435, %parallel_loop3A_528 : i32
        %parallel_loop3A_530 = arith.constant 3 : i32
        %parallel_loop3A_531 = arith.index_cast %parallel_loop3A_530 : i32 to index
        %parallel_loop3A_532 = arith.index_cast %parallel_loop3A_529 : i32 to index
        %parallel_loop3A_533 = arith.constant 0 : index
        %parallel_loop3A_534 = tpu.vector_load %arg13[%parallel_loop3A_531, %parallel_loop3A_532, %parallel_loop3A_533] {strides = array<i32>} : memref<5x64x64xf32, #tpu.memory_space<vmem>>, vector<16xf32>,
        tpu.vector_store %arg13[%parallel_loop3A_531, %parallel_loop3A_532, %parallel_loop3A_533], %parallel_loop3A_527 {strides = array<i32>} : memref<5x64x64xf32, #tpu.memory_space<vmem>>, vector<16xf32>,
        %parallel_loop3A_535 = arith.select %parallel_loop3A_498, %parallel_loop3A_450, %parallel_loop3A_500 : vector<16xi1>, vector<16xf32>
        %parallel_loop3A_536 = arith.constant 64 : i32
        %parallel_loop3A_537 = arith.subi %parallel_loop3A_435, %parallel_loop3A_536 : i32
        %parallel_loop3A_538 = arith.constant 4 : i32
        %parallel_loop3A_539 = arith.index_cast %parallel_loop3A_538 : i32 to index
        %parallel_loop3A_540 = arith.index_cast %parallel_loop3A_537 : i32 to index
        %parallel_loop3A_541 = arith.constant 0 : index
        %parallel_loop3A_542 = tpu.vector_load %arg13[%parallel_loop3A_539, %parallel_loop3A_540, %parallel_loop3A_541] {strides = array<i32>} : memref<5x64x64xf32, #tpu.memory_space<vmem>>, vector<16xf32>,
        tpu.vector_store %arg13[%parallel_loop3A_539, %parallel_loop3A_540, %parallel_loop3A_541], %parallel_loop3A_535 {strides = array<i32>} : memref<5x64x64xf32, #tpu.memory_space<vmem>>, vector<16xf32>,
        %parallel_loop3A_543 = arith.constant 16 : i32
        %parallel_loop3A_544 = arith.addi %mul3A_285, %parallel_loop3A_543 : i32
        %parallel_loop3A_545 = arith.index_cast %parallel_loop3A_544 : i32 to index
        %parallel_loop3A_546 = tpu.vector_load %arg14[%parallel_loop3A_545] {strides = array<i32>} : memref<512xf32, #tpu.memory_space<vmem>>, vector<16xf32>,
        %parallel_loop3A_547 = arith.constant 1.100000e+01 : f32
        %parallel_loop3A_548 = vector.broadcast %parallel_loop3A_547 : f32 to vector<16xf32>
        %parallel_loop3A_549 = arith.addf %parallel_loop3A_546, %parallel_loop3A_548 : vector<16xf32>
        %parallel_loop3A_550 = tpu.vector_load_idx %arg9[%add3A_47, %parallel_loop3A_442] : memref<64x132xf32, #tpu.memory_space<vmem>>[vector<16xi32>, vector<16xi32>], vector<16xf32>,
        %parallel_loop3A_551 = tpu.vector_load_idx %arg11[%add3A_47, %parallel_loop3A_442] : memref<64x516xf32, #tpu.memory_space<vmem>>[vector<16xi32>, vector<16xi32>], vector<16xf32>,
        %parallel_loop3A_552 = arith.constant 128 : i32
        %parallel_loop3A_553 = vector.broadcast %parallel_loop3A_552 : i32 to vector<16xi32>
        %parallel_loop3A_554 = arith.addi %parallel_loop3A_442, %parallel_loop3A_553 : vector<16xi32>
        %parallel_loop3A_555 = tpu.vector_load_idx %arg11[%add3A_47, %parallel_loop3A_554] : memref<64x516xf32, #tpu.memory_space<vmem>>[vector<16xi32>, vector<16xi32>], vector<16xf32>,
        %parallel_loop3A_556 = arith.constant 256 : i32
        %parallel_loop3A_557 = vector.broadcast %parallel_loop3A_556 : i32 to vector<16xi32>
        %parallel_loop3A_558 = arith.addi %parallel_loop3A_442, %parallel_loop3A_557 : vector<16xi32>
        %parallel_loop3A_559 = tpu.vector_load_idx %arg11[%add3A_47, %parallel_loop3A_558] : memref<64x516xf32, #tpu.memory_space<vmem>>[vector<16xi32>, vector<16xi32>], vector<16xf32>,
        %parallel_loop3A_560 = arith.constant 384 : i32
        %parallel_loop3A_561 = vector.broadcast %parallel_loop3A_560 : i32 to vector<16xi32>
        %parallel_loop3A_562 = arith.addi %parallel_loop3A_442, %parallel_loop3A_561 : vector<16xi32>
        %parallel_loop3A_563 = tpu.vector_load_idx %arg11[%add3A_47, %parallel_loop3A_562] : memref<64x516xf32, #tpu.memory_space<vmem>>[vector<16xi32>, vector<16xi32>], vector<16xf32>,
        %parallel_loop3A_564 = arith.constant 1.200000e+01 : f32
        %parallel_loop3A_565 = vector.broadcast %parallel_loop3A_564 : f32 to vector<16xf32>
        %parallel_loop3A_566 = arith.mulf %parallel_loop3A_565, %parallel_loop3A_551 : vector<16xf32>
        %parallel_loop3A_567 = arith.addf %parallel_loop3A_438, %parallel_loop3A_566 : vector<16xf32>
        %parallel_loop3A_568 = arith.constant 1.200000e+01 : f32
        %parallel_loop3A_569 = vector.broadcast %parallel_loop3A_568 : f32 to vector<16xf32>
        %parallel_loop3A_570 = arith.mulf %parallel_loop3A_569, %parallel_loop3A_555 : vector<16xf32>
        %parallel_loop3A_571 = arith.addf %parallel_loop3A_546, %parallel_loop3A_570 : vector<16xf32>
        %parallel_loop3A_572 = arith.constant 1.200000e+01 : f32
        %parallel_loop3A_573 = vector.broadcast %parallel_loop3A_572 : f32 to vector<16xf32>
        %parallel_loop3A_574 = arith.mulf %parallel_loop3A_573, %parallel_loop3A_559 : vector<16xf32>
        %parallel_loop3A_575 = arith.addf %parallel_loop3A_441, %parallel_loop3A_574 : vector<16xf32>
        %parallel_loop3A_576 = arith.constant 1.200000e+01 : f32
        %parallel_loop3A_577 = vector.broadcast %parallel_loop3A_576 : f32 to vector<16xf32>
        %parallel_loop3A_578 = arith.mulf %parallel_loop3A_577, %parallel_loop3A_563 : vector<16xf32>
        %parallel_loop3A_579 = arith.addf %parallel_loop3A_549, %parallel_loop3A_578 : vector<16xf32>
        %parallel_loop3A_580 = arith.subf %parallel_loop3A_575, %parallel_loop3A_567 : vector<16xf32>
        %parallel_loop3A_581 = arith.subf %parallel_loop3A_579, %parallel_loop3A_571 : vector<16xf32>
        %parallel_loop3A_582 = arith.maximumf %parallel_loop3A_580, %parallel_loop3A_581 : vector<16xf32>
        %parallel_loop3A_583 = arith.constant 5.000000e-01 : f32
        %parallel_loop3A_584 = vector.broadcast %parallel_loop3A_583 : f32 to vector<16xf32>
        %parallel_loop3A_585 = arith.mulf %parallel_loop3A_582, %parallel_loop3A_584 : vector<16xf32>
        %parallel_loop3A_586 = arith.constant 5.000000e-01 : f32
        %parallel_loop3A_587 = vector.broadcast %parallel_loop3A_586 : f32 to vector<16xf32>
        %parallel_loop3A_588 = arith.mulf %parallel_loop3A_580, %parallel_loop3A_587 : vector<16xf32>
        %parallel_loop3A_589 = arith.addf %parallel_loop3A_567, %parallel_loop3A_588 : vector<16xf32>
        %parallel_loop3A_590 = arith.subf %parallel_loop3A_589, %parallel_loop3A_585 : vector<16xf32>
        %parallel_loop3A_591 = arith.constant 5.000000e-01 : f32
        %parallel_loop3A_592 = vector.broadcast %parallel_loop3A_591 : f32 to vector<16xf32>
        %parallel_loop3A_593 = arith.mulf %parallel_loop3A_581, %parallel_loop3A_592 : vector<16xf32>
        %parallel_loop3A_594 = arith.addf %parallel_loop3A_571, %parallel_loop3A_593 : vector<16xf32>
        %parallel_loop3A_595 = arith.subf %parallel_loop3A_594, %parallel_loop3A_585 : vector<16xf32>
        %parallel_loop3A_596 = arith.constant 6.000000e-01 : f32
        %parallel_loop3A_597 = vector.broadcast %parallel_loop3A_596 : f32 to vector<16xf32>
        %parallel_loop3A_598 = arith.cmpf oge, %parallel_loop3A_550, %parallel_loop3A_597 : vector<16xf32>
        %parallel_loop3A_599 = arith.constant 0.000000e+00 : f32
        %parallel_loop3A_600 = vector.broadcast %parallel_loop3A_599 : f32 to vector<16xf32>
        %parallel_loop3A_601 = arith.select %parallel_loop3A_598, %parallel_loop3A_590, %parallel_loop3A_600 : vector<16xi1>, vector<16xf32>
        %parallel_loop3A_602 = arith.constant 64 : i32
        %parallel_loop3A_603 = arith.subi %parallel_loop3A_435, %parallel_loop3A_602 : i32
        %parallel_loop3A_604 = arith.constant 0 : i32
        %parallel_loop3A_605 = arith.index_cast %parallel_loop3A_604 : i32 to index
        %parallel_loop3A_606 = arith.index_cast %parallel_loop3A_603 : i32 to index
        %parallel_loop3A_607 = arith.constant 16 : index
        %parallel_loop3A_608 = tpu.vector_load %arg13[%parallel_loop3A_605, %parallel_loop3A_606, %parallel_loop3A_607] {strides = array<i32>} : memref<5x64x64xf32, #tpu.memory_space<vmem>>, vector<16xf32>,
        tpu.vector_store %arg13[%parallel_loop3A_605, %parallel_loop3A_606, %parallel_loop3A_607], %parallel_loop3A_601 {strides = array<i32>} : memref<5x64x64xf32, #tpu.memory_space<vmem>>, vector<16xf32>,
        %parallel_loop3A_609 = arith.select %parallel_loop3A_598, %parallel_loop3A_595, %parallel_loop3A_600 : vector<16xi1>, vector<16xf32>
        %parallel_loop3A_610 = arith.constant 64 : i32
        %parallel_loop3A_611 = arith.subi %parallel_loop3A_435, %parallel_loop3A_610 : i32
        %parallel_loop3A_612 = arith.constant 1 : i32
        %parallel_loop3A_613 = arith.index_cast %parallel_loop3A_612 : i32 to index
        %parallel_loop3A_614 = arith.index_cast %parallel_loop3A_611 : i32 to index
        %parallel_loop3A_615 = arith.constant 16 : index
        %parallel_loop3A_616 = tpu.vector_load %arg13[%parallel_loop3A_613, %parallel_loop3A_614, %parallel_loop3A_615] {strides = array<i32>} : memref<5x64x64xf32, #tpu.memory_space<vmem>>, vector<16xf32>,
        tpu.vector_store %arg13[%parallel_loop3A_613, %parallel_loop3A_614, %parallel_loop3A_615], %parallel_loop3A_609 {strides = array<i32>} : memref<5x64x64xf32, #tpu.memory_space<vmem>>, vector<16xf32>,
        %parallel_loop3A_617 = arith.addf %parallel_loop3A_590, %parallel_loop3A_582 : vector<16xf32>
        %parallel_loop3A_618 = arith.select %parallel_loop3A_598, %parallel_loop3A_617, %parallel_loop3A_600 : vector<16xi1>, vector<16xf32>
        %parallel_loop3A_619 = arith.constant 64 : i32
        %parallel_loop3A_620 = arith.subi %parallel_loop3A_435, %parallel_loop3A_619 : i32
        %parallel_loop3A_621 = arith.constant 2 : i32
        %parallel_loop3A_622 = arith.index_cast %parallel_loop3A_621 : i32 to index
        %parallel_loop3A_623 = arith.index_cast %parallel_loop3A_620 : i32 to index
        %parallel_loop3A_624 = arith.constant 16 : index
        %parallel_loop3A_625 = tpu.vector_load %arg13[%parallel_loop3A_622, %parallel_loop3A_623, %parallel_loop3A_624] {strides = array<i32>} : memref<5x64x64xf32, #tpu.memory_space<vmem>>, vector<16xf32>,
        tpu.vector_store %arg13[%parallel_loop3A_622, %parallel_loop3A_623, %parallel_loop3A_624], %parallel_loop3A_618 {strides = array<i32>} : memref<5x64x64xf32, #tpu.memory_space<vmem>>, vector<16xf32>,
        %parallel_loop3A_626 = arith.addf %parallel_loop3A_595, %parallel_loop3A_582 : vector<16xf32>
        %parallel_loop3A_627 = arith.select %parallel_loop3A_598, %parallel_loop3A_626, %parallel_loop3A_600 : vector<16xi1>, vector<16xf32>
        %parallel_loop3A_628 = arith.constant 64 : i32
        %parallel_loop3A_629 = arith.subi %parallel_loop3A_435, %parallel_loop3A_628 : i32
        %parallel_loop3A_630 = arith.constant 3 : i32
        %parallel_loop3A_631 = arith.index_cast %parallel_loop3A_630 : i32 to index
        %parallel_loop3A_632 = arith.index_cast %parallel_loop3A_629 : i32 to index
        %parallel_loop3A_633 = arith.constant 16 : index
        %parallel_loop3A_634 = tpu.vector_load %arg13[%parallel_loop3A_631, %parallel_loop3A_632, %parallel_loop3A_633] {strides = array<i32>} : memref<5x64x64xf32, #tpu.memory_space<vmem>>, vector<16xf32>,
        tpu.vector_store %arg13[%parallel_loop3A_631, %parallel_loop3A_632, %parallel_loop3A_633], %parallel_loop3A_627 {strides = array<i32>} : memref<5x64x64xf32, #tpu.memory_space<vmem>>, vector<16xf32>,
        %parallel_loop3A_635 = arith.select %parallel_loop3A_598, %parallel_loop3A_550, %parallel_loop3A_600 : vector<16xi1>, vector<16xf32>
        %parallel_loop3A_636 = arith.constant 64 : i32
        %parallel_loop3A_637 = arith.subi %parallel_loop3A_435, %parallel_loop3A_636 : i32
        %parallel_loop3A_638 = arith.constant 4 : i32
        %parallel_loop3A_639 = arith.index_cast %parallel_loop3A_638 : i32 to index
        %parallel_loop3A_640 = arith.index_cast %parallel_loop3A_637 : i32 to index
        %parallel_loop3A_641 = arith.constant 16 : index
        %parallel_loop3A_642 = tpu.vector_load %arg13[%parallel_loop3A_639, %parallel_loop3A_640, %parallel_loop3A_641] {strides = array<i32>} : memref<5x64x64xf32, #tpu.memory_space<vmem>>, vector<16xf32>,
        tpu.vector_store %arg13[%parallel_loop3A_639, %parallel_loop3A_640, %parallel_loop3A_641], %parallel_loop3A_635 {strides = array<i32>} : memref<5x64x64xf32, #tpu.memory_space<vmem>>, vector<16xf32>,
        %parallel_loop3A_643 = arith.constant 32 : i32
        %parallel_loop3A_644 = arith.addi %mul3A_285, %parallel_loop3A_643 : i32
        %parallel_loop3A_645 = arith.index_cast %parallel_loop3A_644 : i32 to index
        %parallel_loop3A_646 = tpu.vector_load %arg14[%parallel_loop3A_645] {strides = array<i32>} : memref<512xf32, #tpu.memory_space<vmem>>, vector<16xf32>,
        %parallel_loop3A_647 = arith.constant 1.100000e+01 : f32
        %parallel_loop3A_648 = vector.broadcast %parallel_loop3A_647 : f32 to vector<16xf32>
        %parallel_loop3A_649 = arith.addf %parallel_loop3A_646, %parallel_loop3A_648 : vector<16xf32>
        %parallel_loop3A_650 = tpu.vector_load_idx %arg9[%add3A_50, %parallel_loop3A_442] : memref<64x132xf32, #tpu.memory_space<vmem>>[vector<16xi32>, vector<16xi32>], vector<16xf32>,
        %parallel_loop3A_651 = tpu.vector_load_idx %arg11[%add3A_50, %parallel_loop3A_442] : memref<64x516xf32, #tpu.memory_space<vmem>>[vector<16xi32>, vector<16xi32>], vector<16xf32>,
        %parallel_loop3A_652 = arith.constant 128 : i32
        %parallel_loop3A_653 = vector.broadcast %parallel_loop3A_652 : i32 to vector<16xi32>
        %parallel_loop3A_654 = arith.addi %parallel_loop3A_442, %parallel_loop3A_653 : vector<16xi32>
        %parallel_loop3A_655 = tpu.vector_load_idx %arg11[%add3A_50, %parallel_loop3A_654] : memref<64x516xf32, #tpu.memory_space<vmem>>[vector<16xi32>, vector<16xi32>], vector<16xf32>,
        %parallel_loop3A_656 = arith.constant 256 : i32
        %parallel_loop3A_657 = vector.broadcast %parallel_loop3A_656 : i32 to vector<16xi32>
        %parallel_loop3A_658 = arith.addi %parallel_loop3A_442, %parallel_loop3A_657 : vector<16xi32>
        %parallel_loop3A_659 = tpu.vector_load_idx %arg11[%add3A_50, %parallel_loop3A_658] : memref<64x516xf32, #tpu.memory_space<vmem>>[vector<16xi32>, vector<16xi32>], vector<16xf32>,
        %parallel_loop3A_660 = arith.constant 384 : i32
        %parallel_loop3A_661 = vector.broadcast %parallel_loop3A_660 : i32 to vector<16xi32>
        %parallel_loop3A_662 = arith.addi %parallel_loop3A_442, %parallel_loop3A_661 : vector<16xi32>
        %parallel_loop3A_663 = tpu.vector_load_idx %arg11[%add3A_50, %parallel_loop3A_662] : memref<64x516xf32, #tpu.memory_space<vmem>>[vector<16xi32>, vector<16xi32>], vector<16xf32>,
        %parallel_loop3A_664 = arith.constant 1.200000e+01 : f32
        %parallel_loop3A_665 = vector.broadcast %parallel_loop3A_664 : f32 to vector<16xf32>
        %parallel_loop3A_666 = arith.mulf %parallel_loop3A_665, %parallel_loop3A_651 : vector<16xf32>
        %parallel_loop3A_667 = arith.addf %parallel_loop3A_438, %parallel_loop3A_666 : vector<16xf32>
        %parallel_loop3A_668 = arith.constant 1.200000e+01 : f32
        %parallel_loop3A_669 = vector.broadcast %parallel_loop3A_668 : f32 to vector<16xf32>
        %parallel_loop3A_670 = arith.mulf %parallel_loop3A_669, %parallel_loop3A_655 : vector<16xf32>
        %parallel_loop3A_671 = arith.addf %parallel_loop3A_646, %parallel_loop3A_670 : vector<16xf32>
        %parallel_loop3A_672 = arith.constant 1.200000e+01 : f32
        %parallel_loop3A_673 = vector.broadcast %parallel_loop3A_672 : f32 to vector<16xf32>
        %parallel_loop3A_674 = arith.mulf %parallel_loop3A_673, %parallel_loop3A_659 : vector<16xf32>
        %parallel_loop3A_675 = arith.addf %parallel_loop3A_441, %parallel_loop3A_674 : vector<16xf32>
        %parallel_loop3A_676 = arith.constant 1.200000e+01 : f32
        %parallel_loop3A_677 = vector.broadcast %parallel_loop3A_676 : f32 to vector<16xf32>
        %parallel_loop3A_678 = arith.mulf %parallel_loop3A_677, %parallel_loop3A_663 : vector<16xf32>
        %parallel_loop3A_679 = arith.addf %parallel_loop3A_649, %parallel_loop3A_678 : vector<16xf32>
        %parallel_loop3A_680 = arith.subf %parallel_loop3A_675, %parallel_loop3A_667 : vector<16xf32>
        %parallel_loop3A_681 = arith.subf %parallel_loop3A_679, %parallel_loop3A_671 : vector<16xf32>
        %parallel_loop3A_682 = arith.maximumf %parallel_loop3A_680, %parallel_loop3A_681 : vector<16xf32>
        %parallel_loop3A_683 = arith.constant 5.000000e-01 : f32
        %parallel_loop3A_684 = vector.broadcast %parallel_loop3A_683 : f32 to vector<16xf32>
        %parallel_loop3A_685 = arith.mulf %parallel_loop3A_682, %parallel_loop3A_684 : vector<16xf32>
        %parallel_loop3A_686 = arith.constant 5.000000e-01 : f32
        %parallel_loop3A_687 = vector.broadcast %parallel_loop3A_686 : f32 to vector<16xf32>
        %parallel_loop3A_688 = arith.mulf %parallel_loop3A_680, %parallel_loop3A_687 : vector<16xf32>
        %parallel_loop3A_689 = arith.addf %parallel_loop3A_667, %parallel_loop3A_688 : vector<16xf32>
        %parallel_loop3A_690 = arith.subf %parallel_loop3A_689, %parallel_loop3A_685 : vector<16xf32>
        %parallel_loop3A_691 = arith.constant 5.000000e-01 : f32
        %parallel_loop3A_692 = vector.broadcast %parallel_loop3A_691 : f32 to vector<16xf32>
        %parallel_loop3A_693 = arith.mulf %parallel_loop3A_681, %parallel_loop3A_692 : vector<16xf32>
        %parallel_loop3A_694 = arith.addf %parallel_loop3A_671, %parallel_loop3A_693 : vector<16xf32>
        %parallel_loop3A_695 = arith.subf %parallel_loop3A_694, %parallel_loop3A_685 : vector<16xf32>
        %parallel_loop3A_696 = arith.constant 6.000000e-01 : f32
        %parallel_loop3A_697 = vector.broadcast %parallel_loop3A_696 : f32 to vector<16xf32>
        %parallel_loop3A_698 = arith.cmpf oge, %parallel_loop3A_650, %parallel_loop3A_697 : vector<16xf32>
        %parallel_loop3A_699 = arith.constant 0.000000e+00 : f32
        %parallel_loop3A_700 = vector.broadcast %parallel_loop3A_699 : f32 to vector<16xf32>
        %parallel_loop3A_701 = arith.select %parallel_loop3A_698, %parallel_loop3A_690, %parallel_loop3A_700 : vector<16xi1>, vector<16xf32>
        %parallel_loop3A_702 = arith.constant 64 : i32
        %parallel_loop3A_703 = arith.subi %parallel_loop3A_435, %parallel_loop3A_702 : i32
        %parallel_loop3A_704 = arith.constant 0 : i32
        %parallel_loop3A_705 = arith.index_cast %parallel_loop3A_704 : i32 to index
        %parallel_loop3A_706 = arith.index_cast %parallel_loop3A_703 : i32 to index
        %parallel_loop3A_707 = arith.constant 32 : index
        %parallel_loop3A_708 = tpu.vector_load %arg13[%parallel_loop3A_705, %parallel_loop3A_706, %parallel_loop3A_707] {strides = array<i32>} : memref<5x64x64xf32, #tpu.memory_space<vmem>>, vector<16xf32>,
        tpu.vector_store %arg13[%parallel_loop3A_705, %parallel_loop3A_706, %parallel_loop3A_707], %parallel_loop3A_701 {strides = array<i32>} : memref<5x64x64xf32, #tpu.memory_space<vmem>>, vector<16xf32>,
        %parallel_loop3A_709 = arith.select %parallel_loop3A_698, %parallel_loop3A_695, %parallel_loop3A_700 : vector<16xi1>, vector<16xf32>
        %parallel_loop3A_710 = arith.constant 64 : i32
        %parallel_loop3A_711 = arith.subi %parallel_loop3A_435, %parallel_loop3A_710 : i32
        %parallel_loop3A_712 = arith.constant 1 : i32
        %parallel_loop3A_713 = arith.index_cast %parallel_loop3A_712 : i32 to index
        %parallel_loop3A_714 = arith.index_cast %parallel_loop3A_711 : i32 to index
        %parallel_loop3A_715 = arith.constant 32 : index
        %parallel_loop3A_716 = tpu.vector_load %arg13[%parallel_loop3A_713, %parallel_loop3A_714, %parallel_loop3A_715] {strides = array<i32>} : memref<5x64x64xf32, #tpu.memory_space<vmem>>, vector<16xf32>,
        tpu.vector_store %arg13[%parallel_loop3A_713, %parallel_loop3A_714, %parallel_loop3A_715], %parallel_loop3A_709 {strides = array<i32>} : memref<5x64x64xf32, #tpu.memory_space<vmem>>, vector<16xf32>,
        %parallel_loop3A_717 = arith.addf %parallel_loop3A_690, %parallel_loop3A_682 : vector<16xf32>
        %parallel_loop3A_718 = arith.select %parallel_loop3A_698, %parallel_loop3A_717, %parallel_loop3A_700 : vector<16xi1>, vector<16xf32>
        %parallel_loop3A_719 = arith.constant 64 : i32
        %parallel_loop3A_720 = arith.subi %parallel_loop3A_435, %parallel_loop3A_719 : i32
        %parallel_loop3A_721 = arith.constant 2 : i32
        %parallel_loop3A_722 = arith.index_cast %parallel_loop3A_721 : i32 to index
        %parallel_loop3A_723 = arith.index_cast %parallel_loop3A_720 : i32 to index
        %parallel_loop3A_724 = arith.constant 32 : index
        %parallel_loop3A_725 = tpu.vector_load %arg13[%parallel_loop3A_722, %parallel_loop3A_723, %parallel_loop3A_724] {strides = array<i32>} : memref<5x64x64xf32, #tpu.memory_space<vmem>>, vector<16xf32>,
        tpu.vector_store %arg13[%parallel_loop3A_722, %parallel_loop3A_723, %parallel_loop3A_724], %parallel_loop3A_718 {strides = array<i32>} : memref<5x64x64xf32, #tpu.memory_space<vmem>>, vector<16xf32>,
        %parallel_loop3A_726 = arith.addf %parallel_loop3A_695, %parallel_loop3A_682 : vector<16xf32>
        %parallel_loop3A_727 = arith.select %parallel_loop3A_698, %parallel_loop3A_726, %parallel_loop3A_700 : vector<16xi1>, vector<16xf32>
        %parallel_loop3A_728 = arith.constant 64 : i32
        %parallel_loop3A_729 = arith.subi %parallel_loop3A_435, %parallel_loop3A_728 : i32
        %parallel_loop3A_730 = arith.constant 3 : i32
        %parallel_loop3A_731 = arith.index_cast %parallel_loop3A_730 : i32 to index
        %parallel_loop3A_732 = arith.index_cast %parallel_loop3A_729 : i32 to index
        %parallel_loop3A_733 = arith.constant 32 : index
        %parallel_loop3A_734 = tpu.vector_load %arg13[%parallel_loop3A_731, %parallel_loop3A_732, %parallel_loop3A_733] {strides = array<i32>} : memref<5x64x64xf32, #tpu.memory_space<vmem>>, vector<16xf32>,
        tpu.vector_store %arg13[%parallel_loop3A_731, %parallel_loop3A_732, %parallel_loop3A_733], %parallel_loop3A_727 {strides = array<i32>} : memref<5x64x64xf32, #tpu.memory_space<vmem>>, vector<16xf32>,
        %parallel_loop3A_735 = arith.select %parallel_loop3A_698, %parallel_loop3A_650, %parallel_loop3A_700 : vector<16xi1>, vector<16xf32>
        %parallel_loop3A_736 = arith.constant 64 : i32
        %parallel_loop3A_737 = arith.subi %parallel_loop3A_435, %parallel_loop3A_736 : i32
        %parallel_loop3A_738 = arith.constant 4 : i32
        %parallel_loop3A_739 = arith.index_cast %parallel_loop3A_738 : i32 to index
        %parallel_loop3A_740 = arith.index_cast %parallel_loop3A_737 : i32 to index
        %parallel_loop3A_741 = arith.constant 32 : index
        %parallel_loop3A_742 = tpu.vector_load %arg13[%parallel_loop3A_739, %parallel_loop3A_740, %parallel_loop3A_741] {strides = array<i32>} : memref<5x64x64xf32, #tpu.memory_space<vmem>>, vector<16xf32>,
        tpu.vector_store %arg13[%parallel_loop3A_739, %parallel_loop3A_740, %parallel_loop3A_741], %parallel_loop3A_735 {strides = array<i32>} : memref<5x64x64xf32, #tpu.memory_space<vmem>>, vector<16xf32>,
        %parallel_loop3A_743 = arith.constant 48 : i32
        %parallel_loop3A_744 = arith.addi %mul3A_285, %parallel_loop3A_743 : i32
        %parallel_loop3A_745 = arith.index_cast %parallel_loop3A_744 : i32 to index
        %parallel_loop3A_746 = tpu.vector_load %arg14[%parallel_loop3A_745] {strides = array<i32>} : memref<512xf32, #tpu.memory_space<vmem>>, vector<16xf32>,
        %parallel_loop3A_747 = arith.constant 1.100000e+01 : f32
        %parallel_loop3A_748 = vector.broadcast %parallel_loop3A_747 : f32 to vector<16xf32>
        %parallel_loop3A_749 = arith.addf %parallel_loop3A_746, %parallel_loop3A_748 : vector<16xf32>
        %parallel_loop3A_750 = tpu.vector_load_idx %arg9[%add3A_53, %parallel_loop3A_442] : memref<64x132xf32, #tpu.memory_space<vmem>>[vector<16xi32>, vector<16xi32>], vector<16xf32>,
        %parallel_loop3A_751 = tpu.vector_load_idx %arg11[%add3A_53, %parallel_loop3A_442] : memref<64x516xf32, #tpu.memory_space<vmem>>[vector<16xi32>, vector<16xi32>], vector<16xf32>,
        %parallel_loop3A_752 = arith.constant 128 : i32
        %parallel_loop3A_753 = vector.broadcast %parallel_loop3A_752 : i32 to vector<16xi32>
        %parallel_loop3A_754 = arith.addi %parallel_loop3A_442, %parallel_loop3A_753 : vector<16xi32>
        %parallel_loop3A_755 = tpu.vector_load_idx %arg11[%add3A_53, %parallel_loop3A_754] : memref<64x516xf32, #tpu.memory_space<vmem>>[vector<16xi32>, vector<16xi32>], vector<16xf32>,
        %parallel_loop3A_756 = arith.constant 256 : i32
        %parallel_loop3A_757 = vector.broadcast %parallel_loop3A_756 : i32 to vector<16xi32>
        %parallel_loop3A_758 = arith.addi %parallel_loop3A_442, %parallel_loop3A_757 : vector<16xi32>
        %parallel_loop3A_759 = tpu.vector_load_idx %arg11[%add3A_53, %parallel_loop3A_758] : memref<64x516xf32, #tpu.memory_space<vmem>>[vector<16xi32>, vector<16xi32>], vector<16xf32>,
        %parallel_loop3A_760 = arith.constant 384 : i32
        %parallel_loop3A_761 = vector.broadcast %parallel_loop3A_760 : i32 to vector<16xi32>
        %parallel_loop3A_762 = arith.addi %parallel_loop3A_442, %parallel_loop3A_761 : vector<16xi32>
        %parallel_loop3A_763 = tpu.vector_load_idx %arg11[%add3A_53, %parallel_loop3A_762] : memref<64x516xf32, #tpu.memory_space<vmem>>[vector<16xi32>, vector<16xi32>], vector<16xf32>,
        %parallel_loop3A_764 = arith.constant 1.200000e+01 : f32
        %parallel_loop3A_765 = vector.broadcast %parallel_loop3A_764 : f32 to vector<16xf32>
        %parallel_loop3A_766 = arith.mulf %parallel_loop3A_765, %parallel_loop3A_751 : vector<16xf32>
        %parallel_loop3A_767 = arith.addf %parallel_loop3A_438, %parallel_loop3A_766 : vector<16xf32>
        %parallel_loop3A_768 = arith.constant 1.200000e+01 : f32
        %parallel_loop3A_769 = vector.broadcast %parallel_loop3A_768 : f32 to vector<16xf32>
        %parallel_loop3A_770 = arith.mulf %parallel_loop3A_769, %parallel_loop3A_755 : vector<16xf32>
        %parallel_loop3A_771 = arith.addf %parallel_loop3A_746, %parallel_loop3A_770 : vector<16xf32>
        %parallel_loop3A_772 = arith.constant 1.200000e+01 : f32
        %parallel_loop3A_773 = vector.broadcast %parallel_loop3A_772 : f32 to vector<16xf32>
        %parallel_loop3A_774 = arith.mulf %parallel_loop3A_773, %parallel_loop3A_759 : vector<16xf32>
        %parallel_loop3A_775 = arith.addf %parallel_loop3A_441, %parallel_loop3A_774 : vector<16xf32>
        %parallel_loop3A_776 = arith.constant 1.200000e+01 : f32
        %parallel_loop3A_777 = vector.broadcast %parallel_loop3A_776 : f32 to vector<16xf32>
        %parallel_loop3A_778 = arith.mulf %parallel_loop3A_777, %parallel_loop3A_763 : vector<16xf32>
        %parallel_loop3A_779 = arith.addf %parallel_loop3A_749, %parallel_loop3A_778 : vector<16xf32>
        %parallel_loop3A_780 = arith.subf %parallel_loop3A_775, %parallel_loop3A_767 : vector<16xf32>
        %parallel_loop3A_781 = arith.subf %parallel_loop3A_779, %parallel_loop3A_771 : vector<16xf32>
        %parallel_loop3A_782 = arith.maximumf %parallel_loop3A_780, %parallel_loop3A_781 : vector<16xf32>
        %parallel_loop3A_783 = arith.constant 5.000000e-01 : f32
        %parallel_loop3A_784 = vector.broadcast %parallel_loop3A_783 : f32 to vector<16xf32>
        %parallel_loop3A_785 = arith.mulf %parallel_loop3A_782, %parallel_loop3A_784 : vector<16xf32>
        %parallel_loop3A_786 = arith.constant 5.000000e-01 : f32
        %parallel_loop3A_787 = vector.broadcast %parallel_loop3A_786 : f32 to vector<16xf32>
        %parallel_loop3A_788 = arith.mulf %parallel_loop3A_780, %parallel_loop3A_787 : vector<16xf32>
        %parallel_loop3A_789 = arith.addf %parallel_loop3A_767, %parallel_loop3A_788 : vector<16xf32>
        %parallel_loop3A_790 = arith.subf %parallel_loop3A_789, %parallel_loop3A_785 : vector<16xf32>
        %parallel_loop3A_791 = arith.constant 5.000000e-01 : f32
        %parallel_loop3A_792 = vector.broadcast %parallel_loop3A_791 : f32 to vector<16xf32>
        %parallel_loop3A_793 = arith.mulf %parallel_loop3A_781, %parallel_loop3A_792 : vector<16xf32>
        %parallel_loop3A_794 = arith.addf %parallel_loop3A_771, %parallel_loop3A_793 : vector<16xf32>
        %parallel_loop3A_795 = arith.subf %parallel_loop3A_794, %parallel_loop3A_785 : vector<16xf32>
        %parallel_loop3A_796 = arith.constant 6.000000e-01 : f32
        %parallel_loop3A_797 = vector.broadcast %parallel_loop3A_796 : f32 to vector<16xf32>
        %parallel_loop3A_798 = arith.cmpf oge, %parallel_loop3A_750, %parallel_loop3A_797 : vector<16xf32>
        %parallel_loop3A_799 = arith.constant 0.000000e+00 : f32
        %parallel_loop3A_800 = vector.broadcast %parallel_loop3A_799 : f32 to vector<16xf32>
        %parallel_loop3A_801 = arith.select %parallel_loop3A_798, %parallel_loop3A_790, %parallel_loop3A_800 : vector<16xi1>, vector<16xf32>
        %parallel_loop3A_802 = arith.constant 64 : i32
        %parallel_loop3A_803 = arith.subi %parallel_loop3A_435, %parallel_loop3A_802 : i32
        %parallel_loop3A_804 = arith.constant 0 : i32
        %parallel_loop3A_805 = arith.index_cast %parallel_loop3A_804 : i32 to index
        %parallel_loop3A_806 = arith.index_cast %parallel_loop3A_803 : i32 to index
        %parallel_loop3A_807 = arith.constant 48 : index
        %parallel_loop3A_808 = tpu.vector_load %arg13[%parallel_loop3A_805, %parallel_loop3A_806, %parallel_loop3A_807] {strides = array<i32>} : memref<5x64x64xf32, #tpu.memory_space<vmem>>, vector<16xf32>,
        tpu.vector_store %arg13[%parallel_loop3A_805, %parallel_loop3A_806, %parallel_loop3A_807], %parallel_loop3A_801 {strides = array<i32>} : memref<5x64x64xf32, #tpu.memory_space<vmem>>, vector<16xf32>,
        %parallel_loop3A_809 = arith.select %parallel_loop3A_798, %parallel_loop3A_795, %parallel_loop3A_800 : vector<16xi1>, vector<16xf32>
        %parallel_loop3A_810 = arith.constant 64 : i32
        %parallel_loop3A_811 = arith.subi %parallel_loop3A_435, %parallel_loop3A_810 : i32
        %parallel_loop3A_812 = arith.constant 1 : i32
        %parallel_loop3A_813 = arith.index_cast %parallel_loop3A_812 : i32 to index
        %parallel_loop3A_814 = arith.index_cast %parallel_loop3A_811 : i32 to index
        %parallel_loop3A_815 = arith.constant 48 : index
        %parallel_loop3A_816 = tpu.vector_load %arg13[%parallel_loop3A_813, %parallel_loop3A_814, %parallel_loop3A_815] {strides = array<i32>} : memref<5x64x64xf32, #tpu.memory_space<vmem>>, vector<16xf32>,
        tpu.vector_store %arg13[%parallel_loop3A_813, %parallel_loop3A_814, %parallel_loop3A_815], %parallel_loop3A_809 {strides = array<i32>} : memref<5x64x64xf32, #tpu.memory_space<vmem>>, vector<16xf32>,
        %parallel_loop3A_817 = arith.addf %parallel_loop3A_790, %parallel_loop3A_782 : vector<16xf32>
        %parallel_loop3A_818 = arith.select %parallel_loop3A_798, %parallel_loop3A_817, %parallel_loop3A_800 : vector<16xi1>, vector<16xf32>
        %parallel_loop3A_819 = arith.constant 64 : i32
        %parallel_loop3A_820 = arith.subi %parallel_loop3A_435, %parallel_loop3A_819 : i32
        %parallel_loop3A_821 = arith.constant 2 : i32
        %parallel_loop3A_822 = arith.index_cast %parallel_loop3A_821 : i32 to index
        %parallel_loop3A_823 = arith.index_cast %parallel_loop3A_820 : i32 to index
        %parallel_loop3A_824 = arith.constant 48 : index
        %parallel_loop3A_825 = tpu.vector_load %arg13[%parallel_loop3A_822, %parallel_loop3A_823, %parallel_loop3A_824] {strides = array<i32>} : memref<5x64x64xf32, #tpu.memory_space<vmem>>, vector<16xf32>,
        tpu.vector_store %arg13[%parallel_loop3A_822, %parallel_loop3A_823, %parallel_loop3A_824], %parallel_loop3A_818 {strides = array<i32>} : memref<5x64x64xf32, #tpu.memory_space<vmem>>, vector<16xf32>,
        %parallel_loop3A_826 = arith.addf %parallel_loop3A_795, %parallel_loop3A_782 : vector<16xf32>
        %parallel_loop3A_827 = arith.select %parallel_loop3A_798, %parallel_loop3A_826, %parallel_loop3A_800 : vector<16xi1>, vector<16xf32>
        %parallel_loop3A_828 = arith.constant 64 : i32
        %parallel_loop3A_829 = arith.subi %parallel_loop3A_435, %parallel_loop3A_828 : i32
        %parallel_loop3A_830 = arith.constant 3 : i32
        %parallel_loop3A_831 = arith.index_cast %parallel_loop3A_830 : i32 to index
        %parallel_loop3A_832 = arith.index_cast %parallel_loop3A_829 : i32 to index
        %parallel_loop3A_833 = arith.constant 48 : index
        %parallel_loop3A_834 = tpu.vector_load %arg13[%parallel_loop3A_831, %parallel_loop3A_832, %parallel_loop3A_833] {strides = array<i32>} : memref<5x64x64xf32, #tpu.memory_space<vmem>>, vector<16xf32>,
        tpu.vector_store %arg13[%parallel_loop3A_831, %parallel_loop3A_832, %parallel_loop3A_833], %parallel_loop3A_827 {strides = array<i32>} : memref<5x64x64xf32, #tpu.memory_space<vmem>>, vector<16xf32>,
        %parallel_loop3A_835 = arith.select %parallel_loop3A_798, %parallel_loop3A_750, %parallel_loop3A_800 : vector<16xi1>, vector<16xf32>
        %parallel_loop3A_836 = arith.constant 64 : i32
        %parallel_loop3A_837 = arith.subi %parallel_loop3A_435, %parallel_loop3A_836 : i32
        %parallel_loop3A_838 = arith.constant 4 : i32
        %parallel_loop3A_839 = arith.index_cast %parallel_loop3A_838 : i32 to index
        %parallel_loop3A_840 = arith.index_cast %parallel_loop3A_837 : i32 to index
        %parallel_loop3A_841 = arith.constant 48 : index
        %parallel_loop3A_842 = tpu.vector_load %arg13[%parallel_loop3A_839, %parallel_loop3A_840, %parallel_loop3A_841] {strides = array<i32>} : memref<5x64x64xf32, #tpu.memory_space<vmem>>, vector<16xf32>,
        tpu.vector_store %arg13[%parallel_loop3A_839, %parallel_loop3A_840, %parallel_loop3A_841], %parallel_loop3A_835 {strides = array<i32>} : memref<5x64x64xf32, #tpu.memory_space<vmem>>, vector<16xf32>,
      } {sc.loop_unroll_factor = 2 : i64, sc.parallel_access}
      %mul3A_415 = arith.constant 128 : i32
      %mul3A_416 = arith.muli %select_n3A_30, %mul3A_415 : i32
      %add3A_417 = arith.constant 64 : i32
      %add3A_418 = arith.addi %mul3A_416, %add3A_417 : i32
      %dma_start3A_419 = arith.constant 0 : i32
      %dma_start3A_420 = tpu.memref_slice %arg5[%dma_start3A_419, %add3A_418, %select_n3A_309, %select_n3A, %sub3A_312] : memref<5x512x4x8x128xf32, #tpu.memory_space<hbm>> -> memref<5x64x1x1x64xf32, #tpu.memory_space<hbm>>
      %dma_start3A_421 = tpu.memref_squeeze %dma_start3A_420 : memref<5x64x1x1x64xf32, #tpu.memory_space<hbm>> -> memref<5x64x64xf32, #tpu.memory_space<hbm>>
      %dma_start3A_422 = arith.constant 0 : i32
      %dma_start3A_423 = tpu.memref_slice %arg5[%dma_start3A_422, %add3A_418, %select_n3A_309, %select_n3A, %sub3A_312] : memref<5x512x4x8x128xf32, #tpu.memory_space<hbm>> -> memref<5x64x1x1x64xf32, #tpu.memory_space<hbm>>
      %dma_start3A_424 = tpu.memref_squeeze %dma_start3A_423 : memref<5x64x1x1x64xf32, #tpu.memory_space<hbm>> -> memref<5x64x64xf32, #tpu.memory_space<hbm>>
      tpu.enqueue_dma source(%arg13 : memref<5x64x64xf32, #tpu.memory_space<vmem>>) target(%dma_start3A_424 : memref<5x64x64xf32, #tpu.memory_space<hbm>>) target_semaphore(%arg20 : memref<!tpu.dma_semaphore, #tpu.memory_space<semaphore_mem>>)
      %mul3A_425 = arith.constant 128 : i32
      %mul3A_426 = arith.muli %select_n3A_30, %mul3A_425 : i32
      %add3A_427 = arith.constant 64 : i32
      %add3A_428 = arith.addi %mul3A_426, %add3A_427 : i32
      %dma_start3A_429 = arith.constant 0 : i32
      %dma_start3A_430 = tpu.memref_slice %arg6[%dma_start3A_429, %add3A_428, %select_n3A_309, %select_n3A, %sub3A_312] : memref<5x512x4x8x128xf32, #tpu.memory_space<hbm>> -> memref<5x64x1x1x64xf32, #tpu.memory_space<hbm>>
      %dma_start3A_431 = tpu.memref_squeeze %dma_start3A_430 : memref<5x64x1x1x64xf32, #tpu.memory_space<hbm>> -> memref<5x64x64xf32, #tpu.memory_space<hbm>>
      %dma_start3A_432 = arith.constant 0 : i32
      %dma_start3A_433 = tpu.memref_slice %arg6[%dma_start3A_432, %add3A_428, %select_n3A_309, %select_n3A, %sub3A_312] : memref<5x512x4x8x128xf32, #tpu.memory_space<hbm>> -> memref<5x64x1x1x64xf32, #tpu.memory_space<hbm>>
      %dma_start3A_434 = tpu.memref_squeeze %dma_start3A_433 : memref<5x64x1x1x64xf32, #tpu.memory_space<hbm>> -> memref<5x64x64xf32, #tpu.memory_space<hbm>>
      tpu.enqueue_dma source(%arg13 : memref<5x64x64xf32, #tpu.memory_space<vmem>>) target(%dma_start3A_434 : memref<5x64x64xf32, #tpu.memory_space<hbm>>) target_semaphore(%arg20 : memref<!tpu.dma_semaphore, #tpu.memory_space<semaphore_mem>>)
    }
    %scan3A_90 = arith.constant 4 : i32
    %dma_wait3A = arith.constant 0 : i32
    %dma_wait3A_91 = arith.constant 0 : i32
    %dma_wait3A_92 = arith.constant 0 : i32
    %dma_wait3A_93 = arith.constant 0 : i32
    %dma_wait3A_94 = tpu.memref_slice %arg5[%dma_wait3A_91, %dma_wait3A_92, %dma_wait3A, %select_n3A, %dma_wait3A_93] : memref<5x512x4x8x128xf32, #tpu.memory_space<hbm>> -> memref<5x64x1x1x64xf32, #tpu.memory_space<hbm>>
    %dma_wait3A_95 = tpu.memref_squeeze %dma_wait3A_94 : memref<5x64x1x1x64xf32, #tpu.memory_space<hbm>> -> memref<5x64x64xf32, #tpu.memory_space<hbm>>
    %dma_wait3A_96 = arith.constant 0 : i32
    %dma_wait3A_97 = arith.constant 0 : i32
    %dma_wait3A_98 = arith.constant 0 : i32
    %dma_wait3A_99 = tpu.memref_slice %arg5[%dma_wait3A_96, %dma_wait3A_97, %dma_wait3A, %select_n3A, %dma_wait3A_98] : memref<5x512x4x8x128xf32, #tpu.memory_space<hbm>> -> memref<5x64x1x1x64xf32, #tpu.memory_space<hbm>>
    %dma_wait3A_100 = tpu.memref_squeeze %dma_wait3A_99 : memref<5x64x1x1x64xf32, #tpu.memory_space<hbm>> -> memref<5x64x64xf32, #tpu.memory_space<hbm>>
    tpu.wait_dma2 semaphore(%arg19 : memref<!tpu.dma_semaphore, #tpu.memory_space<semaphore_mem>>) src(%arg12 : memref<5x64x64xf32, #tpu.memory_space<vmem>>) dst(%dma_wait3A_100 : memref<5x64x64xf32, #tpu.memory_space<hbm>>)
    %dma_wait3A_101 = arith.constant 0 : i32
    %dma_wait3A_102 = arith.constant 0 : i32
    %dma_wait3A_103 = arith.constant 0 : i32
    %dma_wait3A_104 = arith.constant 0 : i32
    %dma_wait3A_105 = tpu.memref_slice %arg6[%dma_wait3A_102, %dma_wait3A_103, %dma_wait3A_101, %select_n3A, %dma_wait3A_104] : memref<5x512x4x8x128xf32, #tpu.memory_space<hbm>> -> memref<5x64x1x1x64xf32, #tpu.memory_space<hbm>>
    %dma_wait3A_106 = tpu.memref_squeeze %dma_wait3A_105 : memref<5x64x1x1x64xf32, #tpu.memory_space<hbm>> -> memref<5x64x64xf32, #tpu.memory_space<hbm>>
    %dma_wait3A_107 = arith.constant 0 : i32
    %dma_wait3A_108 = arith.constant 0 : i32
    %dma_wait3A_109 = arith.constant 0 : i32
    %dma_wait3A_110 = tpu.memref_slice %arg6[%dma_wait3A_107, %dma_wait3A_108, %dma_wait3A_101, %select_n3A, %dma_wait3A_109] : memref<5x512x4x8x128xf32, #tpu.memory_space<hbm>> -> memref<5x64x1x1x64xf32, #tpu.memory_space<hbm>>
    %dma_wait3A_111 = tpu.memref_squeeze %dma_wait3A_110 : memref<5x64x1x1x64xf32, #tpu.memory_space<hbm>> -> memref<5x64x64xf32, #tpu.memory_space<hbm>>
    tpu.wait_dma2 semaphore(%arg19 : memref<!tpu.dma_semaphore, #tpu.memory_space<semaphore_mem>>) src(%arg12 : memref<5x64x64xf32, #tpu.memory_space<vmem>>) dst(%dma_wait3A_111 : memref<5x64x64xf32, #tpu.memory_space<hbm>>)
    %dma_wait3A_112 = arith.constant 0 : i32
    %dma_wait3A_113 = arith.constant 0 : i32
    %dma_wait3A_114 = arith.constant 64 : i32
    %dma_wait3A_115 = arith.constant 0 : i32
    %dma_wait3A_116 = tpu.memref_slice %arg5[%dma_wait3A_113, %dma_wait3A_114, %dma_wait3A_112, %select_n3A, %dma_wait3A_115] : memref<5x512x4x8x128xf32, #tpu.memory_space<hbm>> -> memref<5x64x1x1x64xf32, #tpu.memory_space<hbm>>
    %dma_wait3A_117 = tpu.memref_squeeze %dma_wait3A_116 : memref<5x64x1x1x64xf32, #tpu.memory_space<hbm>> -> memref<5x64x64xf32, #tpu.memory_space<hbm>>
    %dma_wait3A_118 = arith.constant 0 : i32
    %dma_wait3A_119 = arith.constant 64 : i32
    %dma_wait3A_120 = arith.constant 0 : i32
    %dma_wait3A_121 = tpu.memref_slice %arg5[%dma_wait3A_118, %dma_wait3A_119, %dma_wait3A_112, %select_n3A, %dma_wait3A_120] : memref<5x512x4x8x128xf32, #tpu.memory_space<hbm>> -> memref<5x64x1x1x64xf32, #tpu.memory_space<hbm>>
    %dma_wait3A_122 = tpu.memref_squeeze %dma_wait3A_121 : memref<5x64x1x1x64xf32, #tpu.memory_space<hbm>> -> memref<5x64x64xf32, #tpu.memory_space<hbm>>
    tpu.wait_dma2 semaphore(%arg20 : memref<!tpu.dma_semaphore, #tpu.memory_space<semaphore_mem>>) src(%arg13 : memref<5x64x64xf32, #tpu.memory_space<vmem>>) dst(%dma_wait3A_122 : memref<5x64x64xf32, #tpu.memory_space<hbm>>)
    %dma_wait3A_123 = arith.constant 0 : i32
    %dma_wait3A_124 = arith.constant 0 : i32
    %dma_wait3A_125 = arith.constant 64 : i32
    %dma_wait3A_126 = arith.constant 0 : i32
    %dma_wait3A_127 = tpu.memref_slice %arg6[%dma_wait3A_124, %dma_wait3A_125, %dma_wait3A_123, %select_n3A, %dma_wait3A_126] : memref<5x512x4x8x128xf32, #tpu.memory_space<hbm>> -> memref<5x64x1x1x64xf32, #tpu.memory_space<hbm>>
    %dma_wait3A_128 = tpu.memref_squeeze %dma_wait3A_127 : memref<5x64x1x1x64xf32, #tpu.memory_space<hbm>> -> memref<5x64x64xf32, #tpu.memory_space<hbm>>
    %dma_wait3A_129 = arith.constant 0 : i32
    %dma_wait3A_130 = arith.constant 64 : i32
    %dma_wait3A_131 = arith.constant 0 : i32
    %dma_wait3A_132 = tpu.memref_slice %arg6[%dma_wait3A_129, %dma_wait3A_130, %dma_wait3A_123, %select_n3A, %dma_wait3A_131] : memref<5x512x4x8x128xf32, #tpu.memory_space<hbm>> -> memref<5x64x1x1x64xf32, #tpu.memory_space<hbm>>
    %dma_wait3A_133 = tpu.memref_squeeze %dma_wait3A_132 : memref<5x64x1x1x64xf32, #tpu.memory_space<hbm>> -> memref<5x64x64xf32, #tpu.memory_space<hbm>>
    tpu.wait_dma2 semaphore(%arg20 : memref<!tpu.dma_semaphore, #tpu.memory_space<semaphore_mem>>) src(%arg13 : memref<5x64x64xf32, #tpu.memory_space<vmem>>) dst(%dma_wait3A_133 : memref<5x64x64xf32, #tpu.memory_space<hbm>>)
    return
  }
}

</mosaic_0001>

<sc_bundles>
// kernel: kernel.3.cloned.1.call-start
scs
__scs_entry_jumppad:
0x0: {  	(pc) =	sbr.rel $0x88, $3  }
0x1: {  	(tag) =	ssettag $0x0;
	lr =	simm.s32 $0x1  }
0x2: {  	[smem:$0x3F9E] =	sst lr;
	_ =	strace $0xD0000000  }
0x3: {  	_ = 	snop  }
0x4: {  	_ = 	snop  }
0x5: {  	_ = 	snop  }
0x6: {  	_ = 	snop  }
0x7: {  	_ = 	snop  }
__scs_overlays_trampoline_lowered:
0x8: {  	[smem:$0x3FAD] =	sst s0  }
0x9: {  	[smem:$0x3FAE] =	sst s1  }
0xa: {  	[smem:$0x3FAF] =	sst s2  }
0xb: {  	[smem:$0x3FB0] =	sst s3  }
0xc: {  	[smem:$0x3FB1] =	sst s4  }
0xd: {  	[smem:$0x3FB2] =	sst s5  }
0xe: {  	[smem:$0x3FB3] =	sst s6  }
0xf: {  	[smem:$0x3FB4] =	sst s7  }
0x10: {  	[smem:$0x3FB5] =	sst s8  }
0x11: {  	[smem:$0x3FB6] =	sst s9;
	s0 =	simm.s32 @!p0 $0x0  }
0x12: {  	s1 =	sld [smem:$0x3F9C];
	s0 =	simm.s32 @p0 $0x1  }
0x13: {  	[smem:$0x3FB7] =	sst s0;
	s0 =	simm.s32 @!p1 $0x0  }
0x14: {  	s2 =	sld [smem:$0x3F9B];
	s0 =	simm.s32 @p1 $0x1  }
0x15: {  	[smem:$0x3FB8] =	sst s0;
	s0 =	simm.s32 @!p2 $0x0  }
0x16: {  	s3 =	sld [smem:$0x3FDB];
	s0 =	simm.s32 @p2 $0x1  }
0x17: {  	s4 =	simm.s32 $0x1BF5;
	[smem:$0x3FBA] =	sst s0  }
0x18: {  	s0 =	sld [smem:$0x3F9D];
	_ =	swait.ge [sflag:s4], $0x0  }
0x19: {  	s7 =	sld [smem:$0x3F9E]  }
0x1a: {  	s8 =	sadd.s32 $0xFFFFE003, lr  }
0x1b: {  	s9 =	sadd.s32 $0xFFFFFEF7, lr;
	s5 =	simm.s32 $0xFFFFFFFF;
	p2 =	slt.u32 s8, $0xFFFFF086  }
0x1c: {  	p1 =	slt.u32 s9, $0xF7A;
	s5 =	simm.s32 @!p2 $0x0  }
0x1d: {  	s5 =	simm.s32 @p1 $0x1;
	p0 =	seq.s32 s7, s2  }
0x1e: {  	s7 =	smul.u32 @!p0 $0xF7A, s2;
	p2 =	seq.s32 @!p0 s5, $0x0  }
0x1f: {  	s9 =	smul.u32 $0xF7A, s1;
	s8 =	simm.s32 @!p0 $0x1BF5;
	p2 =	por !p2, p0  }
0x20: {  	[sflag:s8] =	ssyncset.s32 @!p0 $0xFFFFF086;
	s6 =	sadd.s32 @!p0 s3, s7;
	s7 =	simm.s32 @!p0 $0x108  }
0x21: {  	s3 =	sadd.s32 s3, s9;
	s6 =	sadd.s32 @!p0 $0x88, s6;
	s7 =	simm.s32 @p2 $0x1082  }
0x22: {  	[simem:s7], [sflag:s8] =	dma.local @!p0 [hbm:s6], $0xF7A  }
0x23: {  	s9 =	sor.u32 $0xD0000000, s2;
	s6 =	simm.s32 $0x108;
	_ =	swait.ge @!p0 [sflag:s8], $0x0  }
0x24: {  	s3 =	sadd.s32 $0x88, s3;
	s6 =	simm.s32 @!p1 $0x1082;
	[sflag:s4] =	ssyncset.s32 $0xFFFFF086  }
0x25: {  	[simem:s6], [sflag:s4] =	dma.local [hbm:s3], $0xF7A  }
0x26: {  	[smem:$0x3F9E] =	sst s1;
	(tag) =	ssettag s2;
	_ =	strace s9  }
0x27: {  	s1 =	sld [smem:$0x3FAE]  }
0x28: {  	s2 =	sld [smem:$0x3FAF]  }
0x29: {  	s4 =	sld [smem:$0x3FB1]  }
0x2a: {  	p0 =	seq.s32 s5, $0x0;
	s5 =	sld [smem:$0x3FB2]  }
0x2b: {  	s6 =	sld [smem:$0x3FB3]  }
0x2c: {  	s7 =	sld [smem:$0x3FB4]  }
0x2d: {  	s3 =	simm.s32 $0x108;
	s8 =	sld [smem:$0x3FB5]  }
0x2e: {  	s3 =	simm.s32 @!p0 $0x1082;
	s9 =	sld [smem:$0x3FB6]  }
0x2f: {  	lr =	sadd.s32 s0, s3;
	s0 =	sld [smem:$0x3FAD]  }
0x30: {  	s3 =	sld [smem:$0x3FB0]  }
0x31: {  	[smem:$0x3FB9] =	sst s10  }
0x32: {  	s10 =	sld [smem:$0x3FB7];
	_ =	sdelay $0x3  }
0x33: {  	p0 =	seq.s32 s10, $0x1;
	s10 =	sld [smem:$0x3FB9];
	_ =	sdelay $0x3  }
0x34: {  	[smem:$0x3FB9] =	sst s10  }
0x35: {  	s10 =	sld [smem:$0x3FB8];
	_ =	sdelay $0x3  }
0x36: {  	p1 =	seq.s32 s10, $0x1;
	s10 =	sld [smem:$0x3FB9];
	_ =	sdelay $0x3  }
0x37: {  	[smem:$0x3FB9] =	sst s10  }
0x38: {  	s10 =	sld [smem:$0x3FBA]  }
0x39: {  	_ = 	snop;
	(pc) =	sbr.ind lr, $3  }
0x3a: {  	_ = 	snop  }
0x3b: {  	_ = 	snop  }
0x3c: {  	p2 =	seq.s32 s10, $0x1;
	s10 =	sld [smem:$0x3FB9]  }
0x3d: {  	_ =	shalt  }
0x3e: {  	_ =	shalt  }
0x3f: {  	_ =	shalt  }
0x40: {  	_ =	shalt  }
0x41: {  	_ =	shalt  }
0x42: {  	_ =	shalt  }
0x43: {  	_ =	shalt  }
0x44: {  	_ =	shalt  }
0x45: {  	_ =	shalt  }
0x46: {  	_ =	shalt  }
0x47: {  	_ =	shalt  }
0x48: {  	_ =	shalt  }
0x49: {  	_ =	shalt  }
0x4a: {  	_ =	shalt  }
0x4b: {  	_ =	shalt  }
0x4c: {  	_ =	shalt  }
0x4d: {  	_ =	shalt  }
0x4e: {  	_ =	shalt  }
0x4f: {  	_ =	shalt  }
0x50: {  	_ =	shalt  }
0x51: {  	_ =	shalt  }
0x52: {  	_ =	shalt  }
0x53: {  	_ =	shalt  }
0x54: {  	_ =	shalt  }
0x55: {  	_ =	shalt  }
0x56: {  	_ =	shalt  }
0x57: {  	_ =	shalt  }
0x58: {  	_ =	shalt  }
0x59: {  	_ =	shalt  }
0x5a: {  	_ =	shalt  }
0x5b: {  	_ =	shalt  }
0x5c: {  	_ =	shalt  }
0x5d: {  	_ =	shalt  }
0x5e: {  	_ =	shalt  }
0x5f: {  	_ =	shalt  }
0x60: {  	_ =	shalt  }
0x61: {  	_ =	shalt  }
0x62: {  	_ =	shalt  }
0x63: {  	_ =	shalt  }
0x64: {  	_ =	shalt  }
0x65: {  	_ =	shalt  }
0x66: {  	_ =	shalt  }
0x67: {  	_ =	shalt  }
0x68: {  	_ =	shalt  }
0x69: {  	_ =	shalt  }
0x6a: {  	_ =	shalt  }
0x6b: {  	_ =	shalt  }
0x6c: {  	_ =	shalt  }
0x6d: {  	_ =	shalt  }
0x6e: {  	_ =	shalt  }
0x6f: {  	_ =	shalt  }
0x70: {  	_ =	shalt  }
0x71: {  	_ =	shalt  }
0x72: {  	_ =	shalt  }
0x73: {  	_ =	shalt  }
0x74: {  	_ =	shalt  }
0x75: {  	_ =	shalt  }
0x76: {  	_ =	shalt  }
0x77: {  	_ =	shalt  }
0x78: {  	_ =	shalt  }
0x79: {  	_ =	shalt  }
0x7a: {  	_ =	shalt  }
0x7b: {  	_ =	shalt  }
0x7c: {  	_ =	shalt  }
0x7d: {  	_ =	shalt  }
0x7e: {  	_ =	shalt  }
0x7f: {  	_ =	shalt  }
0x80: {  	_ =	shalt  }
0x81: {  	_ =	shalt  }
0x82: {  	_ =	shalt  }
0x83: {  	_ =	shalt  }
0x84: {  	_ =	shalt  }
0x85: {  	_ =	shalt  }
0x86: {  	_ =	shalt  }
0x87: {  	_ =	shalt  }
.Lfunc_end0:
.L_simem_size_0:
called_computation_lowered:
.L_overlay_start_0:
0x88: {  	s2 =	sld [smem:$0x3FD9]  }
0x89: {  	s3 =	sld [smem:$0x3FFE];
	_ =	sdelay $0x1  }
0x8a: {  	s1 =	srdreg.scid  }
0x8b: {  	s0 =	sand.u32 $0x1, s1  }
0x8c: {  	s14 =	sshll.u32 s0, $0xA;
	s2 =	sadd.s32 s3, s2  }
0x8d: {  	s2 =	sadd.s32 s2, s14  }
0x8e: {  	[smem:$0x3FC5] =	sst s2  }
0x8f: {  	_ = 	snop  }
0x90: {  	s2 =	sld [smem:$0x3FD0];
	_ =	sdelay $0x1  }
0x91: {  	s15 =	sld [smem:$0x3FC9]  }
0x92: {  	s5 =	simm.s32 $0xA;
	s6 =	simm.s32 $0x10;
	s4 =	sld [smem:$0x3FC8]  }
0x93: {  	[smem:s6], [sflag:s5] =	dma.local [hbm:s2], $0x1  }
0x94: {  	_ =	swait.eq [sflag:s5], $0x1  }
0x95: {  	s16 =	sld [smem:$0x10];
	[sflag:s5] =	ssyncset.done $0x0  }
0x96: {  	s17 =	sld [smem:$0x11];
	[sflag:s5] =	ssyncadd.s32 $0xFFFFFFFF  }
0x97: {  	s18 =	sld [smem:$0x12];
	(tm) =	ssettm $0x1  }
0x98: {  	s7 =	sld [smem:$0x3FFB];
	_ =	sdelay $0x3  }
0x99: {  	_ =	strace s7  }
0x9a: {  	s7 =	sld [smem:$0x3FFC];
	_ =	sdelay $0x3  }
0x9b: {  	_ =	strace s7  }
0x9c: {  	s7 =	sld [smem:$0x3FFD];
	_ =	sdelay $0x3  }
0x9d: {  	_ =	strace s7  }
0x9e: {  	_ =	strace $0x8FFFFFFF  }
0x9f: {  	s19 =	sld [smem:$0x3FDB];
	_ =	sdelay $0x1  }
0xa0: {  	s8 =	simm.s32 $_scs_section_size  }
0xa1: {  	s9 =	simm.s32 $_size__tile_overlayer_lowered;
	s10 =	simm.s32 $_tile_overlayer_lowered  }
0xa2: {  	s22 =	simm.s32 $0x1BFF;
	s21 =	sshll.u32 s10, $0x1;
	s7 =	sadd.s32 s8, s19  }
0xa3: {  	s11 =	simm.s32 $0x0;
	s20 =	sshll.u32 s9, $0x1;
	s9 =	sadd.s32 s21, s7  }
0xa4: {  	[timem:s11], [sflag:s22] =	dma.local [hbm:s9], s20  }
0xa5: {  	_ =	swait.ge [sflag:s22], s20  }
0xa6: {  	s8 =	ssub.s32 $0x0, s20;
	[sflag:s22] =	ssyncset.done $0x0  }
0xa7: {  	[sflag:s22] =	ssyncadd.s32 s8;
	_ =	sdelay $0x1  }
0xa8: {  	s23 =	simm.s32 $0x1B8B  }
0xa9: {  	_ =	swait.ge [sflag:s23], $0x1  }
0xaa: {  	[sflag:s23] =	ssyncset.done $0x0  }
0xab: {  	s25 =	simm.s32 $0x1B8E;
	s24 =	sld [smem:$0x3FFE];
	[sflag:s23] =	ssyncadd.s32 $0xFFFFFFFF  }
0xac: {  	s26 =	simm.s32 $execute0_lowered;
	[smem:$0x3FD2] =	sst s25  }
0xad: {  	s9 =	sshll.u32 s26, $0x1;
	_ =	strace $0x80000046;
	[dreg:$0x1] =	wrdreg $0xFFFFFFFF  }
0xae: {  	s28 =	simm.s32 $_size_execute0_lowered;
	s7 =	sadd.s32 s7, s9;
	[dreg:$0x0] =	wrdreg $0x0  }
0xaf: {  	s9 =	sshll.u32 s28, $0x1;
	[dreg:$0x2] =	wrdreg s7  }
0xb0: {  	[dreg:$0x3] =	wrdreg s9  }
0xb1: {  	[dreg:$0x4] =	wrdreg $0xC0  }
0xb2: {  	_ =	task [dreg:s11], $0x5FFFF  }
0xb3: {  	[dreg:$0x1] =	wrdreg $0xFFFFFFFF  }
0xb4: {  	[dreg:$0x0] =	wrdreg $0x60  }
0xb5: {  	[dreg:$0x2] =	wrdreg s15  }
0xb6: {  	[dreg:$0x3] =	wrdreg s4  }
0xb7: {  	[dreg:$0x4] =	wrdreg s18  }
0xb8: {  	[dreg:$0x5] =	wrdreg s16  }
0xb9: {  	[dreg:$0x6] =	wrdreg s17  }
0xba: {  	[dreg:$0x7] =	wrdreg s24  }
0xbb: {  	[dreg:$0x8] =	wrdreg $0x9  }
0xbc: {  	_ =	task.clear_ibuf [dreg:s11], $0x9FFFF;
	_ =	strace $0x90000046  }
0xbd: {  	s29 =	simm.s32 $0x9;
	_ =	strace $0x80000048  }
0xbe: {  	_ =	swait.ge [sflag:s29], $0x1  }
0xbf: {  	[sflag:s29] =	ssyncadd.s32 $0xFFFFFFFF  }
0xc0: {  	_ =	strace $0x90000048  }
0xc1: {  	_ =	sfence  }
0xc2: {  	s30 =	sld [smem:$0x0];
	_ =	sdelay $0x2  }
0xc3: {  	s31 =	sshll.u32 s1, $0xD;
	s1 =	sshrl.u32 s1, $0x2  }
0xc4: {  	s3 =	sand.u32 $0x4000, s31;
	s1 =	sadd.s32 s1, s30  }
0xc5: {  	s0 =	sor.u32 s3, s0;
	s1 =	sshll.u32 s1, $0x11  }
0xc6: {  	s0 =	sor.u32 s1, s0  }
0xc7: {  	s0 =	sadd.s32 $0x8F2B, s0  }
0xc8: {  	[sflag:s0] =	ssyncadd.remote.s32 $0x1  }
0xc9: {  	_ =	sfence.sel $0xFFFF  }
0xca: {  	[dreg:$0x0] =	wrdreg $0xFFFFFFFF;
	(pc) =	sbr.abs _section_cstart, $3  }
0xcb: {  	[dreg:$0x1] =	wrdreg $0xFFFFFFFF  }
0xcc: {  	_ =	task.clear_ibuf [dreg:s11], $0x2FFFF;
	_ =	strace $0x9FFFFFFF  }
0xcd: {  	(tm) =	ssettm $0x7FFFFFFF  }
tec
execute0_lowered:
.L_overlay_start_1:
0x0: {  	(tag) =	ssettag $0x1  }
0x1: {  	s0 =	rddreg [dreg:$0x0]  }
0x2: {  	s10 =	rddreg [dreg:$0x1]  }
0x3: {  	s20 =	rddreg [dreg:$0x3]  }
0x4: {  	s1 =	rddreg [dreg:$0x5];
	s6 =	simm.s32 $0x0;
	s2 =	srdreg.scid  }
0x5: {  	s4 =	stileid.u32;
	s16 =	simm.s32 $0x1;
	s28 =	simm.s32 $0x1B800  }
0x6: {  	s29 =	simm.s32 $0x1C800;
	s30 =	simm.s32 $0x1D800;
	s31 =	simm.s32 $0x2  }
0x7: {  	[smem:$0x7FF] =	sst s6;
	s2 =	sand.u32 $0x1, s2;
	s3 =	sshll.u32 s4, $0x1  }
0x8: {  	s1 =	sadd.s32 $0x800, s1;
	s18 =	sshrl.u32 s4, $0x1;
	s11 =	sadd.s32 $0x10, s0  }
0x9: {  	_ =	strace $0x80000047;
	[dreg:$0x7] =	wrdreg s1;
	s17 =	sor.u32 s2, s3  }
0xa: {  	s2 =	ssub.s32 $0x2, s2;
	s7 =	sshll.u32 s18, $0x13;
	s21 =	sshll.u32 s18, $0x14  }
0xb: {  	[dreg:$0x9] =	wrdreg s11;
	s3 =	sshll.u32 s18, $0x7;
	s18 =	simm.s32 $0x40  }
0xc: {  	s19 =	sand.u32 $0x3, s17;
	s5 =	sshrl.u32 s2, $0x1;
	p0 =	sne.s32 s17, $0x0  }
0xd: {  	s17 =	simm.s32 $0x4400;
	s8 =	sshll.u32 s19, $0x8;
	s22 =	sshll.u32 s19, $0x9  }
0xe: {  	v0 =	vlaneseq.u32;
	s23 =	ssub.s32 s2, s5;
	s25 =	sshll.u32 s19, $0x13;
	s26 =	sshll.u32 s19, $0x7  }
0xf: {  	v1 =	vmul.u32 $0x208, v0;
	s19 =	simm.s32 $0x1000;
	s5 =	simm.s32 $0x2200;
	s9 =	sor.u32 s7, s8  }
0x10: {  	v2 =	vmul.u32 $0x88, v0;
	s7 =	sor.u32 s21, s22;
	s2 =	sor.u32 s3, s25;
	[dreg:$0xd] =	wrdreg s26  }
0x11: {  	v3 =	vadd.s32 $0x80, v1;
	v4 =	vadd.s32 $0x100, v1;
	v5 =	vadd.s32 $0x180, v1;
	s0 =	smax.u32 s23, $0x1;
	s22 =	simm.s32 $0x16800;
	[dreg:$0x8] =	wrdreg s9  }
0x12: {  	v6 =	vadd.s32 $0x880, v2;
	v7 =	vadd.s32 $0x2080, v1;
	v8 =	vadd.s32 $0x2100, v1;
	s23 =	simm.s32 $0x17800;
	s25 =	simm.s32 $0x19800;
	[dreg:$0xa] =	wrdreg s7  }
0x13: {  	v9 =	vadd.s32 $0x2180, v1;
	v10 =	vadd.s32 $0x2200, v1;
	v11 =	vadd.s32 $0x1100, v2;
	s26 =	simm.s32 $0x1A800;
	s3 =	simm.s32 $0x0;
	[dreg:$0xb] =	wrdreg s2  }
0x14: {  	v12 =	vadd.s32 $0x4100, v1;
	v13 =	vadd.s32 $0x4180, v1;
	v14 =	vadd.s32 $0x4200, v1;
	s9 =	sshrl.u32 s9, $0x3;
	s24 =	sshrl.u32 s7, $0x3;
	[dreg:$0xc] =	wrdreg s0  }
0x15: {  	v15 =	vadd.s32 $0x4280, v1;
	v16 =	vadd.s32 $0x1980, v2;
	v17 =	vadd.s32 $0x6180, v1;
	s0 =	simm.s32 $0x3;
	s2 =	simm.s32 $0xC600;
	s7 =	simm.s32 $0x4  }
0x16: {  	v18 =	vadd.s32 $0x6200, v1;
	v19 =	vadd.s32 $0x6280, v1;
	v20 =	vadd.s32 $0x6300, v1;
	s11 =	sadd.s32 s9, s11;
	s12 =	sadd.s32 s10, s24;
	s24 =	simm.s32 $0x18800  }
.LBB2_1:
0x17: {  	v21 =	vor.u32 s6, v0  }
0x18: {  	v21 =	vcvt.s32.f32 v21;
	_ =	sdelay $0x1  }
0x19: {  	v21 =	vmul.f32 $2.001956940e+00, v21  }
0x1a: {  	s1 =	simm.s32 $0x10  }
0x1b: {  	v22 =	vor.u32 s1, v0;
	v21 =	vtrunc.f32 v21  }
0x1c: {  	v22 =	vcvt.s32.f32 v22;
	v21 =	vcvt.f32.s32 v21;
	_ =	sdelay $0x1  }
0x1d: {  	v22 =	vmul.f32 $2.001956940e+00, v22;
	v21 =	vcvt.s32.f32 v21  }
0x1e: {  	s1 =	simm.s32 $0x1E800  }
0x1f: {  	[dreg:$0xe] =	wrdreg s3;
	s3 =	simm.s32 $0x20;
	[tilespmem:s1+$0x0] =	vst v21;
	v21 =	vtrunc.f32 v22  }
.LBB2_2:
0x20: {  	v22 =	vor.u32 s3, v0;
	p1 =	sne.s32 s3, $0x1F0;
	s3 =	sadd.s32 $0x10, s3;
	v21 =	vcvt.f32.s32 v21  }
.Ltmp0:
0x21: {  	v22 =	vcvt.s32.f32 v22;
	(pc) =	sbr.rel @p1 .LBB2_2-.Ltmp0, $4  }
0x22: {  	v21 =	vcvt.s32.f32 v21  }
0x23: {  	s1 =	sadd.s32 $0x10, s1;
	v22 =	vmul.f32 $2.001956940e+00, v22  }
0x24: {  	[tilespmem:s1+$0x0] =	vst v21  }
0x25: {  	v21 =	vtrunc.f32 v22  }
0x26: {  	s4 =	rddreg [dreg:$0xd]  }
0x27: {  	p2 =	por $0x1, $0x1;
	v22 =	vmov s4  }
.Ltmp1:
0x28: {  	v21 =	vcvt.f32.s32 v21;
	v22 =	vcvt.s32.f32 v22;
	(pc) =	sbr.rel @!p2 .LBB2_4-.Ltmp1, $4  }
0x29: {  	_ = 	snop  }
0x2a: {  	v21 =	vcvt.s32.f32 v21;
	v22 =	vmul.f32 $2.001956940e+00, v22  }
0x2b: {  	s3 =	sadd.s32 $0x10, s1;
	s1 =	simm.s32 $0x0  }
0x2c: {  	p1 =	por $0x0, $0x0;
	s8 =	sadd.s32 $0x1, s4;
	[tilespmem:s3+$0x0] =	vst v21;
	s3 =	simm.s32 $0x40;
	v21 =	vtrunc.f32 v22  }
0x2d: {  	v22 =	vmov s8;
	v21 =	vcvt.f32.s32 v21;
	p2 =	por $0x1, $0x1  }
.Ltmp2:
0x2e: {  	v22 =	vcvt.s32.f32 v22;
	(pc) =	sbr.rel @!p2 .LBB2_7-.Ltmp2, $4  }
0x2f: {  	v21 =	vcvt.s32.f32 v21  }
0x30: {  	v23 =	vmul.f32 $2.001956940e+00, v22  }
0x31: {  	s4 =	simm.s32 $0x80;
	v22 =	vbroadcast v21, $0x0  }
0x32: {  	s8 =	sadd.s32 $0x1, s8;
	s9 =	simm.s32 $0x0;
	p1 =	por $0x1, $0x1;
	v21 =	vtrunc.f32 v23  }
.LBB2_6:
0x33: {  	v23 =	vmov s8;
	p2 =	sne.s32 s4, $0x1FC0;
	v21 =	vcvt.f32.s32 v21;
	[tilespmem:s9+$0x1EA00] =	vst v22;
	s10 =	smov.u32 s4;
	s4 =	sadd.s32 $0x40, s4  }
.Ltmp3:
0x34: {  	v22 =	vcvt.s32.f32 v23;
	(pc) =	sbr.rel @p2 .LBB2_6-.Ltmp3, $4  }
0x35: {  	v21 =	vcvt.s32.f32 v21  }
0x36: {  	v23 =	vmul.f32 $2.001956940e+00, v22  }
0x37: {  	v22 =	vbroadcast v21, $0x0  }
0x38: {  	s8 =	sadd.s32 $0x1, s8;
	s9 =	sshra.s32 s3, $0x2;
	s3 =	smov.u32 s10;
	v21 =	vtrunc.f32 v23  }
.LBB2_7:
0x39: {  	v21 =	vcvt.f32.s32 v21  }
0x3a: {  	[tilespmem:s9+$0x1EA00] =	vst @p1 v22;
	p1 =	por $0x1, $0x1  }
.Ltmp4:
0x3b: {  	v21 =	vcvt.s32.f32 v21;
	(pc) =	sbr.rel @!p1 .LBB2_9-.Ltmp4, $4  }
0x3c: {  	_ = 	snop  }
0x3d: {  	v21 =	vbroadcast v21, $0x0  }
0x3e: {  	s3 =	sshra.s32 s3, $0x2  }
0x3f: {  	s8 =	sadd.s32 $0x0, s11;
	s4 =	simm.s32 $0x88;
	[tilespmem:s3+$0x1EA00] =	vst v21;
	s3 =	simm.s32 $0x80  }
.LBB2_8:
0x40: {  	[tilespmem:s1], [sflag:$0x1] =	stream.linear.gather [hbm4b:s8+s6], $0x80, $0x38;
	[tilespmem:$0x1F210] =	vst v63  }
0x41: {  	s8 =	smov.u32 s3;
	s1 =	smov.u32 s4;
	p1 =	sne.s32 s3, $0x1F80  }
.Ltmp5:
0x42: {  	s3 =	sadd.s32 $0x80, s3;
	(pc) =	sbr.rel @p1 .LBB2_8-.Ltmp5, $2  }
0x43: {  	_ =	sdelay $0x2  }
0x44: {  	s4 =	sadd.s32 $0x88, s4;
	s8 =	sadd.s32 s8, s11  }
.LBB2_9:
0x45: {  	[tilespmem:s1], [sflag:$0x1] =	stream.linear.gather [hbm4b:s8+s6], $0x80, $0x38;
	[tilespmem:$0x1F210] =	vst v63  }
0x46: {  	s1 =	simm.s32 $0x4400  }
0x47: {  	s3 =	simm.s32 $0x100;
	s8 =	sadd.s32 $0x0, s12;
	s4 =	simm.s32 $0x4608  }
.LBB2_10:
0x48: {  	[tilespmem:s1], [sflag:$0x1] =	stream.linear.gather [hbm4b:s8+s6], $0x200, $0x38;
	[tilespmem:$0x1F210] =	vst v63  }
0x49: {  	s8 =	smov.u32 s3;
	s1 =	smov.u32 s4;
	p1 =	sne.s32 s3, $0x3F00  }
.Ltmp6:
0x4a: {  	s3 =	sadd.s32 $0x100, s3;
	(pc) =	sbr.rel @p1 .LBB2_10-.Ltmp6, $2  }
0x4b: {  	_ =	sdelay $0x2  }
0x4c: {  	s4 =	sadd.s32 $0x208, s4;
	s8 =	sadd.s32 s8, s12  }
0x4d: {  	[tilespmem:s1], [sflag:$0x1] =	stream.linear.gather [hbm4b:s8+s6], $0x200, $0x38;
	[tilespmem:$0x1F210] =	vst v63  }
0x4e: {  	s1 =	simm.s32 @!p0 $0x0;
	s3 =	simm.s32 @!p0 $0x1F200;
	s4 =	rddreg [dreg:$0x2]  }
0x4f: {  	[tilespmem:s3], [sflag:$0x5] =	stream.linear.gather @!p0 [hbm4b:s4+s1], $0x10, $0x38;
	[tilespmem:$0x1F210] =	vst v63  }
0x50: {  	s4 =	simm.s32 @!p0 $0x5  }
0x51: {  	_ =	swait.ge @!p0 [sflag:s4], $0x10  }
0x52: {  	[sflag:s4] =	ssyncset.done @!p0 $0x0  }
0x53: {  	[sflag:s4] =	ssyncadd.s32 @!p0 $0xFFFFFFF0  }
0x54: {  	v21 =	vld @!p0 [tilespmem:$0x1F200];
	_ =	sdelay $0x4  }
0x55: {  	v21 =	vadd.f32 @!p0 $1.000000000e+00, v21;
	_ =	sdelay $0x1  }
0x56: {  	s8 =	rddreg [dreg:$0x7];
	[tilespmem:$0x1F200] =	vst @!p0 v21  }
0x57: {  	[hbm4b:s8+s1] =	stream.linear.scatter @!p0 [tilespmem:s3], [sflag:$0x5], $0x10, $0x38;
	[tilespmem:$0x1F210] =	vst v63  }
0x58: {  	_ =	swait.ge @!p0 [sflag:s4], $0x10  }
0x59: {  	[sflag:s4] =	ssyncset.done @!p0 $0x0  }
0x5a: {  	s15 =	simm.s32 $0x0;
	[sflag:s4] =	ssyncadd.s32 @!p0 $0xFFFFFFF0  }
.LBB2_12:
0x5b: {  	_ =	swait.ge [sflag:s16], $0x2000  }
0x5c: {  	[sflag:s16] =	ssyncset.done $0x0  }
0x5d: {  	s14 =	sshll.u32 s15, $0x7;
	[sflag:s16] =	ssyncadd.s32 $0xFFFFE000  }
0x5e: {  	s1 =	sor.u32 $0x40, s14;
	_ =	swait.ge [sflag:s16], $0x8000  }
0x5f: {  	s3 =	sshll.u32 s1, $0xA;
	s4 =	rddreg [dreg:$0x8]  }
0x60: {  	s3 =	sadd.s32 s4, s3  }
0x61: {  	s8 =	simm.s32 $0x80;
	s21 =	rddreg [dreg:$0x9];
	s3 =	sshrl.u32 s3, $0x3  }
0x62: {  	s9 =	simm.s32 $0x2288;
	[sflag:s16] =	ssyncset.done $0x0;
	s3 =	sadd.s32 s3, s21  }
0x63: {  	[sflag:s16] =	ssyncadd.s32 $0xFFFF8000;
	s4 =	simm.s32 $0x2200;
	s10 =	sadd.s32 $0x0, s3  }
.LBB2_13:
0x64: {  	[tilespmem:s4], [sflag:$0x2] =	stream.linear.gather [hbm4b:s10+s6], $0x80, $0x38;
	[tilespmem:$0x1F210] =	vst v63  }
0x65: {  	s10 =	smov.u32 s8;
	s4 =	smov.u32 s9;
	p1 =	sne.s32 s8, $0x1F80  }
.Ltmp7:
0x66: {  	s8 =	sadd.s32 $0x80, s8;
	(pc) =	sbr.rel @p1 .LBB2_13-.Ltmp7, $2  }
0x67: {  	_ =	sdelay $0x2  }
0x68: {  	s9 =	sadd.s32 $0x88, s9;
	s10 =	sadd.s32 s10, s3  }
0x69: {  	[tilespmem:s4], [sflag:$0x2] =	stream.linear.gather [hbm4b:s10+s6], $0x80, $0x38;
	[tilespmem:$0x1F210] =	vst v63  }
0x6a: {  	s3 =	sshll.u32 s1, $0xB;
	s13 =	rddreg [dreg:$0xa]  }
0x6b: {  	s3 =	sadd.s32 s13, s3  }
0x6c: {  	s21 =	rddreg [dreg:$0x1];
	s3 =	sshrl.u32 s3, $0x3  }
0x6d: {  	s4 =	simm.s32 $0xC600;
	s3 =	sadd.s32 s21, s3  }
0x6e: {  	s8 =	simm.s32 $0x100;
	s9 =	simm.s32 $0xC808;
	s10 =	sadd.s32 $0x0, s3  }
.LBB2_15:
0x6f: {  	[tilespmem:s4], [sflag:$0x2] =	stream.linear.gather [hbm4b:s10+s6], $0x200, $0x38;
	[tilespmem:$0x1F210] =	vst v63  }
0x70: {  	s10 =	smov.u32 s8;
	s4 =	smov.u32 s9;
	p1 =	sne.s32 s8, $0x3F00  }
.Ltmp8:
0x71: {  	s8 =	sadd.s32 $0x100, s8;
	(pc) =	sbr.rel @p1 .LBB2_15-.Ltmp8, $2  }
0x72: {  	_ =	sdelay $0x2  }
0x73: {  	s9 =	sadd.s32 $0x208, s9;
	s10 =	sadd.s32 s10, s3  }
0x74: {  	[tilespmem:s4], [sflag:$0x2] =	stream.linear.gather [hbm4b:s10+s6], $0x200, $0x38;
	[tilespmem:$0x1F210] =	vst v63  }
0x75: {  	p1 =	seq.s32 s15, $0x0  }
0x76: {  	s3 =	simm.s32 @!p1 $0x3  }
0x77: {  	s21 =	simm.s32 $0x1;
	_ =	swait.ge @!p1 [sflag:s3], $0x5000  }
0x78: {  	v21 =	vmov s21;
	[sflag:s3] =	ssyncset.done @!p1 $0x0  }
0x79: {  	v27 =	vand.u32 $0x3F, v21;
	[sflag:s3] =	ssyncadd.s32 @!p1 $0xFFFFB000  }
0x7a: {  	v21 =	vadd.s32 v1, v27;
	_ =	swait.ge @!p1 [sflag:s3], $0x5000  }
0x7b: {  	s8 =	simm.s32 $0x0;
	v22 =	vadd.s32 v3, v27;
	[sflag:s3] =	ssyncset.done @!p1 $0x0  }
0x7c: {  	v23 =	vmov s8;
	v25 =	vadd.s32 v4, v27;
	[sflag:s3] =	ssyncadd.s32 @!p1 $0xFFFFB000  }
0x7d: {  	s9 =	simm.s32 $0x1EA10;
	v24 =	vand.u32 $0x3E, v23;
	v26 =	vadd.s32 v5, v27;
	v23 =	vld [tilespmem:s14+$0x1E800]  }
0x7e: {  	v28 =	vld [tilespmem:s9+$0x0]  }
0x7f: {  	v31 =	vld.idx.msk [tilespmem:v21+s17+$0x0], $0xffff  }
0x80: {  	v22 =	vld.idx.msk [tilespmem:v22+s17+$0x0], $0xffff  }
0x81: {  	v29 =	vadd.s32 v3, v24;
	v25 =	vld.idx.msk [tilespmem:v25+s17+$0x0], $0xffff  }
0x82: {  	v30 =	vadd.s32 v1, v24;
	v26 =	vld.idx.msk [tilespmem:v26+s17+$0x0], $0xffff  }
0x83: {  	v33 =	vadd.s32 v5, v24  }
0x84: {  	v35 =	vadd.s32 v2, v27  }
0x85: {  	v21 =	vadd.s32 v4, v24  }
0x86: {  	v29 =	vld.idx.msk [tilespmem:v29+s17+$0x0], $0xffff;
	v32 =	vadd.f32 $1.100000000e+01, v28;
	v31 =	vmul.f32 $1.200000000e+01, v31;
	v25 =	vmul.f32 $1.200000000e+01, v25  }
0x87: {  	v30 =	vld.idx.msk [tilespmem:v30+s17+$0x0], $0xffff;
	v36 =	vadd.f32 $1.100000000e+01, v23;
	v22 =	vmul.f32 $1.200000000e+01, v22;
	v26 =	vmul.f32 $1.200000000e+01, v26  }
0x88: {  	v33 =	vld.idx.msk [tilespmem:v33+s17+$0x0], $0xffff;
	v31 =	vadd.f32 v31, v28;
	v25 =	vadd.f32 v25, v32  }
0x89: {  	v56 =	vld.idx.msk [tilespmem:v35+s6+$0x0], $0xffff;
	v38 =	vadd.f32 v22, v23;
	v26 =	vadd.f32 v26, v36  }
0x8a: {  	v34 =	vld.idx.msk [tilespmem:v21+s17+$0x0], $0xffff;
	v25 =	vsub.f32 v25, v31  }
0x8b: {  	v37 =	vadd.s32 v2, v24;
	v21 =	vld [tilespmem:s9+$0xFFFFFFF0];
	v29 =	vmul.f32 $1.200000000e+01, v29;
	v26 =	vsub.f32 v26, v38  }
0x8c: {  	v61 =	vadd.s32 v7, v27;
	v30 =	vmul.f32 $1.200000000e+01, v30;
	v57 =	vmul.f32 $5.000000000e-01, v25  }
0x8d: {  	v33 =	vmul.f32 $1.200000000e+01, v33;
	v25 =	vmax.f32 v25, v26;
	v26 =	vmul.f32 $5.000000000e-01, v26  }
0x8e: {  	v23 =	vadd.f32 v29, v23;
	v58 =	vmul.f32 $5.000000000e-01, v25;
	v31 =	vadd.f32 v57, v31  }
0x8f: {  	vm0 =	vge.f32 v56, $6.000000240e-01;
	v33 =	vadd.f32 v33, v36;
	v26 =	vadd.f32 v26, v38  }
0x90: {  	v29 =	vmul.f32 $1.200000000e+01, v34;
	v22 =	vadd.f32 $1.100000000e+01, v21;
	v31 =	vsub.f32 v31, v58  }
0x91: {  	s13 =	simm.s32 $0x14800;
	v30 =	vadd.f32 v30, v21;
	v34 =	vnsel vm0, $0x0, v56;
	v26 =	vsub.f32 v26, v58  }
0x92: {  	[tilespmem:s13+$0x4040] =	vst v34;
	v29 =	vadd.f32 v29, v22;
	v60 =	vnsel vm0, $0x0, v31;
	v31 =	vadd.f32 v31, v25  }
0x93: {  	v40 =	vadd.s32 v9, v27;
	v62 =	vnsel vm0, $0x0, v26;
	v25 =	vadd.f32 v26, v25;
	[tilespmem:s13+$0x40] =	vst v60  }
0x94: {  	v33 =	vsub.f32 v33, v23;
	v29 =	vsub.f32 v29, v30;
	[tilespmem:s13+$0x1040] =	vst v62;
	v31 =	vnsel vm0, $0x0, v31  }
0x95: {  	v37 =	vld.idx.msk [tilespmem:v37+s6+$0x0], $0xffff;
	v26 =	vadd.s32 v8, v27;
	v25 =	vnsel vm0, $0x0, v25;
	[tilespmem:s13+$0x2040] =	vst v31  }
0x96: {  	v63 =	vmul.f32 $5.000000000e-01, v33;
	v59 =	vmul.f32 $5.000000000e-01, v29;
	v31 =	vadd.s32 v10, v27;
	[tilespmem:s13+$0x3040] =	vst v25  }
0x97: {  	v29 =	vmax.f32 v29, v33;
	v25 =	vld.idx.msk [tilespmem:v61+s17+$0x0], $0xffff  }
0x98: {  	v23 =	vadd.f32 v63, v23;
	v33 =	vmul.f32 $5.000000000e-01, v29;
	v30 =	vadd.f32 v59, v30;
	v42 =	vld.idx.msk [tilespmem:v40+s17+$0x0], $0xffff  }
0x99: {  	v46 =	vld [tilespmem:s14+$0x1E810]  }
0x9a: {  	vm0 =	vge.f32 v37, $6.000000240e-01;
	v23 =	vsub.f32 v23, v33;
	v30 =	vsub.f32 v30, v33;
	v26 =	vld.idx.msk [tilespmem:v26+s17+$0x0], $0xffff  }
0x9b: {  	v43 =	vadd.s32 v7, v24;
	v41 =	vnsel vm0, $0x0, v37;
	v31 =	vld.idx.msk [tilespmem:v31+s17+$0x0], $0xffff  }
0x9c: {  	[tilespmem:s13+$0x4000] =	vst v41;
	v44 =	vnsel vm0, $0x0, v30;
	v30 =	vadd.f32 v30, v29;
	v29 =	vadd.f32 v23, v29  }
0x9d: {  	v45 =	vadd.s32 v8, v24;
	v23 =	vnsel vm0, $0x0, v23;
	[tilespmem:s13+$0x0] =	vst v44  }
0x9e: {  	v47 =	vadd.s32 v9, v24;
	[tilespmem:s13+$0x1000] =	vst v23;
	v23 =	vnsel vm0, $0x0, v30;
	v29 =	vnsel vm0, $0x0, v29  }
0x9f: {  	[tilespmem:s13+$0x3000] =	vst v29;
	v29 =	vadd.s32 v6, v27;
	v25 =	vmul.f32 $1.200000000e+01, v25;
	v33 =	vmul.f32 $1.200000000e+01, v42  }
0xa0: {  	[tilespmem:s13+$0x2000] =	vst v23;
	v49 =	vadd.f32 $1.100000000e+01, v46;
	v26 =	vmul.f32 $1.200000000e+01, v26;
	v31 =	vmul.f32 $1.200000000e+01, v31  }
0xa1: {  	v30 =	vld.idx.msk [tilespmem:v43+s17+$0x0], $0xffff;
	v25 =	vadd.f32 v25, v28;
	v33 =	vadd.f32 v33, v32  }
0xa2: {  	v48 =	vld.idx.msk [tilespmem:v45+s17+$0x0], $0xffff;
	v26 =	vadd.f32 v26, v46;
	v31 =	vadd.f32 v31, v49  }
0xa3: {  	v23 =	vadd.s32 v10, v24;
	v37 =	vld.idx.msk [tilespmem:v47+s17+$0x0], $0xffff;
	v33 =	vsub.f32 v33, v25  }
0xa4: {  	v29 =	vld.idx.msk [tilespmem:v29+s6+$0x0], $0xffff;
	v31 =	vsub.f32 v31, v26  }
0xa5: {  	v51 =	vadd.s32 v6, v24;
	v52 =	vmul.f32 $5.000000000e-01, v33  }
0xa6: {  	v55 =	vadd.s32 v13, v27;
	v33 =	vmax.f32 v33, v31;
	v31 =	vmul.f32 $5.000000000e-01, v31  }
0xa7: {  	v56 =	vadd.s32 v14, v27;
	v50 =	vld [tilespmem:s14+$0x1E810];
	v25 =	vadd.f32 v52, v25;
	v39 =	vmul.f32 $5.000000000e-01, v33  }
0xa8: {  	v23 =	vld.idx.msk [tilespmem:v23+s17+$0x0], $0xffff;
	v30 =	vmul.f32 $1.200000000e+01, v30;
	v35 =	vmul.f32 $1.200000000e+01, v48;
	v26 =	vadd.f32 v31, v26  }
0xa9: {  	v37 =	vmul.f32 $1.200000000e+01, v37;
	vm0 =	vge.f32 v29, $6.000000240e-01;
	v25 =	vsub.f32 v25, v39  }
0xaa: {  	v30 =	vadd.f32 v30, v21;
	v29 =	vnsel vm0, $0x0, v29;
	v26 =	vsub.f32 v26, v39  }
0xab: {  	[tilespmem:s13+$0x4050] =	vst v29;
	v29 =	vadd.s32 v12, v27;
	v53 =	vnsel vm0, $0x0, v25;
	v25 =	vadd.f32 v25, v33  }
0xac: {  	v37 =	vadd.f32 v37, v22;
	[tilespmem:s13+$0x50] =	vst v53;
	v54 =	vnsel vm0, $0x0, v26;
	v26 =	vadd.f32 v26, v33  }
0xad: {  	v23 =	vmul.f32 $1.200000000e+01, v23;
	v31 =	vadd.f32 $1.100000000e+01, v50;
	[tilespmem:s13+$0x1050] =	vst v54;
	v25 =	vnsel vm0, $0x0, v25  }
0xae: {  	v34 =	vadd.f32 v35, v50;
	v57 =	vsub.f32 v37, v30;
	[tilespmem:s13+$0x2050] =	vst v25;
	v25 =	vnsel vm0, $0x0, v26  }
0xaf: {  	v23 =	vadd.f32 v23, v31;
	v31 =	vld.idx.msk [tilespmem:v51+s6+$0x0], $0xffff;
	v26 =	vadd.s32 v15, v27;
	[tilespmem:s13+$0x3050] =	vst v25  }
0xb0: {  	v25 =	vld.idx.msk [tilespmem:v29+s17+$0x0], $0xffff  }
0xb1: {  	v23 =	vsub.f32 v23, v34;
	v29 =	vmul.f32 $5.000000000e-01, v57;
	v33 =	vld.idx.msk [tilespmem:v55+s17+$0x0], $0xffff  }
0xb2: {  	v59 =	vadd.s32 v12, v24;
	v60 =	vadd.s32 v13, v24;
	v35 =	vld.idx.msk [tilespmem:v56+s17+$0x0], $0xffff  }
0xb3: {  	v36 =	vmax.f32 v57, v23;
	v23 =	vmul.f32 $5.000000000e-01, v23;
	v29 =	vadd.f32 v29, v30;
	v30 =	vld [tilespmem:s14+$0x1E820]  }
0xb4: {  	s10 =	simm.s32 $0x2;
	v61 =	vadd.s32 v14, v24;
	v40 =	vadd.s32 v11, v27;
	v58 =	vmul.f32 $5.000000000e-01, v36;
	v26 =	vld.idx.msk [tilespmem:v26+s17+$0x0], $0xffff  }
0xb5: {  	v45 =	vmov s10;
	v47 =	vadd.s32 v11, v24;
	v23 =	vadd.f32 v23, v34  }
0xb6: {  	v54 =	vadd.s32 v17, v27;
	vm0 =	vge.f32 v31, $6.000000240e-01;
	v29 =	vsub.f32 v29, v58  }
0xb7: {  	v31 =	vnsel vm0, $0x0, v31;
	v23 =	vsub.f32 v23, v58;
	v25 =	vmul.f32 $1.200000000e+01, v25  }
0xb8: {  	v35 =	vmul.f32 $1.200000000e+01, v35;
	v33 =	vmul.f32 $1.200000000e+01, v33;
	v62 =	vadd.f32 v29, v36  }
0xb9: {  	v36 =	vadd.f32 v23, v36;
	v41 =	vadd.f32 $1.100000000e+01, v30;
	v26 =	vmul.f32 $1.200000000e+01, v26  }
0xba: {  	[tilespmem:s13+$0x4010] =	vst v31;
	v29 =	vnsel vm0, $0x0, v29;
	v25 =	vadd.f32 v25, v28;
	v31 =	vadd.f32 v35, v32  }
0xbb: {  	v23 =	vnsel vm0, $0x0, v23;
	[tilespmem:s13+$0x10] =	vst v29;
	v30 =	vadd.f32 v33, v30;
	v26 =	vadd.f32 v26, v41  }
0xbc: {  	v63 =	vld.idx.msk [tilespmem:v40+s6+$0x0], $0xffff;
	v55 =	vadd.s32 v18, v27;
	[tilespmem:s13+$0x1010] =	vst v23;
	v29 =	vnsel vm0, $0x0, v62;
	v31 =	vsub.f32 v31, v25  }
0xbd: {  	v57 =	vadd.s32 v20, v27;
	[tilespmem:s13+$0x2010] =	vst v29;
	v29 =	vnsel vm0, $0x0, v36;
	v26 =	vsub.f32 v26, v30  }
0xbe: {  	v23 =	vand.u32 $0x3E, v45;
	[tilespmem:s13+$0x3010] =	vst v29;
	v29 =	vadd.s32 v15, v24;
	v46 =	vmul.f32 $5.000000000e-01, v31  }
0xbf: {  	v33 =	vadd.s32 v17, v24;
	v34 =	vld.idx.msk [tilespmem:v59+s17+$0x0], $0xffff;
	v48 =	vmax.f32 v31, v26;
	v49 =	vmul.f32 $5.000000000e-01, v26  }
0xc0: {  	v42 =	vadd.s32 v2, v23;
	v37 =	vld.idx.msk [tilespmem:v60+s17+$0x0], $0xffff;
	v25 =	vadd.f32 v46, v25;
	v50 =	vmul.f32 $5.000000000e-01, v48  }
0xc1: {  	v44 =	vadd.s32 v1, v23;
	vm0 =	vge.f32 v63, $6.000000240e-01;
	v38 =	vld.idx.msk [tilespmem:v61+s17+$0x0], $0xffff;
	v40 =	vadd.f32 v49, v30  }
0xc2: {  	v36 =	vadd.s32 v20, v24;
	v35 =	vnsel vm0, $0x0, v63;
	v43 =	vld [tilespmem:s14+$0x1E820];
	v25 =	vsub.f32 v25, v50  }
0xc3: {  	[tilespmem:s13+$0x4060] =	vst v35;
	v35 =	vadd.s32 v8, v23;
	v29 =	vld.idx.msk [tilespmem:v29+s17+$0x0], $0xffff;
	v40 =	vsub.f32 v40, v50  }
0xc4: {  	v46 =	vadd.s32 v3, v23;
	v51 =	vnsel vm0, $0x0, v25;
	v25 =	vadd.f32 v25, v48  }
0xc5: {  	v26 =	vadd.s32 v16, v24;
	[tilespmem:s13+$0x60] =	vst v51;
	v53 =	vnsel vm0, $0x0, v40;
	v39 =	vadd.f32 v40, v48  }
0xc6: {  	v31 =	vadd.s32 v18, v24;
	v34 =	vmul.f32 $1.200000000e+01, v34;
	[tilespmem:s13+$0x1060] =	vst v53;
	v25 =	vnsel vm0, $0x0, v25  }
0xc7: {  	v52 =	vld.idx.msk [tilespmem:v47+s6+$0x0], $0xffff;
	v37 =	vmul.f32 $1.200000000e+01, v37;
	v56 =	vmul.f32 $1.200000000e+01, v38;
	[tilespmem:s13+$0x2060] =	vst v25;
	v25 =	vnsel vm0, $0x0, v39  }
0xc8: {  	v41 =	vld.idx.msk [tilespmem:v42+s6+$0x0], $0xffff;
	v58 =	vadd.f32 $1.100000000e+01, v43;
	v29 =	vmul.f32 $1.200000000e+01, v29;
	[tilespmem:s13+$0x3060] =	vst v25;
	v25 =	vadd.s32 v19, v27  }
0xc9: {  	s21 =	simm.s32 $0x3;
	v30 =	vadd.s32 v19, v24;
	v34 =	vadd.f32 v34, v21;
	v59 =	vadd.f32 v56, v22;
	v45 =	vld [tilespmem:s14+$0x1E830]  }
0xca: {  	v24 =	vmov s21;
	v43 =	vadd.f32 v37, v43;
	v29 =	vadd.f32 v29, v58;
	v60 =	vld.idx.msk [tilespmem:v54+s17+$0x0], $0xffff  }
0xcb: {  	v38 =	vadd.s32 v9, v23;
	v50 =	vadd.s32 v5, v23;
	v49 =	vsub.f32 v59, v34;
	v47 =	vld.idx.msk [tilespmem:v55+s17+$0x0], $0xffff  }
0xcc: {  	v24 =	vand.u32 $0x3F, v24;
	v48 =	vadd.s32 v4, v23;
	v29 =	vsub.f32 v29, v43;
	v51 =	vld.idx.msk [tilespmem:v57+s17+$0x0], $0xffff  }
0xcd: {  	v62 =	vadd.s32 v3, v24;
	vm0 =	vge.f32 v52, $6.000000240e-01;
	v61 =	vmul.f32 $5.000000000e-01, v49;
	v25 =	vld.idx.msk [tilespmem:v25+s17+$0x0], $0xffff  }
0xce: {  	v44 =	vld.idx.msk [tilespmem:v44+s17+$0x0], $0xffff;
	v40 =	vnsel vm0, $0x0, v52;
	v54 =	vadd.s32 v4, v24;
	v52 =	vmul.f32 $5.000000000e-01, v29  }
0xcf: {  	v46 =	vld.idx.msk [tilespmem:v46+s17+$0x0], $0xffff;
	v34 =	vadd.f32 v61, v34;
	v56 =	vmax.f32 v49, v29;
	v29 =	vadd.s32 v1, v24  }
0xd0: {  	v50 =	vld.idx.msk [tilespmem:v50+s17+$0x0], $0xffff;
	v57 =	vadd.s32 v5, v24;
	v55 =	vmul.f32 $5.000000000e-01, v56;
	v42 =	vadd.f32 v52, v43  }
0xd1: {  	v48 =	vld.idx.msk [tilespmem:v48+s17+$0x0], $0xffff;
	v63 =	vadd.f32 $1.100000000e+01, v45;
	v47 =	vmul.f32 $1.200000000e+01, v47;
	v51 =	vmul.f32 $1.200000000e+01, v51  }
0xd2: {  	v49 =	vld [tilespmem:s14+$0x1E800];
	v39 =	vmul.f32 $1.200000000e+01, v60;
	v34 =	vsub.f32 v34, v55;
	v53 =	vmul.f32 $1.200000000e+01, v25  }
0xd3: {  	v27 =	vadd.s32 v16, v27;
	v54 =	vld.idx.msk [tilespmem:v54+s17+$0x0], $0xffff;
	v47 =	vadd.f32 v47, v45;
	v59 =	vadd.f32 v51, v63  }
0xd4: {  	v60 =	vmul.f32 $1.200000000e+01, v46;
	v52 =	vld.idx.msk [tilespmem:v29+s17+$0x0], $0xffff;
	v29 =	vadd.f32 v39, v28;
	v28 =	vadd.f32 v53, v32  }
0xd5: {  	s10 =	simm.s32 $0x1EA30;
	v51 =	vmul.f32 $1.200000000e+01, v44;
	v44 =	vsub.f32 v42, v55;
	v55 =	vld.idx.msk [tilespmem:v57+s17+$0x0], $0xffff;
	v61 =	vsub.f32 v59, v47  }
0xd6: {  	v37 =	vadd.s32 v7, v23;
	vm1 =	vge.f32 v41, $6.000000240e-01;
	v25 =	vld [tilespmem:s10+$0x0];
	v43 =	vsub.f32 v28, v29  }
0xd7: {  	v42 =	vadd.f32 v60, v49;
	v53 =	vld.idx.msk [tilespmem:v62+s17+$0x0], $0xffff;
	v62 =	vadd.f32 v34, v56;
	v63 =	vmul.f32 $5.000000000e-01, v61  }
0xd8: {  	[tilespmem:s13+$0x4020] =	vst v40;
	v39 =	vld.idx.msk [tilespmem:v27+s6+$0x0], $0xffff;
	v45 =	vadd.f32 v44, v56;
	v34 =	vnsel vm0, $0x0, v34;
	v27 =	vmax.f32 v43, v61  }
0xd9: {  	s8 =	sshll.u32 s15, $0x1;
	s3 =	simm.s32 $0x4;
	s9 =	simm.s32 $0x14800;
	[tilespmem:s13+$0x20] =	vst v34;
	v28 =	vld [tilespmem:s10+$0xFFFFFFF0];
	v46 =	vnsel vm0, $0x0, v62;
	v47 =	vadd.f32 v63, v47;
	v32 =	vmul.f32 $5.000000000e-01, v27  }
.LBB2_17:
0xda: {  	p2 =	slt.u32 s3, $0x3E;
	v44 =	vnsel vm0, $0x0, v44;
	[tilespmem:s13+$0x2020] =	vst v46;
	v34 =	vnsel vm0, $0x0, v45;
	v40 =	vmul.f32 $5.000000000e-01, v43  }
0xdb: {  	v43 =	vmul.f32 $1.200000000e+01, v48;
	v45 =	vmul.f32 $1.200000000e+01, v50;
	[tilespmem:s13+$0x3020] =	vst v34;
	v46 =	vsub.f32 v47, v32  }
0xdc: {  	v48 =	vadd.s32 v2, v24;
	v47 =	vadd.f32 $1.100000000e+01, v49;
	v34 =	vadd.f32 $1.100000000e+01, v25;
	[tilespmem:s13+$0x1020] =	vst v44  }
0xdd: {  	v50 =	vmul.f32 $1.200000000e+01, v54;
	v44 =	vmul.f32 $1.200000000e+01, v52;
	v33 =	vld.idx.msk [tilespmem:v33+s17+$0x0], $0xffff;
	v52 =	vadd.f32 v46, v27  }
0xde: {  	v53 =	vmul.f32 $1.200000000e+01, v53;
	v54 =	vmul.f32 $1.200000000e+01, v55;
	vm0 =	vge.f32 v39, $6.000000240e-01;
	v31 =	vld.idx.msk [tilespmem:v31+s17+$0x0], $0xffff  }
0xdf: {  	v50 =	vadd.f32 v50, v34;
	v44 =	vadd.f32 v44, v25;
	v30 =	vld.idx.msk [tilespmem:v30+s17+$0x0], $0xffff;
	v52 =	vnsel vm0, $0x0, v52  }
0xe0: {  	v49 =	vadd.f32 v53, v49;
	v53 =	vadd.f32 v54, v47;
	v46 =	vnsel vm0, $0x0, v46;
	v36 =	vld.idx.msk [tilespmem:v36+s17+$0x0], $0xffff;
	[tilespmem:s13+$0x3070] =	vst v52  }
0xe1: {  	v39 =	vnsel vm0, $0x0, v39;
	v52 =	vadd.f32 $1.100000000e+01, v28;
	v50 =	vsub.f32 v50, v44;
	v48 =	vld.idx.msk [tilespmem:v48+s6+$0x0], $0xffff;
	[tilespmem:s13+$0x1070] =	vst v46  }
0xe2: {  	v41 =	vnsel vm1, $0x0, v41;
	v46 =	vadd.f32 v51, v28;
	v51 =	vsub.f32 v53, v49;
	v53 =	vld [tilespmem:s14+$0x1E830];
	[tilespmem:s13+$0x4070] =	vst v39  }
0xe3: {  	v39 =	vadd.f32 v43, v52;
	v43 =	vadd.f32 v45, v47;
	v45 =	vmul.f32 $5.000000000e-01, v50;
	v26 =	vld.idx.msk [tilespmem:v26+s6+$0x0], $0xffff  }
0xe4: {  	v33 =	vmul.f32 $1.200000000e+01, v33;
	v47 =	vmax.f32 v50, v51;
	v50 =	vmul.f32 $5.000000000e-01, v51  }
0xe5: {  	v39 =	vsub.f32 v39, v46;
	v51 =	vmul.f32 $5.000000000e-01, v47;
	v44 =	vadd.f32 v45, v44  }
0xe6: {  	v31 =	vmul.f32 $1.200000000e+01, v31;
	v43 =	vsub.f32 v43, v42;
	v45 =	vadd.f32 v50, v49  }
0xe7: {  	v49 =	vmul.f32 $5.000000000e-01, v39;
	v44 =	vsub.f32 v44, v51;
	vm2 =	vge.f32 v48, $6.000000240e-01  }
0xe8: {  	s13 =	sadd.s32 $0x80, s13;
	v50 =	vmul.f32 $5.000000000e-01, v43;
	v45 =	vsub.f32 v45, v51;
	v48 =	vnsel vm2, $0x0, v48  }
0xe9: {  	v51 =	vnsel vm2, $0x0, v44;
	v44 =	vadd.f32 v44, v47;
	[tilespmem:s13+$0x4040] =	vst v48;
	v48 =	vadd.s32 v7, v24  }
0xea: {  	[tilespmem:s13+$0x40] =	vst v51;
	v51 =	vnsel vm2, $0x0, v45;
	v45 =	vadd.f32 v45, v47;
	v47 =	vadd.s32 v8, v24  }
0xeb: {  	v39 =	vmax.f32 v39, v43;
	v43 =	vnsel vm2, $0x0, v44;
	v44 =	vadd.s32 v9, v24;
	[tilespmem:s13+$0x1040] =	vst v51  }
0xec: {  	v46 =	vadd.f32 v49, v46;
	[tilespmem:s13+$0x2040] =	vst v43;
	v43 =	vnsel vm2, $0x0, v45;
	v45 =	vadd.s32 v10, v24  }
0xed: {  	v30 =	vmul.f32 $1.200000000e+01, v30;
	v49 =	vmul.f32 $5.000000000e-01, v39;
	v42 =	vadd.f32 v50, v42;
	[tilespmem:s13+$0x3040] =	vst v43  }
0xee: {  	v33 =	vadd.f32 v33, v21;
	v21 =	vmovc v28;
	v36 =	vmul.f32 $1.200000000e+01, v36;
	v43 =	vadd.f32 $1.100000000e+01, v53;
	[tilespmem:s13+$0x4000] =	vst v41;
	v41 =	vld.idx.msk [tilespmem:v48+s17+$0x0], $0xffff  }
0xef: {  	v28 =	vsub.f32 v46, v49;
	v42 =	vsub.f32 v42, v49;
	vm2 =	vge.f32 v26, $6.000000240e-01;
	v46 =	vld.idx.msk [tilespmem:v47+s17+$0x0], $0xffff  }
0xf0: {  	v30 =	vadd.f32 v30, v22;
	v22 =	vmovc v52;
	v31 =	vadd.f32 v31, v53;
	v26 =	vnsel vm2, $0x0, v26;
	v44 =	vld.idx.msk [tilespmem:v44+s17+$0x0], $0xffff  }
0xf1: {  	v47 =	vnsel vm1, $0x0, v28;
	v28 =	vadd.f32 v28, v39;
	v39 =	vadd.f32 v42, v39;
	v45 =	vld.idx.msk [tilespmem:v45+s17+$0x0], $0xffff;
	[tilespmem:s9+$0x4030] =	vst v26  }
0xf2: {  	v30 =	vsub.f32 v30, v33;
	v36 =	vadd.f32 v36, v43;
	v26 =	vnsel vm1, $0x0, v42;
	[tilespmem:s13+$0x0] =	vst v47;
	v42 =	vld [tilespmem:s14+$0x1E810]  }
0xf3: {  	v29 =	vadd.f32 v40, v29;
	[tilespmem:s13+$0x1000] =	vst v26;
	v26 =	vnsel vm1, $0x0, v28;
	v28 =	vnsel vm1, $0x0, v39  }
0xf4: {  	v36 =	vsub.f32 v36, v31;
	v39 =	vmul.f32 $5.000000000e-01, v30;
	[tilespmem:s13+$0x2000] =	vst v26;
	v26 =	vadd.s32 v10, v23  }
0xf5: {  	v40 =	vadd.s32 v6, v24;
	v29 =	vsub.f32 v29, v32;
	[tilespmem:s13+$0x3000] =	vst v28;
	v28 =	vadd.s32 v6, v23  }
0xf6: {  	v30 =	vmax.f32 v30, v36;
	v32 =	vld.idx.msk [tilespmem:v37+s17+$0x0], $0xffff;
	v37 =	vmul.f32 $1.200000000e+01, v41;
	v41 =	vmul.f32 $1.200000000e+01, v44  }
0xf7: {  	v44 =	vmul.f32 $1.200000000e+01, v46;
	v45 =	vmul.f32 $1.200000000e+01, v45;
	v35 =	vld.idx.msk [tilespmem:v35+s17+$0x0], $0xffff;
	v43 =	vadd.f32 $1.100000000e+01, v42  }
0xf8: {  	v36 =	vmul.f32 $5.000000000e-01, v36;
	v38 =	vld.idx.msk [tilespmem:v38+s17+$0x0], $0xffff;
	v37 =	vadd.f32 v37, v25;
	v41 =	vadd.f32 v41, v34  }
0xf9: {  	v42 =	vadd.f32 v44, v42;
	v44 =	vmul.f32 $5.000000000e-01, v30;
	v26 =	vld.idx.msk [tilespmem:v26+s17+$0x0], $0xffff;
	v43 =	vadd.f32 v45, v43  }
0xfa: {  	v33 =	vadd.f32 v39, v33;
	v39 =	vnsel vm0, $0x0, v29;
	v40 =	vld.idx.msk [tilespmem:v40+s6+$0x0], $0xffff;
	v41 =	vsub.f32 v41, v37  }
0xfb: {  	v31 =	vadd.f32 v36, v31;
	v45 =	vld [tilespmem:s14+$0x1E810];
	v43 =	vsub.f32 v43, v42;
	[tilespmem:s9+$0x70] =	vst v39  }
0xfc: {  	v33 =	vsub.f32 v33, v44;
	v32 =	vmul.f32 $1.200000000e+01, v32;
	v28 =	vld.idx.msk [tilespmem:v28+s6+$0x0], $0xffff;
	v36 =	vmul.f32 $5.000000000e-01, v41  }
0xfd: {  	v35 =	vmul.f32 $1.200000000e+01, v35;
	v39 =	vmax.f32 v41, v43;
	v41 =	vmul.f32 $5.000000000e-01, v43  }
0xfe: {  	v38 =	vmul.f32 $1.200000000e+01, v38;
	v43 =	vmul.f32 $5.000000000e-01, v39;
	v36 =	vadd.f32 v36, v37  }
0xff: {  	v32 =	vadd.f32 v32, v21;
	v26 =	vmul.f32 $1.200000000e+01, v26;
	v37 =	vadd.f32 v41, v42  }
0x100: {  	vm1 =	vge.f32 v40, $6.000000240e-01;
	v41 =	vadd.f32 $1.100000000e+01, v45;
	v36 =	vsub.f32 v36, v43  }
0x101: {  	v35 =	vadd.f32 v35, v45;
	v40 =	vnsel vm1, $0x0, v40;
	v37 =	vsub.f32 v37, v43  }
0x102: {  	v42 =	vnsel vm1, $0x0, v36;
	v36 =	vadd.f32 v36, v39;
	[tilespmem:s13+$0x4050] =	vst v40;
	v40 =	vadd.s32 v12, v24  }
0x103: {  	[tilespmem:s13+$0x50] =	vst v42;
	v42 =	vnsel vm1, $0x0, v37;
	v37 =	vadd.f32 v37, v39;
	v39 =	vadd.s32 v13, v24  }
0x104: {  	v38 =	vadd.f32 v38, v22;
	[tilespmem:s13+$0x1050] =	vst v42;
	v36 =	vnsel vm1, $0x0, v36;
	v42 =	vadd.s32 v14, v24  }
0x105: {  	v26 =	vadd.f32 v26, v41;
	[tilespmem:s13+$0x2050] =	vst v36;
	v36 =	vnsel vm1, $0x0, v37;
	v37 =	vadd.s32 v15, v24  }
0x106: {  	v31 =	vsub.f32 v31, v44;
	v38 =	vsub.f32 v38, v32;
	vm1 =	vge.f32 v28, $6.000000240e-01;
	[tilespmem:s13+$0x3050] =	vst v36  }
0x107: {  	v27 =	vadd.f32 v29, v27;
	v26 =	vsub.f32 v26, v35;
	v28 =	vnsel vm1, $0x0, v28;
	v36 =	vld.idx.msk [tilespmem:v40+s17+$0x0], $0xffff  }
0x108: {  	v29 =	vmul.f32 $5.000000000e-01, v38;
	[tilespmem:s13+$0x4010] =	vst v28;
	v28 =	vld.idx.msk [tilespmem:v39+s17+$0x0], $0xffff;
	v39 =	vadd.f32 v33, v30;
	v30 =	vadd.f32 v31, v30  }
0x109: {  	v27 =	vnsel vm0, $0x0, v27;
	v38 =	vmax.f32 v38, v26;
	v26 =	vmul.f32 $5.000000000e-01, v26;
	v40 =	vld.idx.msk [tilespmem:v42+s17+$0x0], $0xffff  }
0x10a: {  	v29 =	vadd.f32 v29, v32;
	v41 =	vmul.f32 $5.000000000e-01, v38;
	v32 =	vld.idx.msk [tilespmem:v37+s17+$0x0], $0xffff;
	v37 =	vnsel vm2, $0x0, v39;
	[tilespmem:s9+$0x2070] =	vst v27  }
0x10b: {  	v26 =	vadd.f32 v26, v35;
	v33 =	vnsel vm2, $0x0, v33;
	v30 =	vnsel vm2, $0x0, v30;
	v27 =	vld [tilespmem:s14+$0x1E820];
	[tilespmem:s9+$0x2030] =	vst v37  }
0x10c: {  	v35 =	vadd.s32 v12, v23;
	v31 =	vnsel vm2, $0x0, v31;
	v29 =	vsub.f32 v29, v41;
	[tilespmem:s9+$0x3030] =	vst v30  }
0x10d: {  	v26 =	vsub.f32 v26, v41;
	v37 =	vadd.s32 v14, v23;
	v30 =	vadd.s32 v13, v23;
	[tilespmem:s9+$0x30] =	vst v33  }
0x10e: {  	v39 =	vadd.s32 v11, v24;
	v33 =	vnsel vm1, $0x0, v29;
	v29 =	vadd.f32 v29, v38;
	[tilespmem:s9+$0x1030] =	vst v31;
	s9 =	smov.u32 s13  }
0x10f: {  	v31 =	vadd.f32 v26, v38;
	[tilespmem:s13+$0x10] =	vst v33;
	v33 =	vmul.f32 $1.200000000e+01, v36;
	v36 =	vmul.f32 $1.200000000e+01, v40  }
0x110: {  	v28 =	vmul.f32 $1.200000000e+01, v28;
	v32 =	vmul.f32 $1.200000000e+01, v32;
	v38 =	vadd.f32 $1.100000000e+01, v27  }
0x111: {  	v29 =	vnsel vm1, $0x0, v29;
	v40 =	vadd.f32 v33, v25;
	v33 =	vadd.f32 v36, v34  }
0x112: {  	v27 =	vadd.f32 v28, v27;
	[tilespmem:s13+$0x2010] =	vst v29;
	v29 =	vnsel vm1, $0x0, v31;
	v28 =	vadd.f32 v32, v38  }
0x113: {  	v26 =	vnsel vm1, $0x0, v26;
	[tilespmem:s13+$0x3010] =	vst v29;
	v29 =	vadd.s32 v15, v23;
	v32 =	vld.idx.msk [tilespmem:v39+s6+$0x0], $0xffff;
	v31 =	vsub.f32 v33, v40  }
0x114: {  	v33 =	vmov s3;
	[tilespmem:s13+$0x1010] =	vst v26;
	v28 =	vsub.f32 v28, v27  }
0x115: {  	v36 =	vadd.s32 v11, v23;
	v38 =	vand.u32 $0x3E, v33;
	v35 =	vld.idx.msk [tilespmem:v35+s17+$0x0], $0xffff;
	v39 =	vmul.f32 $5.000000000e-01, v31  }
0x116: {  	v26 =	vadd.s32 v16, v23;
	v41 =	vld.idx.msk [tilespmem:v30+s17+$0x0], $0xffff;
	v42 =	vmax.f32 v31, v28;
	v28 =	vmul.f32 $5.000000000e-01, v28  }
0x117: {  	v33 =	vadd.s32 v17, v23;
	v37 =	vld.idx.msk [tilespmem:v37+s17+$0x0], $0xffff;
	v43 =	vmul.f32 $5.000000000e-01, v42;
	v39 =	vadd.f32 v39, v40  }
0x118: {  	v31 =	vadd.s32 v18, v23;
	v30 =	vadd.s32 v19, v23;
	v29 =	vld.idx.msk [tilespmem:v29+s17+$0x0], $0xffff;
	v27 =	vadd.f32 v28, v27  }
0x119: {  	v28 =	vadd.s32 v2, v38;
	vm0 =	vge.f32 v32, $6.000000240e-01;
	v40 =	vld [tilespmem:s14+$0x1E820];
	v39 =	vsub.f32 v39, v43  }
0x11a: {  	v44 =	vadd.s32 v1, v38;
	v32 =	vnsel vm0, $0x0, v32;
	v36 =	vld.idx.msk [tilespmem:v36+s6+$0x0], $0xffff;
	v27 =	vsub.f32 v27, v43  }
0x11b: {  	v35 =	vmul.f32 $1.200000000e+01, v35;
	v43 =	vnsel vm0, $0x0, v39;
	v39 =	vadd.f32 v39, v42;
	[tilespmem:s13+$0x4060] =	vst v32  }
0x11c: {  	[tilespmem:s13+$0x60] =	vst v43;
	v32 =	vnsel vm0, $0x0, v27;
	v27 =	vadd.f32 v27, v42;
	v42 =	vadd.s32 v17, v24  }
0x11d: {  	v41 =	vmul.f32 $1.200000000e+01, v41;
	[tilespmem:s13+$0x1060] =	vst v32;
	v32 =	vnsel vm0, $0x0, v39;
	v39 =	vadd.s32 v18, v24  }
0x11e: {  	v37 =	vmul.f32 $1.200000000e+01, v37;
	[tilespmem:s13+$0x2060] =	vst v32;
	v27 =	vnsel vm0, $0x0, v27;
	v32 =	vadd.s32 v20, v24  }
0x11f: {  	v29 =	vmul.f32 $1.200000000e+01, v29;
	v43 =	vadd.f32 $1.100000000e+01, v40;
	[tilespmem:s13+$0x3060] =	vst v27;
	v27 =	vadd.s32 v19, v24  }
0x120: {  	v45 =	vadd.f32 v35, v21;
	v40 =	vadd.f32 v41, v40;
	vm0 =	vge.f32 v36, $6.000000240e-01;
	v46 =	vld [tilespmem:s14+$0x1E830]  }
0x121: {  	v35 =	vadd.f32 v37, v22;
	v29 =	vadd.f32 v29, v43;
	v36 =	vnsel vm0, $0x0, v36;
	v42 =	vld.idx.msk [tilespmem:v42+s17+$0x0], $0xffff  }
0x122: {  	v43 =	vadd.s32 v3, v38;
	[tilespmem:s13+$0x4020] =	vst v36;
	v36 =	vadd.s32 v20, v23;
	v39 =	vld.idx.msk [tilespmem:v39+s17+$0x0], $0xffff;
	v23 =	vmov v38  }
0x123: {  	v48 =	vsub.f32 v35, v45;
	v29 =	vsub.f32 v29, v40;
	v47 =	vadd.s32 v4, v23;
	v32 =	vld.idx.msk [tilespmem:v32+s17+$0x0], $0xffff  }
0x124: {  	s4 =	sadd.s32 $0x1, s3;
	v49 =	vadd.s32 v5, v23;
	v37 =	vadd.s32 v7, v23;
	v35 =	vadd.s32 v8, v23;
	v27 =	vld.idx.msk [tilespmem:v27+s17+$0x0], $0xffff  }
0x125: {  	v50 =	vmul.f32 $5.000000000e-01, v48;
	v51 =	vmul.f32 $5.000000000e-01, v29;
	v41 =	vld.idx.msk [tilespmem:v28+s6+$0x0], $0xffff;
	v28 =	vmov s4  }
0x126: {  	v38 =	vadd.s32 v9, v23;
	v56 =	vmax.f32 v48, v29;
	v44 =	vld.idx.msk [tilespmem:v44+s17+$0x0], $0xffff;
	v28 =	vand.u32 $0x3F, v28  }
0x127: {  	v45 =	vadd.f32 v50, v45;
	v40 =	vadd.f32 v51, v40;
	v43 =	vld.idx.msk [tilespmem:v43+s17+$0x0], $0xffff;
	v29 =	vadd.s32 v1, v28  }
0x128: {  	v55 =	vmul.f32 $5.000000000e-01, v56;
	v54 =	vadd.s32 v4, v28;
	v48 =	vld.idx.msk [tilespmem:v47+s17+$0x0], $0xffff;
	v47 =	vadd.s32 v3, v28  }
0x129: {  	v51 =	vadd.f32 $1.100000000e+01, v46;
	v39 =	vmul.f32 $1.200000000e+01, v39;
	v32 =	vmul.f32 $1.200000000e+01, v32;
	v50 =	vld.idx.msk [tilespmem:v49+s17+$0x0], $0xffff  }
0x12a: {  	s10 =	sadd.s32 $0x20, s10;
	v42 =	vmul.f32 $1.200000000e+01, v42;
	v57 =	vadd.s32 v5, v28;
	v27 =	vmul.f32 $1.200000000e+01, v27;
	v49 =	vld [tilespmem:s14+$0x1E800]  }
0x12b: {  	v59 =	vadd.s32 v16, v24;
	v24 =	vmovc v28;
	v60 =	vadd.f32 v39, v46;
	v32 =	vadd.f32 v32, v51;
	v58 =	vld [tilespmem:s10+$0x0]  }
0x12c: {  	vm1 =	vge.f32 v41, $6.000000240e-01;
	v52 =	vld.idx.msk [tilespmem:v29+s17+$0x0], $0xffff;
	v29 =	vadd.f32 v42, v25;
	v25 =	vadd.f32 v27, v34  }
.Ltmp9:
0x12d: {  	v28 =	vsub.f32 v45, v55;
	v27 =	vmul.f32 $1.200000000e+01, v43;
	v32 =	vsub.f32 v32, v60;
	v53 =	vld.idx.msk [tilespmem:v47+s17+$0x0], $0xffff;
	(pc) =	sbr.rel @p2 .LBB2_17-.Ltmp9, $4  }
0x12e: {  	v51 =	vmul.f32 $1.200000000e+01, v44;
	v44 =	vsub.f32 v40, v55;
	v54 =	vld.idx.msk [tilespmem:v54+s17+$0x0], $0xffff;
	v43 =	vsub.f32 v25, v29  }
0x12f: {  	v34 =	vadd.f32 v28, v56;
	v40 =	vmul.f32 $5.000000000e-01, v32;
	v42 =	vadd.f32 v27, v49;
	v55 =	vld.idx.msk [tilespmem:v57+s17+$0x0], $0xffff  }
0x130: {  	v46 =	vnsel vm0, $0x0, v28;
	v45 =	vadd.f32 v44, v56;
	v39 =	vld.idx.msk [tilespmem:v59+s6+$0x0], $0xffff;
	v27 =	vmax.f32 v43, v32;
	v25 =	vmovc v58  }
0x131: {  	s3 =	sadd.s32 $0x2, s3;
	v47 =	vadd.f32 v40, v60;
	v28 =	vld [tilespmem:s10+$0xFFFFFFF0];
	[tilespmem:s13+$0x20] =	vst v46;
	v46 =	vnsel vm0, $0x0, v34;
	v32 =	vmul.f32 $5.000000000e-01, v27  }
0x132: {  	v40 =	vadd.f32 $1.100000000e+01, v25  }
0x133: {  	v34 =	vmul.f32 $1.200000000e+01, v52;
	v58 =	vadd.s32 v2, v24;
	v57 =	vmul.f32 $1.200000000e+01, v54  }
0x134: {  	v56 =	vadd.f32 $1.100000000e+01, v49;
	v53 =	vmul.f32 $1.200000000e+01, v53;
	v55 =	vmul.f32 $1.200000000e+01, v55  }
0x135: {  	v34 =	vadd.f32 v34, v25;
	v52 =	vadd.f32 v57, v40  }
0x136: {  	v59 =	vadd.f32 v53, v49;
	v60 =	vadd.f32 v55, v56  }
0x137: {  	v50 =	vmul.f32 $1.200000000e+01, v50;
	v52 =	vsub.f32 v52, v34  }
0x138: {  	v54 =	vld.idx.msk [tilespmem:v58+s6+$0x0], $0xffff;
	v53 =	vsub.f32 v60, v59  }
0x139: {  	v50 =	vadd.f32 v50, v56;
	v61 =	vmul.f32 $5.000000000e-01, v52  }
0x13a: {  	v51 =	vadd.f32 v51, v28;
	v52 =	vmax.f32 v52, v53;
	v53 =	vmul.f32 $5.000000000e-01, v53  }
0x13b: {  	v50 =	vsub.f32 v50, v42;
	v55 =	vadd.f32 v61, v34;
	v62 =	vmul.f32 $5.000000000e-01, v52  }
0x13c: {  	v48 =	vmul.f32 $1.200000000e+01, v48;
	v34 =	vadd.f32 $1.100000000e+01, v28;
	v49 =	vadd.f32 v53, v59  }
0x13d: {  	v60 =	vadd.s32 v9, v24;
	vm2 =	vge.f32 v54, $6.000000240e-01;
	v55 =	vsub.f32 v55, v62  }
0x13e: {  	s3 =	sadd.s32 $0x80, s13;
	v48 =	vadd.f32 v48, v34;
	v63 =	vnsel vm2, $0x0, v54;
	v49 =	vsub.f32 v49, v62  }
0x13f: {  	v53 =	vadd.s32 v7, v24;
	[tilespmem:s3+$0x4040] =	vst v63;
	v57 =	vnsel vm2, $0x0, v55;
	v55 =	vadd.f32 v55, v52  }
0x140: {  	v48 =	vsub.f32 v48, v51;
	[tilespmem:s3+$0x40] =	vst v57;
	v58 =	vnsel vm2, $0x0, v49;
	v49 =	vadd.f32 v49, v52  }
0x141: {  	v62 =	vadd.s32 v10, v24;
	[tilespmem:s3+$0x1040] =	vst v58;
	v59 =	vnsel vm2, $0x0, v55  }
0x142: {  	v63 =	vmul.f32 $5.000000000e-01, v50;
	v61 =	vmul.f32 $5.000000000e-01, v48;
	[tilespmem:s3+$0x2040] =	vst v59;
	v49 =	vnsel vm2, $0x0, v49  }
0x143: {  	v52 =	vadd.s32 v8, v24;
	v48 =	vmax.f32 v48, v50;
	[tilespmem:s3+$0x3040] =	vst v49  }
0x144: {  	v58 =	vmul.f32 $5.000000000e-01, v48;
	v59 =	vadd.f32 v63, v42;
	v57 =	vadd.f32 v61, v51;
	v53 =	vld.idx.msk [tilespmem:v53+s17+$0x0], $0xffff  }
0x145: {  	v60 =	vld.idx.msk [tilespmem:v60+s17+$0x0], $0xffff  }
0x146: {  	v42 =	vsub.f32 v59, v58;
	v51 =	vld.idx.msk [tilespmem:v62+s17+$0x0], $0xffff;
	v50 =	vsub.f32 v57, v58  }
0x147: {  	v41 =	vnsel vm1, $0x0, v41;
	v62 =	vld [tilespmem:s14+$0x1E810];
	v57 =	vadd.s32 v6, v24  }
0x148: {  	[tilespmem:s3+$0x4000] =	vst v41;
	v49 =	vld.idx.msk [tilespmem:v52+s17+$0x0], $0xffff;
	v63 =	vnsel vm1, $0x0, v42;
	v61 =	vnsel vm1, $0x0, v50;
	v50 =	vadd.f32 v50, v48  }
0x149: {  	v48 =	vadd.f32 v42, v48;
	[tilespmem:s3+$0x1000] =	vst v63  }
0x14a: {  	[tilespmem:s3+$0x0] =	vst v61;
	v50 =	vnsel vm1, $0x0, v50  }
0x14b: {  	v55 =	vnsel vm1, $0x0, v48;
	[tilespmem:s3+$0x2000] =	vst v50  }
0x14c: {  	v56 =	vadd.s32 v10, v23;
	v58 =	vmul.f32 $1.200000000e+01, v53;
	v59 =	vmul.f32 $1.200000000e+01, v60;
	[tilespmem:s3+$0x3000] =	vst v55;
	v42 =	vld.idx.msk [tilespmem:v57+s6+$0x0], $0xffff  }
0x14d: {  	v60 =	vadd.f32 $1.100000000e+01, v62;
	v51 =	vmul.f32 $1.200000000e+01, v51;
	v49 =	vmul.f32 $1.200000000e+01, v49;
	v37 =	vld.idx.msk [tilespmem:v37+s17+$0x0], $0xffff  }
0x14e: {  	v35 =	vld.idx.msk [tilespmem:v35+s17+$0x0], $0xffff;
	v48 =	vadd.f32 v58, v25;
	v50 =	vadd.f32 v59, v40  }
0x14f: {  	v44 =	vnsel vm0, $0x0, v44;
	v38 =	vld.idx.msk [tilespmem:v38+s17+$0x0], $0xffff;
	v51 =	vadd.f32 v51, v60;
	v49 =	vadd.f32 v49, v62  }
0x150: {  	v45 =	vnsel vm0, $0x0, v45;
	v43 =	vmul.f32 $5.000000000e-01, v43;
	v61 =	vld [tilespmem:s14+$0x1E810];
	v50 =	vsub.f32 v50, v48  }
0x151: {  	v47 =	vsub.f32 v47, v32;
	v53 =	vadd.s32 v6, v23;
	v41 =	vld.idx.msk [tilespmem:v56+s17+$0x0], $0xffff;
	v51 =	vsub.f32 v51, v49  }
0x152: {  	v59 =	vadd.s32 v12, v24;
	v62 =	vmul.f32 $5.000000000e-01, v50;
	vm1 =	vge.f32 v42, $6.000000240e-01  }
0x153: {  	v37 =	vmul.f32 $1.200000000e+01, v37;
	v50 =	vmax.f32 v50, v51;
	v51 =	vmul.f32 $5.000000000e-01, v51  }
0x154: {  	v35 =	vmul.f32 $1.200000000e+01, v35;
	v63 =	vmul.f32 $5.000000000e-01, v50;
	v48 =	vadd.f32 v62, v48  }
0x155: {  	[tilespmem:s13+$0x2020] =	vst v46;
	v38 =	vmul.f32 $1.200000000e+01, v38;
	v57 =	vadd.f32 $1.100000000e+01, v61;
	v49 =	vadd.f32 v51, v49  }
0x156: {  	[tilespmem:s13+$0x3020] =	vst v45;
	v41 =	vmul.f32 $1.200000000e+01, v41;
	v37 =	vadd.f32 v37, v28;
	v48 =	vsub.f32 v48, v63  }
0x157: {  	[tilespmem:s13+$0x1020] =	vst v44;
	v42 =	vnsel vm1, $0x0, v42;
	v35 =	vadd.f32 v35, v61;
	v49 =	vsub.f32 v49, v63  }
0x158: {  	[tilespmem:s3+$0x4050] =	vst v42;
	v38 =	vadd.f32 v38, v34;
	v58 =	vnsel vm1, $0x0, v48;
	v48 =	vadd.f32 v48, v50  }
0x159: {  	v31 =	vld.idx.msk [tilespmem:v31+s17+$0x0], $0xffff;
	v61 =	vadd.s32 v13, v24;
	v60 =	vnsel vm1, $0x0, v49;
	[tilespmem:s3+$0x50] =	vst v58;
	v49 =	vadd.f32 v49, v50  }
0x15a: {  	v36 =	vld.idx.msk [tilespmem:v36+s17+$0x0], $0xffff;
	v62 =	vadd.s32 v14, v24;
	v41 =	vadd.f32 v41, v57;
	[tilespmem:s3+$0x1050] =	vst v60;
	v48 =	vnsel vm1, $0x0, v48  }
0x15b: {  	v44 =	vadd.s32 v14, v23;
	v54 =	vld [tilespmem:s14+$0x1E830];
	v38 =	vsub.f32 v38, v37;
	[tilespmem:s3+$0x2050] =	vst v48;
	v56 =	vnsel vm1, $0x0, v49  }
0x15c: {  	v57 =	vadd.s32 v15, v24;
	v63 =	vld.idx.msk [tilespmem:v53+s6+$0x0], $0xffff;
	v41 =	vsub.f32 v41, v35;
	[tilespmem:s3+$0x3050] =	vst v56  }
0x15d: {  	v29 =	vadd.f32 v43, v29;
	v46 =	vadd.f32 v47, v27;
	v58 =	vmul.f32 $5.000000000e-01, v38;
	v42 =	vld.idx.msk [tilespmem:v59+s17+$0x0], $0xffff  }
0x15e: {  	vm0 =	vge.f32 v39, $6.000000240e-01;
	v38 =	vmax.f32 v38, v41;
	v41 =	vmul.f32 $5.000000000e-01, v41;
	v50 =	vld.idx.msk [tilespmem:v61+s17+$0x0], $0xffff  }
0x15f: {  	v31 =	vmul.f32 $1.200000000e+01, v31;
	v37 =	vadd.f32 v58, v37;
	v59 =	vmul.f32 $5.000000000e-01, v38;
	v60 =	vld.idx.msk [tilespmem:v62+s17+$0x0], $0xffff  }
0x160: {  	v29 =	vsub.f32 v29, v32;
	v36 =	vmul.f32 $1.200000000e+01, v36;
	v35 =	vadd.f32 v41, v35;
	v41 =	vld [tilespmem:s14+$0x1E820]  }
0x161: {  	v31 =	vadd.f32 v31, v54;
	v51 =	vadd.s32 v13, v23;
	v62 =	vld.idx.msk [tilespmem:v57+s17+$0x0], $0xffff;
	v37 =	vsub.f32 v37, v59  }
0x162: {  	v53 =	vadd.s32 v11, v24;
	vm1 =	vge.f32 v63, $6.000000240e-01;
	v35 =	vsub.f32 v35, v59  }
0x163: {  	v49 =	vadd.s32 v12, v23;
	v61 =	vnsel vm1, $0x0, v63;
	v63 =	vadd.f32 v37, v38  }
0x164: {  	v33 =	vld.idx.msk [tilespmem:v33+s17+$0x0], $0xffff;
	[tilespmem:s3+$0x4010] =	vst v61;
	v37 =	vnsel vm1, $0x0, v37;
	v38 =	vadd.f32 v35, v38;
	v35 =	vnsel vm1, $0x0, v35  }
0x165: {  	[tilespmem:s3+$0x10] =	vst v37;
	v57 =	vmul.f32 $1.200000000e+01, v42;
	v58 =	vmul.f32 $1.200000000e+01, v60;
	v61 =	vadd.f32 $1.100000000e+01, v41  }
0x166: {  	v60 =	vld.idx.msk [tilespmem:v30+s17+$0x0], $0xffff;
	v50 =	vmul.f32 $1.200000000e+01, v50;
	v62 =	vmul.f32 $1.200000000e+01, v62;
	[tilespmem:s3+$0x1010] =	vst v35;
	v59 =	vnsel vm1, $0x0, v63  }
0x167: {  	v30 =	vnsel vm1, $0x0, v38;
	v63 =	vadd.s32 v15, v23;
	[tilespmem:s3+$0x2010] =	vst v59;
	v37 =	vadd.f32 v57, v25  }
0x168: {  	[tilespmem:s3+$0x3010] =	vst v30;
	v30 =	vnsel vm0, $0x0, v46;
	v42 =	vadd.f32 v58, v40;
	v46 =	vld.idx.msk [tilespmem:v53+s6+$0x0], $0xffff;
	v57 =	vadd.f32 $1.100000000e+01, v54  }
0x169: {  	v33 =	vmul.f32 $1.200000000e+01, v33;
	v53 =	vadd.f32 v50, v41;
	v38 =	vadd.f32 v62, v61;
	v56 =	vld.idx.msk [tilespmem:v49+s17+$0x0], $0xffff  }
0x16a: {  	v61 =	vld.idx.msk [tilespmem:v44+s17+$0x0], $0xffff;
	v42 =	vsub.f32 v42, v37;
	v36 =	vadd.f32 v36, v57  }
0x16b: {  	v21 =	vadd.f32 v33, v21;
	v58 =	vld.idx.msk [tilespmem:v51+s17+$0x0], $0xffff;
	v59 =	vmul.f32 $1.200000000e+01, v60;
	v60 =	vsub.f32 v38, v53  }
0x16c: {  	v44 =	vnsel vm0, $0x0, v47;
	v62 =	vmul.f32 $5.000000000e-01, v42;
	v45 =	vld.idx.msk [tilespmem:v63+s17+$0x0], $0xffff;
	v36 =	vsub.f32 v36, v31  }
0x16d: {  	v63 =	vld [tilespmem:s14+$0x1E820];
	v22 =	vadd.f32 v59, v22;
	v42 =	vmax.f32 v42, v60;
	v33 =	vmul.f32 $5.000000000e-01, v60  }
0x16e: {  	vm1 =	vge.f32 v46, $6.000000240e-01;
	v59 =	vadd.s32 v18, v24;
	v52 =	vmul.f32 $5.000000000e-01, v42  }
0x16f: {  	v37 =	vadd.f32 v62, v37;
	v41 =	vmul.f32 $1.200000000e+01, v56;
	v38 =	vmul.f32 $1.200000000e+01, v61  }
0x170: {  	v54 =	vmul.f32 $1.200000000e+01, v58;
	v46 =	vnsel vm1, $0x0, v46;
	v22 =	vsub.f32 v22, v21  }
0x171: {  	v33 =	vadd.f32 v33, v53;
	v53 =	vadd.s32 v11, v23;
	v37 =	vsub.f32 v37, v52  }
0x172: {  	v41 =	vadd.f32 v41, v28;
	v55 =	vadd.f32 $1.100000000e+01, v63;
	v45 =	vmul.f32 $1.200000000e+01, v45  }
0x173: {  	v58 =	vadd.s32 v17, v24;
	v38 =	vadd.f32 v38, v34;
	v33 =	vsub.f32 v33, v52  }
0x174: {  	v62 =	vadd.s32 v20, v24;
	v47 =	vadd.f32 v54, v63;
	v45 =	vadd.f32 v45, v55  }
0x175: {  	[tilespmem:s3+$0x4060] =	vst v46;
	v56 =	vnsel vm1, $0x0, v37;
	v37 =	vadd.f32 v37, v42;
	v38 =	vsub.f32 v38, v41  }
0x176: {  	v57 =	vnsel vm1, $0x0, v33;
	v33 =	vadd.f32 v33, v42;
	[tilespmem:s3+$0x60] =	vst v56;
	v35 =	vld.idx.msk [tilespmem:v53+s6+$0x0], $0xffff;
	v45 =	vsub.f32 v45, v47  }
0x177: {  	v63 =	vadd.s32 v19, v24;
	v37 =	vnsel vm1, $0x0, v37;
	v60 =	vmul.f32 $5.000000000e-01, v38;
	[tilespmem:s3+$0x1060] =	vst v57  }
0x178: {  	v33 =	vnsel vm1, $0x0, v33;
	[tilespmem:s3+$0x2060] =	vst v37;
	v61 =	vmul.f32 $5.000000000e-01, v45;
	v38 =	vmax.f32 v38, v45  }
0x179: {  	v52 =	vmul.f32 $5.000000000e-01, v22;
	v41 =	vadd.f32 v60, v41;
	[tilespmem:s3+$0x3060] =	vst v33;
	v45 =	vmul.f32 $5.000000000e-01, v38  }
0x17a: {  	v22 =	vmax.f32 v22, v36;
	v36 =	vmul.f32 $5.000000000e-01, v36;
	v48 =	vld [tilespmem:s14+$0x1E830];
	v47 =	vadd.f32 v61, v47  }
0x17b: {  	v54 =	vadd.s32 v17, v23;
	v42 =	vld.idx.msk [tilespmem:v58+s17+$0x0], $0xffff;
	vm1 =	vge.f32 v35, $6.000000240e-01;
	v41 =	vsub.f32 v41, v45  }
0x17c: {  	v24 =	vadd.s32 v16, v24;
	v46 =	vld.idx.msk [tilespmem:v59+s17+$0x0], $0xffff;
	v35 =	vnsel vm1, $0x0, v35;
	v45 =	vsub.f32 v47, v45  }
0x17d: {  	v21 =	vadd.f32 v52, v21;
	v55 =	vld.idx.msk [tilespmem:v62+s17+$0x0], $0xffff;
	[tilespmem:s3+$0x4020] =	vst v35;
	v53 =	vadd.f32 v41, v38;
	v56 =	vnsel vm1, $0x0, v41  }
0x17e: {  	v58 =	vadd.s32 v18, v23;
	v33 =	vld.idx.msk [tilespmem:v63+s17+$0x0], $0xffff;
	v38 =	vadd.f32 v45, v38;
	[tilespmem:s3+$0x20] =	vst v56;
	v63 =	vnsel vm1, $0x0, v45  }
0x17f: {  	v57 =	vmul.f32 $5.000000000e-01, v22;
	v60 =	vadd.s32 v19, v23;
	v59 =	vnsel vm1, $0x0, v53;
	[tilespmem:s3+$0x1020] =	vst v63  }
0x180: {  	v26 =	vld.idx.msk [tilespmem:v26+s6+$0x0], $0xffff;
	v27 =	vadd.f32 v29, v27;
	v62 =	vadd.s32 v20, v23;
	[tilespmem:s3+$0x2020] =	vst v59;
	v61 =	vnsel vm1, $0x0, v38  }
0x181: {  	v31 =	vadd.f32 v36, v31;
	v21 =	vsub.f32 v21, v57;
	v24 =	vld.idx.msk [tilespmem:v24+s6+$0x0], $0xffff;
	[tilespmem:s3+$0x3020] =	vst v61  }
0x182: {  	v47 =	vadd.f32 $1.100000000e+01, v48;
	v51 =	vmul.f32 $1.200000000e+01, v46;
	v35 =	vmul.f32 $1.200000000e+01, v55;
	v52 =	vld.idx.msk [tilespmem:v54+s17+$0x0], $0xffff  }
0x183: {  	v31 =	vsub.f32 v31, v57;
	v33 =	vmul.f32 $1.200000000e+01, v33;
	v53 =	vmul.f32 $1.200000000e+01, v42;
	v54 =	vld.idx.msk [tilespmem:v58+s17+$0x0], $0xffff  }
0x184: {  	v29 =	vnsel vm0, $0x0, v29;
	v35 =	vadd.f32 v35, v47;
	v38 =	vadd.f32 v51, v48;
	v55 =	vld.idx.msk [tilespmem:v60+s17+$0x0], $0xffff  }
0x185: {  	v27 =	vnsel vm0, $0x0, v27;
	v33 =	vadd.f32 v33, v40;
	v25 =	vadd.f32 v53, v25;
	v32 =	vld.idx.msk [tilespmem:v62+s17+$0x0], $0xffff  }
0x186: {  	v23 =	vadd.s32 v16, v23;
	v57 =	vadd.f32 v21, v22;
	v35 =	vsub.f32 v35, v38;
	v56 =	vld [tilespmem:s14+$0x1E830]  }
0x187: {  	v22 =	vadd.f32 v31, v22;
	v45 =	vnsel vm0, $0x0, v39;
	v33 =	vsub.f32 v33, v25  }
0x188: {  	vm0 =	vge.f32 v24, $6.000000240e-01;
	vm1 =	vge.f32 v26, $6.000000240e-01;
	v58 =	vmul.f32 $5.000000000e-01, v35  }
0x189: {  	[tilespmem:s13+$0x3070] =	vst v30;
	v24 =	vnsel vm0, $0x0, v24;
	v26 =	vnsel vm1, $0x0, v26;
	v35 =	vmax.f32 v33, v35  }
0x18a: {  	[tilespmem:s13+$0x1070] =	vst v44;
	v38 =	vadd.f32 v58, v38;
	v39 =	vmul.f32 $1.200000000e+01, v52;
	v36 =	vmul.f32 $1.200000000e+01, v55  }
0x18b: {  	[tilespmem:s13+$0x4070] =	vst v45;
	v59 =	vmul.f32 $1.200000000e+01, v54;
	v60 =	vadd.f32 $1.100000000e+01, v56;
	v32 =	vmul.f32 $1.200000000e+01, v32  }
0x18c: {  	[tilespmem:s9+$0x4030] =	vst v26;
	v26 =	vmul.f32 $5.000000000e-01, v35;
	v28 =	vadd.f32 v39, v28;
	v34 =	vadd.f32 v36, v34  }
0x18d: {  	[tilespmem:s9+$0x70] =	vst v29;
	v30 =	vnsel vm1, $0x0, v57;
	v29 =	vadd.f32 v59, v56;
	v32 =	vadd.f32 v32, v60  }
0x18e: {  	[tilespmem:s9+$0x2070] =	vst v27;
	v22 =	vnsel vm1, $0x0, v22;
	v23 =	vld.idx.msk [tilespmem:v23+s6+$0x0], $0xffff;
	v27 =	vsub.f32 v38, v26;
	v34 =	vsub.f32 v34, v28  }
0x18f: {  	[tilespmem:s9+$0x2030] =	vst v30;
	v30 =	vnsel vm1, $0x0, v31;
	v31 =	vmul.f32 $5.000000000e-01, v33;
	v32 =	vsub.f32 v32, v29  }
0x190: {  	v21 =	vnsel vm1, $0x0, v21;
	[tilespmem:s9+$0x3030] =	vst v22;
	v22 =	vadd.f32 v27, v35;
	v61 =	vmul.f32 $5.000000000e-01, v34  }
0x191: {  	[tilespmem:s9+$0x30] =	vst v21;
	v21 =	vadd.f32 v31, v25;
	v25 =	vmax.f32 v34, v32;
	v31 =	vmul.f32 $5.000000000e-01, v32  }
0x192: {  	[tilespmem:s9+$0x1030] =	vst v30;
	v22 =	vnsel vm0, $0x0, v22;
	v30 =	vmul.f32 $5.000000000e-01, v25;
	v28 =	vadd.f32 v61, v28  }
0x193: {  	vm1 =	vge.f32 v23, $6.000000240e-01;
	v21 =	vsub.f32 v21, v26;
	[tilespmem:s3+$0x3070] =	vst v22;
	v22 =	vadd.f32 v31, v29  }
0x194: {  	[tilespmem:s3+$0x4070] =	vst v24;
	v23 =	vnsel vm1, $0x0, v23;
	v26 =	vsub.f32 v28, v30  }
0x195: {  	[tilespmem:s3+$0x4030] =	vst v23;
	v27 =	vnsel vm0, $0x0, v27;
	v24 =	vadd.f32 v21, v35;
	v22 =	vsub.f32 v22, v30  }
0x196: {  	[tilespmem:s3+$0x1070] =	vst v27;
	v21 =	vnsel vm0, $0x0, v21;
	v23 =	vadd.f32 v26, v25  }
0x197: {  	[tilespmem:s3+$0x70] =	vst v21;
	v24 =	vnsel vm0, $0x0, v24;
	v21 =	vadd.f32 v22, v25  }
0x198: {  	[tilespmem:s3+$0x2070] =	vst v24;
	v23 =	vnsel vm1, $0x0, v23  }
0x199: {  	v21 =	vnsel vm1, $0x0, v21;
	[tilespmem:s3+$0x2030] =	vst v23  }
0x19a: {  	[tilespmem:s3+$0x3030] =	vst v21  }
0x19b: {  	s4 =	sshll.u32 s15, $0xA;
	s9 =	rddreg [dreg:$0xb]  }
0x19c: {  	v23 =	vnsel vm1, $0x0, v26;
	s4 =	sor.u32 s4, s9  }
0x19d: {  	v21 =	vnsel vm1, $0x0, v22;
	[tilespmem:s3+$0x30] =	vst v23;
	s13 =	sshrl.u32 s4, $0x3  }
0x19e: {  	[tilespmem:s3+$0x1030] =	vst v21;
	s9 =	simm.s32 $0x14800;
	s3 =	sadd.s32 s20, s13  }
0x19f: {  	[hbm4b:s3+s18] =	stream.strided.scatter [tilespmem:s9], [sflag:$0x3], $0x1000, s19, s18, $0x38;
	[tilespmem:$0x1F210] =	vst v63  }
0x1a0: {  	s21 =	smov.u32 s20;
	s10 =	simm.s32 $0x15800;
	s20 =	sadd.s32 $0x40000, s3  }
0x1a1: {  	[hbm4b:s20+s18] =	stream.strided.scatter [tilespmem:s10], [sflag:$0x3], $0x1000, s19, s18, $0x38;
	[tilespmem:$0x1F210] =	vst v63  }
0x1a2: {  	s20 =	sadd.s32 $0x80000, s3  }
0x1a3: {  	[hbm4b:s20+s18] =	stream.strided.scatter [tilespmem:s22], [sflag:$0x3], $0x1000, s19, s18, $0x38;
	[tilespmem:$0x1F210] =	vst v63  }
0x1a4: {  	s20 =	sadd.s32 $0xC0000, s3  }
0x1a5: {  	[hbm4b:s20+s18] =	stream.strided.scatter [tilespmem:s23], [sflag:$0x3], $0x1000, s19, s18, $0x38;
	[tilespmem:$0x1F210] =	vst v63  }
0x1a6: {  	s4 =	rddreg [dreg:$0x4];
	s3 =	sadd.s32 $0x100000, s3  }
0x1a7: {  	[hbm4b:s3+s18] =	stream.strided.scatter [tilespmem:s24], [sflag:$0x3], $0x1000, s19, s18, $0x38;
	[tilespmem:$0x1F210] =	vst v63  }
0x1a8: {  	s3 =	sadd.s32 s4, s13  }
0x1a9: {  	[hbm4b:s3+s18] =	stream.strided.scatter [tilespmem:s9], [sflag:$0x3], $0x1000, s19, s18, $0x38;
	[tilespmem:$0x1F210] =	vst v63  }
0x1aa: {  	s9 =	sadd.s32 $0x40000, s3  }
0x1ab: {  	[hbm4b:s9+s18] =	stream.strided.scatter [tilespmem:s10], [sflag:$0x3], $0x1000, s19, s18, $0x38;
	[tilespmem:$0x1F210] =	vst v63  }
0x1ac: {  	s20 =	sadd.s32 $0x80000, s3  }
0x1ad: {  	[hbm4b:s20+s18] =	stream.strided.scatter [tilespmem:s22], [sflag:$0x3], $0x1000, s19, s18, $0x38;
	[tilespmem:$0x1F210] =	vst v63  }
0x1ae: {  	s9 =	sadd.s32 $0xC0000, s3  }
0x1af: {  	[hbm4b:s9+s18] =	stream.strided.scatter [tilespmem:s23], [sflag:$0x3], $0x1000, s19, s18, $0x38;
	[tilespmem:$0x1F210] =	vst v63  }
0x1b0: {  	s3 =	sadd.s32 $0x100000, s3  }
0x1b1: {  	[hbm4b:s3+s18] =	stream.strided.scatter [tilespmem:s24], [sflag:$0x3], $0x1000, s19, s18, $0x38;
	[tilespmem:$0x1F210] =	vst v63  }
0x1b2: {  	s3 =	simm.s32 @!p1 $0x4  }
0x1b3: {  	s10 =	simm.s32 $0x41;
	_ =	swait.ge @!p1 [sflag:s3], $0x5000  }
0x1b4: {  	v21 =	vmov s10;
	[sflag:s3] =	ssyncset.done @!p1 $0x0  }
0x1b5: {  	v27 =	vand.u32 $0x7F, v21;
	[sflag:s3] =	ssyncadd.s32 @!p1 $0xFFFFB000  }
0x1b6: {  	v21 =	vadd.s32 v1, v27;
	_ =	swait.ge @!p1 [sflag:s3], $0x5000  }
0x1b7: {  	s20 =	simm.s32 $0x40;
	v22 =	vadd.s32 v3, v27;
	[sflag:s3] =	ssyncset.done @!p1 $0x0  }
0x1b8: {  	v23 =	vmov s20;
	v25 =	vadd.s32 v4, v27;
	[sflag:s3] =	ssyncadd.s32 @!p1 $0xFFFFB000  }
0x1b9: {  	v26 =	vadd.s32 v5, v27;
	s9 =	simm.s32 $0x1EE10;
	v24 =	vand.u32 $0x7E, v23;
	v23 =	vld [tilespmem:s14+$0x1E800]  }
0x1ba: {  	v28 =	vld [tilespmem:s9+$0x0]  }
0x1bb: {  	v31 =	vld.idx.msk [tilespmem:v21+s17+$0x0], $0xffff  }
0x1bc: {  	v22 =	vld.idx.msk [tilespmem:v22+s17+$0x0], $0xffff  }
0x1bd: {  	v29 =	vadd.s32 v3, v24;
	v25 =	vld.idx.msk [tilespmem:v25+s17+$0x0], $0xffff  }
0x1be: {  	v30 =	vadd.s32 v1, v24;
	v26 =	vld.idx.msk [tilespmem:v26+s17+$0x0], $0xffff  }
0x1bf: {  	v62 =	vadd.s32 v5, v24  }
0x1c0: {  	v40 =	vadd.s32 v2, v27  }
0x1c1: {  	v21 =	vadd.s32 v4, v24  }
0x1c2: {  	v29 =	vld.idx.msk [tilespmem:v29+s17+$0x0], $0xffff;
	v32 =	vadd.f32 $1.100000000e+01, v28;
	v31 =	vmul.f32 $1.200000000e+01, v31;
	v25 =	vmul.f32 $1.200000000e+01, v25  }
0x1c3: {  	v30 =	vld.idx.msk [tilespmem:v30+s17+$0x0], $0xffff;
	v41 =	vadd.f32 $1.100000000e+01, v23;
	v22 =	vmul.f32 $1.200000000e+01, v22;
	v26 =	vmul.f32 $1.200000000e+01, v26  }
0x1c4: {  	v33 =	vld.idx.msk [tilespmem:v62+s17+$0x0], $0xffff;
	v31 =	vadd.f32 v31, v28;
	v25 =	vadd.f32 v25, v32  }
0x1c5: {  	v44 =	vld.idx.msk [tilespmem:v40+s6+$0x0], $0xffff;
	v43 =	vadd.f32 v22, v23;
	v26 =	vadd.f32 v26, v41  }
0x1c6: {  	v63 =	vld.idx.msk [tilespmem:v21+s17+$0x0], $0xffff;
	v25 =	vsub.f32 v25, v31  }
0x1c7: {  	v49 =	vadd.s32 v7, v27;
	v21 =	vld [tilespmem:s9+$0xFFFFFFF0];
	v29 =	vmul.f32 $1.200000000e+01, v29;
	v26 =	vsub.f32 v26, v43  }
0x1c8: {  	v42 =	vadd.s32 v2, v24;
	v30 =	vmul.f32 $1.200000000e+01, v30;
	v45 =	vmul.f32 $5.000000000e-01, v25  }
0x1c9: {  	v33 =	vmul.f32 $1.200000000e+01, v33;
	v25 =	vmax.f32 v25, v26;
	v26 =	vmul.f32 $5.000000000e-01, v26  }
0x1ca: {  	v23 =	vadd.f32 v29, v23;
	v46 =	vmul.f32 $5.000000000e-01, v25;
	v31 =	vadd.f32 v45, v31  }
0x1cb: {  	vm0 =	vge.f32 v44, $6.000000240e-01;
	v33 =	vadd.f32 v33, v41;
	v26 =	vadd.f32 v26, v43  }
0x1cc: {  	v29 =	vmul.f32 $1.200000000e+01, v63;
	v22 =	vadd.f32 $1.100000000e+01, v21;
	v31 =	vsub.f32 v31, v46  }
0x1cd: {  	s9 =	simm.s32 $0x19800;
	v34 =	vnsel vm0, $0x0, v44;
	v30 =	vadd.f32 v30, v21;
	v26 =	vsub.f32 v26, v46  }
0x1ce: {  	[tilespmem:s9+$0x4040] =	vst v34;
	v29 =	vadd.f32 v29, v22;
	v48 =	vnsel vm0, $0x0, v31;
	v31 =	vadd.f32 v31, v25  }
0x1cf: {  	v52 =	vadd.s32 v9, v27;
	v50 =	vnsel vm0, $0x0, v26;
	v25 =	vadd.f32 v26, v25;
	[tilespmem:s9+$0x40] =	vst v48  }
0x1d0: {  	v33 =	vsub.f32 v33, v23;
	v29 =	vsub.f32 v29, v30;
	[tilespmem:s9+$0x1040] =	vst v50;
	v31 =	vnsel vm0, $0x0, v31  }
0x1d1: {  	v37 =	vld.idx.msk [tilespmem:v42+s6+$0x0], $0xffff;
	v26 =	vadd.s32 v8, v27;
	v25 =	vnsel vm0, $0x0, v25;
	[tilespmem:s9+$0x2040] =	vst v31  }
0x1d2: {  	v51 =	vmul.f32 $5.000000000e-01, v33;
	v47 =	vmul.f32 $5.000000000e-01, v29;
	v31 =	vadd.s32 v10, v27;
	[tilespmem:s9+$0x3040] =	vst v25  }
0x1d3: {  	v29 =	vmax.f32 v29, v33;
	v25 =	vld.idx.msk [tilespmem:v49+s17+$0x0], $0xffff  }
0x1d4: {  	v23 =	vadd.f32 v51, v23;
	v33 =	vmul.f32 $5.000000000e-01, v29;
	v30 =	vadd.f32 v47, v30;
	v54 =	vld.idx.msk [tilespmem:v52+s17+$0x0], $0xffff  }
0x1d5: {  	v58 =	vld [tilespmem:s14+$0x1E810]  }
0x1d6: {  	vm0 =	vge.f32 v37, $6.000000240e-01;
	v23 =	vsub.f32 v23, v33;
	v30 =	vsub.f32 v30, v33;
	v26 =	vld.idx.msk [tilespmem:v26+s17+$0x0], $0xffff  }
0x1d7: {  	v55 =	vadd.s32 v7, v24;
	v53 =	vnsel vm0, $0x0, v37;
	v31 =	vld.idx.msk [tilespmem:v31+s17+$0x0], $0xffff  }
0x1d8: {  	[tilespmem:s9+$0x4000] =	vst v53;
	v56 =	vnsel vm0, $0x0, v30;
	v30 =	vadd.f32 v30, v29;
	v29 =	vadd.f32 v23, v29  }
0x1d9: {  	v57 =	vadd.s32 v8, v24;
	v23 =	vnsel vm0, $0x0, v23;
	[tilespmem:s9+$0x0] =	vst v56  }
0x1da: {  	v59 =	vadd.s32 v9, v24;
	[tilespmem:s9+$0x1000] =	vst v23;
	v23 =	vnsel vm0, $0x0, v30;
	v29 =	vnsel vm0, $0x0, v29  }
0x1db: {  	[tilespmem:s9+$0x3000] =	vst v29;
	v29 =	vadd.s32 v6, v27;
	v25 =	vmul.f32 $1.200000000e+01, v25;
	v33 =	vmul.f32 $1.200000000e+01, v54  }
0x1dc: {  	[tilespmem:s9+$0x2000] =	vst v23;
	v61 =	vadd.f32 $1.100000000e+01, v58;
	v26 =	vmul.f32 $1.200000000e+01, v26;
	v31 =	vmul.f32 $1.200000000e+01, v31  }
0x1dd: {  	v30 =	vld.idx.msk [tilespmem:v55+s17+$0x0], $0xffff;
	v25 =	vadd.f32 v25, v28;
	v33 =	vadd.f32 v33, v32  }
0x1de: {  	v60 =	vld.idx.msk [tilespmem:v57+s17+$0x0], $0xffff;
	v26 =	vadd.f32 v26, v58;
	v31 =	vadd.f32 v31, v61  }
0x1df: {  	v23 =	vadd.s32 v10, v24;
	v37 =	vld.idx.msk [tilespmem:v59+s17+$0x0], $0xffff;
	v33 =	vsub.f32 v33, v25  }
0x1e0: {  	v29 =	vld.idx.msk [tilespmem:v29+s6+$0x0], $0xffff;
	v31 =	vsub.f32 v31, v26  }
0x1e1: {  	v63 =	vadd.s32 v6, v24;
	v42 =	vmul.f32 $5.000000000e-01, v33  }
0x1e2: {  	v46 =	vadd.s32 v13, v27;
	v33 =	vmax.f32 v33, v31;
	v31 =	vmul.f32 $5.000000000e-01, v31  }
0x1e3: {  	v47 =	vadd.s32 v14, v27;
	v62 =	vld [tilespmem:s14+$0x1E810];
	v25 =	vadd.f32 v42, v25;
	v43 =	vmul.f32 $5.000000000e-01, v33  }
0x1e4: {  	v23 =	vld.idx.msk [tilespmem:v23+s17+$0x0], $0xffff;
	v30 =	vmul.f32 $1.200000000e+01, v30;
	v35 =	vmul.f32 $1.200000000e+01, v60;
	v26 =	vadd.f32 v31, v26  }
0x1e5: {  	v37 =	vmul.f32 $1.200000000e+01, v37;
	vm0 =	vge.f32 v29, $6.000000240e-01;
	v25 =	vsub.f32 v25, v43  }
0x1e6: {  	v30 =	vadd.f32 v30, v21;
	v29 =	vnsel vm0, $0x0, v29;
	v26 =	vsub.f32 v26, v43  }
0x1e7: {  	[tilespmem:s9+$0x4050] =	vst v29;
	v29 =	vadd.s32 v12, v27;
	v44 =	vnsel vm0, $0x0, v25;
	v25 =	vadd.f32 v25, v33  }
0x1e8: {  	v37 =	vadd.f32 v37, v22;
	[tilespmem:s9+$0x50] =	vst v44;
	v45 =	vnsel vm0, $0x0, v26;
	v26 =	vadd.f32 v26, v33  }
0x1e9: {  	v23 =	vmul.f32 $1.200000000e+01, v23;
	v31 =	vadd.f32 $1.100000000e+01, v62;
	[tilespmem:s9+$0x1050] =	vst v45;
	v25 =	vnsel vm0, $0x0, v25  }
0x1ea: {  	v34 =	vadd.f32 v35, v62;
	v48 =	vsub.f32 v37, v30;
	[tilespmem:s9+$0x2050] =	vst v25;
	v25 =	vnsel vm0, $0x0, v26  }
0x1eb: {  	v23 =	vadd.f32 v23, v31;
	v31 =	vld.idx.msk [tilespmem:v63+s6+$0x0], $0xffff;
	v26 =	vadd.s32 v15, v27;
	[tilespmem:s9+$0x3050] =	vst v25  }
0x1ec: {  	v25 =	vld.idx.msk [tilespmem:v29+s17+$0x0], $0xffff  }
0x1ed: {  	v23 =	vsub.f32 v23, v34;
	v29 =	vmul.f32 $5.000000000e-01, v48;
	v33 =	vld.idx.msk [tilespmem:v46+s17+$0x0], $0xffff  }
0x1ee: {  	v51 =	vadd.s32 v13, v24;
	v35 =	vld.idx.msk [tilespmem:v47+s17+$0x0], $0xffff  }
0x1ef: {  	v36 =	vmax.f32 v48, v23;
	v23 =	vmul.f32 $5.000000000e-01, v23;
	v29 =	vadd.f32 v29, v30;
	v30 =	vld [tilespmem:s14+$0x1E820]  }
0x1f0: {  	s10 =	simm.s32 $0x42;
	v50 =	vadd.s32 v12, v24;
	v52 =	vadd.s32 v14, v24;
	v49 =	vmul.f32 $5.000000000e-01, v36;
	v26 =	vld.idx.msk [tilespmem:v26+s17+$0x0], $0xffff  }
0x1f1: {  	v54 =	vadd.s32 v11, v27;
	v57 =	vmov s10;
	v23 =	vadd.f32 v23, v34  }
0x1f2: {  	v59 =	vadd.s32 v11, v24;
	vm0 =	vge.f32 v31, $6.000000240e-01;
	v29 =	vsub.f32 v29, v49  }
0x1f3: {  	v31 =	vnsel vm0, $0x0, v31;
	v23 =	vsub.f32 v23, v49;
	v25 =	vmul.f32 $1.200000000e+01, v25  }
0x1f4: {  	v35 =	vmul.f32 $1.200000000e+01, v35;
	v33 =	vmul.f32 $1.200000000e+01, v33;
	v53 =	vadd.f32 v29, v36  }
0x1f5: {  	v36 =	vadd.f32 v23, v36;
	v55 =	vadd.f32 $1.100000000e+01, v30;
	v26 =	vmul.f32 $1.200000000e+01, v26  }
0x1f6: {  	[tilespmem:s9+$0x4010] =	vst v31;
	v29 =	vnsel vm0, $0x0, v29;
	v25 =	vadd.f32 v25, v28;
	v31 =	vadd.f32 v35, v32  }
0x1f7: {  	v23 =	vnsel vm0, $0x0, v23;
	[tilespmem:s9+$0x10] =	vst v29;
	v30 =	vadd.f32 v33, v30;
	v26 =	vadd.f32 v26, v55  }
0x1f8: {  	v56 =	vld.idx.msk [tilespmem:v54+s6+$0x0], $0xffff;
	v54 =	vadd.s32 v17, v27;
	[tilespmem:s9+$0x1010] =	vst v23;
	v29 =	vnsel vm0, $0x0, v53;
	v31 =	vsub.f32 v31, v25  }
0x1f9: {  	v23 =	vand.u32 $0x7E, v57;
	[tilespmem:s9+$0x2010] =	vst v29;
	v29 =	vnsel vm0, $0x0, v36;
	v26 =	vsub.f32 v26, v30  }
0x1fa: {  	v33 =	vadd.s32 v17, v24;
	v57 =	vadd.s32 v20, v27;
	[tilespmem:s9+$0x3010] =	vst v29;
	v58 =	vmul.f32 $5.000000000e-01, v31  }
0x1fb: {  	v29 =	vadd.s32 v15, v24;
	v34 =	vld.idx.msk [tilespmem:v50+s17+$0x0], $0xffff;
	v60 =	vmax.f32 v31, v26;
	v61 =	vmul.f32 $5.000000000e-01, v26  }
0x1fc: {  	v63 =	vadd.s32 v2, v23;
	v37 =	vld.idx.msk [tilespmem:v51+s17+$0x0], $0xffff;
	v25 =	vadd.f32 v58, v25;
	v62 =	vmul.f32 $5.000000000e-01, v60  }
0x1fd: {  	v46 =	vadd.s32 v3, v23;
	vm0 =	vge.f32 v56, $6.000000240e-01;
	v38 =	vld.idx.msk [tilespmem:v52+s17+$0x0], $0xffff;
	v40 =	vadd.f32 v61, v30  }
0x1fe: {  	v36 =	vadd.s32 v20, v24;
	v35 =	vnsel vm0, $0x0, v56;
	v50 =	vld [tilespmem:s14+$0x1E820];
	v25 =	vsub.f32 v25, v62  }
0x1ff: {  	v55 =	vadd.s32 v18, v27;
	v52 =	vld.idx.msk [tilespmem:v59+s6+$0x0], $0xffff;
	v61 =	vadd.s32 v4, v23;
	v40 =	vsub.f32 v40, v62  }
0x200: {  	[tilespmem:s9+$0x4060] =	vst v35;
	v59 =	vadd.s32 v1, v23;
	v29 =	vld.idx.msk [tilespmem:v29+s17+$0x0], $0xffff;
	v51 =	vnsel vm0, $0x0, v25;
	v25 =	vadd.f32 v25, v60  }
0x201: {  	v35 =	vadd.s32 v8, v23;
	[tilespmem:s9+$0x60] =	vst v51;
	v53 =	vnsel vm0, $0x0, v40;
	v39 =	vadd.f32 v40, v60  }
0x202: {  	v26 =	vadd.s32 v16, v24;
	v31 =	vadd.s32 v18, v24;
	[tilespmem:s9+$0x1060] =	vst v53;
	v25 =	vnsel vm0, $0x0, v25  }
0x203: {  	v41 =	vld.idx.msk [tilespmem:v63+s6+$0x0], $0xffff;
	v30 =	vadd.s32 v19, v24;
	v34 =	vmul.f32 $1.200000000e+01, v34;
	[tilespmem:s9+$0x2060] =	vst v25;
	v25 =	vnsel vm0, $0x0, v39  }
0x204: {  	s20 =	simm.s32 $0x43;
	v37 =	vmul.f32 $1.200000000e+01, v37;
	v56 =	vmul.f32 $1.200000000e+01, v38;
	v48 =	vld.idx.msk [tilespmem:v61+s17+$0x0], $0xffff;
	[tilespmem:s9+$0x3060] =	vst v25;
	v25 =	vadd.s32 v19, v27  }
0x205: {  	v58 =	vadd.f32 $1.100000000e+01, v50;
	v24 =	vmov s20;
	v29 =	vmul.f32 $1.200000000e+01, v29;
	v45 =	vld [tilespmem:s14+$0x1E830]  }
0x206: {  	v38 =	vadd.s32 v9, v23;
	v34 =	vadd.f32 v34, v21;
	v60 =	vadd.f32 v56, v22;
	v39 =	vld.idx.msk [tilespmem:v54+s17+$0x0], $0xffff  }
0x207: {  	v24 =	vand.u32 $0x7F, v24;
	v43 =	vadd.f32 v37, v50;
	v29 =	vadd.f32 v29, v58;
	v47 =	vld.idx.msk [tilespmem:v55+s17+$0x0], $0xffff  }
0x208: {  	v50 =	vadd.s32 v5, v23;
	v37 =	vadd.s32 v7, v23;
	v62 =	vsub.f32 v60, v34;
	v51 =	vld.idx.msk [tilespmem:v57+s17+$0x0], $0xffff  }
0x209: {  	vm1 =	vge.f32 v41, $6.000000240e-01;
	v61 =	vadd.s32 v3, v24;
	v29 =	vsub.f32 v29, v43;
	v25 =	vld.idx.msk [tilespmem:v25+s17+$0x0], $0xffff  }
0x20a: {  	vm0 =	vge.f32 v52, $6.000000240e-01;
	v27 =	vadd.s32 v16, v27;
	v63 =	vmul.f32 $5.000000000e-01, v62  }
0x20b: {  	v49 =	vld [tilespmem:s14+$0x1E800];
	v60 =	vmul.f32 $5.000000000e-01, v29;
	v56 =	vmax.f32 v62, v29;
	v29 =	vadd.s32 v1, v24  }
0x20c: {  	v46 =	vld.idx.msk [tilespmem:v46+s17+$0x0], $0xffff;
	v54 =	vadd.s32 v4, v24;
	v57 =	vadd.s32 v5, v24;
	v34 =	vadd.f32 v63, v34  }
0x20d: {  	v44 =	vld.idx.msk [tilespmem:v59+s17+$0x0], $0xffff;
	v63 =	vadd.f32 $1.100000000e+01, v45;
	v47 =	vmul.f32 $1.200000000e+01, v47;
	v51 =	vmul.f32 $1.200000000e+01, v51  }
0x20e: {  	v50 =	vld.idx.msk [tilespmem:v50+s17+$0x0], $0xffff;
	v42 =	vadd.f32 v60, v43;
	v39 =	vmul.f32 $1.200000000e+01, v39;
	v58 =	vmul.f32 $1.200000000e+01, v25  }
0x20f: {  	v53 =	vld.idx.msk [tilespmem:v61+s17+$0x0], $0xffff;
	v62 =	vmul.f32 $5.000000000e-01, v56;
	v47 =	vadd.f32 v47, v45;
	v59 =	vadd.f32 v51, v63  }
0x210: {  	v40 =	vnsel vm0, $0x0, v52;
	v52 =	vld.idx.msk [tilespmem:v29+s17+$0x0], $0xffff;
	v29 =	vadd.f32 v39, v28;
	v28 =	vadd.f32 v58, v32  }
0x211: {  	v60 =	vmul.f32 $1.200000000e+01, v46;
	v34 =	vsub.f32 v34, v62;
	v54 =	vld.idx.msk [tilespmem:v54+s17+$0x0], $0xffff;
	v61 =	vsub.f32 v59, v47  }
0x212: {  	s3 =	simm.s32 $0x1EE30;
	v55 =	vld.idx.msk [tilespmem:v57+s17+$0x0], $0xffff;
	v51 =	vmul.f32 $1.200000000e+01, v44;
	v44 =	vsub.f32 v42, v62;
	v43 =	vsub.f32 v28, v29  }
0x213: {  	v42 =	vadd.f32 v60, v49;
	v62 =	vadd.f32 v34, v56;
	v25 =	vld [tilespmem:s3+$0x0];
	v63 =	vmul.f32 $5.000000000e-01, v61  }
0x214: {  	[tilespmem:s9+$0x4020] =	vst v40;
	v34 =	vnsel vm0, $0x0, v34;
	v39 =	vld.idx.msk [tilespmem:v27+s6+$0x0], $0xffff;
	v45 =	vadd.f32 v44, v56;
	v27 =	vmax.f32 v43, v61  }
0x215: {  	s4 =	simm.s32 $0x44;
	s10 =	simm.s32 $0x19800;
	[tilespmem:s9+$0x20] =	vst v34;
	v46 =	vnsel vm0, $0x0, v62;
	v28 =	vld [tilespmem:s3+$0xFFFFFFF0];
	v47 =	vadd.f32 v63, v47;
	v32 =	vmul.f32 $5.000000000e-01, v27  }
.LBB2_19:
0x216: {  	p1 =	slt.u32 s4, $0x7E;
	v44 =	vnsel vm0, $0x0, v44;
	[tilespmem:s9+$0x2020] =	vst v46;
	v34 =	vnsel vm0, $0x0, v45;
	v40 =	vmul.f32 $5.000000000e-01, v43  }
0x217: {  	v43 =	vmul.f32 $1.200000000e+01, v48;
	v45 =	vmul.f32 $1.200000000e+01, v50;
	[tilespmem:s9+$0x3020] =	vst v34;
	v46 =	vsub.f32 v47, v32  }
0x218: {  	v48 =	vadd.s32 v2, v24;
	v47 =	vadd.f32 $1.100000000e+01, v49;
	v34 =	vadd.f32 $1.100000000e+01, v25;
	[tilespmem:s9+$0x1020] =	vst v44  }
0x219: {  	v50 =	vmul.f32 $1.200000000e+01, v54;
	v44 =	vmul.f32 $1.200000000e+01, v52;
	v33 =	vld.idx.msk [tilespmem:v33+s17+$0x0], $0xffff;
	v52 =	vadd.f32 v46, v27  }
0x21a: {  	v53 =	vmul.f32 $1.200000000e+01, v53;
	v54 =	vmul.f32 $1.200000000e+01, v55;
	vm0 =	vge.f32 v39, $6.000000240e-01;
	v31 =	vld.idx.msk [tilespmem:v31+s17+$0x0], $0xffff  }
0x21b: {  	v50 =	vadd.f32 v50, v34;
	v44 =	vadd.f32 v44, v25;
	v30 =	vld.idx.msk [tilespmem:v30+s17+$0x0], $0xffff;
	v52 =	vnsel vm0, $0x0, v52  }
0x21c: {  	v49 =	vadd.f32 v53, v49;
	v53 =	vadd.f32 v54, v47;
	v46 =	vnsel vm0, $0x0, v46;
	v36 =	vld.idx.msk [tilespmem:v36+s17+$0x0], $0xffff;
	[tilespmem:s9+$0x3070] =	vst v52  }
0x21d: {  	v39 =	vnsel vm0, $0x0, v39;
	v52 =	vadd.f32 $1.100000000e+01, v28;
	v50 =	vsub.f32 v50, v44;
	v48 =	vld.idx.msk [tilespmem:v48+s6+$0x0], $0xffff;
	[tilespmem:s9+$0x1070] =	vst v46  }
0x21e: {  	v41 =	vnsel vm1, $0x0, v41;
	v46 =	vadd.f32 v51, v28;
	v51 =	vsub.f32 v53, v49;
	v53 =	vld [tilespmem:s14+$0x1E830];
	[tilespmem:s9+$0x4070] =	vst v39  }
0x21f: {  	v39 =	vadd.f32 v43, v52;
	v43 =	vadd.f32 v45, v47;
	v45 =	vmul.f32 $5.000000000e-01, v50;
	v26 =	vld.idx.msk [tilespmem:v26+s6+$0x0], $0xffff  }
0x220: {  	v33 =	vmul.f32 $1.200000000e+01, v33;
	v47 =	vmax.f32 v50, v51;
	v50 =	vmul.f32 $5.000000000e-01, v51  }
0x221: {  	v39 =	vsub.f32 v39, v46;
	v51 =	vmul.f32 $5.000000000e-01, v47;
	v44 =	vadd.f32 v45, v44  }
0x222: {  	v31 =	vmul.f32 $1.200000000e+01, v31;
	v43 =	vsub.f32 v43, v42;
	v45 =	vadd.f32 v50, v49  }
0x223: {  	v49 =	vmul.f32 $5.000000000e-01, v39;
	v44 =	vsub.f32 v44, v51;
	vm2 =	vge.f32 v48, $6.000000240e-01  }
0x224: {  	s9 =	sadd.s32 $0x80, s9;
	v50 =	vmul.f32 $5.000000000e-01, v43;
	v45 =	vsub.f32 v45, v51;
	v48 =	vnsel vm2, $0x0, v48  }
0x225: {  	v51 =	vnsel vm2, $0x0, v44;
	v44 =	vadd.f32 v44, v47;
	[tilespmem:s9+$0x4040] =	vst v48;
	v48 =	vadd.s32 v7, v24  }
0x226: {  	[tilespmem:s9+$0x40] =	vst v51;
	v51 =	vnsel vm2, $0x0, v45;
	v45 =	vadd.f32 v45, v47;
	v47 =	vadd.s32 v8, v24  }
0x227: {  	v39 =	vmax.f32 v39, v43;
	v43 =	vnsel vm2, $0x0, v44;
	v44 =	vadd.s32 v9, v24;
	[tilespmem:s9+$0x1040] =	vst v51  }
0x228: {  	v46 =	vadd.f32 v49, v46;
	[tilespmem:s9+$0x2040] =	vst v43;
	v43 =	vnsel vm2, $0x0, v45;
	v45 =	vadd.s32 v10, v24  }
0x229: {  	v30 =	vmul.f32 $1.200000000e+01, v30;
	v49 =	vmul.f32 $5.000000000e-01, v39;
	v42 =	vadd.f32 v50, v42;
	[tilespmem:s9+$0x3040] =	vst v43  }
0x22a: {  	v33 =	vadd.f32 v33, v21;
	v21 =	vmovc v28;
	v36 =	vmul.f32 $1.200000000e+01, v36;
	v43 =	vadd.f32 $1.100000000e+01, v53;
	[tilespmem:s9+$0x4000] =	vst v41;
	v41 =	vld.idx.msk [tilespmem:v48+s17+$0x0], $0xffff  }
0x22b: {  	v28 =	vsub.f32 v46, v49;
	v42 =	vsub.f32 v42, v49;
	vm2 =	vge.f32 v26, $6.000000240e-01;
	v46 =	vld.idx.msk [tilespmem:v47+s17+$0x0], $0xffff  }
0x22c: {  	v30 =	vadd.f32 v30, v22;
	v22 =	vmovc v52;
	v31 =	vadd.f32 v31, v53;
	v26 =	vnsel vm2, $0x0, v26;
	v44 =	vld.idx.msk [tilespmem:v44+s17+$0x0], $0xffff  }
0x22d: {  	v47 =	vnsel vm1, $0x0, v28;
	v28 =	vadd.f32 v28, v39;
	v39 =	vadd.f32 v42, v39;
	v45 =	vld.idx.msk [tilespmem:v45+s17+$0x0], $0xffff;
	[tilespmem:s10+$0x4030] =	vst v26  }
0x22e: {  	v30 =	vsub.f32 v30, v33;
	v36 =	vadd.f32 v36, v43;
	v26 =	vnsel vm1, $0x0, v42;
	[tilespmem:s9+$0x0] =	vst v47;
	v42 =	vld [tilespmem:s14+$0x1E810]  }
0x22f: {  	v29 =	vadd.f32 v40, v29;
	[tilespmem:s9+$0x1000] =	vst v26;
	v26 =	vnsel vm1, $0x0, v28;
	v28 =	vnsel vm1, $0x0, v39  }
0x230: {  	v36 =	vsub.f32 v36, v31;
	v39 =	vmul.f32 $5.000000000e-01, v30;
	[tilespmem:s9+$0x2000] =	vst v26;
	v26 =	vadd.s32 v10, v23  }
0x231: {  	v40 =	vadd.s32 v6, v24;
	v29 =	vsub.f32 v29, v32;
	[tilespmem:s9+$0x3000] =	vst v28;
	v28 =	vadd.s32 v6, v23  }
0x232: {  	v30 =	vmax.f32 v30, v36;
	v32 =	vld.idx.msk [tilespmem:v37+s17+$0x0], $0xffff;
	v37 =	vmul.f32 $1.200000000e+01, v41;
	v41 =	vmul.f32 $1.200000000e+01, v44  }
0x233: {  	v44 =	vmul.f32 $1.200000000e+01, v46;
	v45 =	vmul.f32 $1.200000000e+01, v45;
	v35 =	vld.idx.msk [tilespmem:v35+s17+$0x0], $0xffff;
	v43 =	vadd.f32 $1.100000000e+01, v42  }
0x234: {  	v36 =	vmul.f32 $5.000000000e-01, v36;
	v38 =	vld.idx.msk [tilespmem:v38+s17+$0x0], $0xffff;
	v37 =	vadd.f32 v37, v25;
	v41 =	vadd.f32 v41, v34  }
0x235: {  	v42 =	vadd.f32 v44, v42;
	v44 =	vmul.f32 $5.000000000e-01, v30;
	v26 =	vld.idx.msk [tilespmem:v26+s17+$0x0], $0xffff;
	v43 =	vadd.f32 v45, v43  }
0x236: {  	v33 =	vadd.f32 v39, v33;
	v39 =	vnsel vm0, $0x0, v29;
	v40 =	vld.idx.msk [tilespmem:v40+s6+$0x0], $0xffff;
	v41 =	vsub.f32 v41, v37  }
0x237: {  	v31 =	vadd.f32 v36, v31;
	v45 =	vld [tilespmem:s14+$0x1E810];
	v43 =	vsub.f32 v43, v42;
	[tilespmem:s10+$0x70] =	vst v39  }
0x238: {  	v33 =	vsub.f32 v33, v44;
	v32 =	vmul.f32 $1.200000000e+01, v32;
	v28 =	vld.idx.msk [tilespmem:v28+s6+$0x0], $0xffff;
	v36 =	vmul.f32 $5.000000000e-01, v41  }
0x239: {  	v35 =	vmul.f32 $1.200000000e+01, v35;
	v39 =	vmax.f32 v41, v43;
	v41 =	vmul.f32 $5.000000000e-01, v43  }
0x23a: {  	v38 =	vmul.f32 $1.200000000e+01, v38;
	v43 =	vmul.f32 $5.000000000e-01, v39;
	v36 =	vadd.f32 v36, v37  }
0x23b: {  	v32 =	vadd.f32 v32, v21;
	v26 =	vmul.f32 $1.200000000e+01, v26;
	v37 =	vadd.f32 v41, v42  }
0x23c: {  	vm1 =	vge.f32 v40, $6.000000240e-01;
	v41 =	vadd.f32 $1.100000000e+01, v45;
	v36 =	vsub.f32 v36, v43  }
0x23d: {  	v35 =	vadd.f32 v35, v45;
	v40 =	vnsel vm1, $0x0, v40;
	v37 =	vsub.f32 v37, v43  }
0x23e: {  	v42 =	vnsel vm1, $0x0, v36;
	v36 =	vadd.f32 v36, v39;
	[tilespmem:s9+$0x4050] =	vst v40;
	v40 =	vadd.s32 v12, v24  }
0x23f: {  	[tilespmem:s9+$0x50] =	vst v42;
	v42 =	vnsel vm1, $0x0, v37;
	v37 =	vadd.f32 v37, v39;
	v39 =	vadd.s32 v13, v24  }
0x240: {  	v38 =	vadd.f32 v38, v22;
	[tilespmem:s9+$0x1050] =	vst v42;
	v36 =	vnsel vm1, $0x0, v36;
	v42 =	vadd.s32 v14, v24  }
0x241: {  	v26 =	vadd.f32 v26, v41;
	[tilespmem:s9+$0x2050] =	vst v36;
	v36 =	vnsel vm1, $0x0, v37;
	v37 =	vadd.s32 v15, v24  }
0x242: {  	v31 =	vsub.f32 v31, v44;
	v38 =	vsub.f32 v38, v32;
	vm1 =	vge.f32 v28, $6.000000240e-01;
	[tilespmem:s9+$0x3050] =	vst v36  }
0x243: {  	v27 =	vadd.f32 v29, v27;
	v26 =	vsub.f32 v26, v35;
	v28 =	vnsel vm1, $0x0, v28;
	v36 =	vld.idx.msk [tilespmem:v40+s17+$0x0], $0xffff  }
0x244: {  	v29 =	vmul.f32 $5.000000000e-01, v38;
	[tilespmem:s9+$0x4010] =	vst v28;
	v28 =	vld.idx.msk [tilespmem:v39+s17+$0x0], $0xffff;
	v39 =	vadd.f32 v33, v30;
	v30 =	vadd.f32 v31, v30  }
0x245: {  	v27 =	vnsel vm0, $0x0, v27;
	v38 =	vmax.f32 v38, v26;
	v26 =	vmul.f32 $5.000000000e-01, v26;
	v40 =	vld.idx.msk [tilespmem:v42+s17+$0x0], $0xffff  }
0x246: {  	v29 =	vadd.f32 v29, v32;
	v41 =	vmul.f32 $5.000000000e-01, v38;
	v32 =	vld.idx.msk [tilespmem:v37+s17+$0x0], $0xffff;
	v37 =	vnsel vm2, $0x0, v39;
	[tilespmem:s10+$0x2070] =	vst v27  }
0x247: {  	v26 =	vadd.f32 v26, v35;
	v33 =	vnsel vm2, $0x0, v33;
	v30 =	vnsel vm2, $0x0, v30;
	v27 =	vld [tilespmem:s14+$0x1E820];
	[tilespmem:s10+$0x2030] =	vst v37  }
0x248: {  	v35 =	vadd.s32 v12, v23;
	v31 =	vnsel vm2, $0x0, v31;
	v29 =	vsub.f32 v29, v41;
	[tilespmem:s10+$0x3030] =	vst v30  }
0x249: {  	v26 =	vsub.f32 v26, v41;
	v37 =	vadd.s32 v14, v23;
	v30 =	vadd.s32 v13, v23;
	[tilespmem:s10+$0x30] =	vst v33  }
0x24a: {  	v39 =	vadd.s32 v11, v24;
	v33 =	vnsel vm1, $0x0, v29;
	v29 =	vadd.f32 v29, v38;
	[tilespmem:s10+$0x1030] =	vst v31;
	s10 =	smov.u32 s9  }
0x24b: {  	v31 =	vadd.f32 v26, v38;
	[tilespmem:s9+$0x10] =	vst v33;
	v33 =	vmul.f32 $1.200000000e+01, v36;
	v36 =	vmul.f32 $1.200000000e+01, v40  }
0x24c: {  	v28 =	vmul.f32 $1.200000000e+01, v28;
	v32 =	vmul.f32 $1.200000000e+01, v32;
	v38 =	vadd.f32 $1.100000000e+01, v27  }
0x24d: {  	v29 =	vnsel vm1, $0x0, v29;
	v40 =	vadd.f32 v33, v25;
	v33 =	vadd.f32 v36, v34  }
0x24e: {  	v27 =	vadd.f32 v28, v27;
	[tilespmem:s9+$0x2010] =	vst v29;
	v29 =	vnsel vm1, $0x0, v31;
	v28 =	vadd.f32 v32, v38  }
0x24f: {  	v26 =	vnsel vm1, $0x0, v26;
	[tilespmem:s9+$0x3010] =	vst v29;
	v29 =	vadd.s32 v15, v23;
	v32 =	vld.idx.msk [tilespmem:v39+s6+$0x0], $0xffff;
	v31 =	vsub.f32 v33, v40  }
0x250: {  	v33 =	vmov s4;
	[tilespmem:s9+$0x1010] =	vst v26;
	v28 =	vsub.f32 v28, v27  }
0x251: {  	v36 =	vadd.s32 v11, v23;
	v38 =	vand.u32 $0x7E, v33;
	v35 =	vld.idx.msk [tilespmem:v35+s17+$0x0], $0xffff;
	v39 =	vmul.f32 $5.000000000e-01, v31  }
0x252: {  	v26 =	vadd.s32 v16, v23;
	v41 =	vld.idx.msk [tilespmem:v30+s17+$0x0], $0xffff;
	v42 =	vmax.f32 v31, v28;
	v28 =	vmul.f32 $5.000000000e-01, v28  }
0x253: {  	v33 =	vadd.s32 v17, v23;
	v37 =	vld.idx.msk [tilespmem:v37+s17+$0x0], $0xffff;
	v43 =	vmul.f32 $5.000000000e-01, v42;
	v39 =	vadd.f32 v39, v40  }
0x254: {  	v31 =	vadd.s32 v18, v23;
	v30 =	vadd.s32 v19, v23;
	v29 =	vld.idx.msk [tilespmem:v29+s17+$0x0], $0xffff;
	v27 =	vadd.f32 v28, v27  }
0x255: {  	v28 =	vadd.s32 v2, v38;
	vm0 =	vge.f32 v32, $6.000000240e-01;
	v40 =	vld [tilespmem:s14+$0x1E820];
	v39 =	vsub.f32 v39, v43  }
0x256: {  	v44 =	vadd.s32 v1, v38;
	v32 =	vnsel vm0, $0x0, v32;
	v36 =	vld.idx.msk [tilespmem:v36+s6+$0x0], $0xffff;
	v27 =	vsub.f32 v27, v43  }
0x257: {  	v35 =	vmul.f32 $1.200000000e+01, v35;
	v43 =	vnsel vm0, $0x0, v39;
	v39 =	vadd.f32 v39, v42;
	[tilespmem:s9+$0x4060] =	vst v32  }
0x258: {  	[tilespmem:s9+$0x60] =	vst v43;
	v32 =	vnsel vm0, $0x0, v27;
	v27 =	vadd.f32 v27, v42;
	v42 =	vadd.s32 v17, v24  }
0x259: {  	v41 =	vmul.f32 $1.200000000e+01, v41;
	[tilespmem:s9+$0x1060] =	vst v32;
	v32 =	vnsel vm0, $0x0, v39;
	v39 =	vadd.s32 v18, v24  }
0x25a: {  	v37 =	vmul.f32 $1.200000000e+01, v37;
	[tilespmem:s9+$0x2060] =	vst v32;
	v27 =	vnsel vm0, $0x0, v27;
	v32 =	vadd.s32 v20, v24  }
0x25b: {  	v29 =	vmul.f32 $1.200000000e+01, v29;
	v43 =	vadd.f32 $1.100000000e+01, v40;
	[tilespmem:s9+$0x3060] =	vst v27;
	v27 =	vadd.s32 v19, v24  }
0x25c: {  	v45 =	vadd.f32 v35, v21;
	v40 =	vadd.f32 v41, v40;
	vm0 =	vge.f32 v36, $6.000000240e-01;
	v46 =	vld [tilespmem:s14+$0x1E830]  }
0x25d: {  	v35 =	vadd.f32 v37, v22;
	v29 =	vadd.f32 v29, v43;
	v36 =	vnsel vm0, $0x0, v36;
	v42 =	vld.idx.msk [tilespmem:v42+s17+$0x0], $0xffff  }
0x25e: {  	v43 =	vadd.s32 v3, v38;
	[tilespmem:s9+$0x4020] =	vst v36;
	v36 =	vadd.s32 v20, v23;
	v39 =	vld.idx.msk [tilespmem:v39+s17+$0x0], $0xffff;
	v23 =	vmov v38  }
0x25f: {  	v48 =	vsub.f32 v35, v45;
	v29 =	vsub.f32 v29, v40;
	v47 =	vadd.s32 v4, v23;
	v32 =	vld.idx.msk [tilespmem:v32+s17+$0x0], $0xffff  }
0x260: {  	s20 =	sadd.s32 $0x1, s4;
	v49 =	vadd.s32 v5, v23;
	v37 =	vadd.s32 v7, v23;
	v35 =	vadd.s32 v8, v23;
	v27 =	vld.idx.msk [tilespmem:v27+s17+$0x0], $0xffff  }
0x261: {  	v50 =	vmul.f32 $5.000000000e-01, v48;
	v51 =	vmul.f32 $5.000000000e-01, v29;
	v41 =	vld.idx.msk [tilespmem:v28+s6+$0x0], $0xffff;
	v28 =	vmov s20  }
0x262: {  	v38 =	vadd.s32 v9, v23;
	v56 =	vmax.f32 v48, v29;
	v44 =	vld.idx.msk [tilespmem:v44+s17+$0x0], $0xffff;
	v28 =	vand.u32 $0x7F, v28  }
0x263: {  	v45 =	vadd.f32 v50, v45;
	v40 =	vadd.f32 v51, v40;
	v43 =	vld.idx.msk [tilespmem:v43+s17+$0x0], $0xffff;
	v29 =	vadd.s32 v1, v28  }
0x264: {  	v55 =	vmul.f32 $5.000000000e-01, v56;
	v54 =	vadd.s32 v4, v28;
	v48 =	vld.idx.msk [tilespmem:v47+s17+$0x0], $0xffff;
	v47 =	vadd.s32 v3, v28  }
0x265: {  	v51 =	vadd.f32 $1.100000000e+01, v46;
	v39 =	vmul.f32 $1.200000000e+01, v39;
	v32 =	vmul.f32 $1.200000000e+01, v32;
	v50 =	vld.idx.msk [tilespmem:v49+s17+$0x0], $0xffff  }
0x266: {  	s3 =	sadd.s32 $0x20, s3;
	v42 =	vmul.f32 $1.200000000e+01, v42;
	v57 =	vadd.s32 v5, v28;
	v27 =	vmul.f32 $1.200000000e+01, v27;
	v49 =	vld [tilespmem:s14+$0x1E800]  }
0x267: {  	v59 =	vadd.s32 v16, v24;
	v24 =	vmovc v28;
	v60 =	vadd.f32 v39, v46;
	v32 =	vadd.f32 v32, v51;
	v58 =	vld [tilespmem:s3+$0x0]  }
0x268: {  	vm1 =	vge.f32 v41, $6.000000240e-01;
	v52 =	vld.idx.msk [tilespmem:v29+s17+$0x0], $0xffff;
	v29 =	vadd.f32 v42, v25;
	v25 =	vadd.f32 v27, v34  }
.Ltmp10:
0x269: {  	v28 =	vsub.f32 v45, v55;
	v27 =	vmul.f32 $1.200000000e+01, v43;
	v32 =	vsub.f32 v32, v60;
	v53 =	vld.idx.msk [tilespmem:v47+s17+$0x0], $0xffff;
	(pc) =	sbr.rel @p1 .LBB2_19-.Ltmp10, $4  }
0x26a: {  	v51 =	vmul.f32 $1.200000000e+01, v44;
	v44 =	vsub.f32 v40, v55;
	v54 =	vld.idx.msk [tilespmem:v54+s17+$0x0], $0xffff;
	v43 =	vsub.f32 v25, v29  }
0x26b: {  	v34 =	vadd.f32 v28, v56;
	v40 =	vmul.f32 $5.000000000e-01, v32;
	v42 =	vadd.f32 v27, v49;
	v55 =	vld.idx.msk [tilespmem:v57+s17+$0x0], $0xffff  }
0x26c: {  	v46 =	vnsel vm0, $0x0, v28;
	v45 =	vadd.f32 v44, v56;
	v39 =	vld.idx.msk [tilespmem:v59+s6+$0x0], $0xffff;
	v27 =	vmax.f32 v43, v32;
	v25 =	vmovc v58  }
0x26d: {  	s4 =	sadd.s32 $0x2, s4;
	v47 =	vadd.f32 v40, v60;
	v28 =	vld [tilespmem:s3+$0xFFFFFFF0];
	[tilespmem:s9+$0x20] =	vst v46;
	v46 =	vnsel vm0, $0x0, v34;
	v32 =	vmul.f32 $5.000000000e-01, v27  }
0x26e: {  	v40 =	vadd.f32 $1.100000000e+01, v25  }
0x26f: {  	v34 =	vmul.f32 $1.200000000e+01, v52;
	v60 =	vadd.s32 v2, v24;
	v59 =	vmul.f32 $1.200000000e+01, v54  }
0x270: {  	v56 =	vadd.f32 $1.100000000e+01, v49;
	v53 =	vmul.f32 $1.200000000e+01, v53;
	v55 =	vmul.f32 $1.200000000e+01, v55  }
0x271: {  	v34 =	vadd.f32 v34, v25;
	v52 =	vadd.f32 v59, v40  }
0x272: {  	v61 =	vadd.f32 v53, v49;
	v62 =	vadd.f32 v55, v56  }
0x273: {  	v52 =	vsub.f32 v52, v34  }
0x274: {  	v50 =	vmul.f32 $1.200000000e+01, v50;
	v54 =	vld.idx.msk [tilespmem:v60+s6+$0x0], $0xffff;
	v53 =	vsub.f32 v62, v61  }
0x275: {  	v63 =	vmul.f32 $5.000000000e-01, v52  }
0x276: {  	v50 =	vadd.f32 v50, v56;
	v52 =	vmax.f32 v52, v53;
	v53 =	vmul.f32 $5.000000000e-01, v53  }
0x277: {  	v51 =	vadd.f32 v51, v28;
	v55 =	vadd.f32 v63, v34;
	v57 =	vmul.f32 $5.000000000e-01, v52  }
0x278: {  	v48 =	vmul.f32 $1.200000000e+01, v48;
	v34 =	vadd.f32 $1.100000000e+01, v28;
	v49 =	vadd.f32 v53, v61  }
0x279: {  	v63 =	vadd.s32 v10, v24;
	vm2 =	vge.f32 v54, $6.000000240e-01;
	v55 =	vsub.f32 v55, v57  }
0x27a: {  	s3 =	sadd.s32 $0x80, s9;
	v48 =	vadd.f32 v48, v34;
	v58 =	vnsel vm2, $0x0, v54;
	v49 =	vsub.f32 v49, v57  }
0x27b: {  	v53 =	vadd.s32 v7, v24;
	[tilespmem:s3+$0x4040] =	vst v58;
	v59 =	vnsel vm2, $0x0, v55;
	v55 =	vadd.f32 v55, v52  }
0x27c: {  	v48 =	vsub.f32 v48, v51;
	[tilespmem:s3+$0x40] =	vst v59;
	v60 =	vnsel vm2, $0x0, v49;
	v49 =	vadd.f32 v49, v52  }
0x27d: {  	v50 =	vsub.f32 v50, v42;
	v52 =	vadd.s32 v8, v24;
	[tilespmem:s3+$0x1040] =	vst v60;
	v61 =	vnsel vm2, $0x0, v55  }
0x27e: {  	v55 =	vadd.s32 v9, v24;
	v62 =	vmul.f32 $5.000000000e-01, v48;
	[tilespmem:s3+$0x2040] =	vst v61;
	v49 =	vnsel vm2, $0x0, v49  }
0x27f: {  	v59 =	vmul.f32 $5.000000000e-01, v50;
	v48 =	vmax.f32 v48, v50;
	[tilespmem:s3+$0x3040] =	vst v49  }
0x280: {  	v61 =	vmul.f32 $5.000000000e-01, v48;
	v60 =	vadd.f32 v62, v51;
	v53 =	vld.idx.msk [tilespmem:v53+s17+$0x0], $0xffff  }
0x281: {  	v62 =	vadd.f32 v59, v42;
	v51 =	vld.idx.msk [tilespmem:v63+s17+$0x0], $0xffff  }
0x282: {  	v49 =	vld.idx.msk [tilespmem:v52+s17+$0x0], $0xffff;
	v50 =	vsub.f32 v60, v61  }
0x283: {  	v41 =	vnsel vm1, $0x0, v41;
	v42 =	vsub.f32 v62, v61;
	v61 =	vadd.s32 v6, v24;
	v52 =	vld.idx.msk [tilespmem:v55+s17+$0x0], $0xffff  }
0x284: {  	[tilespmem:s3+$0x4000] =	vst v41;
	v54 =	vld [tilespmem:s14+$0x1E810];
	v63 =	vnsel vm1, $0x0, v50;
	v50 =	vadd.f32 v50, v48  }
0x285: {  	v48 =	vadd.f32 v42, v48;
	v57 =	vnsel vm1, $0x0, v42;
	[tilespmem:s3+$0x0] =	vst v63  }
0x286: {  	[tilespmem:s3+$0x1000] =	vst v57;
	v58 =	vnsel vm1, $0x0, v50  }
0x287: {  	v44 =	vnsel vm0, $0x0, v44;
	v47 =	vsub.f32 v47, v32;
	v59 =	vnsel vm1, $0x0, v48;
	[tilespmem:s3+$0x2000] =	vst v58  }
0x288: {  	v60 =	vadd.s32 v10, v23;
	v62 =	vmul.f32 $1.200000000e+01, v53;
	[tilespmem:s3+$0x3000] =	vst v59;
	v42 =	vld.idx.msk [tilespmem:v61+s6+$0x0], $0xffff;
	v63 =	vmul.f32 $1.200000000e+01, v52  }
0x289: {  	v56 =	vadd.f32 $1.100000000e+01, v54;
	v51 =	vmul.f32 $1.200000000e+01, v51;
	v49 =	vmul.f32 $1.200000000e+01, v49;
	v37 =	vld.idx.msk [tilespmem:v37+s17+$0x0], $0xffff  }
0x28a: {  	v45 =	vnsel vm0, $0x0, v45;
	v35 =	vld.idx.msk [tilespmem:v35+s17+$0x0], $0xffff;
	v48 =	vadd.f32 v62, v25;
	v50 =	vadd.f32 v63, v40  }
0x28b: {  	v43 =	vmul.f32 $5.000000000e-01, v43;
	[tilespmem:s9+$0x1020] =	vst v44;
	v51 =	vadd.f32 v51, v56;
	v57 =	vld [tilespmem:s14+$0x1E810];
	v49 =	vadd.f32 v49, v54  }
0x28c: {  	v44 =	vadd.s32 v14, v23;
	v58 =	vadd.s32 v6, v23;
	v38 =	vld.idx.msk [tilespmem:v38+s17+$0x0], $0xffff;
	v50 =	vsub.f32 v50, v48  }
0x28d: {  	v41 =	vld.idx.msk [tilespmem:v60+s17+$0x0], $0xffff;
	v56 =	vadd.s32 v13, v24;
	v63 =	vadd.s32 v12, v24;
	v51 =	vsub.f32 v51, v49  }
0x28e: {  	vm8 =	vge.f32 v42, $6.000000240e-01;
	v37 =	vmul.f32 $1.200000000e+01, v37;
	v59 =	vmul.f32 $5.000000000e-01, v50  }
0x28f: {  	v35 =	vmul.f32 $1.200000000e+01, v35;
	v50 =	vmax.f32 v50, v51;
	v51 =	vmul.f32 $5.000000000e-01, v51  }
0x290: {  	v61 =	vadd.f32 $1.100000000e+01, v57;
	v60 =	vmul.f32 $5.000000000e-01, v50;
	v48 =	vadd.f32 v59, v48  }
0x291: {  	v38 =	vmul.f32 $1.200000000e+01, v38;
	v37 =	vadd.f32 v37, v28;
	v49 =	vadd.f32 v51, v49  }
0x292: {  	[tilespmem:s9+$0x2020] =	vst v46;
	v41 =	vmul.f32 $1.200000000e+01, v41;
	v35 =	vadd.f32 v35, v57;
	v48 =	vsub.f32 v48, v60  }
0x293: {  	[tilespmem:s9+$0x3020] =	vst v45;
	v42 =	vnsel vm8, $0x0, v42;
	v38 =	vadd.f32 v38, v34;
	v49 =	vsub.f32 v49, v60  }
0x294: {  	[tilespmem:s3+$0x4050] =	vst v42;
	v41 =	vadd.f32 v41, v61;
	v62 =	vnsel vm8, $0x0, v48;
	v48 =	vadd.f32 v48, v50  }
0x295: {  	v33 =	vld.idx.msk [tilespmem:v33+s17+$0x0], $0xffff;
	v38 =	vsub.f32 v38, v37;
	v54 =	vnsel vm8, $0x0, v49;
	v49 =	vadd.f32 v49, v50;
	[tilespmem:s3+$0x50] =	vst v62  }
0x296: {  	v58 =	vld.idx.msk [tilespmem:v58+s6+$0x0], $0xffff;
	v57 =	vadd.s32 v14, v24;
	v41 =	vsub.f32 v41, v35;
	[tilespmem:s3+$0x1050] =	vst v54;
	v48 =	vnsel vm8, $0x0, v48  }
0x297: {  	v31 =	vld.idx.msk [tilespmem:v31+s17+$0x0], $0xffff;
	v29 =	vadd.f32 v43, v29;
	v61 =	vmul.f32 $5.000000000e-01, v38;
	v59 =	vnsel vm8, $0x0, v49;
	[tilespmem:s3+$0x2050] =	vst v48  }
0x298: {  	v60 =	vadd.s32 v15, v24;
	v38 =	vmax.f32 v38, v41;
	v41 =	vmul.f32 $5.000000000e-01, v41;
	v54 =	vld [tilespmem:s14+$0x1E830];
	[tilespmem:s3+$0x3050] =	vst v59  }
0x299: {  	v46 =	vadd.f32 v47, v27;
	v62 =	vmul.f32 $5.000000000e-01, v38;
	v37 =	vadd.f32 v61, v37;
	v42 =	vld.idx.msk [tilespmem:v63+s17+$0x0], $0xffff  }
0x29a: {  	vm9 =	vge.f32 v39, $6.000000240e-01;
	v29 =	vsub.f32 v29, v32;
	v35 =	vadd.f32 v41, v35;
	v50 =	vld.idx.msk [tilespmem:v56+s17+$0x0], $0xffff  }
0x29b: {  	v33 =	vmul.f32 $1.200000000e+01, v33;
	vm10 =	vge.f32 v58, $6.000000240e-01;
	v37 =	vsub.f32 v37, v62;
	v63 =	vld.idx.msk [tilespmem:v57+s17+$0x0], $0xffff  }
0x29c: {  	v35 =	vsub.f32 v35, v62;
	v59 =	vadd.s32 v11, v24;
	v41 =	vld [tilespmem:s14+$0x1E820];
	v56 =	vnsel vm10, $0x0, v58  }
0x29d: {  	v51 =	vadd.s32 v13, v23;
	v57 =	vld.idx.msk [tilespmem:v60+s17+$0x0], $0xffff;
	v58 =	vadd.f32 v37, v38;
	[tilespmem:s3+$0x4010] =	vst v56;
	v37 =	vnsel vm10, $0x0, v37  }
0x29e: {  	v36 =	vld.idx.msk [tilespmem:v36+s17+$0x0], $0xffff;
	v31 =	vmul.f32 $1.200000000e+01, v31;
	v38 =	vadd.f32 v35, v38;
	v35 =	vnsel vm10, $0x0, v35;
	[tilespmem:s3+$0x10] =	vst v37  }
0x29f: {  	v21 =	vadd.f32 v33, v21;
	v52 =	vld.idx.msk [tilespmem:v30+s17+$0x0], $0xffff;
	v30 =	vnsel vm9, $0x0, v46;
	[tilespmem:s3+$0x1010] =	vst v35;
	v62 =	vnsel vm10, $0x0, v58  }
0x2a0: {  	v49 =	vadd.s32 v12, v23;
	v31 =	vadd.f32 v31, v54;
	v56 =	vnsel vm10, $0x0, v38;
	[tilespmem:s3+$0x2010] =	vst v62  }
0x2a1: {  	v58 =	vadd.s32 v15, v23;
	[tilespmem:s3+$0x3010] =	vst v56;
	v46 =	vld.idx.msk [tilespmem:v59+s6+$0x0], $0xffff;
	v60 =	vmul.f32 $1.200000000e+01, v42;
	v61 =	vmul.f32 $1.200000000e+01, v63  }
0x2a2: {  	v63 =	vadd.f32 $1.100000000e+01, v41;
	v50 =	vmul.f32 $1.200000000e+01, v50;
	v57 =	vmul.f32 $1.200000000e+01, v57;
	v62 =	vld.idx.msk [tilespmem:v51+s17+$0x0], $0xffff  }
0x2a3: {  	v36 =	vmul.f32 $1.200000000e+01, v36;
	v53 =	vld.idx.msk [tilespmem:v44+s17+$0x0], $0xffff;
	v37 =	vadd.f32 v60, v25;
	v42 =	vadd.f32 v61, v40  }
0x2a4: {  	v56 =	vld [tilespmem:s14+$0x1E820];
	v44 =	vnsel vm9, $0x0, v47;
	v59 =	vadd.f32 v50, v41;
	v38 =	vadd.f32 v57, v63  }
0x2a5: {  	v51 =	vadd.s32 v19, v23;
	v60 =	vld.idx.msk [tilespmem:v49+s17+$0x0], $0xffff;
	v61 =	vadd.f32 $1.100000000e+01, v54;
	v63 =	vmul.f32 $1.200000000e+01, v52  }
0x2a6: {  	v45 =	vld.idx.msk [tilespmem:v58+s17+$0x0], $0xffff;
	v58 =	vadd.s32 v11, v23;
	v42 =	vsub.f32 v42, v37;
	v52 =	vsub.f32 v38, v59  }
0x2a7: {  	v22 =	vadd.f32 v63, v22;
	v36 =	vadd.f32 v36, v61;
	vm11 =	vge.f32 v46, $6.000000240e-01  }
0x2a8: {  	v63 =	vadd.s32 v17, v24;
	v38 =	vmul.f32 $1.200000000e+01, v53;
	v55 =	vmul.f32 $5.000000000e-01, v42  }
0x2a9: {  	v42 =	vmax.f32 v42, v52;
	v33 =	vmul.f32 $5.000000000e-01, v52;
	v22 =	vsub.f32 v22, v21  }
0x2aa: {  	v36 =	vsub.f32 v36, v31;
	v41 =	vmul.f32 $1.200000000e+01, v60;
	v60 =	vadd.f32 $1.100000000e+01, v56  }
0x2ab: {  	v57 =	vmul.f32 $5.000000000e-01, v42;
	v38 =	vadd.f32 v38, v34;
	v37 =	vadd.f32 v55, v37  }
0x2ac: {  	v33 =	vadd.f32 v33, v59;
	v59 =	vmul.f32 $1.200000000e+01, v62;
	v45 =	vmul.f32 $1.200000000e+01, v45  }
0x2ad: {  	v46 =	vnsel vm11, $0x0, v46;
	v41 =	vadd.f32 v41, v28;
	v37 =	vsub.f32 v37, v57  }
0x2ae: {  	v52 =	vadd.s32 v18, v24;
	v47 =	vadd.f32 v59, v56;
	v45 =	vadd.f32 v45, v60  }
0x2af: {  	v55 =	vadd.s32 v20, v24;
	v33 =	vsub.f32 v33, v57;
	v38 =	vsub.f32 v38, v41  }
0x2b0: {  	[tilespmem:s3+$0x4060] =	vst v46;
	v35 =	vld.idx.msk [tilespmem:v58+s6+$0x0], $0xffff;
	v61 =	vnsel vm11, $0x0, v37;
	v37 =	vadd.f32 v37, v42;
	v45 =	vsub.f32 v45, v47  }
0x2b1: {  	v62 =	vnsel vm11, $0x0, v33;
	v33 =	vadd.f32 v33, v42;
	[tilespmem:s3+$0x60] =	vst v61;
	v53 =	vmul.f32 $5.000000000e-01, v38  }
0x2b2: {  	[tilespmem:s3+$0x1060] =	vst v62;
	v37 =	vnsel vm11, $0x0, v37;
	v54 =	vmul.f32 $5.000000000e-01, v45;
	v38 =	vmax.f32 v38, v45  }
0x2b3: {  	v33 =	vnsel vm11, $0x0, v33;
	[tilespmem:s3+$0x2060] =	vst v37;
	v41 =	vadd.f32 v53, v41;
	v45 =	vmul.f32 $5.000000000e-01, v38  }
0x2b4: {  	v26 =	vld.idx.msk [tilespmem:v26+s6+$0x0], $0xffff;
	v56 =	vadd.s32 v19, v24;
	v57 =	vmul.f32 $5.000000000e-01, v22;
	[tilespmem:s3+$0x3060] =	vst v33;
	v47 =	vadd.f32 v54, v47  }
0x2b5: {  	v22 =	vmax.f32 v22, v36;
	vm12 =	vge.f32 v35, $6.000000240e-01;
	v48 =	vld [tilespmem:s14+$0x1E830];
	v41 =	vsub.f32 v41, v45  }
0x2b6: {  	v36 =	vmul.f32 $5.000000000e-01, v36;
	v35 =	vnsel vm12, $0x0, v35;
	v46 =	vld.idx.msk [tilespmem:v52+s17+$0x0], $0xffff;
	v45 =	vsub.f32 v47, v45  }
0x2b7: {  	v59 =	vadd.s32 v17, v23;
	[tilespmem:s3+$0x4020] =	vst v35;
	v60 =	vld.idx.msk [tilespmem:v55+s17+$0x0], $0xffff;
	v58 =	vadd.f32 v41, v38;
	v61 =	vnsel vm12, $0x0, v41  }
0x2b8: {  	v42 =	vld.idx.msk [tilespmem:v63+s17+$0x0], $0xffff;
	v63 =	vadd.s32 v18, v23;
	v38 =	vadd.f32 v45, v38;
	[tilespmem:s3+$0x20] =	vst v61;
	v54 =	vnsel vm12, $0x0, v45  }
0x2b9: {  	v21 =	vadd.f32 v57, v21;
	v62 =	vmul.f32 $5.000000000e-01, v22;
	v47 =	vnsel vm12, $0x0, v58;
	[tilespmem:s3+$0x1020] =	vst v54  }
0x2ba: {  	vm13 =	vge.f32 v26, $6.000000240e-01;
	v53 =	vadd.s32 v20, v23;
	v33 =	vld.idx.msk [tilespmem:v56+s17+$0x0], $0xffff;
	[tilespmem:s3+$0x2020] =	vst v47;
	v52 =	vnsel vm12, $0x0, v38  }
0x2bb: {  	v26 =	vnsel vm13, $0x0, v26;
	v31 =	vadd.f32 v36, v31;
	v21 =	vsub.f32 v21, v62;
	[tilespmem:s3+$0x3020] =	vst v52  }
0x2bc: {  	v56 =	vadd.f32 $1.100000000e+01, v48;
	v57 =	vmul.f32 $1.200000000e+01, v46;
	v35 =	vmul.f32 $1.200000000e+01, v60;
	v58 =	vld.idx.msk [tilespmem:v59+s17+$0x0], $0xffff  }
0x2bd: {  	v31 =	vsub.f32 v31, v62;
	v55 =	vnsel vm9, $0x0, v39;
	v23 =	vadd.s32 v16, v23;
	v60 =	vld.idx.msk [tilespmem:v63+s17+$0x0], $0xffff  }
0x2be: {  	v45 =	vadd.s32 v16, v24;
	v38 =	vadd.f32 v57, v48;
	v35 =	vadd.f32 v35, v56;
	v61 =	vld.idx.msk [tilespmem:v51+s17+$0x0], $0xffff  }
0x2bf: {  	v33 =	vmul.f32 $1.200000000e+01, v33;
	v47 =	vadd.f32 v21, v22;
	v59 =	vmul.f32 $1.200000000e+01, v42;
	v32 =	vld.idx.msk [tilespmem:v53+s17+$0x0], $0xffff  }
0x2c0: {  	v22 =	vadd.f32 v31, v22;
	v21 =	vnsel vm13, $0x0, v21;
	v46 =	vld [tilespmem:s14+$0x1E830];
	v35 =	vsub.f32 v35, v38  }
0x2c1: {  	v33 =	vadd.f32 v33, v40;
	v56 =	vnsel vm13, $0x0, v31;
	v62 =	vadd.f32 v59, v25  }
0x2c2: {  	v63 =	vadd.f32 v29, v27;
	v29 =	vnsel vm9, $0x0, v29;
	v48 =	vmul.f32 $5.000000000e-01, v35  }
0x2c3: {  	[tilespmem:s9+$0x3070] =	vst v30;
	v49 =	vnsel vm13, $0x0, v47;
	v33 =	vsub.f32 v33, v62;
	v39 =	vmul.f32 $1.200000000e+01, v58  }
0x2c4: {  	[tilespmem:s10+$0x4030] =	vst v26;
	v23 =	vld.idx.msk [tilespmem:v23+s6+$0x0], $0xffff;
	v38 =	vadd.f32 v48, v38;
	v36 =	vmul.f32 $1.200000000e+01, v61;
	v50 =	vmul.f32 $1.200000000e+01, v60  }
0x2c5: {  	[tilespmem:s9+$0x1070] =	vst v44;
	v24 =	vld.idx.msk [tilespmem:v45+s6+$0x0], $0xffff;
	v51 =	vadd.f32 $1.100000000e+01, v46;
	v32 =	vmul.f32 $1.200000000e+01, v32;
	v35 =	vmax.f32 v33, v35  }
0x2c6: {  	[tilespmem:s9+$0x4070] =	vst v55;
	v52 =	vmul.f32 $5.000000000e-01, v35;
	v53 =	vadd.f32 v39, v28;
	v34 =	vadd.f32 v36, v34  }
0x2c7: {  	[tilespmem:s10+$0x30] =	vst v21;
	v22 =	vnsel vm13, $0x0, v22;
	v54 =	vadd.f32 v50, v46;
	v32 =	vadd.f32 v32, v51  }
0x2c8: {  	[tilespmem:s10+$0x1030] =	vst v56;
	v27 =	vnsel vm9, $0x0, v63;
	v55 =	vsub.f32 v38, v52;
	v34 =	vsub.f32 v34, v53  }
0x2c9: {  	[tilespmem:s10+$0x70] =	vst v29;
	vm15 =	vge.f32 v23, $6.000000240e-01;
	v57 =	vmul.f32 $5.000000000e-01, v33;
	v32 =	vsub.f32 v32, v54  }
0x2ca: {  	[tilespmem:s10+$0x3030] =	vst v22;
	vm14 =	vge.f32 v24, $6.000000240e-01;
	v22 =	vadd.f32 v55, v35;
	v58 =	vmul.f32 $5.000000000e-01, v34  }
0x2cb: {  	[tilespmem:s10+$0x2030] =	vst v49;
	v21 =	vadd.f32 v57, v62;
	v59 =	vmax.f32 v34, v32;
	v60 =	vmul.f32 $5.000000000e-01, v32  }
0x2cc: {  	[tilespmem:s10+$0x2070] =	vst v27;
	v61 =	vmul.f32 $5.000000000e-01, v59;
	v22 =	vnsel vm14, $0x0, v22;
	v28 =	vadd.f32 v58, v53  }
0x2cd: {  	v23 =	vnsel vm15, $0x0, v23;
	v21 =	vsub.f32 v21, v52;
	[tilespmem:s3+$0x3070] =	vst v22;
	v22 =	vadd.f32 v60, v54  }
0x2ce: {  	v24 =	vnsel vm14, $0x0, v24;
	[tilespmem:s3+$0x4030] =	vst v23;
	v62 =	vsub.f32 v28, v61  }
0x2cf: {  	[tilespmem:s3+$0x4070] =	vst v24;
	v27 =	vnsel vm14, $0x0, v55;
	v63 =	vadd.f32 v21, v35;
	v22 =	vsub.f32 v22, v61  }
0x2d0: {  	[tilespmem:s3+$0x1070] =	vst v27;
	v21 =	vnsel vm14, $0x0, v21;
	v23 =	vadd.f32 v62, v59  }
0x2d1: {  	[tilespmem:s3+$0x70] =	vst v21;
	v24 =	vnsel vm14, $0x0, v63;
	v21 =	vadd.f32 v22, v59  }
0x2d2: {  	[tilespmem:s3+$0x2070] =	vst v24;
	v23 =	vnsel vm15, $0x0, v23  }
0x2d3: {  	[tilespmem:s3+$0x2030] =	vst v23;
	v21 =	vnsel vm15, $0x0, v21  }
0x2d4: {  	v23 =	vnsel vm15, $0x0, v62;
	[tilespmem:s3+$0x3030] =	vst v21  }
0x2d5: {  	s4 =	sor.u32 $0x8000, s13;
	v21 =	vnsel vm15, $0x0, v22;
	[tilespmem:s3+$0x30] =	vst v23  }
0x2d6: {  	[tilespmem:s3+$0x1030] =	vst v21;
	s3 =	sadd.s32 s21, s4  }
0x2d7: {  	[hbm4b:s3+s18] =	stream.strided.scatter [tilespmem:s25], [sflag:$0x4], $0x1000, s19, s18, $0x38;
	[tilespmem:$0x1F210] =	vst v63  }
0x2d8: {  	s10 =	sadd.s32 $0x40000, s3  }
0x2d9: {  	[hbm4b:s10+s18] =	stream.strided.scatter [tilespmem:s26], [sflag:$0x4], $0x1000, s19, s18, $0x38;
	[tilespmem:$0x1F210] =	vst v63  }
0x2da: {  	s10 =	sadd.s32 $0x80000, s3  }
0x2db: {  	[hbm4b:s10+s18] =	stream.strided.scatter [tilespmem:s28], [sflag:$0x4], $0x1000, s19, s18, $0x38;
	[tilespmem:$0x1F210] =	vst v63  }
0x2dc: {  	s10 =	sadd.s32 $0xC0000, s3  }
0x2dd: {  	[hbm4b:s10+s18] =	stream.strided.scatter [tilespmem:s29], [sflag:$0x4], $0x1000, s19, s18, $0x38;
	[tilespmem:$0x1F210] =	vst v63  }
0x2de: {  	s3 =	sadd.s32 $0x100000, s3;
	s10 =	rddreg [dreg:$0x4]  }
0x2df: {  	[hbm4b:s3+s18] =	stream.strided.scatter [tilespmem:s30], [sflag:$0x4], $0x1000, s19, s18, $0x38;
	[tilespmem:$0x1F210] =	vst v63  }
0x2e0: {  	s3 =	sadd.s32 s10, s4  }
0x2e1: {  	[hbm4b:s3+s18] =	stream.strided.scatter [tilespmem:s25], [sflag:$0x4], $0x1000, s19, s18, $0x38;
	[tilespmem:$0x1F210] =	vst v63  }
0x2e2: {  	s4 =	sadd.s32 $0x40000, s3  }
0x2e3: {  	[hbm4b:s4+s18] =	stream.strided.scatter [tilespmem:s26], [sflag:$0x4], $0x1000, s19, s18, $0x38;
	[tilespmem:$0x1F210] =	vst v63  }
0x2e4: {  	s9 =	sadd.s32 $0x80000, s3  }
0x2e5: {  	[hbm4b:s9+s18] =	stream.strided.scatter [tilespmem:s28], [sflag:$0x4], $0x1000, s19, s18, $0x38;
	[tilespmem:$0x1F210] =	vst v63  }
0x2e6: {  	s10 =	sadd.s32 $0xC0000, s3  }
0x2e7: {  	[hbm4b:s10+s18] =	stream.strided.scatter [tilespmem:s29], [sflag:$0x4], $0x1000, s19, s18, $0x38;
	[tilespmem:$0x1F210] =	vst v63  }
0x2e8: {  	s3 =	sadd.s32 $0x100000, s3  }
0x2e9: {  	[hbm4b:s3+s18] =	stream.strided.scatter [tilespmem:s30], [sflag:$0x4], $0x1000, s19, s18, $0x38;
	[tilespmem:$0x1F210] =	vst v63  }
0x2ea: {  	p1 =	seq.s32 s15, $0x3;
	_ =	swait.ge [sflag:s31], $0x2000  }
.Ltmp11:
0x2eb: {  	[sflag:s31] =	ssyncset.done $0x0;
	(pc) =	sbr.rel @p1 .LBB2_26-.Ltmp11, $4  }
0x2ec: {  	[sflag:s31] =	ssyncadd.s32 $0xFFFFE000  }
0x2ed: {  	_ =	swait.ge [sflag:s31], $0x8000  }
0x2ee: {  	[sflag:s31] =	ssyncset.done $0x0  }
0x2ef: {  	s20 =	smov.u32 s21;
	[sflag:s31] =	ssyncadd.s32 $0xFFFF8000  }
0x2f0: {  	s3 =	sadd.s32 $0x2, s8  }
0x2f1: {  	s10 =	rddreg [dreg:$0x8];
	s4 =	sshll.u32 s3, $0x10  }
0x2f2: {  	s4 =	sadd.s32 s10, s4  }
0x2f3: {  	s20 =	rddreg [dreg:$0x9];
	s4 =	sshrl.u32 s4, $0x3  }
0x2f4: {  	s8 =	simm.s32 $0x0;
	s4 =	sadd.s32 s4, s20  }
0x2f5: {  	s9 =	simm.s32 $0x80;
	s10 =	simm.s32 $0x88;
	s20 =	sadd.s32 $0x0, s4  }
.LBB2_22:
0x2f6: {  	[tilespmem:s8], [sflag:$0x1] =	stream.linear.gather [hbm4b:s20+s6], $0x80, $0x38;
	[tilespmem:$0x1F210] =	vst v63  }
0x2f7: {  	s20 =	smov.u32 s9;
	s8 =	smov.u32 s10;
	p1 =	sne.s32 s9, $0x1F80  }
.Ltmp12:
0x2f8: {  	s9 =	sadd.s32 $0x80, s9;
	(pc) =	sbr.rel @p1 .LBB2_22-.Ltmp12, $2  }
0x2f9: {  	_ =	sdelay $0x2  }
0x2fa: {  	s10 =	sadd.s32 $0x88, s10;
	s20 =	sadd.s32 s20, s4  }
0x2fb: {  	[tilespmem:s8], [sflag:$0x1] =	stream.linear.gather [hbm4b:s20+s6], $0x80, $0x38;
	[tilespmem:$0x1F210] =	vst v63  }
0x2fc: {  	s3 =	sshll.u32 s3, $0x11;
	s4 =	rddreg [dreg:$0xa]  }
0x2fd: {  	s3 =	sadd.s32 s4, s3  }
0x2fe: {  	s20 =	rddreg [dreg:$0x1];
	s3 =	sshrl.u32 s3, $0x3  }
0x2ff: {  	s8 =	simm.s32 $0x100;
	s3 =	sadd.s32 s20, s3  }
0x300: {  	s9 =	simm.s32 $0x4608;
	s4 =	simm.s32 $0x4400;
	s10 =	sadd.s32 $0x0, s3  }
.LBB2_24:
0x301: {  	[tilespmem:s4], [sflag:$0x1] =	stream.linear.gather [hbm4b:s10+s6], $0x200, $0x38;
	[tilespmem:$0x1F210] =	vst v63  }
0x302: {  	s10 =	smov.u32 s8;
	s4 =	smov.u32 s9;
	p1 =	sne.s32 s8, $0x3F00  }
.Ltmp13:
0x303: {  	s8 =	sadd.s32 $0x100, s8;
	(pc) =	sbr.rel @p1 .LBB2_24-.Ltmp13, $2  }
0x304: {  	_ =	sdelay $0x2  }
0x305: {  	s9 =	sadd.s32 $0x208, s9;
	s10 =	sadd.s32 s10, s3  }
0x306: {  	[tilespmem:s4], [sflag:$0x1] =	stream.linear.gather [hbm4b:s10+s6], $0x200, $0x38;
	[tilespmem:$0x1F210] =	vst v63  }
0x307: {  	s20 =	smov.u32 s21  }
.LBB2_26:
0x308: {  	_ =	swait.ge [sflag:s0], $0x5000;
	s3 =	simm.s32 $0x1  }
0x309: {  	[sflag:s0] =	ssyncset.done $0x0;
	v21 =	vmov s3  }
0x30a: {  	[sflag:s0] =	ssyncadd.s32 $0xFFFFB000;
	v27 =	vand.u32 $0x3F, v21  }
0x30b: {  	_ =	swait.ge [sflag:s0], $0x5000;
	v21 =	vadd.s32 v1, v27  }
0x30c: {  	s8 =	simm.s32 $0x0;
	v22 =	vadd.s32 v3, v27;
	[sflag:s0] =	ssyncset.done $0x0  }
0x30d: {  	v23 =	vmov s8;
	v25 =	vadd.s32 v4, v27;
	[sflag:s0] =	ssyncadd.s32 $0xFFFFB000  }
0x30e: {  	s9 =	simm.s32 $0x1EA10;
	v24 =	vand.u32 $0x3E, v23;
	v26 =	vadd.s32 v5, v27;
	v23 =	vld [tilespmem:s1+$0x1E800]  }
0x30f: {  	v28 =	vld [tilespmem:s9+$0x0]  }
0x310: {  	v31 =	vld.idx.msk [tilespmem:v21+s2+$0x0], $0xffff  }
0x311: {  	v22 =	vld.idx.msk [tilespmem:v22+s2+$0x0], $0xffff  }
0x312: {  	v29 =	vadd.s32 v3, v24;
	v25 =	vld.idx.msk [tilespmem:v25+s2+$0x0], $0xffff  }
0x313: {  	v30 =	vadd.s32 v1, v24;
	v26 =	vld.idx.msk [tilespmem:v26+s2+$0x0], $0xffff  }
0x314: {  	v33 =	vadd.s32 v5, v24  }
0x315: {  	v35 =	vadd.s32 v2, v27  }
0x316: {  	v21 =	vadd.s32 v4, v24  }
0x317: {  	v29 =	vld.idx.msk [tilespmem:v29+s2+$0x0], $0xffff;
	v32 =	vadd.f32 $1.100000000e+01, v28;
	v31 =	vmul.f32 $1.200000000e+01, v31;
	v25 =	vmul.f32 $1.200000000e+01, v25  }
0x318: {  	v30 =	vld.idx.msk [tilespmem:v30+s2+$0x0], $0xffff;
	v36 =	vadd.f32 $1.100000000e+01, v23;
	v22 =	vmul.f32 $1.200000000e+01, v22;
	v26 =	vmul.f32 $1.200000000e+01, v26  }
0x319: {  	v33 =	vld.idx.msk [tilespmem:v33+s2+$0x0], $0xffff;
	v31 =	vadd.f32 v31, v28;
	v25 =	vadd.f32 v25, v32  }
0x31a: {  	v56 =	vld.idx.msk [tilespmem:v35+s5+$0x0], $0xffff;
	v38 =	vadd.f32 v22, v23;
	v26 =	vadd.f32 v26, v36  }
0x31b: {  	v34 =	vld.idx.msk [tilespmem:v21+s2+$0x0], $0xffff;
	v25 =	vsub.f32 v25, v31  }
0x31c: {  	v37 =	vadd.s32 v2, v24;
	v21 =	vld [tilespmem:s9+$0xFFFFFFF0];
	v29 =	vmul.f32 $1.200000000e+01, v29;
	v26 =	vsub.f32 v26, v38  }
0x31d: {  	v61 =	vadd.s32 v7, v27;
	v30 =	vmul.f32 $1.200000000e+01, v30;
	v57 =	vmul.f32 $5.000000000e-01, v25  }
0x31e: {  	v33 =	vmul.f32 $1.200000000e+01, v33;
	v25 =	vmax.f32 v25, v26;
	v26 =	vmul.f32 $5.000000000e-01, v26  }
0x31f: {  	v23 =	vadd.f32 v29, v23;
	v58 =	vmul.f32 $5.000000000e-01, v25;
	v31 =	vadd.f32 v57, v31  }
0x320: {  	vm0 =	vge.f32 v56, $6.000000240e-01;
	v33 =	vadd.f32 v33, v36;
	v26 =	vadd.f32 v26, v38  }
0x321: {  	v29 =	vmul.f32 $1.200000000e+01, v34;
	v22 =	vadd.f32 $1.100000000e+01, v21;
	v31 =	vsub.f32 v31, v58  }
0x322: {  	s8 =	simm.s32 $0x14800;
	v30 =	vadd.f32 v30, v21;
	v34 =	vnsel vm0, $0x0, v56;
	v26 =	vsub.f32 v26, v58  }
0x323: {  	[tilespmem:s8+$0x4040] =	vst v34;
	v29 =	vadd.f32 v29, v22;
	v60 =	vnsel vm0, $0x0, v31;
	v31 =	vadd.f32 v31, v25  }
0x324: {  	v40 =	vadd.s32 v9, v27;
	v62 =	vnsel vm0, $0x0, v26;
	v25 =	vadd.f32 v26, v25;
	[tilespmem:s8+$0x40] =	vst v60  }
0x325: {  	v33 =	vsub.f32 v33, v23;
	v29 =	vsub.f32 v29, v30;
	[tilespmem:s8+$0x1040] =	vst v62;
	v31 =	vnsel vm0, $0x0, v31  }
0x326: {  	v37 =	vld.idx.msk [tilespmem:v37+s5+$0x0], $0xffff;
	v26 =	vadd.s32 v8, v27;
	v25 =	vnsel vm0, $0x0, v25;
	[tilespmem:s8+$0x2040] =	vst v31  }
0x327: {  	v63 =	vmul.f32 $5.000000000e-01, v33;
	v59 =	vmul.f32 $5.000000000e-01, v29;
	v31 =	vadd.s32 v10, v27;
	[tilespmem:s8+$0x3040] =	vst v25  }
0x328: {  	v29 =	vmax.f32 v29, v33;
	v25 =	vld.idx.msk [tilespmem:v61+s2+$0x0], $0xffff  }
0x329: {  	v23 =	vadd.f32 v63, v23;
	v33 =	vmul.f32 $5.000000000e-01, v29;
	v30 =	vadd.f32 v59, v30;
	v42 =	vld.idx.msk [tilespmem:v40+s2+$0x0], $0xffff  }
0x32a: {  	v46 =	vld [tilespmem:s14+$0x1E850]  }
0x32b: {  	vm0 =	vge.f32 v37, $6.000000240e-01;
	v23 =	vsub.f32 v23, v33;
	v30 =	vsub.f32 v30, v33;
	v26 =	vld.idx.msk [tilespmem:v26+s2+$0x0], $0xffff  }
0x32c: {  	v43 =	vadd.s32 v7, v24;
	v41 =	vnsel vm0, $0x0, v37;
	v31 =	vld.idx.msk [tilespmem:v31+s2+$0x0], $0xffff  }
0x32d: {  	[tilespmem:s8+$0x4000] =	vst v41;
	v44 =	vnsel vm0, $0x0, v30;
	v30 =	vadd.f32 v30, v29;
	v29 =	vadd.f32 v23, v29  }
0x32e: {  	v45 =	vadd.s32 v8, v24;
	v23 =	vnsel vm0, $0x0, v23;
	[tilespmem:s8+$0x0] =	vst v44  }
0x32f: {  	v47 =	vadd.s32 v9, v24;
	[tilespmem:s8+$0x1000] =	vst v23;
	v23 =	vnsel vm0, $0x0, v30;
	v29 =	vnsel vm0, $0x0, v29  }
0x330: {  	[tilespmem:s8+$0x3000] =	vst v29;
	v29 =	vadd.s32 v6, v27;
	v25 =	vmul.f32 $1.200000000e+01, v25;
	v33 =	vmul.f32 $1.200000000e+01, v42  }
0x331: {  	[tilespmem:s8+$0x2000] =	vst v23;
	v49 =	vadd.f32 $1.100000000e+01, v46;
	v26 =	vmul.f32 $1.200000000e+01, v26;
	v31 =	vmul.f32 $1.200000000e+01, v31  }
0x332: {  	v30 =	vld.idx.msk [tilespmem:v43+s2+$0x0], $0xffff;
	v25 =	vadd.f32 v25, v28;
	v33 =	vadd.f32 v33, v32  }
0x333: {  	v48 =	vld.idx.msk [tilespmem:v45+s2+$0x0], $0xffff;
	v26 =	vadd.f32 v26, v46;
	v31 =	vadd.f32 v31, v49  }
0x334: {  	v23 =	vadd.s32 v10, v24;
	v37 =	vld.idx.msk [tilespmem:v47+s2+$0x0], $0xffff;
	v33 =	vsub.f32 v33, v25  }
0x335: {  	v29 =	vld.idx.msk [tilespmem:v29+s5+$0x0], $0xffff;
	v31 =	vsub.f32 v31, v26  }
0x336: {  	v51 =	vadd.s32 v6, v24;
	v52 =	vmul.f32 $5.000000000e-01, v33  }
0x337: {  	v55 =	vadd.s32 v13, v27;
	v33 =	vmax.f32 v33, v31;
	v31 =	vmul.f32 $5.000000000e-01, v31  }
0x338: {  	v56 =	vadd.s32 v14, v27;
	v50 =	vld [tilespmem:s14+$0x1E850];
	v25 =	vadd.f32 v52, v25;
	v39 =	vmul.f32 $5.000000000e-01, v33  }
0x339: {  	v23 =	vld.idx.msk [tilespmem:v23+s2+$0x0], $0xffff;
	v30 =	vmul.f32 $1.200000000e+01, v30;
	v35 =	vmul.f32 $1.200000000e+01, v48;
	v26 =	vadd.f32 v31, v26  }
0x33a: {  	v37 =	vmul.f32 $1.200000000e+01, v37;
	vm0 =	vge.f32 v29, $6.000000240e-01;
	v25 =	vsub.f32 v25, v39  }
0x33b: {  	v30 =	vadd.f32 v30, v21;
	v29 =	vnsel vm0, $0x0, v29;
	v26 =	vsub.f32 v26, v39  }
0x33c: {  	[tilespmem:s8+$0x4050] =	vst v29;
	v29 =	vadd.s32 v12, v27;
	v53 =	vnsel vm0, $0x0, v25;
	v25 =	vadd.f32 v25, v33  }
0x33d: {  	v37 =	vadd.f32 v37, v22;
	[tilespmem:s8+$0x50] =	vst v53;
	v54 =	vnsel vm0, $0x0, v26;
	v26 =	vadd.f32 v26, v33  }
0x33e: {  	v23 =	vmul.f32 $1.200000000e+01, v23;
	v31 =	vadd.f32 $1.100000000e+01, v50;
	[tilespmem:s8+$0x1050] =	vst v54;
	v25 =	vnsel vm0, $0x0, v25  }
0x33f: {  	v34 =	vadd.f32 v35, v50;
	v57 =	vsub.f32 v37, v30;
	[tilespmem:s8+$0x2050] =	vst v25;
	v25 =	vnsel vm0, $0x0, v26  }
0x340: {  	v23 =	vadd.f32 v23, v31;
	v31 =	vld.idx.msk [tilespmem:v51+s5+$0x0], $0xffff;
	v26 =	vadd.s32 v15, v27;
	[tilespmem:s8+$0x3050] =	vst v25  }
0x341: {  	v25 =	vld.idx.msk [tilespmem:v29+s2+$0x0], $0xffff  }
0x342: {  	v23 =	vsub.f32 v23, v34;
	v29 =	vmul.f32 $5.000000000e-01, v57;
	v33 =	vld.idx.msk [tilespmem:v55+s2+$0x0], $0xffff  }
0x343: {  	v59 =	vadd.s32 v12, v24;
	v60 =	vadd.s32 v13, v24;
	v35 =	vld.idx.msk [tilespmem:v56+s2+$0x0], $0xffff  }
0x344: {  	v36 =	vmax.f32 v57, v23;
	v23 =	vmul.f32 $5.000000000e-01, v23;
	v29 =	vadd.f32 v29, v30;
	v30 =	vld [tilespmem:s14+$0x1E860]  }
0x345: {  	s10 =	simm.s32 $0x2;
	v61 =	vadd.s32 v14, v24;
	v40 =	vadd.s32 v11, v27;
	v58 =	vmul.f32 $5.000000000e-01, v36;
	v26 =	vld.idx.msk [tilespmem:v26+s2+$0x0], $0xffff  }
0x346: {  	v45 =	vmov s10;
	v47 =	vadd.s32 v11, v24;
	v23 =	vadd.f32 v23, v34  }
0x347: {  	v54 =	vadd.s32 v17, v27;
	vm0 =	vge.f32 v31, $6.000000240e-01;
	v29 =	vsub.f32 v29, v58  }
0x348: {  	v31 =	vnsel vm0, $0x0, v31;
	v23 =	vsub.f32 v23, v58;
	v25 =	vmul.f32 $1.200000000e+01, v25  }
0x349: {  	v35 =	vmul.f32 $1.200000000e+01, v35;
	v33 =	vmul.f32 $1.200000000e+01, v33;
	v62 =	vadd.f32 v29, v36  }
0x34a: {  	v36 =	vadd.f32 v23, v36;
	v41 =	vadd.f32 $1.100000000e+01, v30;
	v26 =	vmul.f32 $1.200000000e+01, v26  }
0x34b: {  	[tilespmem:s8+$0x4010] =	vst v31;
	v29 =	vnsel vm0, $0x0, v29;
	v25 =	vadd.f32 v25, v28;
	v31 =	vadd.f32 v35, v32  }
0x34c: {  	v23 =	vnsel vm0, $0x0, v23;
	[tilespmem:s8+$0x10] =	vst v29;
	v30 =	vadd.f32 v33, v30;
	v26 =	vadd.f32 v26, v41  }
0x34d: {  	v63 =	vld.idx.msk [tilespmem:v40+s5+$0x0], $0xffff;
	v55 =	vadd.s32 v18, v27;
	[tilespmem:s8+$0x1010] =	vst v23;
	v29 =	vnsel vm0, $0x0, v62;
	v31 =	vsub.f32 v31, v25  }
0x34e: {  	v57 =	vadd.s32 v20, v27;
	[tilespmem:s8+$0x2010] =	vst v29;
	v29 =	vnsel vm0, $0x0, v36;
	v26 =	vsub.f32 v26, v30  }
0x34f: {  	v23 =	vand.u32 $0x3E, v45;
	[tilespmem:s8+$0x3010] =	vst v29;
	v29 =	vadd.s32 v15, v24;
	v46 =	vmul.f32 $5.000000000e-01, v31  }
0x350: {  	v33 =	vadd.s32 v17, v24;
	v34 =	vld.idx.msk [tilespmem:v59+s2+$0x0], $0xffff;
	v48 =	vmax.f32 v31, v26;
	v49 =	vmul.f32 $5.000000000e-01, v26  }
0x351: {  	v42 =	vadd.s32 v2, v23;
	v37 =	vld.idx.msk [tilespmem:v60+s2+$0x0], $0xffff;
	v25 =	vadd.f32 v46, v25;
	v50 =	vmul.f32 $5.000000000e-01, v48  }
0x352: {  	v44 =	vadd.s32 v1, v23;
	vm0 =	vge.f32 v63, $6.000000240e-01;
	v38 =	vld.idx.msk [tilespmem:v61+s2+$0x0], $0xffff;
	v40 =	vadd.f32 v49, v30  }
0x353: {  	v36 =	vadd.s32 v20, v24;
	v35 =	vnsel vm0, $0x0, v63;
	v43 =	vld [tilespmem:s14+$0x1E860];
	v25 =	vsub.f32 v25, v50  }
0x354: {  	[tilespmem:s8+$0x4060] =	vst v35;
	v35 =	vadd.s32 v8, v23;
	v29 =	vld.idx.msk [tilespmem:v29+s2+$0x0], $0xffff;
	v40 =	vsub.f32 v40, v50  }
0x355: {  	v46 =	vadd.s32 v3, v23;
	v51 =	vnsel vm0, $0x0, v25;
	v25 =	vadd.f32 v25, v48  }
0x356: {  	v26 =	vadd.s32 v16, v24;
	[tilespmem:s8+$0x60] =	vst v51;
	v53 =	vnsel vm0, $0x0, v40;
	v39 =	vadd.f32 v40, v48  }
0x357: {  	v31 =	vadd.s32 v18, v24;
	v34 =	vmul.f32 $1.200000000e+01, v34;
	[tilespmem:s8+$0x1060] =	vst v53;
	v25 =	vnsel vm0, $0x0, v25  }
0x358: {  	v52 =	vld.idx.msk [tilespmem:v47+s5+$0x0], $0xffff;
	v37 =	vmul.f32 $1.200000000e+01, v37;
	v56 =	vmul.f32 $1.200000000e+01, v38;
	[tilespmem:s8+$0x2060] =	vst v25;
	v25 =	vnsel vm0, $0x0, v39  }
0x359: {  	v41 =	vld.idx.msk [tilespmem:v42+s5+$0x0], $0xffff;
	v58 =	vadd.f32 $1.100000000e+01, v43;
	v29 =	vmul.f32 $1.200000000e+01, v29;
	[tilespmem:s8+$0x3060] =	vst v25;
	v25 =	vadd.s32 v19, v27  }
0x35a: {  	s21 =	simm.s32 $0x3;
	v30 =	vadd.s32 v19, v24;
	v34 =	vadd.f32 v34, v21;
	v59 =	vadd.f32 v56, v22;
	v45 =	vld [tilespmem:s14+$0x1E870]  }
0x35b: {  	v24 =	vmov s21;
	v43 =	vadd.f32 v37, v43;
	v29 =	vadd.f32 v29, v58;
	v60 =	vld.idx.msk [tilespmem:v54+s2+$0x0], $0xffff  }
0x35c: {  	v38 =	vadd.s32 v9, v23;
	v50 =	vadd.s32 v5, v23;
	v49 =	vsub.f32 v59, v34;
	v47 =	vld.idx.msk [tilespmem:v55+s2+$0x0], $0xffff  }
0x35d: {  	v24 =	vand.u32 $0x3F, v24;
	v48 =	vadd.s32 v4, v23;
	v29 =	vsub.f32 v29, v43;
	v51 =	vld.idx.msk [tilespmem:v57+s2+$0x0], $0xffff  }
0x35e: {  	v62 =	vadd.s32 v3, v24;
	vm0 =	vge.f32 v52, $6.000000240e-01;
	v61 =	vmul.f32 $5.000000000e-01, v49;
	v25 =	vld.idx.msk [tilespmem:v25+s2+$0x0], $0xffff  }
0x35f: {  	v44 =	vld.idx.msk [tilespmem:v44+s2+$0x0], $0xffff;
	v40 =	vnsel vm0, $0x0, v52;
	v54 =	vadd.s32 v4, v24;
	v52 =	vmul.f32 $5.000000000e-01, v29  }
0x360: {  	v46 =	vld.idx.msk [tilespmem:v46+s2+$0x0], $0xffff;
	v34 =	vadd.f32 v61, v34;
	v56 =	vmax.f32 v49, v29;
	v29 =	vadd.s32 v1, v24  }
0x361: {  	v50 =	vld.idx.msk [tilespmem:v50+s2+$0x0], $0xffff;
	v57 =	vadd.s32 v5, v24;
	v55 =	vmul.f32 $5.000000000e-01, v56;
	v42 =	vadd.f32 v52, v43  }
0x362: {  	v48 =	vld.idx.msk [tilespmem:v48+s2+$0x0], $0xffff;
	v63 =	vadd.f32 $1.100000000e+01, v45;
	v47 =	vmul.f32 $1.200000000e+01, v47;
	v51 =	vmul.f32 $1.200000000e+01, v51  }
0x363: {  	v49 =	vld [tilespmem:s1+$0x1E800];
	v39 =	vmul.f32 $1.200000000e+01, v60;
	v34 =	vsub.f32 v34, v55;
	v53 =	vmul.f32 $1.200000000e+01, v25  }
0x364: {  	v27 =	vadd.s32 v16, v27;
	v54 =	vld.idx.msk [tilespmem:v54+s2+$0x0], $0xffff;
	v47 =	vadd.f32 v47, v45;
	v59 =	vadd.f32 v51, v63  }
0x365: {  	v60 =	vmul.f32 $1.200000000e+01, v46;
	v52 =	vld.idx.msk [tilespmem:v29+s2+$0x0], $0xffff;
	v29 =	vadd.f32 v39, v28;
	v28 =	vadd.f32 v53, v32  }
0x366: {  	s3 =	simm.s32 $0x1EA30;
	v51 =	vmul.f32 $1.200000000e+01, v44;
	v44 =	vsub.f32 v42, v55;
	v55 =	vld.idx.msk [tilespmem:v57+s2+$0x0], $0xffff;
	v61 =	vsub.f32 v59, v47  }
0x367: {  	v37 =	vadd.s32 v7, v23;
	vm1 =	vge.f32 v41, $6.000000240e-01;
	v25 =	vld [tilespmem:s3+$0x0];
	v43 =	vsub.f32 v28, v29  }
0x368: {  	v42 =	vadd.f32 v60, v49;
	v53 =	vld.idx.msk [tilespmem:v62+s2+$0x0], $0xffff;
	v62 =	vadd.f32 v34, v56;
	v63 =	vmul.f32 $5.000000000e-01, v61  }
0x369: {  	[tilespmem:s8+$0x4020] =	vst v40;
	v39 =	vld.idx.msk [tilespmem:v27+s5+$0x0], $0xffff;
	v45 =	vadd.f32 v44, v56;
	v34 =	vnsel vm0, $0x0, v34;
	v27 =	vmax.f32 v43, v61  }
0x36a: {  	s4 =	simm.s32 $0x4;
	s9 =	simm.s32 $0x14800;
	[tilespmem:s8+$0x20] =	vst v34;
	v28 =	vld [tilespmem:s3+$0xFFFFFFF0];
	v46 =	vnsel vm0, $0x0, v62;
	v47 =	vadd.f32 v63, v47;
	v32 =	vmul.f32 $5.000000000e-01, v27  }
.LBB2_27:
0x36b: {  	p1 =	slt.u32 s4, $0x3E;
	v44 =	vnsel vm0, $0x0, v44;
	[tilespmem:s8+$0x2020] =	vst v46;
	v34 =	vnsel vm0, $0x0, v45;
	v40 =	vmul.f32 $5.000000000e-01, v43  }
0x36c: {  	v43 =	vmul.f32 $1.200000000e+01, v48;
	v45 =	vmul.f32 $1.200000000e+01, v50;
	[tilespmem:s8+$0x3020] =	vst v34;
	v46 =	vsub.f32 v47, v32  }
0x36d: {  	v48 =	vadd.s32 v2, v24;
	v47 =	vadd.f32 $1.100000000e+01, v49;
	v34 =	vadd.f32 $1.100000000e+01, v25;
	[tilespmem:s8+$0x1020] =	vst v44  }
0x36e: {  	v50 =	vmul.f32 $1.200000000e+01, v54;
	v44 =	vmul.f32 $1.200000000e+01, v52;
	v33 =	vld.idx.msk [tilespmem:v33+s2+$0x0], $0xffff;
	v52 =	vadd.f32 v46, v27  }
0x36f: {  	v53 =	vmul.f32 $1.200000000e+01, v53;
	v54 =	vmul.f32 $1.200000000e+01, v55;
	vm0 =	vge.f32 v39, $6.000000240e-01;
	v31 =	vld.idx.msk [tilespmem:v31+s2+$0x0], $0xffff  }
0x370: {  	v50 =	vadd.f32 v50, v34;
	v44 =	vadd.f32 v44, v25;
	v30 =	vld.idx.msk [tilespmem:v30+s2+$0x0], $0xffff;
	v52 =	vnsel vm0, $0x0, v52  }
0x371: {  	v49 =	vadd.f32 v53, v49;
	v53 =	vadd.f32 v54, v47;
	v46 =	vnsel vm0, $0x0, v46;
	v36 =	vld.idx.msk [tilespmem:v36+s2+$0x0], $0xffff;
	[tilespmem:s8+$0x3070] =	vst v52  }
0x372: {  	v39 =	vnsel vm0, $0x0, v39;
	v52 =	vadd.f32 $1.100000000e+01, v28;
	v50 =	vsub.f32 v50, v44;
	v48 =	vld.idx.msk [tilespmem:v48+s5+$0x0], $0xffff;
	[tilespmem:s8+$0x1070] =	vst v46  }
0x373: {  	v41 =	vnsel vm1, $0x0, v41;
	v46 =	vadd.f32 v51, v28;
	v51 =	vsub.f32 v53, v49;
	v53 =	vld [tilespmem:s14+$0x1E870];
	[tilespmem:s8+$0x4070] =	vst v39  }
0x374: {  	v39 =	vadd.f32 v43, v52;
	v43 =	vadd.f32 v45, v47;
	v45 =	vmul.f32 $5.000000000e-01, v50;
	v26 =	vld.idx.msk [tilespmem:v26+s5+$0x0], $0xffff  }
0x375: {  	v33 =	vmul.f32 $1.200000000e+01, v33;
	v47 =	vmax.f32 v50, v51;
	v50 =	vmul.f32 $5.000000000e-01, v51  }
0x376: {  	v39 =	vsub.f32 v39, v46;
	v51 =	vmul.f32 $5.000000000e-01, v47;
	v44 =	vadd.f32 v45, v44  }
0x377: {  	v31 =	vmul.f32 $1.200000000e+01, v31;
	v43 =	vsub.f32 v43, v42;
	v45 =	vadd.f32 v50, v49  }
0x378: {  	v49 =	vmul.f32 $5.000000000e-01, v39;
	v44 =	vsub.f32 v44, v51;
	vm2 =	vge.f32 v48, $6.000000240e-01  }
0x379: {  	s8 =	sadd.s32 $0x80, s8;
	v50 =	vmul.f32 $5.000000000e-01, v43;
	v45 =	vsub.f32 v45, v51;
	v48 =	vnsel vm2, $0x0, v48  }
0x37a: {  	v51 =	vnsel vm2, $0x0, v44;
	v44 =	vadd.f32 v44, v47;
	[tilespmem:s8+$0x4040] =	vst v48;
	v48 =	vadd.s32 v7, v24  }
0x37b: {  	[tilespmem:s8+$0x40] =	vst v51;
	v51 =	vnsel vm2, $0x0, v45;
	v45 =	vadd.f32 v45, v47;
	v47 =	vadd.s32 v8, v24  }
0x37c: {  	v39 =	vmax.f32 v39, v43;
	v43 =	vnsel vm2, $0x0, v44;
	v44 =	vadd.s32 v9, v24;
	[tilespmem:s8+$0x1040] =	vst v51  }
0x37d: {  	v46 =	vadd.f32 v49, v46;
	[tilespmem:s8+$0x2040] =	vst v43;
	v43 =	vnsel vm2, $0x0, v45;
	v45 =	vadd.s32 v10, v24  }
0x37e: {  	v30 =	vmul.f32 $1.200000000e+01, v30;
	v49 =	vmul.f32 $5.000000000e-01, v39;
	v42 =	vadd.f32 v50, v42;
	[tilespmem:s8+$0x3040] =	vst v43  }
0x37f: {  	v33 =	vadd.f32 v33, v21;
	v21 =	vmovc v28;
	v36 =	vmul.f32 $1.200000000e+01, v36;
	v43 =	vadd.f32 $1.100000000e+01, v53;
	[tilespmem:s8+$0x4000] =	vst v41;
	v41 =	vld.idx.msk [tilespmem:v48+s2+$0x0], $0xffff  }
0x380: {  	v28 =	vsub.f32 v46, v49;
	v42 =	vsub.f32 v42, v49;
	vm2 =	vge.f32 v26, $6.000000240e-01;
	v46 =	vld.idx.msk [tilespmem:v47+s2+$0x0], $0xffff  }
0x381: {  	v30 =	vadd.f32 v30, v22;
	v22 =	vmovc v52;
	v31 =	vadd.f32 v31, v53;
	v26 =	vnsel vm2, $0x0, v26;
	v44 =	vld.idx.msk [tilespmem:v44+s2+$0x0], $0xffff  }
0x382: {  	v47 =	vnsel vm1, $0x0, v28;
	v28 =	vadd.f32 v28, v39;
	v39 =	vadd.f32 v42, v39;
	v45 =	vld.idx.msk [tilespmem:v45+s2+$0x0], $0xffff;
	[tilespmem:s9+$0x4030] =	vst v26  }
0x383: {  	v30 =	vsub.f32 v30, v33;
	v36 =	vadd.f32 v36, v43;
	v26 =	vnsel vm1, $0x0, v42;
	[tilespmem:s8+$0x0] =	vst v47;
	v42 =	vld [tilespmem:s14+$0x1E850]  }
0x384: {  	v29 =	vadd.f32 v40, v29;
	[tilespmem:s8+$0x1000] =	vst v26;
	v26 =	vnsel vm1, $0x0, v28;
	v28 =	vnsel vm1, $0x0, v39  }
0x385: {  	v36 =	vsub.f32 v36, v31;
	v39 =	vmul.f32 $5.000000000e-01, v30;
	[tilespmem:s8+$0x2000] =	vst v26;
	v26 =	vadd.s32 v10, v23  }
0x386: {  	v40 =	vadd.s32 v6, v24;
	v29 =	vsub.f32 v29, v32;
	[tilespmem:s8+$0x3000] =	vst v28;
	v28 =	vadd.s32 v6, v23  }
0x387: {  	v30 =	vmax.f32 v30, v36;
	v32 =	vld.idx.msk [tilespmem:v37+s2+$0x0], $0xffff;
	v37 =	vmul.f32 $1.200000000e+01, v41;
	v41 =	vmul.f32 $1.200000000e+01, v44  }
0x388: {  	v44 =	vmul.f32 $1.200000000e+01, v46;
	v45 =	vmul.f32 $1.200000000e+01, v45;
	v35 =	vld.idx.msk [tilespmem:v35+s2+$0x0], $0xffff;
	v43 =	vadd.f32 $1.100000000e+01, v42  }
0x389: {  	v36 =	vmul.f32 $5.000000000e-01, v36;
	v38 =	vld.idx.msk [tilespmem:v38+s2+$0x0], $0xffff;
	v37 =	vadd.f32 v37, v25;
	v41 =	vadd.f32 v41, v34  }
0x38a: {  	v42 =	vadd.f32 v44, v42;
	v44 =	vmul.f32 $5.000000000e-01, v30;
	v26 =	vld.idx.msk [tilespmem:v26+s2+$0x0], $0xffff;
	v43 =	vadd.f32 v45, v43  }
0x38b: {  	v33 =	vadd.f32 v39, v33;
	v39 =	vnsel vm0, $0x0, v29;
	v40 =	vld.idx.msk [tilespmem:v40+s5+$0x0], $0xffff;
	v41 =	vsub.f32 v41, v37  }
0x38c: {  	v31 =	vadd.f32 v36, v31;
	v45 =	vld [tilespmem:s14+$0x1E850];
	v43 =	vsub.f32 v43, v42;
	[tilespmem:s9+$0x70] =	vst v39  }
0x38d: {  	v33 =	vsub.f32 v33, v44;
	v32 =	vmul.f32 $1.200000000e+01, v32;
	v28 =	vld.idx.msk [tilespmem:v28+s5+$0x0], $0xffff;
	v36 =	vmul.f32 $5.000000000e-01, v41  }
0x38e: {  	v35 =	vmul.f32 $1.200000000e+01, v35;
	v39 =	vmax.f32 v41, v43;
	v41 =	vmul.f32 $5.000000000e-01, v43  }
0x38f: {  	v38 =	vmul.f32 $1.200000000e+01, v38;
	v43 =	vmul.f32 $5.000000000e-01, v39;
	v36 =	vadd.f32 v36, v37  }
0x390: {  	v32 =	vadd.f32 v32, v21;
	v26 =	vmul.f32 $1.200000000e+01, v26;
	v37 =	vadd.f32 v41, v42  }
0x391: {  	vm1 =	vge.f32 v40, $6.000000240e-01;
	v41 =	vadd.f32 $1.100000000e+01, v45;
	v36 =	vsub.f32 v36, v43  }
0x392: {  	v35 =	vadd.f32 v35, v45;
	v40 =	vnsel vm1, $0x0, v40;
	v37 =	vsub.f32 v37, v43  }
0x393: {  	v42 =	vnsel vm1, $0x0, v36;
	v36 =	vadd.f32 v36, v39;
	[tilespmem:s8+$0x4050] =	vst v40;
	v40 =	vadd.s32 v12, v24  }
0x394: {  	[tilespmem:s8+$0x50] =	vst v42;
	v42 =	vnsel vm1, $0x0, v37;
	v37 =	vadd.f32 v37, v39;
	v39 =	vadd.s32 v13, v24  }
0x395: {  	v38 =	vadd.f32 v38, v22;
	[tilespmem:s8+$0x1050] =	vst v42;
	v36 =	vnsel vm1, $0x0, v36;
	v42 =	vadd.s32 v14, v24  }
0x396: {  	v26 =	vadd.f32 v26, v41;
	[tilespmem:s8+$0x2050] =	vst v36;
	v36 =	vnsel vm1, $0x0, v37;
	v37 =	vadd.s32 v15, v24  }
0x397: {  	v31 =	vsub.f32 v31, v44;
	v38 =	vsub.f32 v38, v32;
	vm1 =	vge.f32 v28, $6.000000240e-01;
	[tilespmem:s8+$0x3050] =	vst v36  }
0x398: {  	v27 =	vadd.f32 v29, v27;
	v26 =	vsub.f32 v26, v35;
	v28 =	vnsel vm1, $0x0, v28;
	v36 =	vld.idx.msk [tilespmem:v40+s2+$0x0], $0xffff  }
0x399: {  	v29 =	vmul.f32 $5.000000000e-01, v38;
	[tilespmem:s8+$0x4010] =	vst v28;
	v28 =	vld.idx.msk [tilespmem:v39+s2+$0x0], $0xffff;
	v39 =	vadd.f32 v33, v30;
	v30 =	vadd.f32 v31, v30  }
0x39a: {  	v27 =	vnsel vm0, $0x0, v27;
	v38 =	vmax.f32 v38, v26;
	v26 =	vmul.f32 $5.000000000e-01, v26;
	v40 =	vld.idx.msk [tilespmem:v42+s2+$0x0], $0xffff  }
0x39b: {  	v29 =	vadd.f32 v29, v32;
	v41 =	vmul.f32 $5.000000000e-01, v38;
	v32 =	vld.idx.msk [tilespmem:v37+s2+$0x0], $0xffff;
	v37 =	vnsel vm2, $0x0, v39;
	[tilespmem:s9+$0x2070] =	vst v27  }
0x39c: {  	v26 =	vadd.f32 v26, v35;
	v33 =	vnsel vm2, $0x0, v33;
	v30 =	vnsel vm2, $0x0, v30;
	v27 =	vld [tilespmem:s14+$0x1E860];
	[tilespmem:s9+$0x2030] =	vst v37  }
0x39d: {  	v35 =	vadd.s32 v12, v23;
	v31 =	vnsel vm2, $0x0, v31;
	v29 =	vsub.f32 v29, v41;
	[tilespmem:s9+$0x3030] =	vst v30  }
0x39e: {  	v26 =	vsub.f32 v26, v41;
	v37 =	vadd.s32 v14, v23;
	v30 =	vadd.s32 v13, v23;
	[tilespmem:s9+$0x30] =	vst v33  }
0x39f: {  	v39 =	vadd.s32 v11, v24;
	v33 =	vnsel vm1, $0x0, v29;
	v29 =	vadd.f32 v29, v38;
	[tilespmem:s9+$0x1030] =	vst v31;
	s9 =	smov.u32 s8  }
0x3a0: {  	v31 =	vadd.f32 v26, v38;
	[tilespmem:s8+$0x10] =	vst v33;
	v33 =	vmul.f32 $1.200000000e+01, v36;
	v36 =	vmul.f32 $1.200000000e+01, v40  }
0x3a1: {  	v28 =	vmul.f32 $1.200000000e+01, v28;
	v32 =	vmul.f32 $1.200000000e+01, v32;
	v38 =	vadd.f32 $1.100000000e+01, v27  }
0x3a2: {  	v29 =	vnsel vm1, $0x0, v29;
	v40 =	vadd.f32 v33, v25;
	v33 =	vadd.f32 v36, v34  }
0x3a3: {  	v27 =	vadd.f32 v28, v27;
	[tilespmem:s8+$0x2010] =	vst v29;
	v29 =	vnsel vm1, $0x0, v31;
	v28 =	vadd.f32 v32, v38  }
0x3a4: {  	v26 =	vnsel vm1, $0x0, v26;
	[tilespmem:s8+$0x3010] =	vst v29;
	v29 =	vadd.s32 v15, v23;
	v32 =	vld.idx.msk [tilespmem:v39+s5+$0x0], $0xffff;
	v31 =	vsub.f32 v33, v40  }
0x3a5: {  	v33 =	vmov s4;
	[tilespmem:s8+$0x1010] =	vst v26;
	v28 =	vsub.f32 v28, v27  }
0x3a6: {  	v36 =	vadd.s32 v11, v23;
	v38 =	vand.u32 $0x3E, v33;
	v35 =	vld.idx.msk [tilespmem:v35+s2+$0x0], $0xffff;
	v39 =	vmul.f32 $5.000000000e-01, v31  }
0x3a7: {  	v26 =	vadd.s32 v16, v23;
	v41 =	vld.idx.msk [tilespmem:v30+s2+$0x0], $0xffff;
	v42 =	vmax.f32 v31, v28;
	v28 =	vmul.f32 $5.000000000e-01, v28  }
0x3a8: {  	v33 =	vadd.s32 v17, v23;
	v37 =	vld.idx.msk [tilespmem:v37+s2+$0x0], $0xffff;
	v43 =	vmul.f32 $5.000000000e-01, v42;
	v39 =	vadd.f32 v39, v40  }
0x3a9: {  	v31 =	vadd.s32 v18, v23;
	v30 =	vadd.s32 v19, v23;
	v29 =	vld.idx.msk [tilespmem:v29+s2+$0x0], $0xffff;
	v27 =	vadd.f32 v28, v27  }
0x3aa: {  	v28 =	vadd.s32 v2, v38;
	vm0 =	vge.f32 v32, $6.000000240e-01;
	v40 =	vld [tilespmem:s14+$0x1E860];
	v39 =	vsub.f32 v39, v43  }
0x3ab: {  	v44 =	vadd.s32 v1, v38;
	v32 =	vnsel vm0, $0x0, v32;
	v36 =	vld.idx.msk [tilespmem:v36+s5+$0x0], $0xffff;
	v27 =	vsub.f32 v27, v43  }
0x3ac: {  	v35 =	vmul.f32 $1.200000000e+01, v35;
	v43 =	vnsel vm0, $0x0, v39;
	v39 =	vadd.f32 v39, v42;
	[tilespmem:s8+$0x4060] =	vst v32  }
0x3ad: {  	[tilespmem:s8+$0x60] =	vst v43;
	v32 =	vnsel vm0, $0x0, v27;
	v27 =	vadd.f32 v27, v42;
	v42 =	vadd.s32 v17, v24  }
0x3ae: {  	v41 =	vmul.f32 $1.200000000e+01, v41;
	[tilespmem:s8+$0x1060] =	vst v32;
	v32 =	vnsel vm0, $0x0, v39;
	v39 =	vadd.s32 v18, v24  }
0x3af: {  	v37 =	vmul.f32 $1.200000000e+01, v37;
	[tilespmem:s8+$0x2060] =	vst v32;
	v27 =	vnsel vm0, $0x0, v27;
	v32 =	vadd.s32 v20, v24  }
0x3b0: {  	v29 =	vmul.f32 $1.200000000e+01, v29;
	v43 =	vadd.f32 $1.100000000e+01, v40;
	[tilespmem:s8+$0x3060] =	vst v27;
	v27 =	vadd.s32 v19, v24  }
0x3b1: {  	v45 =	vadd.f32 v35, v21;
	v40 =	vadd.f32 v41, v40;
	vm0 =	vge.f32 v36, $6.000000240e-01;
	v46 =	vld [tilespmem:s14+$0x1E870]  }
0x3b2: {  	v35 =	vadd.f32 v37, v22;
	v29 =	vadd.f32 v29, v43;
	v36 =	vnsel vm0, $0x0, v36;
	v42 =	vld.idx.msk [tilespmem:v42+s2+$0x0], $0xffff  }
0x3b3: {  	v43 =	vadd.s32 v3, v38;
	[tilespmem:s8+$0x4020] =	vst v36;
	v36 =	vadd.s32 v20, v23;
	v39 =	vld.idx.msk [tilespmem:v39+s2+$0x0], $0xffff;
	v23 =	vmov v38  }
0x3b4: {  	v48 =	vsub.f32 v35, v45;
	v29 =	vsub.f32 v29, v40;
	v47 =	vadd.s32 v4, v23;
	v32 =	vld.idx.msk [tilespmem:v32+s2+$0x0], $0xffff  }
0x3b5: {  	s10 =	sadd.s32 $0x1, s4;
	v49 =	vadd.s32 v5, v23;
	v37 =	vadd.s32 v7, v23;
	v35 =	vadd.s32 v8, v23;
	v27 =	vld.idx.msk [tilespmem:v27+s2+$0x0], $0xffff  }
0x3b6: {  	v50 =	vmul.f32 $5.000000000e-01, v48;
	v51 =	vmul.f32 $5.000000000e-01, v29;
	v41 =	vld.idx.msk [tilespmem:v28+s5+$0x0], $0xffff;
	v28 =	vmov s10  }
0x3b7: {  	v38 =	vadd.s32 v9, v23;
	v56 =	vmax.f32 v48, v29;
	v44 =	vld.idx.msk [tilespmem:v44+s2+$0x0], $0xffff;
	v28 =	vand.u32 $0x3F, v28  }
0x3b8: {  	v45 =	vadd.f32 v50, v45;
	v40 =	vadd.f32 v51, v40;
	v43 =	vld.idx.msk [tilespmem:v43+s2+$0x0], $0xffff;
	v29 =	vadd.s32 v1, v28  }
0x3b9: {  	v55 =	vmul.f32 $5.000000000e-01, v56;
	v54 =	vadd.s32 v4, v28;
	v48 =	vld.idx.msk [tilespmem:v47+s2+$0x0], $0xffff;
	v47 =	vadd.s32 v3, v28  }
0x3ba: {  	v51 =	vadd.f32 $1.100000000e+01, v46;
	v39 =	vmul.f32 $1.200000000e+01, v39;
	v32 =	vmul.f32 $1.200000000e+01, v32;
	v50 =	vld.idx.msk [tilespmem:v49+s2+$0x0], $0xffff  }
0x3bb: {  	s3 =	sadd.s32 $0x20, s3;
	v42 =	vmul.f32 $1.200000000e+01, v42;
	v57 =	vadd.s32 v5, v28;
	v27 =	vmul.f32 $1.200000000e+01, v27;
	v49 =	vld [tilespmem:s1+$0x1E800]  }
0x3bc: {  	v59 =	vadd.s32 v16, v24;
	v24 =	vmovc v28;
	v60 =	vadd.f32 v39, v46;
	v32 =	vadd.f32 v32, v51;
	v58 =	vld [tilespmem:s3+$0x0]  }
0x3bd: {  	vm1 =	vge.f32 v41, $6.000000240e-01;
	v52 =	vld.idx.msk [tilespmem:v29+s2+$0x0], $0xffff;
	v29 =	vadd.f32 v42, v25;
	v25 =	vadd.f32 v27, v34  }
.Ltmp14:
0x3be: {  	v28 =	vsub.f32 v45, v55;
	v27 =	vmul.f32 $1.200000000e+01, v43;
	v32 =	vsub.f32 v32, v60;
	v53 =	vld.idx.msk [tilespmem:v47+s2+$0x0], $0xffff;
	(pc) =	sbr.rel @p1 .LBB2_27-.Ltmp14, $4  }
0x3bf: {  	v51 =	vmul.f32 $1.200000000e+01, v44;
	v44 =	vsub.f32 v40, v55;
	v54 =	vld.idx.msk [tilespmem:v54+s2+$0x0], $0xffff;
	v43 =	vsub.f32 v25, v29  }
0x3c0: {  	v34 =	vadd.f32 v28, v56;
	v40 =	vmul.f32 $5.000000000e-01, v32;
	v42 =	vadd.f32 v27, v49;
	v55 =	vld.idx.msk [tilespmem:v57+s2+$0x0], $0xffff  }
0x3c1: {  	v46 =	vnsel vm0, $0x0, v28;
	v45 =	vadd.f32 v44, v56;
	v39 =	vld.idx.msk [tilespmem:v59+s5+$0x0], $0xffff;
	v27 =	vmax.f32 v43, v32;
	v25 =	vmovc v58  }
0x3c2: {  	s4 =	sadd.s32 $0x2, s4;
	v47 =	vadd.f32 v40, v60;
	v28 =	vld [tilespmem:s3+$0xFFFFFFF0];
	[tilespmem:s8+$0x20] =	vst v46;
	v46 =	vnsel vm0, $0x0, v34;
	v32 =	vmul.f32 $5.000000000e-01, v27  }
0x3c3: {  	v40 =	vadd.f32 $1.100000000e+01, v25  }
0x3c4: {  	v34 =	vmul.f32 $1.200000000e+01, v52;
	v58 =	vadd.s32 v2, v24;
	v57 =	vmul.f32 $1.200000000e+01, v54  }
0x3c5: {  	v56 =	vadd.f32 $1.100000000e+01, v49;
	v53 =	vmul.f32 $1.200000000e+01, v53;
	v55 =	vmul.f32 $1.200000000e+01, v55  }
0x3c6: {  	v34 =	vadd.f32 v34, v25;
	v52 =	vadd.f32 v57, v40  }
0x3c7: {  	v59 =	vadd.f32 v53, v49;
	v60 =	vadd.f32 v55, v56  }
0x3c8: {  	v50 =	vmul.f32 $1.200000000e+01, v50;
	v52 =	vsub.f32 v52, v34  }
0x3c9: {  	v54 =	vld.idx.msk [tilespmem:v58+s5+$0x0], $0xffff;
	v53 =	vsub.f32 v60, v59  }
0x3ca: {  	v50 =	vadd.f32 v50, v56;
	v61 =	vmul.f32 $5.000000000e-01, v52  }
0x3cb: {  	v51 =	vadd.f32 v51, v28;
	v52 =	vmax.f32 v52, v53;
	v53 =	vmul.f32 $5.000000000e-01, v53  }
0x3cc: {  	v50 =	vsub.f32 v50, v42;
	v55 =	vadd.f32 v61, v34;
	v62 =	vmul.f32 $5.000000000e-01, v52  }
0x3cd: {  	v48 =	vmul.f32 $1.200000000e+01, v48;
	v34 =	vadd.f32 $1.100000000e+01, v28;
	v49 =	vadd.f32 v53, v59  }
0x3ce: {  	v60 =	vadd.s32 v9, v24;
	vm2 =	vge.f32 v54, $6.000000240e-01;
	v55 =	vsub.f32 v55, v62  }
0x3cf: {  	s3 =	sadd.s32 $0x80, s8;
	v48 =	vadd.f32 v48, v34;
	v63 =	vnsel vm2, $0x0, v54;
	v49 =	vsub.f32 v49, v62  }
0x3d0: {  	v53 =	vadd.s32 v7, v24;
	[tilespmem:s3+$0x4040] =	vst v63;
	v57 =	vnsel vm2, $0x0, v55;
	v55 =	vadd.f32 v55, v52  }
0x3d1: {  	v48 =	vsub.f32 v48, v51;
	[tilespmem:s3+$0x40] =	vst v57;
	v58 =	vnsel vm2, $0x0, v49;
	v49 =	vadd.f32 v49, v52  }
0x3d2: {  	v62 =	vadd.s32 v10, v24;
	[tilespmem:s3+$0x1040] =	vst v58;
	v59 =	vnsel vm2, $0x0, v55  }
0x3d3: {  	v63 =	vmul.f32 $5.000000000e-01, v50;
	v61 =	vmul.f32 $5.000000000e-01, v48;
	[tilespmem:s3+$0x2040] =	vst v59;
	v49 =	vnsel vm2, $0x0, v49  }
0x3d4: {  	v52 =	vadd.s32 v8, v24;
	v48 =	vmax.f32 v48, v50;
	[tilespmem:s3+$0x3040] =	vst v49  }
0x3d5: {  	v58 =	vmul.f32 $5.000000000e-01, v48;
	v59 =	vadd.f32 v63, v42;
	v57 =	vadd.f32 v61, v51;
	v53 =	vld.idx.msk [tilespmem:v53+s2+$0x0], $0xffff  }
0x3d6: {  	v60 =	vld.idx.msk [tilespmem:v60+s2+$0x0], $0xffff  }
0x3d7: {  	v42 =	vsub.f32 v59, v58;
	v51 =	vld.idx.msk [tilespmem:v62+s2+$0x0], $0xffff;
	v50 =	vsub.f32 v57, v58  }
0x3d8: {  	v41 =	vnsel vm1, $0x0, v41;
	v62 =	vld [tilespmem:s14+$0x1E850];
	v57 =	vadd.s32 v6, v24  }
0x3d9: {  	[tilespmem:s3+$0x4000] =	vst v41;
	v49 =	vld.idx.msk [tilespmem:v52+s2+$0x0], $0xffff;
	v63 =	vnsel vm1, $0x0, v42;
	v61 =	vnsel vm1, $0x0, v50;
	v50 =	vadd.f32 v50, v48  }
0x3da: {  	v48 =	vadd.f32 v42, v48;
	[tilespmem:s3+$0x1000] =	vst v63  }
0x3db: {  	[tilespmem:s3+$0x0] =	vst v61;
	v50 =	vnsel vm1, $0x0, v50  }
0x3dc: {  	v44 =	vnsel vm0, $0x0, v44;
	v47 =	vsub.f32 v47, v32;
	v55 =	vnsel vm1, $0x0, v48;
	[tilespmem:s3+$0x2000] =	vst v50  }
0x3dd: {  	v56 =	vadd.s32 v10, v23;
	v58 =	vmul.f32 $1.200000000e+01, v53;
	v59 =	vmul.f32 $1.200000000e+01, v60;
	[tilespmem:s3+$0x3000] =	vst v55;
	v42 =	vld.idx.msk [tilespmem:v57+s5+$0x0], $0xffff  }
0x3de: {  	v60 =	vadd.f32 $1.100000000e+01, v62;
	v51 =	vmul.f32 $1.200000000e+01, v51;
	v49 =	vmul.f32 $1.200000000e+01, v49;
	v37 =	vld.idx.msk [tilespmem:v37+s2+$0x0], $0xffff  }
0x3df: {  	v43 =	vmul.f32 $5.000000000e-01, v43;
	v35 =	vld.idx.msk [tilespmem:v35+s2+$0x0], $0xffff;
	v48 =	vadd.f32 v58, v25;
	v50 =	vadd.f32 v59, v40  }
0x3e0: {  	v45 =	vnsel vm0, $0x0, v45;
	[tilespmem:s8+$0x1020] =	vst v44;
	v51 =	vadd.f32 v51, v60;
	v61 =	vld [tilespmem:s14+$0x1E850];
	v49 =	vadd.f32 v49, v62  }
0x3e1: {  	v44 =	vadd.s32 v14, v23;
	v29 =	vadd.f32 v43, v29;
	v38 =	vld.idx.msk [tilespmem:v38+s2+$0x0], $0xffff;
	v50 =	vsub.f32 v50, v48  }
0x3e2: {  	v53 =	vadd.s32 v6, v23;
	v41 =	vld.idx.msk [tilespmem:v56+s2+$0x0], $0xffff;
	v59 =	vadd.s32 v12, v24;
	v51 =	vsub.f32 v51, v49  }
0x3e3: {  	v62 =	vmul.f32 $5.000000000e-01, v50;
	vm1 =	vge.f32 v42, $6.000000240e-01;
	v37 =	vmul.f32 $1.200000000e+01, v37  }
0x3e4: {  	v50 =	vmax.f32 v50, v51;
	v51 =	vmul.f32 $5.000000000e-01, v51;
	v35 =	vmul.f32 $1.200000000e+01, v35  }
0x3e5: {  	v57 =	vadd.f32 $1.100000000e+01, v61;
	v63 =	vmul.f32 $5.000000000e-01, v50;
	v48 =	vadd.f32 v62, v48  }
0x3e6: {  	[tilespmem:s8+$0x2020] =	vst v46;
	v38 =	vmul.f32 $1.200000000e+01, v38;
	v37 =	vadd.f32 v37, v28;
	v49 =	vadd.f32 v51, v49  }
0x3e7: {  	[tilespmem:s8+$0x3020] =	vst v45;
	v41 =	vmul.f32 $1.200000000e+01, v41;
	v35 =	vadd.f32 v35, v61;
	v48 =	vsub.f32 v48, v63  }
0x3e8: {  	v33 =	vld.idx.msk [tilespmem:v33+s2+$0x0], $0xffff;
	v42 =	vnsel vm1, $0x0, v42;
	v38 =	vadd.f32 v38, v34;
	v49 =	vsub.f32 v49, v63  }
0x3e9: {  	v31 =	vld.idx.msk [tilespmem:v31+s2+$0x0], $0xffff;
	[tilespmem:s3+$0x4050] =	vst v42;
	v61 =	vadd.s32 v13, v24;
	v58 =	vnsel vm1, $0x0, v48;
	v48 =	vadd.f32 v48, v50  }
0x3ea: {  	v36 =	vld.idx.msk [tilespmem:v36+s2+$0x0], $0xffff;
	v41 =	vadd.f32 v41, v57;
	v60 =	vnsel vm1, $0x0, v49;
	[tilespmem:s3+$0x50] =	vst v58;
	v49 =	vadd.f32 v49, v50  }
0x3eb: {  	v46 =	vadd.f32 v47, v27;
	v62 =	vadd.s32 v14, v24;
	[tilespmem:s3+$0x1050] =	vst v60;
	v48 =	vnsel vm1, $0x0, v48  }
0x3ec: {  	v54 =	vld [tilespmem:s14+$0x1E870];
	v38 =	vsub.f32 v38, v37;
	v41 =	vsub.f32 v41, v35;
	[tilespmem:s3+$0x2050] =	vst v48;
	v56 =	vnsel vm1, $0x0, v49  }
0x3ed: {  	vm0 =	vge.f32 v39, $6.000000240e-01;
	v33 =	vmul.f32 $1.200000000e+01, v33;
	v57 =	vadd.s32 v15, v24;
	v63 =	vld.idx.msk [tilespmem:v53+s5+$0x0], $0xffff;
	[tilespmem:s3+$0x3050] =	vst v56  }
0x3ee: {  	v58 =	vmul.f32 $5.000000000e-01, v38;
	v38 =	vmax.f32 v38, v41;
	v41 =	vmul.f32 $5.000000000e-01, v41;
	v42 =	vld.idx.msk [tilespmem:v59+s2+$0x0], $0xffff  }
0x3ef: {  	v29 =	vsub.f32 v29, v32;
	v31 =	vmul.f32 $1.200000000e+01, v31;
	v36 =	vmul.f32 $1.200000000e+01, v36;
	v50 =	vld.idx.msk [tilespmem:v61+s2+$0x0], $0xffff  }
0x3f0: {  	v37 =	vadd.f32 v58, v37;
	v35 =	vadd.f32 v41, v35;
	v59 =	vmul.f32 $5.000000000e-01, v38;
	v60 =	vld.idx.msk [tilespmem:v62+s2+$0x0], $0xffff  }
0x3f1: {  	v21 =	vadd.f32 v33, v21;
	v51 =	vadd.s32 v13, v23;
	v53 =	vadd.s32 v11, v24;
	v41 =	vld [tilespmem:s14+$0x1E860]  }
0x3f2: {  	vm1 =	vge.f32 v63, $6.000000240e-01;
	v62 =	vld.idx.msk [tilespmem:v57+s2+$0x0], $0xffff;
	v37 =	vsub.f32 v37, v59;
	v35 =	vsub.f32 v35, v59  }
0x3f3: {  	v49 =	vadd.s32 v12, v23;
	v56 =	vadd.f32 $1.100000000e+01, v54;
	v61 =	vnsel vm1, $0x0, v63  }
0x3f4: {  	[tilespmem:s3+$0x4010] =	vst v61;
	v63 =	vadd.f32 v37, v38;
	v37 =	vnsel vm1, $0x0, v37;
	v38 =	vadd.f32 v35, v38  }
0x3f5: {  	v35 =	vnsel vm1, $0x0, v35;
	[tilespmem:s3+$0x10] =	vst v37;
	v57 =	vmul.f32 $1.200000000e+01, v42;
	v58 =	vmul.f32 $1.200000000e+01, v60  }
0x3f6: {  	v61 =	vadd.f32 $1.100000000e+01, v41;
	v50 =	vmul.f32 $1.200000000e+01, v50;
	[tilespmem:s3+$0x1010] =	vst v35;
	v59 =	vnsel vm1, $0x0, v63  }
0x3f7: {  	v60 =	vld.idx.msk [tilespmem:v30+s2+$0x0], $0xffff;
	v62 =	vmul.f32 $1.200000000e+01, v62;
	v30 =	vnsel vm1, $0x0, v38;
	v63 =	vadd.s32 v15, v23;
	[tilespmem:s3+$0x2010] =	vst v59  }
0x3f8: {  	[tilespmem:s3+$0x3010] =	vst v30;
	v30 =	vnsel vm0, $0x0, v46;
	v37 =	vadd.f32 v57, v25;
	v42 =	vadd.f32 v58, v40;
	v46 =	vld.idx.msk [tilespmem:v53+s5+$0x0], $0xffff  }
0x3f9: {  	v53 =	vadd.f32 v50, v41;
	v38 =	vadd.f32 v62, v61;
	v55 =	vld.idx.msk [tilespmem:v49+s2+$0x0], $0xffff  }
0x3fa: {  	v31 =	vadd.f32 v31, v54;
	v36 =	vadd.f32 v36, v56;
	v57 =	vld.idx.msk [tilespmem:v51+s2+$0x0], $0xffff  }
0x3fb: {  	v52 =	vadd.s32 v11, v23;
	v62 =	vld [tilespmem:s14+$0x1E860];
	v42 =	vsub.f32 v42, v37;
	v59 =	vsub.f32 v38, v53  }
0x3fc: {  	v36 =	vsub.f32 v36, v31;
	v58 =	vmul.f32 $1.200000000e+01, v60;
	v60 =	vld.idx.msk [tilespmem:v44+s2+$0x0], $0xffff;
	v44 =	vnsel vm0, $0x0, v47  }
0x3fd: {  	v61 =	vmul.f32 $5.000000000e-01, v42;
	v45 =	vld.idx.msk [tilespmem:v63+s2+$0x0], $0xffff;
	v42 =	vmax.f32 v42, v59;
	v33 =	vmul.f32 $5.000000000e-01, v59  }
0x3fe: {  	v22 =	vadd.f32 v58, v22;
	v63 =	vmul.f32 $5.000000000e-01, v42;
	vm1 =	vge.f32 v46, $6.000000240e-01  }
0x3ff: {  	v58 =	vadd.s32 v18, v24;
	v37 =	vadd.f32 v61, v37;
	v33 =	vadd.f32 v33, v53  }
0x400: {  	v41 =	vmul.f32 $1.200000000e+01, v55;
	v53 =	vmul.f32 $1.200000000e+01, v57;
	v54 =	vadd.f32 $1.100000000e+01, v62  }
0x401: {  	v46 =	vnsel vm1, $0x0, v46;
	v22 =	vsub.f32 v22, v21;
	v38 =	vmul.f32 $1.200000000e+01, v60  }
0x402: {  	v37 =	vsub.f32 v37, v63;
	v33 =	vsub.f32 v33, v63;
	v45 =	vmul.f32 $1.200000000e+01, v45  }
0x403: {  	v57 =	vadd.s32 v17, v24;
	v41 =	vadd.f32 v41, v28;
	v38 =	vadd.f32 v38, v34  }
0x404: {  	v61 =	vadd.s32 v20, v24;
	v47 =	vadd.f32 v53, v62;
	v45 =	vadd.f32 v45, v54  }
0x405: {  	[tilespmem:s3+$0x4060] =	vst v46;
	v55 =	vnsel vm1, $0x0, v37;
	v37 =	vadd.f32 v37, v42;
	v38 =	vsub.f32 v38, v41  }
0x406: {  	v35 =	vld.idx.msk [tilespmem:v52+s5+$0x0], $0xffff;
	v56 =	vnsel vm1, $0x0, v33;
	v33 =	vadd.f32 v33, v42;
	[tilespmem:s3+$0x60] =	vst v55;
	v45 =	vsub.f32 v45, v47  }
0x407: {  	v62 =	vadd.s32 v19, v24;
	[tilespmem:s3+$0x1060] =	vst v56;
	v37 =	vnsel vm1, $0x0, v37;
	v59 =	vmul.f32 $5.000000000e-01, v38  }
0x408: {  	v33 =	vnsel vm1, $0x0, v33;
	[tilespmem:s3+$0x2060] =	vst v37;
	v60 =	vmul.f32 $5.000000000e-01, v45;
	v38 =	vmax.f32 v38, v45  }
0x409: {  	v53 =	vadd.s32 v17, v23;
	[tilespmem:s3+$0x3060] =	vst v33;
	v41 =	vadd.f32 v59, v41;
	v45 =	vmul.f32 $5.000000000e-01, v38  }
0x40a: {  	v24 =	vadd.s32 v16, v24;
	v63 =	vmul.f32 $5.000000000e-01, v22;
	v48 =	vld [tilespmem:s14+$0x1E870];
	v47 =	vadd.f32 v60, v47  }
0x40b: {  	v22 =	vmax.f32 v22, v36;
	vm1 =	vge.f32 v35, $6.000000240e-01;
	v42 =	vld.idx.msk [tilespmem:v57+s2+$0x0], $0xffff;
	v41 =	vsub.f32 v41, v45  }
0x40c: {  	v36 =	vmul.f32 $5.000000000e-01, v36;
	v35 =	vnsel vm1, $0x0, v35;
	v46 =	vld.idx.msk [tilespmem:v58+s2+$0x0], $0xffff;
	v45 =	vsub.f32 v47, v45  }
0x40d: {  	v56 =	vmul.f32 $5.000000000e-01, v22;
	[tilespmem:s3+$0x4020] =	vst v35;
	v54 =	vld.idx.msk [tilespmem:v61+s2+$0x0], $0xffff;
	v52 =	vadd.f32 v41, v38;
	v55 =	vnsel vm1, $0x0, v41  }
0x40e: {  	v57 =	vadd.s32 v18, v23;
	v33 =	vld.idx.msk [tilespmem:v62+s2+$0x0], $0xffff;
	v38 =	vadd.f32 v45, v38;
	[tilespmem:s3+$0x20] =	vst v55;
	v62 =	vnsel vm1, $0x0, v45  }
0x40f: {  	v21 =	vadd.f32 v63, v21;
	v59 =	vadd.s32 v19, v23;
	v58 =	vnsel vm1, $0x0, v52;
	[tilespmem:s3+$0x1020] =	vst v62  }
0x410: {  	v26 =	vld.idx.msk [tilespmem:v26+s5+$0x0], $0xffff;
	v27 =	vadd.f32 v29, v27;
	v61 =	vadd.s32 v20, v23;
	[tilespmem:s3+$0x2020] =	vst v58;
	v60 =	vnsel vm1, $0x0, v38  }
0x411: {  	v31 =	vadd.f32 v36, v31;
	v21 =	vsub.f32 v21, v56;
	v24 =	vld.idx.msk [tilespmem:v24+s5+$0x0], $0xffff;
	[tilespmem:s3+$0x3020] =	vst v60  }
0x412: {  	v47 =	vmul.f32 $1.200000000e+01, v46;
	v35 =	vmul.f32 $1.200000000e+01, v54;
	v45 =	vadd.f32 $1.100000000e+01, v48;
	v51 =	vld.idx.msk [tilespmem:v53+s2+$0x0], $0xffff  }
0x413: {  	v31 =	vsub.f32 v31, v56;
	v33 =	vmul.f32 $1.200000000e+01, v33;
	v52 =	vmul.f32 $1.200000000e+01, v42;
	v53 =	vld.idx.msk [tilespmem:v57+s2+$0x0], $0xffff  }
0x414: {  	v29 =	vnsel vm0, $0x0, v29;
	v38 =	vadd.f32 v47, v48;
	v35 =	vadd.f32 v35, v45;
	v54 =	vld.idx.msk [tilespmem:v59+s2+$0x0], $0xffff  }
0x415: {  	v27 =	vnsel vm0, $0x0, v27;
	v33 =	vadd.f32 v33, v40;
	v25 =	vadd.f32 v52, v25;
	v32 =	vld.idx.msk [tilespmem:v61+s2+$0x0], $0xffff  }
0x416: {  	v63 =	vnsel vm0, $0x0, v39;
	v56 =	vadd.f32 v21, v22;
	v35 =	vsub.f32 v35, v38;
	v55 =	vld [tilespmem:s14+$0x1E870]  }
0x417: {  	v22 =	vadd.f32 v31, v22;
	v23 =	vadd.s32 v16, v23;
	v33 =	vsub.f32 v33, v25  }
0x418: {  	vm0 =	vge.f32 v24, $6.000000240e-01;
	vm1 =	vge.f32 v26, $6.000000240e-01;
	v57 =	vmul.f32 $5.000000000e-01, v35  }
0x419: {  	[tilespmem:s8+$0x3070] =	vst v30;
	v24 =	vnsel vm0, $0x0, v24;
	v26 =	vnsel vm1, $0x0, v26;
	v35 =	vmax.f32 v33, v35  }
0x41a: {  	[tilespmem:s8+$0x1070] =	vst v44;
	v38 =	vadd.f32 v57, v38;
	v39 =	vmul.f32 $1.200000000e+01, v51;
	v36 =	vmul.f32 $1.200000000e+01, v54  }
0x41b: {  	[tilespmem:s8+$0x4070] =	vst v63;
	v58 =	vmul.f32 $1.200000000e+01, v53;
	v59 =	vadd.f32 $1.100000000e+01, v55;
	v32 =	vmul.f32 $1.200000000e+01, v32  }
0x41c: {  	[tilespmem:s9+$0x4030] =	vst v26;
	v26 =	vmul.f32 $5.000000000e-01, v35;
	v28 =	vadd.f32 v39, v28;
	v34 =	vadd.f32 v36, v34  }
0x41d: {  	[tilespmem:s9+$0x70] =	vst v29;
	v30 =	vnsel vm1, $0x0, v56;
	v29 =	vadd.f32 v58, v55;
	v32 =	vadd.f32 v32, v59  }
0x41e: {  	[tilespmem:s9+$0x2070] =	vst v27;
	v22 =	vnsel vm1, $0x0, v22;
	v23 =	vld.idx.msk [tilespmem:v23+s5+$0x0], $0xffff;
	v27 =	vsub.f32 v38, v26;
	v34 =	vsub.f32 v34, v28  }
0x41f: {  	[tilespmem:s9+$0x2030] =	vst v30;
	v30 =	vnsel vm1, $0x0, v31;
	v31 =	vmul.f32 $5.000000000e-01, v33;
	v32 =	vsub.f32 v32, v29  }
0x420: {  	v21 =	vnsel vm1, $0x0, v21;
	[tilespmem:s9+$0x3030] =	vst v22;
	v22 =	vadd.f32 v27, v35;
	v60 =	vmul.f32 $5.000000000e-01, v34  }
0x421: {  	[tilespmem:s9+$0x30] =	vst v21;
	v21 =	vadd.f32 v31, v25;
	v25 =	vmax.f32 v34, v32;
	v31 =	vmul.f32 $5.000000000e-01, v32  }
0x422: {  	[tilespmem:s9+$0x1030] =	vst v30;
	v22 =	vnsel vm0, $0x0, v22;
	v30 =	vmul.f32 $5.000000000e-01, v25;
	v28 =	vadd.f32 v60, v28  }
0x423: {  	vm1 =	vge.f32 v23, $6.000000240e-01;
	v21 =	vsub.f32 v21, v26;
	[tilespmem:s3+$0x3070] =	vst v22;
	v22 =	vadd.f32 v31, v29  }
0x424: {  	[tilespmem:s3+$0x4070] =	vst v24;
	v23 =	vnsel vm1, $0x0, v23;
	v26 =	vsub.f32 v28, v30  }
0x425: {  	[tilespmem:s3+$0x4030] =	vst v23;
	v27 =	vnsel vm0, $0x0, v27;
	v24 =	vadd.f32 v21, v35;
	v22 =	vsub.f32 v22, v30  }
0x426: {  	[tilespmem:s3+$0x1070] =	vst v27;
	v21 =	vnsel vm0, $0x0, v21;
	v23 =	vadd.f32 v26, v25  }
0x427: {  	[tilespmem:s3+$0x70] =	vst v21;
	v24 =	vnsel vm0, $0x0, v24;
	v21 =	vadd.f32 v22, v25  }
0x428: {  	[tilespmem:s3+$0x2070] =	vst v24;
	v23 =	vnsel vm1, $0x0, v23  }
0x429: {  	v21 =	vnsel vm1, $0x0, v21;
	[tilespmem:s3+$0x2030] =	vst v23  }
0x42a: {  	v23 =	vnsel vm1, $0x0, v26;
	[tilespmem:s3+$0x3030] =	vst v21  }
0x42b: {  	s4 =	sor.u32 $0x8, s13;
	v21 =	vnsel vm1, $0x0, v22;
	[tilespmem:s3+$0x30] =	vst v23  }
0x42c: {  	s10 =	simm.s32 $0x14800;
	s8 =	simm.s32 $0x40;
	[tilespmem:s3+$0x1030] =	vst v21;
	s3 =	sadd.s32 s20, s4  }
0x42d: {  	[hbm4b:s3+s8] =	stream.strided.scatter [tilespmem:s10], [sflag:$0x3], $0x1000, s19, s8, $0x38;
	[tilespmem:$0x1F210] =	vst v63  }
0x42e: {  	s21 =	simm.s32 $0x15800;
	s9 =	sadd.s32 $0x40000, s3  }
0x42f: {  	[hbm4b:s9+s8] =	stream.strided.scatter [tilespmem:s21], [sflag:$0x3], $0x1000, s19, s8, $0x38;
	[tilespmem:$0x1F210] =	vst v63  }
0x430: {  	s9 =	sadd.s32 $0x80000, s3  }
0x431: {  	[hbm4b:s9+s8] =	stream.strided.scatter [tilespmem:s22], [sflag:$0x3], $0x1000, s19, s8, $0x38;
	[tilespmem:$0x1F210] =	vst v63  }
0x432: {  	s9 =	sadd.s32 $0xC0000, s3  }
0x433: {  	[hbm4b:s9+s8] =	stream.strided.scatter [tilespmem:s23], [sflag:$0x3], $0x1000, s19, s8, $0x38;
	[tilespmem:$0x1F210] =	vst v63  }
0x434: {  	s3 =	sadd.s32 $0x100000, s3;
	s9 =	rddreg [dreg:$0x4]  }
0x435: {  	[hbm4b:s3+s8] =	stream.strided.scatter [tilespmem:s24], [sflag:$0x3], $0x1000, s19, s8, $0x38;
	[tilespmem:$0x1F210] =	vst v63  }
0x436: {  	s3 =	sadd.s32 s9, s4  }
0x437: {  	[hbm4b:s3+s8] =	stream.strided.scatter [tilespmem:s10], [sflag:$0x3], $0x1000, s19, s8, $0x38;
	[tilespmem:$0x1F210] =	vst v63  }
0x438: {  	s4 =	sadd.s32 $0x40000, s3  }
0x439: {  	[hbm4b:s4+s8] =	stream.strided.scatter [tilespmem:s21], [sflag:$0x3], $0x1000, s19, s8, $0x38;
	[tilespmem:$0x1F210] =	vst v63  }
0x43a: {  	s10 =	sadd.s32 $0x80000, s3  }
0x43b: {  	[hbm4b:s10+s8] =	stream.strided.scatter [tilespmem:s22], [sflag:$0x3], $0x1000, s19, s8, $0x38;
	[tilespmem:$0x1F210] =	vst v63  }
0x43c: {  	s21 =	sadd.s32 $0xC0000, s3  }
0x43d: {  	[hbm4b:s21+s8] =	stream.strided.scatter [tilespmem:s23], [sflag:$0x3], $0x1000, s19, s8, $0x38;
	[tilespmem:$0x1F210] =	vst v63  }
0x43e: {  	s3 =	sadd.s32 $0x100000, s3  }
0x43f: {  	[hbm4b:s3+s8] =	stream.strided.scatter [tilespmem:s24], [sflag:$0x3], $0x1000, s19, s8, $0x38;
	[tilespmem:$0x1F210] =	vst v63  }
0x440: {  	s4 =	simm.s32 $0x41;
	_ =	swait.ge [sflag:s7], $0x5000  }
0x441: {  	v21 =	vmov s4;
	[sflag:s7] =	ssyncset.done $0x0  }
0x442: {  	v27 =	vand.u32 $0x7F, v21;
	[sflag:s7] =	ssyncadd.s32 $0xFFFFB000  }
0x443: {  	v21 =	vadd.s32 v1, v27;
	_ =	swait.ge [sflag:s7], $0x5000  }
0x444: {  	v22 =	vadd.s32 v3, v27;
	[sflag:s7] =	ssyncset.done $0x0  }
0x445: {  	v23 =	vmov s8;
	v25 =	vadd.s32 v4, v27;
	[sflag:s7] =	ssyncadd.s32 $0xFFFFB000  }
0x446: {  	v24 =	vand.u32 $0x7E, v23;
	s9 =	simm.s32 $0x1EE10;
	v26 =	vadd.s32 v5, v27;
	v23 =	vld [tilespmem:s1+$0x1E800]  }
0x447: {  	v28 =	vld [tilespmem:s9+$0x0]  }
0x448: {  	v31 =	vld.idx.msk [tilespmem:v21+s2+$0x0], $0xffff  }
0x449: {  	v22 =	vld.idx.msk [tilespmem:v22+s2+$0x0], $0xffff  }
0x44a: {  	v29 =	vadd.s32 v3, v24;
	v25 =	vld.idx.msk [tilespmem:v25+s2+$0x0], $0xffff  }
0x44b: {  	v30 =	vadd.s32 v1, v24;
	v26 =	vld.idx.msk [tilespmem:v26+s2+$0x0], $0xffff  }
0x44c: {  	v61 =	vadd.s32 v5, v24  }
0x44d: {  	v63 =	vadd.s32 v2, v27  }
0x44e: {  	v21 =	vadd.s32 v4, v24  }
0x44f: {  	v29 =	vld.idx.msk [tilespmem:v29+s2+$0x0], $0xffff;
	v32 =	vadd.f32 $1.100000000e+01, v28;
	v31 =	vmul.f32 $1.200000000e+01, v31;
	v25 =	vmul.f32 $1.200000000e+01, v25  }
0x450: {  	v30 =	vld.idx.msk [tilespmem:v30+s2+$0x0], $0xffff;
	v40 =	vadd.f32 $1.100000000e+01, v23;
	v22 =	vmul.f32 $1.200000000e+01, v22;
	v26 =	vmul.f32 $1.200000000e+01, v26  }
0x451: {  	v33 =	vld.idx.msk [tilespmem:v61+s2+$0x0], $0xffff;
	v31 =	vadd.f32 v31, v28;
	v25 =	vadd.f32 v25, v32  }
0x452: {  	v43 =	vld.idx.msk [tilespmem:v63+s5+$0x0], $0xffff;
	v42 =	vadd.f32 v22, v23;
	v26 =	vadd.f32 v26, v40  }
0x453: {  	v62 =	vld.idx.msk [tilespmem:v21+s2+$0x0], $0xffff;
	v25 =	vsub.f32 v25, v31  }
0x454: {  	v41 =	vadd.s32 v2, v24;
	v21 =	vld [tilespmem:s9+$0xFFFFFFF0];
	v29 =	vmul.f32 $1.200000000e+01, v29;
	v26 =	vsub.f32 v26, v42  }
0x455: {  	v48 =	vadd.s32 v7, v27;
	v30 =	vmul.f32 $1.200000000e+01, v30;
	v44 =	vmul.f32 $5.000000000e-01, v25  }
0x456: {  	v33 =	vmul.f32 $1.200000000e+01, v33;
	v25 =	vmax.f32 v25, v26;
	v26 =	vmul.f32 $5.000000000e-01, v26  }
0x457: {  	v23 =	vadd.f32 v29, v23;
	v45 =	vmul.f32 $5.000000000e-01, v25;
	v31 =	vadd.f32 v44, v31  }
0x458: {  	vm0 =	vge.f32 v43, $6.000000240e-01;
	v33 =	vadd.f32 v33, v40;
	v26 =	vadd.f32 v26, v42  }
0x459: {  	v29 =	vmul.f32 $1.200000000e+01, v62;
	v22 =	vadd.f32 $1.100000000e+01, v21;
	v31 =	vsub.f32 v31, v45  }
0x45a: {  	s8 =	simm.s32 $0x19800;
	v34 =	vnsel vm0, $0x0, v43;
	v30 =	vadd.f32 v30, v21;
	v26 =	vsub.f32 v26, v45  }
0x45b: {  	[tilespmem:s8+$0x4040] =	vst v34;
	v29 =	vadd.f32 v29, v22;
	v47 =	vnsel vm0, $0x0, v31;
	v31 =	vadd.f32 v31, v25  }
0x45c: {  	v51 =	vadd.s32 v9, v27;
	v49 =	vnsel vm0, $0x0, v26;
	v25 =	vadd.f32 v26, v25;
	[tilespmem:s8+$0x40] =	vst v47  }
0x45d: {  	v33 =	vsub.f32 v33, v23;
	v29 =	vsub.f32 v29, v30;
	[tilespmem:s8+$0x1040] =	vst v49;
	v31 =	vnsel vm0, $0x0, v31  }
0x45e: {  	v37 =	vld.idx.msk [tilespmem:v41+s5+$0x0], $0xffff;
	v26 =	vadd.s32 v8, v27;
	v25 =	vnsel vm0, $0x0, v25;
	[tilespmem:s8+$0x2040] =	vst v31  }
0x45f: {  	v50 =	vmul.f32 $5.000000000e-01, v33;
	v46 =	vmul.f32 $5.000000000e-01, v29;
	v31 =	vadd.s32 v10, v27;
	[tilespmem:s8+$0x3040] =	vst v25  }
0x460: {  	v29 =	vmax.f32 v29, v33;
	v25 =	vld.idx.msk [tilespmem:v48+s2+$0x0], $0xffff  }
0x461: {  	v23 =	vadd.f32 v50, v23;
	v33 =	vmul.f32 $5.000000000e-01, v29;
	v30 =	vadd.f32 v46, v30;
	v53 =	vld.idx.msk [tilespmem:v51+s2+$0x0], $0xffff  }
0x462: {  	v57 =	vld [tilespmem:s14+$0x1E850]  }
0x463: {  	vm0 =	vge.f32 v37, $6.000000240e-01;
	v23 =	vsub.f32 v23, v33;
	v30 =	vsub.f32 v30, v33;
	v26 =	vld.idx.msk [tilespmem:v26+s2+$0x0], $0xffff  }
0x464: {  	v54 =	vadd.s32 v7, v24;
	v52 =	vnsel vm0, $0x0, v37;
	v31 =	vld.idx.msk [tilespmem:v31+s2+$0x0], $0xffff  }
0x465: {  	[tilespmem:s8+$0x4000] =	vst v52;
	v55 =	vnsel vm0, $0x0, v30;
	v30 =	vadd.f32 v30, v29;
	v29 =	vadd.f32 v23, v29  }
0x466: {  	v56 =	vadd.s32 v8, v24;
	v23 =	vnsel vm0, $0x0, v23;
	[tilespmem:s8+$0x0] =	vst v55  }
0x467: {  	v58 =	vadd.s32 v9, v24;
	[tilespmem:s8+$0x1000] =	vst v23;
	v23 =	vnsel vm0, $0x0, v30;
	v29 =	vnsel vm0, $0x0, v29  }
0x468: {  	[tilespmem:s8+$0x3000] =	vst v29;
	v29 =	vadd.s32 v6, v27;
	v25 =	vmul.f32 $1.200000000e+01, v25;
	v33 =	vmul.f32 $1.200000000e+01, v53  }
0x469: {  	[tilespmem:s8+$0x2000] =	vst v23;
	v60 =	vadd.f32 $1.100000000e+01, v57;
	v26 =	vmul.f32 $1.200000000e+01, v26;
	v31 =	vmul.f32 $1.200000000e+01, v31  }
0x46a: {  	v30 =	vld.idx.msk [tilespmem:v54+s2+$0x0], $0xffff;
	v25 =	vadd.f32 v25, v28;
	v33 =	vadd.f32 v33, v32  }
0x46b: {  	v59 =	vld.idx.msk [tilespmem:v56+s2+$0x0], $0xffff;
	v26 =	vadd.f32 v26, v57;
	v31 =	vadd.f32 v31, v60  }
0x46c: {  	v23 =	vadd.s32 v10, v24;
	v37 =	vld.idx.msk [tilespmem:v58+s2+$0x0], $0xffff;
	v33 =	vsub.f32 v33, v25  }
0x46d: {  	v29 =	vld.idx.msk [tilespmem:v29+s5+$0x0], $0xffff;
	v31 =	vsub.f32 v31, v26  }
0x46e: {  	v62 =	vadd.s32 v6, v24;
	v63 =	vmul.f32 $5.000000000e-01, v33  }
0x46f: {  	v45 =	vadd.s32 v13, v27;
	v33 =	vmax.f32 v33, v31;
	v31 =	vmul.f32 $5.000000000e-01, v31  }
0x470: {  	v46 =	vadd.s32 v14, v27;
	v61 =	vld [tilespmem:s14+$0x1E850];
	v25 =	vadd.f32 v63, v25;
	v42 =	vmul.f32 $5.000000000e-01, v33  }
0x471: {  	v23 =	vld.idx.msk [tilespmem:v23+s2+$0x0], $0xffff;
	v30 =	vmul.f32 $1.200000000e+01, v30;
	v35 =	vmul.f32 $1.200000000e+01, v59;
	v26 =	vadd.f32 v31, v26  }
0x472: {  	v37 =	vmul.f32 $1.200000000e+01, v37;
	vm0 =	vge.f32 v29, $6.000000240e-01;
	v25 =	vsub.f32 v25, v42  }
0x473: {  	v30 =	vadd.f32 v30, v21;
	v29 =	vnsel vm0, $0x0, v29;
	v26 =	vsub.f32 v26, v42  }
0x474: {  	[tilespmem:s8+$0x4050] =	vst v29;
	v29 =	vadd.s32 v12, v27;
	v43 =	vnsel vm0, $0x0, v25;
	v25 =	vadd.f32 v25, v33  }
0x475: {  	v37 =	vadd.f32 v37, v22;
	[tilespmem:s8+$0x50] =	vst v43;
	v44 =	vnsel vm0, $0x0, v26;
	v26 =	vadd.f32 v26, v33  }
0x476: {  	v23 =	vmul.f32 $1.200000000e+01, v23;
	v31 =	vadd.f32 $1.100000000e+01, v61;
	[tilespmem:s8+$0x1050] =	vst v44;
	v25 =	vnsel vm0, $0x0, v25  }
0x477: {  	v34 =	vadd.f32 v35, v61;
	v47 =	vsub.f32 v37, v30;
	[tilespmem:s8+$0x2050] =	vst v25;
	v25 =	vnsel vm0, $0x0, v26  }
0x478: {  	v23 =	vadd.f32 v23, v31;
	v31 =	vld.idx.msk [tilespmem:v62+s5+$0x0], $0xffff;
	v26 =	vadd.s32 v15, v27;
	[tilespmem:s8+$0x3050] =	vst v25  }
0x479: {  	v25 =	vld.idx.msk [tilespmem:v29+s2+$0x0], $0xffff  }
0x47a: {  	v23 =	vsub.f32 v23, v34;
	v29 =	vmul.f32 $5.000000000e-01, v47;
	v33 =	vld.idx.msk [tilespmem:v45+s2+$0x0], $0xffff  }
0x47b: {  	v50 =	vadd.s32 v13, v24;
	v35 =	vld.idx.msk [tilespmem:v46+s2+$0x0], $0xffff  }
0x47c: {  	v36 =	vmax.f32 v47, v23;
	v23 =	vmul.f32 $5.000000000e-01, v23;
	v29 =	vadd.f32 v29, v30;
	v30 =	vld [tilespmem:s14+$0x1E860]  }
0x47d: {  	s10 =	simm.s32 $0x42;
	v49 =	vadd.s32 v12, v24;
	v51 =	vadd.s32 v14, v24;
	v48 =	vmul.f32 $5.000000000e-01, v36;
	v26 =	vld.idx.msk [tilespmem:v26+s2+$0x0], $0xffff  }
0x47e: {  	v53 =	vadd.s32 v11, v27;
	v56 =	vmov s10;
	v23 =	vadd.f32 v23, v34  }
0x47f: {  	v58 =	vadd.s32 v11, v24;
	vm0 =	vge.f32 v31, $6.000000240e-01;
	v29 =	vsub.f32 v29, v48  }
0x480: {  	v31 =	vnsel vm0, $0x0, v31;
	v23 =	vsub.f32 v23, v48;
	v25 =	vmul.f32 $1.200000000e+01, v25  }
0x481: {  	v35 =	vmul.f32 $1.200000000e+01, v35;
	v33 =	vmul.f32 $1.200000000e+01, v33;
	v52 =	vadd.f32 v29, v36  }
0x482: {  	v36 =	vadd.f32 v23, v36;
	v54 =	vadd.f32 $1.100000000e+01, v30;
	v26 =	vmul.f32 $1.200000000e+01, v26  }
0x483: {  	[tilespmem:s8+$0x4010] =	vst v31;
	v29 =	vnsel vm0, $0x0, v29;
	v25 =	vadd.f32 v25, v28;
	v31 =	vadd.f32 v35, v32  }
0x484: {  	v23 =	vnsel vm0, $0x0, v23;
	[tilespmem:s8+$0x10] =	vst v29;
	v30 =	vadd.f32 v33, v30;
	v26 =	vadd.f32 v26, v54  }
0x485: {  	v55 =	vld.idx.msk [tilespmem:v53+s5+$0x0], $0xffff;
	[tilespmem:s8+$0x1010] =	vst v23;
	v23 =	vand.u32 $0x7E, v56;
	v29 =	vnsel vm0, $0x0, v52;
	v31 =	vsub.f32 v31, v25  }
0x486: {  	v33 =	vadd.s32 v17, v24;
	[tilespmem:s8+$0x2010] =	vst v29;
	v29 =	vnsel vm0, $0x0, v36;
	v26 =	vsub.f32 v26, v30  }
0x487: {  	v63 =	vadd.s32 v2, v23;
	[tilespmem:s8+$0x3010] =	vst v29;
	v29 =	vadd.s32 v15, v24;
	v57 =	vmul.f32 $5.000000000e-01, v31  }
0x488: {  	v46 =	vadd.s32 v3, v23;
	v34 =	vld.idx.msk [tilespmem:v49+s2+$0x0], $0xffff;
	v59 =	vmax.f32 v31, v26;
	v60 =	vmul.f32 $5.000000000e-01, v26  }
0x489: {  	v48 =	vadd.s32 v4, v23;
	v37 =	vld.idx.msk [tilespmem:v50+s2+$0x0], $0xffff;
	v25 =	vadd.f32 v57, v25;
	v61 =	vmul.f32 $5.000000000e-01, v59  }
0x48a: {  	vm0 =	vge.f32 v55, $6.000000240e-01;
	v36 =	vadd.s32 v20, v24;
	v50 =	vld [tilespmem:s14+$0x1E860];
	v30 =	vadd.f32 v60, v30  }
0x48b: {  	v35 =	vnsel vm0, $0x0, v55;
	v54 =	vadd.s32 v17, v27;
	v52 =	vld.idx.msk [tilespmem:v58+s5+$0x0], $0xffff;
	v25 =	vsub.f32 v25, v61  }
0x48c: {  	v55 =	vadd.s32 v18, v27;
	v58 =	vadd.s32 v1, v23;
	v62 =	vld.idx.msk [tilespmem:v29+s2+$0x0], $0xffff;
	v30 =	vsub.f32 v30, v61  }
0x48d: {  	v38 =	vld.idx.msk [tilespmem:v51+s2+$0x0], $0xffff;
	[tilespmem:s8+$0x4060] =	vst v35;
	v35 =	vadd.s32 v8, v23;
	v51 =	vnsel vm0, $0x0, v25;
	v25 =	vadd.f32 v25, v59  }
0x48e: {  	v26 =	vadd.s32 v16, v24;
	[tilespmem:s8+$0x60] =	vst v51;
	v53 =	vnsel vm0, $0x0, v30;
	v30 =	vadd.f32 v30, v59  }
0x48f: {  	v31 =	vadd.s32 v18, v24;
	v29 =	vadd.s32 v19, v24;
	[tilespmem:s8+$0x1060] =	vst v53;
	v25 =	vnsel vm0, $0x0, v25  }
0x490: {  	v41 =	vld.idx.msk [tilespmem:v63+s5+$0x0], $0xffff;
	v37 =	vmul.f32 $1.200000000e+01, v37;
	[tilespmem:s8+$0x2060] =	vst v25;
	v25 =	vnsel vm0, $0x0, v30;
	v30 =	vadd.s32 v20, v27  }
0x491: {  	s21 =	simm.s32 $0x43;
	v57 =	vadd.f32 $1.100000000e+01, v50;
	v40 =	vmul.f32 $1.200000000e+01, v62;
	[tilespmem:s8+$0x3060] =	vst v25;
	v25 =	vadd.s32 v19, v27  }
0x492: {  	v24 =	vmov s21;
	v34 =	vmul.f32 $1.200000000e+01, v34;
	v56 =	vmul.f32 $1.200000000e+01, v38;
	v45 =	vld [tilespmem:s14+$0x1E870]  }
0x493: {  	v24 =	vand.u32 $0x7F, v24;
	v43 =	vadd.f32 v37, v50;
	v38 =	vadd.f32 v40, v57;
	v39 =	vld.idx.msk [tilespmem:v54+s2+$0x0], $0xffff  }
0x494: {  	v34 =	vadd.f32 v34, v21;
	v37 =	vadd.s32 v7, v23;
	v59 =	vadd.f32 v56, v22;
	v47 =	vld.idx.msk [tilespmem:v55+s2+$0x0], $0xffff  }
0x495: {  	vm1 =	vge.f32 v41, $6.000000240e-01;
	v51 =	vadd.s32 v5, v23;
	v61 =	vsub.f32 v38, v43;
	v30 =	vld.idx.msk [tilespmem:v30+s2+$0x0], $0xffff  }
0x496: {  	vm0 =	vge.f32 v52, $6.000000240e-01;
	v60 =	vsub.f32 v59, v34;
	v57 =	vadd.s32 v5, v24;
	v25 =	vld.idx.msk [tilespmem:v25+s2+$0x0], $0xffff  }
0x497: {  	v49 =	vld [tilespmem:s1+$0x1E800];
	v40 =	vnsel vm0, $0x0, v52;
	v27 =	vadd.s32 v16, v27;
	v63 =	vmul.f32 $5.000000000e-01, v61  }
0x498: {  	v46 =	vld.idx.msk [tilespmem:v46+s2+$0x0], $0xffff;
	v62 =	vmul.f32 $5.000000000e-01, v60;
	v54 =	vadd.s32 v4, v24;
	v56 =	vmax.f32 v60, v61  }
0x499: {  	v44 =	vld.idx.msk [tilespmem:v58+s2+$0x0], $0xffff;
	v60 =	vadd.s32 v1, v24;
	v61 =	vadd.s32 v3, v24;
	v42 =	vadd.f32 v63, v43  }
0x49a: {  	v48 =	vld.idx.msk [tilespmem:v48+s2+$0x0], $0xffff;
	v63 =	vadd.f32 $1.100000000e+01, v45;
	v47 =	vmul.f32 $1.200000000e+01, v47;
	v30 =	vmul.f32 $1.200000000e+01, v30  }
0x49b: {  	v50 =	vld.idx.msk [tilespmem:v51+s2+$0x0], $0xffff;
	v34 =	vadd.f32 v62, v34;
	v39 =	vmul.f32 $1.200000000e+01, v39;
	v58 =	vmul.f32 $1.200000000e+01, v25  }
0x49c: {  	v62 =	vmul.f32 $5.000000000e-01, v56;
	v55 =	vld.idx.msk [tilespmem:v57+s2+$0x0], $0xffff;
	v47 =	vadd.f32 v47, v45;
	v59 =	vadd.f32 v30, v63  }
0x49d: {  	v38 =	vadd.s32 v9, v23;
	v54 =	vld.idx.msk [tilespmem:v54+s2+$0x0], $0xffff;
	v30 =	vadd.f32 v39, v28;
	v28 =	vadd.f32 v58, v32  }
0x49e: {  	v51 =	vmul.f32 $1.200000000e+01, v44;
	v34 =	vsub.f32 v34, v62;
	v53 =	vld.idx.msk [tilespmem:v61+s2+$0x0], $0xffff;
	v61 =	vsub.f32 v59, v47  }
0x49f: {  	s3 =	simm.s32 $0x1EE30;
	v44 =	vsub.f32 v42, v62;
	v52 =	vld.idx.msk [tilespmem:v60+s2+$0x0], $0xffff;
	v60 =	vmul.f32 $1.200000000e+01, v46;
	v43 =	vsub.f32 v28, v30  }
0x4a0: {  	[tilespmem:s8+$0x4020] =	vst v40;
	v62 =	vadd.f32 v34, v56;
	v34 =	vnsel vm0, $0x0, v34;
	v25 =	vld [tilespmem:s3+$0x0];
	v63 =	vmul.f32 $5.000000000e-01, v61  }
0x4a1: {  	v45 =	vadd.f32 v44, v56;
	v42 =	vadd.f32 v60, v49;
	v39 =	vld.idx.msk [tilespmem:v27+s5+$0x0], $0xffff;
	v27 =	vmax.f32 v43, v61  }
0x4a2: {  	s4 =	simm.s32 $0x44;
	s9 =	simm.s32 $0x19800;
	[tilespmem:s8+$0x20] =	vst v34;
	v46 =	vnsel vm0, $0x0, v62;
	v28 =	vld [tilespmem:s3+$0xFFFFFFF0];
	v32 =	vmul.f32 $5.000000000e-01, v27;
	v47 =	vadd.f32 v63, v47  }
.LBB2_29:
0x4a3: {  	p1 =	slt.u32 s4, $0x7E;
	v44 =	vnsel vm0, $0x0, v44;
	[tilespmem:s8+$0x2020] =	vst v46;
	v34 =	vnsel vm0, $0x0, v45;
	v40 =	vmul.f32 $5.000000000e-01, v43  }
0x4a4: {  	v43 =	vmul.f32 $1.200000000e+01, v48;
	v45 =	vmul.f32 $1.200000000e+01, v50;
	[tilespmem:s8+$0x3020] =	vst v34;
	v46 =	vsub.f32 v47, v32  }
0x4a5: {  	v48 =	vadd.s32 v2, v24;
	v47 =	vadd.f32 $1.100000000e+01, v49;
	v34 =	vadd.f32 $1.100000000e+01, v25;
	[tilespmem:s8+$0x1020] =	vst v44  }
0x4a6: {  	v50 =	vmul.f32 $1.200000000e+01, v54;
	v44 =	vmul.f32 $1.200000000e+01, v52;
	v33 =	vld.idx.msk [tilespmem:v33+s2+$0x0], $0xffff;
	v52 =	vadd.f32 v46, v27  }
0x4a7: {  	v53 =	vmul.f32 $1.200000000e+01, v53;
	v54 =	vmul.f32 $1.200000000e+01, v55;
	vm0 =	vge.f32 v39, $6.000000240e-01;
	v31 =	vld.idx.msk [tilespmem:v31+s2+$0x0], $0xffff  }
0x4a8: {  	v50 =	vadd.f32 v50, v34;
	v44 =	vadd.f32 v44, v25;
	v29 =	vld.idx.msk [tilespmem:v29+s2+$0x0], $0xffff;
	v52 =	vnsel vm0, $0x0, v52  }
0x4a9: {  	v49 =	vadd.f32 v53, v49;
	v53 =	vadd.f32 v54, v47;
	v46 =	vnsel vm0, $0x0, v46;
	v36 =	vld.idx.msk [tilespmem:v36+s2+$0x0], $0xffff;
	[tilespmem:s8+$0x3070] =	vst v52  }
0x4aa: {  	v39 =	vnsel vm0, $0x0, v39;
	v52 =	vadd.f32 $1.100000000e+01, v28;
	v50 =	vsub.f32 v50, v44;
	v48 =	vld.idx.msk [tilespmem:v48+s5+$0x0], $0xffff;
	[tilespmem:s8+$0x1070] =	vst v46  }
0x4ab: {  	v41 =	vnsel vm1, $0x0, v41;
	v46 =	vadd.f32 v51, v28;
	v51 =	vsub.f32 v53, v49;
	v53 =	vld [tilespmem:s14+$0x1E870];
	[tilespmem:s8+$0x4070] =	vst v39  }
0x4ac: {  	v39 =	vadd.f32 v43, v52;
	v43 =	vadd.f32 v45, v47;
	v45 =	vmul.f32 $5.000000000e-01, v50;
	v26 =	vld.idx.msk [tilespmem:v26+s5+$0x0], $0xffff  }
0x4ad: {  	v33 =	vmul.f32 $1.200000000e+01, v33;
	v47 =	vmax.f32 v50, v51;
	v50 =	vmul.f32 $5.000000000e-01, v51  }
0x4ae: {  	v39 =	vsub.f32 v39, v46;
	v51 =	vmul.f32 $5.000000000e-01, v47;
	v44 =	vadd.f32 v45, v44  }
0x4af: {  	v31 =	vmul.f32 $1.200000000e+01, v31;
	v43 =	vsub.f32 v43, v42;
	v45 =	vadd.f32 v50, v49  }
0x4b0: {  	v49 =	vmul.f32 $5.000000000e-01, v39;
	v44 =	vsub.f32 v44, v51;
	vm2 =	vge.f32 v48, $6.000000240e-01  }
0x4b1: {  	s8 =	sadd.s32 $0x80, s8;
	v50 =	vmul.f32 $5.000000000e-01, v43;
	v45 =	vsub.f32 v45, v51;
	v48 =	vnsel vm2, $0x0, v48  }
0x4b2: {  	v51 =	vnsel vm2, $0x0, v44;
	v44 =	vadd.f32 v44, v47;
	[tilespmem:s8+$0x4040] =	vst v48;
	v48 =	vadd.s32 v7, v24  }
0x4b3: {  	[tilespmem:s8+$0x40] =	vst v51;
	v51 =	vnsel vm2, $0x0, v45;
	v45 =	vadd.f32 v45, v47;
	v47 =	vadd.s32 v8, v24  }
0x4b4: {  	v39 =	vmax.f32 v39, v43;
	v43 =	vnsel vm2, $0x0, v44;
	v44 =	vadd.s32 v9, v24;
	[tilespmem:s8+$0x1040] =	vst v51  }
0x4b5: {  	v46 =	vadd.f32 v49, v46;
	[tilespmem:s8+$0x2040] =	vst v43;
	v43 =	vnsel vm2, $0x0, v45;
	v45 =	vadd.s32 v10, v24  }
0x4b6: {  	v29 =	vmul.f32 $1.200000000e+01, v29;
	v49 =	vmul.f32 $5.000000000e-01, v39;
	v42 =	vadd.f32 v50, v42;
	[tilespmem:s8+$0x3040] =	vst v43  }
0x4b7: {  	v33 =	vadd.f32 v33, v21;
	v21 =	vmovc v28;
	v36 =	vmul.f32 $1.200000000e+01, v36;
	v43 =	vadd.f32 $1.100000000e+01, v53;
	[tilespmem:s8+$0x4000] =	vst v41;
	v41 =	vld.idx.msk [tilespmem:v48+s2+$0x0], $0xffff  }
0x4b8: {  	v28 =	vsub.f32 v46, v49;
	v42 =	vsub.f32 v42, v49;
	vm2 =	vge.f32 v26, $6.000000240e-01;
	v46 =	vld.idx.msk [tilespmem:v47+s2+$0x0], $0xffff  }
0x4b9: {  	v29 =	vadd.f32 v29, v22;
	v22 =	vmovc v52;
	v31 =	vadd.f32 v31, v53;
	v26 =	vnsel vm2, $0x0, v26;
	v44 =	vld.idx.msk [tilespmem:v44+s2+$0x0], $0xffff  }
0x4ba: {  	v47 =	vnsel vm1, $0x0, v28;
	v28 =	vadd.f32 v28, v39;
	v39 =	vadd.f32 v42, v39;
	v45 =	vld.idx.msk [tilespmem:v45+s2+$0x0], $0xffff;
	[tilespmem:s9+$0x4030] =	vst v26  }
0x4bb: {  	v29 =	vsub.f32 v29, v33;
	v36 =	vadd.f32 v36, v43;
	v26 =	vnsel vm1, $0x0, v42;
	[tilespmem:s8+$0x0] =	vst v47;
	v42 =	vld [tilespmem:s14+$0x1E850]  }
0x4bc: {  	v30 =	vadd.f32 v40, v30;
	[tilespmem:s8+$0x1000] =	vst v26;
	v26 =	vnsel vm1, $0x0, v28;
	v28 =	vnsel vm1, $0x0, v39  }
0x4bd: {  	v36 =	vsub.f32 v36, v31;
	v39 =	vmul.f32 $5.000000000e-01, v29;
	[tilespmem:s8+$0x2000] =	vst v26;
	v26 =	vadd.s32 v10, v23  }
0x4be: {  	v40 =	vadd.s32 v6, v24;
	v30 =	vsub.f32 v30, v32;
	[tilespmem:s8+$0x3000] =	vst v28;
	v28 =	vadd.s32 v6, v23  }
0x4bf: {  	v29 =	vmax.f32 v29, v36;
	v32 =	vld.idx.msk [tilespmem:v37+s2+$0x0], $0xffff;
	v37 =	vmul.f32 $1.200000000e+01, v41;
	v41 =	vmul.f32 $1.200000000e+01, v44  }
0x4c0: {  	v44 =	vmul.f32 $1.200000000e+01, v46;
	v45 =	vmul.f32 $1.200000000e+01, v45;
	v35 =	vld.idx.msk [tilespmem:v35+s2+$0x0], $0xffff;
	v43 =	vadd.f32 $1.100000000e+01, v42  }
0x4c1: {  	v36 =	vmul.f32 $5.000000000e-01, v36;
	v38 =	vld.idx.msk [tilespmem:v38+s2+$0x0], $0xffff;
	v37 =	vadd.f32 v37, v25;
	v41 =	vadd.f32 v41, v34  }
0x4c2: {  	v42 =	vadd.f32 v44, v42;
	v44 =	vmul.f32 $5.000000000e-01, v29;
	v26 =	vld.idx.msk [tilespmem:v26+s2+$0x0], $0xffff;
	v43 =	vadd.f32 v45, v43  }
0x4c3: {  	v33 =	vadd.f32 v39, v33;
	v39 =	vnsel vm0, $0x0, v30;
	v40 =	vld.idx.msk [tilespmem:v40+s5+$0x0], $0xffff;
	v41 =	vsub.f32 v41, v37  }
0x4c4: {  	v31 =	vadd.f32 v36, v31;
	v45 =	vld [tilespmem:s14+$0x1E850];
	v43 =	vsub.f32 v43, v42;
	[tilespmem:s9+$0x70] =	vst v39  }
0x4c5: {  	v33 =	vsub.f32 v33, v44;
	v32 =	vmul.f32 $1.200000000e+01, v32;
	v28 =	vld.idx.msk [tilespmem:v28+s5+$0x0], $0xffff;
	v36 =	vmul.f32 $5.000000000e-01, v41  }
0x4c6: {  	v35 =	vmul.f32 $1.200000000e+01, v35;
	v39 =	vmax.f32 v41, v43;
	v41 =	vmul.f32 $5.000000000e-01, v43  }
0x4c7: {  	v38 =	vmul.f32 $1.200000000e+01, v38;
	v43 =	vmul.f32 $5.000000000e-01, v39;
	v36 =	vadd.f32 v36, v37  }
0x4c8: {  	v32 =	vadd.f32 v32, v21;
	v26 =	vmul.f32 $1.200000000e+01, v26;
	v37 =	vadd.f32 v41, v42  }
0x4c9: {  	vm1 =	vge.f32 v40, $6.000000240e-01;
	v41 =	vadd.f32 $1.100000000e+01, v45;
	v36 =	vsub.f32 v36, v43  }
0x4ca: {  	v35 =	vadd.f32 v35, v45;
	v40 =	vnsel vm1, $0x0, v40;
	v37 =	vsub.f32 v37, v43  }
0x4cb: {  	v42 =	vnsel vm1, $0x0, v36;
	v36 =	vadd.f32 v36, v39;
	[tilespmem:s8+$0x4050] =	vst v40;
	v40 =	vadd.s32 v12, v24  }
0x4cc: {  	[tilespmem:s8+$0x50] =	vst v42;
	v42 =	vnsel vm1, $0x0, v37;
	v37 =	vadd.f32 v37, v39;
	v39 =	vadd.s32 v13, v24  }
0x4cd: {  	v38 =	vadd.f32 v38, v22;
	[tilespmem:s8+$0x1050] =	vst v42;
	v36 =	vnsel vm1, $0x0, v36;
	v42 =	vadd.s32 v14, v24  }
0x4ce: {  	v26 =	vadd.f32 v26, v41;
	[tilespmem:s8+$0x2050] =	vst v36;
	v36 =	vnsel vm1, $0x0, v37;
	v37 =	vadd.s32 v15, v24  }
0x4cf: {  	v31 =	vsub.f32 v31, v44;
	v38 =	vsub.f32 v38, v32;
	vm1 =	vge.f32 v28, $6.000000240e-01;
	[tilespmem:s8+$0x3050] =	vst v36  }
0x4d0: {  	v27 =	vadd.f32 v30, v27;
	v26 =	vsub.f32 v26, v35;
	v28 =	vnsel vm1, $0x0, v28;
	v36 =	vld.idx.msk [tilespmem:v40+s2+$0x0], $0xffff  }
0x4d1: {  	v30 =	vmul.f32 $5.000000000e-01, v38;
	[tilespmem:s8+$0x4010] =	vst v28;
	v28 =	vld.idx.msk [tilespmem:v39+s2+$0x0], $0xffff;
	v39 =	vadd.f32 v33, v29;
	v29 =	vadd.f32 v31, v29  }
0x4d2: {  	v27 =	vnsel vm0, $0x0, v27;
	v38 =	vmax.f32 v38, v26;
	v26 =	vmul.f32 $5.000000000e-01, v26;
	v40 =	vld.idx.msk [tilespmem:v42+s2+$0x0], $0xffff  }
0x4d3: {  	v30 =	vadd.f32 v30, v32;
	v41 =	vmul.f32 $5.000000000e-01, v38;
	v32 =	vld.idx.msk [tilespmem:v37+s2+$0x0], $0xffff;
	v37 =	vnsel vm2, $0x0, v39;
	[tilespmem:s9+$0x2070] =	vst v27  }
0x4d4: {  	v26 =	vadd.f32 v26, v35;
	v33 =	vnsel vm2, $0x0, v33;
	v29 =	vnsel vm2, $0x0, v29;
	v27 =	vld [tilespmem:s14+$0x1E860];
	[tilespmem:s9+$0x2030] =	vst v37  }
0x4d5: {  	v35 =	vadd.s32 v12, v23;
	v31 =	vnsel vm2, $0x0, v31;
	v30 =	vsub.f32 v30, v41;
	[tilespmem:s9+$0x3030] =	vst v29  }
0x4d6: {  	v26 =	vsub.f32 v26, v41;
	v37 =	vadd.s32 v14, v23;
	v29 =	vadd.s32 v13, v23;
	[tilespmem:s9+$0x30] =	vst v33  }
0x4d7: {  	v39 =	vadd.s32 v11, v24;
	v33 =	vnsel vm1, $0x0, v30;
	v30 =	vadd.f32 v30, v38;
	[tilespmem:s9+$0x1030] =	vst v31;
	s9 =	smov.u32 s8  }
0x4d8: {  	v31 =	vadd.f32 v26, v38;
	[tilespmem:s8+$0x10] =	vst v33;
	v33 =	vmul.f32 $1.200000000e+01, v36;
	v36 =	vmul.f32 $1.200000000e+01, v40  }
0x4d9: {  	v28 =	vmul.f32 $1.200000000e+01, v28;
	v32 =	vmul.f32 $1.200000000e+01, v32;
	v38 =	vadd.f32 $1.100000000e+01, v27  }
0x4da: {  	v30 =	vnsel vm1, $0x0, v30;
	v40 =	vadd.f32 v33, v25;
	v33 =	vadd.f32 v36, v34  }
0x4db: {  	v27 =	vadd.f32 v28, v27;
	[tilespmem:s8+$0x2010] =	vst v30;
	v30 =	vnsel vm1, $0x0, v31;
	v28 =	vadd.f32 v32, v38  }
0x4dc: {  	v26 =	vnsel vm1, $0x0, v26;
	[tilespmem:s8+$0x3010] =	vst v30;
	v30 =	vadd.s32 v15, v23;
	v32 =	vld.idx.msk [tilespmem:v39+s5+$0x0], $0xffff;
	v31 =	vsub.f32 v33, v40  }
0x4dd: {  	v33 =	vmov s4;
	[tilespmem:s8+$0x1010] =	vst v26;
	v28 =	vsub.f32 v28, v27  }
0x4de: {  	v36 =	vadd.s32 v11, v23;
	v38 =	vand.u32 $0x7E, v33;
	v35 =	vld.idx.msk [tilespmem:v35+s2+$0x0], $0xffff;
	v39 =	vmul.f32 $5.000000000e-01, v31  }
0x4df: {  	v26 =	vadd.s32 v16, v23;
	v41 =	vld.idx.msk [tilespmem:v29+s2+$0x0], $0xffff;
	v42 =	vmax.f32 v31, v28;
	v28 =	vmul.f32 $5.000000000e-01, v28  }
0x4e0: {  	v33 =	vadd.s32 v17, v23;
	v37 =	vld.idx.msk [tilespmem:v37+s2+$0x0], $0xffff;
	v43 =	vmul.f32 $5.000000000e-01, v42;
	v39 =	vadd.f32 v39, v40  }
0x4e1: {  	v31 =	vadd.s32 v18, v23;
	v29 =	vadd.s32 v19, v23;
	v30 =	vld.idx.msk [tilespmem:v30+s2+$0x0], $0xffff;
	v27 =	vadd.f32 v28, v27  }
0x4e2: {  	v28 =	vadd.s32 v2, v38;
	vm0 =	vge.f32 v32, $6.000000240e-01;
	v40 =	vld [tilespmem:s14+$0x1E860];
	v39 =	vsub.f32 v39, v43  }
0x4e3: {  	v44 =	vadd.s32 v1, v38;
	v32 =	vnsel vm0, $0x0, v32;
	v36 =	vld.idx.msk [tilespmem:v36+s5+$0x0], $0xffff;
	v27 =	vsub.f32 v27, v43  }
0x4e4: {  	v35 =	vmul.f32 $1.200000000e+01, v35;
	v43 =	vnsel vm0, $0x0, v39;
	v39 =	vadd.f32 v39, v42;
	[tilespmem:s8+$0x4060] =	vst v32  }
0x4e5: {  	[tilespmem:s8+$0x60] =	vst v43;
	v32 =	vnsel vm0, $0x0, v27;
	v27 =	vadd.f32 v27, v42;
	v42 =	vadd.s32 v17, v24  }
0x4e6: {  	v41 =	vmul.f32 $1.200000000e+01, v41;
	[tilespmem:s8+$0x1060] =	vst v32;
	v32 =	vnsel vm0, $0x0, v39;
	v39 =	vadd.s32 v18, v24  }
0x4e7: {  	v37 =	vmul.f32 $1.200000000e+01, v37;
	[tilespmem:s8+$0x2060] =	vst v32;
	v27 =	vnsel vm0, $0x0, v27;
	v32 =	vadd.s32 v20, v24  }
0x4e8: {  	v30 =	vmul.f32 $1.200000000e+01, v30;
	v43 =	vadd.f32 $1.100000000e+01, v40;
	[tilespmem:s8+$0x3060] =	vst v27;
	v27 =	vadd.s32 v19, v24  }
0x4e9: {  	v45 =	vadd.f32 v35, v21;
	v40 =	vadd.f32 v41, v40;
	vm0 =	vge.f32 v36, $6.000000240e-01;
	v46 =	vld [tilespmem:s14+$0x1E870]  }
0x4ea: {  	v35 =	vadd.f32 v37, v22;
	v30 =	vadd.f32 v30, v43;
	v36 =	vnsel vm0, $0x0, v36;
	v42 =	vld.idx.msk [tilespmem:v42+s2+$0x0], $0xffff  }
0x4eb: {  	v43 =	vadd.s32 v3, v38;
	[tilespmem:s8+$0x4020] =	vst v36;
	v36 =	vadd.s32 v20, v23;
	v39 =	vld.idx.msk [tilespmem:v39+s2+$0x0], $0xffff;
	v23 =	vmov v38  }
0x4ec: {  	v48 =	vsub.f32 v35, v45;
	v30 =	vsub.f32 v30, v40;
	v47 =	vadd.s32 v4, v23;
	v32 =	vld.idx.msk [tilespmem:v32+s2+$0x0], $0xffff  }
0x4ed: {  	s10 =	sadd.s32 $0x1, s4;
	v49 =	vadd.s32 v5, v23;
	v37 =	vadd.s32 v7, v23;
	v35 =	vadd.s32 v8, v23;
	v27 =	vld.idx.msk [tilespmem:v27+s2+$0x0], $0xffff  }
0x4ee: {  	v50 =	vmul.f32 $5.000000000e-01, v48;
	v51 =	vmul.f32 $5.000000000e-01, v30;
	v41 =	vld.idx.msk [tilespmem:v28+s5+$0x0], $0xffff;
	v28 =	vmov s10  }
0x4ef: {  	v38 =	vadd.s32 v9, v23;
	v56 =	vmax.f32 v48, v30;
	v44 =	vld.idx.msk [tilespmem:v44+s2+$0x0], $0xffff;
	v28 =	vand.u32 $0x7F, v28  }
0x4f0: {  	v45 =	vadd.f32 v50, v45;
	v40 =	vadd.f32 v51, v40;
	v43 =	vld.idx.msk [tilespmem:v43+s2+$0x0], $0xffff;
	v30 =	vadd.s32 v1, v28  }
0x4f1: {  	v55 =	vmul.f32 $5.000000000e-01, v56;
	v54 =	vadd.s32 v4, v28;
	v48 =	vld.idx.msk [tilespmem:v47+s2+$0x0], $0xffff;
	v47 =	vadd.s32 v3, v28  }
0x4f2: {  	v51 =	vadd.f32 $1.100000000e+01, v46;
	v39 =	vmul.f32 $1.200000000e+01, v39;
	v32 =	vmul.f32 $1.200000000e+01, v32;
	v50 =	vld.idx.msk [tilespmem:v49+s2+$0x0], $0xffff  }
0x4f3: {  	s3 =	sadd.s32 $0x20, s3;
	v42 =	vmul.f32 $1.200000000e+01, v42;
	v57 =	vadd.s32 v5, v28;
	v27 =	vmul.f32 $1.200000000e+01, v27;
	v49 =	vld [tilespmem:s1+$0x1E800]  }
0x4f4: {  	v59 =	vadd.s32 v16, v24;
	v24 =	vmovc v28;
	v60 =	vadd.f32 v39, v46;
	v32 =	vadd.f32 v32, v51;
	v58 =	vld [tilespmem:s3+$0x0]  }
0x4f5: {  	vm1 =	vge.f32 v41, $6.000000240e-01;
	v52 =	vld.idx.msk [tilespmem:v30+s2+$0x0], $0xffff;
	v30 =	vadd.f32 v42, v25;
	v25 =	vadd.f32 v27, v34  }
.Ltmp15:
0x4f6: {  	v28 =	vsub.f32 v45, v55;
	v27 =	vmul.f32 $1.200000000e+01, v43;
	v32 =	vsub.f32 v32, v60;
	v53 =	vld.idx.msk [tilespmem:v47+s2+$0x0], $0xffff;
	(pc) =	sbr.rel @p1 .LBB2_29-.Ltmp15, $4  }
0x4f7: {  	v51 =	vmul.f32 $1.200000000e+01, v44;
	v44 =	vsub.f32 v40, v55;
	v54 =	vld.idx.msk [tilespmem:v54+s2+$0x0], $0xffff;
	v43 =	vsub.f32 v25, v30  }
0x4f8: {  	v34 =	vadd.f32 v28, v56;
	v40 =	vmul.f32 $5.000000000e-01, v32;
	v42 =	vadd.f32 v27, v49;
	v55 =	vld.idx.msk [tilespmem:v57+s2+$0x0], $0xffff  }
0x4f9: {  	v46 =	vnsel vm0, $0x0, v28;
	v45 =	vadd.f32 v44, v56;
	v39 =	vld.idx.msk [tilespmem:v59+s5+$0x0], $0xffff;
	v27 =	vmax.f32 v43, v32;
	v25 =	vmovc v58  }
0x4fa: {  	s4 =	sadd.s32 $0x2, s4;
	v47 =	vadd.f32 v40, v60;
	v28 =	vld [tilespmem:s3+$0xFFFFFFF0];
	[tilespmem:s8+$0x20] =	vst v46;
	v46 =	vnsel vm0, $0x0, v34;
	v32 =	vmul.f32 $5.000000000e-01, v27  }
0x4fb: {  	v40 =	vadd.f32 $1.100000000e+01, v25  }
0x4fc: {  	v34 =	vmul.f32 $1.200000000e+01, v52;
	v60 =	vadd.s32 v2, v24;
	v59 =	vmul.f32 $1.200000000e+01, v54  }
0x4fd: {  	v56 =	vadd.f32 $1.100000000e+01, v49;
	v53 =	vmul.f32 $1.200000000e+01, v53;
	v55 =	vmul.f32 $1.200000000e+01, v55  }
0x4fe: {  	v34 =	vadd.f32 v34, v25;
	v52 =	vadd.f32 v59, v40  }
0x4ff: {  	v61 =	vadd.f32 v53, v49;
	v62 =	vadd.f32 v55, v56  }
0x500: {  	v52 =	vsub.f32 v52, v34  }
0x501: {  	v50 =	vmul.f32 $1.200000000e+01, v50;
	v54 =	vld.idx.msk [tilespmem:v60+s5+$0x0], $0xffff;
	v53 =	vsub.f32 v62, v61  }
0x502: {  	v63 =	vmul.f32 $5.000000000e-01, v52  }
0x503: {  	v50 =	vadd.f32 v50, v56;
	v52 =	vmax.f32 v52, v53;
	v53 =	vmul.f32 $5.000000000e-01, v53  }
0x504: {  	v51 =	vadd.f32 v51, v28;
	v55 =	vadd.f32 v63, v34;
	v57 =	vmul.f32 $5.000000000e-01, v52  }
0x505: {  	v48 =	vmul.f32 $1.200000000e+01, v48;
	v34 =	vadd.f32 $1.100000000e+01, v28;
	v49 =	vadd.f32 v53, v61  }
0x506: {  	v63 =	vadd.s32 v10, v24;
	vm2 =	vge.f32 v54, $6.000000240e-01;
	v55 =	vsub.f32 v55, v57  }
0x507: {  	s1 =	sadd.s32 $0x80, s8;
	v48 =	vadd.f32 v48, v34;
	v58 =	vnsel vm2, $0x0, v54;
	v49 =	vsub.f32 v49, v57  }
0x508: {  	v53 =	vadd.s32 v7, v24;
	[tilespmem:s1+$0x4040] =	vst v58;
	v59 =	vnsel vm2, $0x0, v55;
	v55 =	vadd.f32 v55, v52  }
0x509: {  	v48 =	vsub.f32 v48, v51;
	[tilespmem:s1+$0x40] =	vst v59;
	v60 =	vnsel vm2, $0x0, v49;
	v49 =	vadd.f32 v49, v52  }
0x50a: {  	v50 =	vsub.f32 v50, v42;
	v52 =	vadd.s32 v8, v24;
	[tilespmem:s1+$0x1040] =	vst v60;
	v61 =	vnsel vm2, $0x0, v55  }
0x50b: {  	v55 =	vadd.s32 v9, v24;
	v62 =	vmul.f32 $5.000000000e-01, v48;
	[tilespmem:s1+$0x2040] =	vst v61;
	v49 =	vnsel vm2, $0x0, v49  }
0x50c: {  	v59 =	vmul.f32 $5.000000000e-01, v50;
	v48 =	vmax.f32 v48, v50;
	[tilespmem:s1+$0x3040] =	vst v49  }
0x50d: {  	v61 =	vmul.f32 $5.000000000e-01, v48;
	v60 =	vadd.f32 v62, v51;
	v53 =	vld.idx.msk [tilespmem:v53+s2+$0x0], $0xffff  }
0x50e: {  	v62 =	vadd.f32 v59, v42;
	v51 =	vld.idx.msk [tilespmem:v63+s2+$0x0], $0xffff  }
0x50f: {  	v49 =	vld.idx.msk [tilespmem:v52+s2+$0x0], $0xffff;
	v50 =	vsub.f32 v60, v61  }
0x510: {  	v41 =	vnsel vm1, $0x0, v41;
	v42 =	vsub.f32 v62, v61;
	v61 =	vadd.s32 v6, v24;
	v52 =	vld.idx.msk [tilespmem:v55+s2+$0x0], $0xffff  }
0x511: {  	[tilespmem:s1+$0x4000] =	vst v41;
	v54 =	vld [tilespmem:s14+$0x1E850];
	v63 =	vnsel vm1, $0x0, v50;
	v50 =	vadd.f32 v50, v48  }
0x512: {  	v48 =	vadd.f32 v42, v48;
	v57 =	vnsel vm1, $0x0, v42;
	[tilespmem:s1+$0x0] =	vst v63  }
0x513: {  	[tilespmem:s1+$0x1000] =	vst v57;
	v58 =	vnsel vm1, $0x0, v50  }
0x514: {  	v44 =	vnsel vm0, $0x0, v44;
	v47 =	vsub.f32 v47, v32;
	v59 =	vnsel vm1, $0x0, v48;
	[tilespmem:s1+$0x2000] =	vst v58  }
0x515: {  	v60 =	vadd.s32 v10, v23;
	v62 =	vmul.f32 $1.200000000e+01, v53;
	[tilespmem:s1+$0x3000] =	vst v59;
	v42 =	vld.idx.msk [tilespmem:v61+s5+$0x0], $0xffff;
	v63 =	vmul.f32 $1.200000000e+01, v52  }
0x516: {  	v56 =	vadd.f32 $1.100000000e+01, v54;
	v51 =	vmul.f32 $1.200000000e+01, v51;
	v49 =	vmul.f32 $1.200000000e+01, v49;
	v37 =	vld.idx.msk [tilespmem:v37+s2+$0x0], $0xffff  }
0x517: {  	v45 =	vnsel vm0, $0x0, v45;
	v35 =	vld.idx.msk [tilespmem:v35+s2+$0x0], $0xffff;
	v48 =	vadd.f32 v62, v25;
	v50 =	vadd.f32 v63, v40  }
0x518: {  	v43 =	vmul.f32 $5.000000000e-01, v43;
	[tilespmem:s8+$0x1020] =	vst v44;
	v51 =	vadd.f32 v51, v56;
	v57 =	vld [tilespmem:s14+$0x1E850];
	v49 =	vadd.f32 v49, v54  }
0x519: {  	v44 =	vadd.s32 v14, v23;
	v58 =	vadd.s32 v6, v23;
	v38 =	vld.idx.msk [tilespmem:v38+s2+$0x0], $0xffff;
	v50 =	vsub.f32 v50, v48  }
0x51a: {  	v41 =	vld.idx.msk [tilespmem:v60+s2+$0x0], $0xffff;
	v56 =	vadd.s32 v13, v24;
	v63 =	vadd.s32 v12, v24;
	v51 =	vsub.f32 v51, v49  }
0x51b: {  	vm8 =	vge.f32 v42, $6.000000240e-01;
	v37 =	vmul.f32 $1.200000000e+01, v37;
	v59 =	vmul.f32 $5.000000000e-01, v50  }
0x51c: {  	v35 =	vmul.f32 $1.200000000e+01, v35;
	v50 =	vmax.f32 v50, v51;
	v51 =	vmul.f32 $5.000000000e-01, v51  }
0x51d: {  	v61 =	vadd.f32 $1.100000000e+01, v57;
	v60 =	vmul.f32 $5.000000000e-01, v50;
	v48 =	vadd.f32 v59, v48  }
0x51e: {  	v38 =	vmul.f32 $1.200000000e+01, v38;
	v37 =	vadd.f32 v37, v28;
	v49 =	vadd.f32 v51, v49  }
0x51f: {  	[tilespmem:s8+$0x2020] =	vst v46;
	v41 =	vmul.f32 $1.200000000e+01, v41;
	v35 =	vadd.f32 v35, v57;
	v48 =	vsub.f32 v48, v60  }
0x520: {  	[tilespmem:s8+$0x3020] =	vst v45;
	v42 =	vnsel vm8, $0x0, v42;
	v38 =	vadd.f32 v38, v34;
	v49 =	vsub.f32 v49, v60  }
0x521: {  	v33 =	vld.idx.msk [tilespmem:v33+s2+$0x0], $0xffff;
	[tilespmem:s1+$0x4050] =	vst v42;
	v41 =	vadd.f32 v41, v61;
	v62 =	vnsel vm8, $0x0, v48;
	v48 =	vadd.f32 v48, v50  }
0x522: {  	v57 =	vadd.s32 v14, v24;
	v54 =	vnsel vm8, $0x0, v49;
	v49 =	vadd.f32 v49, v50;
	[tilespmem:s1+$0x50] =	vst v62  }
0x523: {  	v31 =	vld.idx.msk [tilespmem:v31+s2+$0x0], $0xffff;
	v38 =	vsub.f32 v38, v37;
	v41 =	vsub.f32 v41, v35;
	[tilespmem:s1+$0x1050] =	vst v54;
	v48 =	vnsel vm8, $0x0, v48  }
0x524: {  	v30 =	vadd.f32 v43, v30;
	v58 =	vld.idx.msk [tilespmem:v58+s5+$0x0], $0xffff;
	v60 =	vadd.s32 v15, v24;
	v59 =	vnsel vm8, $0x0, v49;
	[tilespmem:s1+$0x2050] =	vst v48  }
0x525: {  	v61 =	vmul.f32 $5.000000000e-01, v38;
	v38 =	vmax.f32 v38, v41;
	v41 =	vmul.f32 $5.000000000e-01, v41;
	v54 =	vld [tilespmem:s14+$0x1E870];
	[tilespmem:s1+$0x3050] =	vst v59  }
0x526: {  	v46 =	vadd.f32 v47, v27;
	vm9 =	vge.f32 v39, $6.000000240e-01;
	v33 =	vmul.f32 $1.200000000e+01, v33;
	v42 =	vld.idx.msk [tilespmem:v63+s2+$0x0], $0xffff  }
0x527: {  	v62 =	vmul.f32 $5.000000000e-01, v38;
	v37 =	vadd.f32 v61, v37;
	v35 =	vadd.f32 v41, v35;
	v50 =	vld.idx.msk [tilespmem:v56+s2+$0x0], $0xffff  }
0x528: {  	v39 =	vnsel vm9, $0x0, v39;
	v31 =	vmul.f32 $1.200000000e+01, v31;
	v21 =	vadd.f32 v33, v21;
	v63 =	vld.idx.msk [tilespmem:v57+s2+$0x0], $0xffff  }
0x529: {  	vm10 =	vge.f32 v58, $6.000000240e-01;
	v37 =	vsub.f32 v37, v62;
	v35 =	vsub.f32 v35, v62;
	v41 =	vld [tilespmem:s14+$0x1E860]  }
0x52a: {  	v51 =	vadd.s32 v13, v23;
	v59 =	vadd.s32 v11, v24;
	v56 =	vnsel vm10, $0x0, v58;
	v57 =	vld.idx.msk [tilespmem:v60+s2+$0x0], $0xffff  }
0x52b: {  	v36 =	vld.idx.msk [tilespmem:v36+s2+$0x0], $0xffff;
	v58 =	vadd.f32 v37, v38;
	[tilespmem:s1+$0x4010] =	vst v56;
	v37 =	vnsel vm10, $0x0, v37;
	v38 =	vadd.f32 v35, v38  }
0x52c: {  	v52 =	vld.idx.msk [tilespmem:v29+s2+$0x0], $0xffff;
	v29 =	vnsel vm9, $0x0, v46;
	v49 =	vadd.s32 v12, v23;
	v35 =	vnsel vm10, $0x0, v35;
	[tilespmem:s1+$0x10] =	vst v37  }
0x52d: {  	[tilespmem:s1+$0x1010] =	vst v35;
	v31 =	vadd.f32 v31, v54;
	v62 =	vnsel vm10, $0x0, v58;
	v56 =	vnsel vm10, $0x0, v38  }
0x52e: {  	v58 =	vadd.s32 v15, v23;
	[tilespmem:s1+$0x2010] =	vst v62;
	v60 =	vmul.f32 $1.200000000e+01, v42;
	v61 =	vmul.f32 $1.200000000e+01, v63  }
0x52f: {  	[tilespmem:s1+$0x3010] =	vst v56;
	v46 =	vld.idx.msk [tilespmem:v59+s5+$0x0], $0xffff;
	v63 =	vadd.f32 $1.100000000e+01, v41;
	v50 =	vmul.f32 $1.200000000e+01, v50;
	v57 =	vmul.f32 $1.200000000e+01, v57  }
0x530: {  	v36 =	vmul.f32 $1.200000000e+01, v36;
	v62 =	vld.idx.msk [tilespmem:v51+s2+$0x0], $0xffff;
	v37 =	vadd.f32 v60, v25;
	v42 =	vadd.f32 v61, v40  }
0x531: {  	v59 =	vadd.f32 v50, v41;
	v38 =	vadd.f32 v57, v63;
	v60 =	vld.idx.msk [tilespmem:v49+s2+$0x0], $0xffff;
	v63 =	vmul.f32 $1.200000000e+01, v52  }
0x532: {  	v56 =	vadd.s32 v11, v23;
	v61 =	vadd.f32 $1.100000000e+01, v54;
	v54 =	vld [tilespmem:s14+$0x1E860];
	v42 =	vsub.f32 v42, v37  }
0x533: {  	v52 =	vld.idx.msk [tilespmem:v44+s2+$0x0], $0xffff;
	v44 =	vnsel vm9, $0x0, v47;
	v51 =	vsub.f32 v38, v59;
	v22 =	vadd.f32 v63, v22  }
0x534: {  	v45 =	vld.idx.msk [tilespmem:v58+s2+$0x0], $0xffff;
	v36 =	vadd.f32 v36, v61;
	vm11 =	vge.f32 v46, $6.000000240e-01;
	v61 =	vadd.s32 v17, v24  }
0x535: {  	v57 =	vmul.f32 $1.200000000e+01, v62;
	v53 =	vmul.f32 $5.000000000e-01, v42;
	v42 =	vmax.f32 v42, v51  }
0x536: {  	v33 =	vmul.f32 $5.000000000e-01, v51;
	v22 =	vsub.f32 v22, v21;
	v36 =	vsub.f32 v36, v31  }
0x537: {  	v55 =	vmul.f32 $5.000000000e-01, v42;
	v41 =	vmul.f32 $1.200000000e+01, v60;
	v58 =	vadd.f32 $1.100000000e+01, v54  }
0x538: {  	v38 =	vmul.f32 $1.200000000e+01, v52;
	v47 =	vadd.f32 v57, v54;
	v37 =	vadd.f32 v53, v37  }
0x539: {  	v33 =	vadd.f32 v33, v59;
	v45 =	vmul.f32 $1.200000000e+01, v45;
	v41 =	vadd.f32 v41, v28  }
0x53a: {  	v46 =	vnsel vm11, $0x0, v46;
	v38 =	vadd.f32 v38, v34;
	v37 =	vsub.f32 v37, v55  }
0x53b: {  	v62 =	vadd.s32 v18, v24;
	v33 =	vsub.f32 v33, v55;
	v45 =	vadd.f32 v45, v58  }
0x53c: {  	[tilespmem:s1+$0x4060] =	vst v46;
	v38 =	vsub.f32 v38, v41;
	v59 =	vnsel vm11, $0x0, v37;
	v37 =	vadd.f32 v37, v42  }
0x53d: {  	v35 =	vld.idx.msk [tilespmem:v56+s5+$0x0], $0xffff;
	v60 =	vnsel vm11, $0x0, v33;
	v33 =	vadd.f32 v33, v42;
	v45 =	vsub.f32 v45, v47;
	[tilespmem:s1+$0x60] =	vst v59  }
0x53e: {  	v53 =	vadd.s32 v20, v24;
	v63 =	vmul.f32 $5.000000000e-01, v38;
	[tilespmem:s1+$0x1060] =	vst v60;
	v37 =	vnsel vm11, $0x0, v37  }
0x53f: {  	v33 =	vnsel vm11, $0x0, v33;
	v52 =	vmul.f32 $5.000000000e-01, v45;
	v38 =	vmax.f32 v38, v45;
	[tilespmem:s1+$0x2060] =	vst v37  }
0x540: {  	v54 =	vadd.s32 v19, v24;
	v41 =	vadd.f32 v63, v41;
	v45 =	vmul.f32 $5.000000000e-01, v38;
	[tilespmem:s1+$0x3060] =	vst v33  }
0x541: {  	v50 =	vadd.s32 v18, v23;
	v56 =	vmul.f32 $5.000000000e-01, v22;
	v55 =	vadd.f32 v52, v47;
	v47 =	vld [tilespmem:s14+$0x1E870]  }
0x542: {  	v22 =	vmax.f32 v22, v36;
	vm12 =	vge.f32 v35, $6.000000240e-01;
	v42 =	vld.idx.msk [tilespmem:v61+s2+$0x0], $0xffff;
	v41 =	vsub.f32 v41, v45  }
0x543: {  	v36 =	vmul.f32 $5.000000000e-01, v36;
	v35 =	vnsel vm12, $0x0, v35;
	v57 =	vld.idx.msk [tilespmem:v62+s2+$0x0], $0xffff;
	v43 =	vsub.f32 v55, v45  }
0x544: {  	v21 =	vadd.f32 v56, v21;
	[tilespmem:s1+$0x4020] =	vst v35;
	v59 =	vld.idx.msk [tilespmem:v53+s2+$0x0], $0xffff;
	v58 =	vadd.f32 v41, v38;
	v60 =	vnsel vm12, $0x0, v41  }
0x545: {  	v62 =	vadd.s32 v17, v23;
	v33 =	vld.idx.msk [tilespmem:v54+s2+$0x0], $0xffff;
	v38 =	vadd.f32 v43, v38;
	[tilespmem:s1+$0x20] =	vst v60;
	v53 =	vnsel vm12, $0x0, v43  }
0x546: {  	v26 =	vld.idx.msk [tilespmem:v26+s5+$0x0], $0xffff;
	v31 =	vadd.f32 v36, v31;
	v61 =	vmul.f32 $5.000000000e-01, v22;
	v63 =	vnsel vm12, $0x0, v58;
	[tilespmem:s1+$0x1020] =	vst v53  }
0x547: {  	v30 =	vsub.f32 v30, v32;
	v52 =	vadd.s32 v19, v23;
	[tilespmem:s1+$0x2020] =	vst v63;
	v51 =	vnsel vm12, $0x0, v38  }
0x548: {  	v54 =	vadd.s32 v20, v23;
	v21 =	vsub.f32 v21, v61;
	v31 =	vsub.f32 v31, v61;
	[tilespmem:s1+$0x3020] =	vst v51  }
0x549: {  	v55 =	vadd.f32 $1.100000000e+01, v47;
	v56 =	vmul.f32 $1.200000000e+01, v57;
	v35 =	vmul.f32 $1.200000000e+01, v59;
	v37 =	vld [tilespmem:s14+$0x1E870]  }
0x54a: {  	v61 =	vadd.f32 v30, v27;
	v57 =	vmul.f32 $1.200000000e+01, v42;
	v33 =	vmul.f32 $1.200000000e+01, v33;
	v58 =	vld.idx.msk [tilespmem:v62+s2+$0x0], $0xffff  }
0x54b: {  	vm13 =	vge.f32 v26, $6.000000240e-01;
	v43 =	vadd.f32 v56, v47;
	v35 =	vadd.f32 v35, v55;
	v59 =	vld.idx.msk [tilespmem:v50+s2+$0x0], $0xffff  }
0x54c: {  	v26 =	vnsel vm13, $0x0, v26;
	v60 =	vadd.f32 v57, v25;
	v33 =	vadd.f32 v33, v40;
	v32 =	vld.idx.msk [tilespmem:v52+s2+$0x0], $0xffff  }
0x54d: {  	v23 =	vadd.s32 v16, v23;
	v30 =	vnsel vm9, $0x0, v30;
	v36 =	vld.idx.msk [tilespmem:v54+s2+$0x0], $0xffff;
	v35 =	vsub.f32 v35, v43  }
0x54e: {  	v27 =	vnsel vm9, $0x0, v61;
	v62 =	vadd.s32 v16, v24;
	v33 =	vsub.f32 v33, v60  }
0x54f: {  	v63 =	vadd.f32 v21, v22;
	v22 =	vadd.f32 v31, v22;
	v45 =	vmul.f32 $5.000000000e-01, v35  }
0x550: {  	[tilespmem:s8+$0x4070] =	vst v39;
	v21 =	vnsel vm13, $0x0, v21;
	v55 =	vnsel vm13, $0x0, v31;
	v35 =	vmax.f32 v33, v35  }
0x551: {  	[tilespmem:s8+$0x3070] =	vst v29;
	v47 =	vadd.f32 v45, v43;
	v48 =	vmul.f32 $1.200000000e+01, v58;
	v32 =	vmul.f32 $1.200000000e+01, v32  }
0x552: {  	[tilespmem:s9+$0x4030] =	vst v26;
	v23 =	vld.idx.msk [tilespmem:v23+s5+$0x0], $0xffff;
	v38 =	vmul.f32 $1.200000000e+01, v59;
	v49 =	vadd.f32 $1.100000000e+01, v37;
	v36 =	vmul.f32 $1.200000000e+01, v36  }
0x553: {  	[tilespmem:s8+$0x1070] =	vst v44;
	v50 =	vmul.f32 $5.000000000e-01, v35;
	v24 =	vld.idx.msk [tilespmem:v62+s5+$0x0], $0xffff;
	v51 =	vadd.f32 v48, v28;
	v32 =	vadd.f32 v32, v34  }
0x554: {  	[tilespmem:s9+$0x70] =	vst v30;
	v56 =	vmul.f32 $5.000000000e-01, v33;
	v52 =	vadd.f32 v38, v37;
	v53 =	vadd.f32 v36, v49  }
0x555: {  	[tilespmem:s9+$0x2070] =	vst v27;
	v46 =	vnsel vm13, $0x0, v63;
	v54 =	vsub.f32 v47, v50;
	v32 =	vsub.f32 v32, v51  }
0x556: {  	[tilespmem:s9+$0x30] =	vst v21;
	v22 =	vnsel vm13, $0x0, v22;
	v21 =	vadd.f32 v56, v60;
	v57 =	vsub.f32 v53, v52  }
0x557: {  	[tilespmem:s9+$0x3030] =	vst v22;
	vm15 =	vge.f32 v23, $6.000000240e-01;
	v22 =	vadd.f32 v54, v35;
	v58 =	vmul.f32 $5.000000000e-01, v32  }
0x558: {  	[tilespmem:s9+$0x1030] =	vst v55;
	vm14 =	vge.f32 v24, $6.000000240e-01;
	v59 =	vmax.f32 v32, v57;
	v60 =	vmul.f32 $5.000000000e-01, v57  }
0x559: {  	[tilespmem:s9+$0x2030] =	vst v46;
	v22 =	vnsel vm14, $0x0, v22;
	v61 =	vmul.f32 $5.000000000e-01, v59;
	v28 =	vadd.f32 v58, v51  }
0x55a: {  	v23 =	vnsel vm15, $0x0, v23;
	v21 =	vsub.f32 v21, v50;
	[tilespmem:s1+$0x3070] =	vst v22;
	v22 =	vadd.f32 v60, v52  }
0x55b: {  	[tilespmem:s1+$0x4030] =	vst v23;
	v27 =	vnsel vm14, $0x0, v54;
	v62 =	vsub.f32 v28, v61  }
0x55c: {  	v63 =	vadd.f32 v21, v35;
	v24 =	vnsel vm14, $0x0, v24;
	[tilespmem:s1+$0x1070] =	vst v27;
	v22 =	vsub.f32 v22, v61  }
0x55d: {  	v21 =	vnsel vm14, $0x0, v21;
	[tilespmem:s1+$0x4070] =	vst v24;
	v23 =	vadd.f32 v62, v59  }
0x55e: {  	[tilespmem:s1+$0x70] =	vst v21;
	v24 =	vnsel vm14, $0x0, v63;
	v21 =	vadd.f32 v22, v59  }
0x55f: {  	[tilespmem:s1+$0x2070] =	vst v24;
	v23 =	vnsel vm15, $0x0, v23  }
0x560: {  	v21 =	vnsel vm15, $0x0, v21;
	[tilespmem:s1+$0x2030] =	vst v23  }
0x561: {  	v23 =	vnsel vm15, $0x0, v62;
	[tilespmem:s1+$0x3030] =	vst v21  }
0x562: {  	s3 =	sadd.s32 $0x8008, s13;
	v21 =	vnsel vm15, $0x0, v22;
	[tilespmem:s1+$0x30] =	vst v23  }
0x563: {  	s8 =	sadd.s32 s20, s3;
	[tilespmem:s1+$0x1030] =	vst v21  }
0x564: {  	[hbm4b:s8+s18] =	stream.strided.scatter [tilespmem:s25], [sflag:$0x4], $0x1000, s19, s18, $0x38;
	[tilespmem:$0x1F210] =	vst v63  }
0x565: {  	s4 =	sadd.s32 $0x40000, s8  }
0x566: {  	[hbm4b:s4+s18] =	stream.strided.scatter [tilespmem:s26], [sflag:$0x4], $0x1000, s19, s18, $0x38;
	[tilespmem:$0x1F210] =	vst v63  }
0x567: {  	s9 =	sadd.s32 $0x80000, s8  }
0x568: {  	[hbm4b:s9+s18] =	stream.strided.scatter [tilespmem:s28], [sflag:$0x4], $0x1000, s19, s18, $0x38;
	[tilespmem:$0x1F210] =	vst v63  }
0x569: {  	s10 =	sadd.s32 $0xC0000, s8  }
0x56a: {  	[hbm4b:s10+s18] =	stream.strided.scatter [tilespmem:s29], [sflag:$0x4], $0x1000, s19, s18, $0x38;
	[tilespmem:$0x1F210] =	vst v63  }
0x56b: {  	s13 =	rddreg [dreg:$0x4];
	s1 =	sadd.s32 $0x100000, s8  }
0x56c: {  	[hbm4b:s1+s18] =	stream.strided.scatter [tilespmem:s30], [sflag:$0x4], $0x1000, s19, s18, $0x38;
	[tilespmem:$0x1F210] =	vst v63  }
0x56d: {  	s1 =	sadd.s32 s13, s3  }
0x56e: {  	[hbm4b:s1+s18] =	stream.strided.scatter [tilespmem:s25], [sflag:$0x4], $0x1000, s19, s18, $0x38;
	[tilespmem:$0x1F210] =	vst v63  }
0x56f: {  	s15 =	sadd.s32 $0x1, s15;
	s3 =	sadd.s32 $0x40000, s1  }
0x570: {  	[hbm4b:s3+s18] =	stream.strided.scatter [tilespmem:s26], [sflag:$0x4], $0x1000, s19, s18, $0x38;
	[tilespmem:$0x1F210] =	vst v63  }
0x571: {  	p1 =	sne.s32 s15, $0x4;
	s14 =	sadd.s32 $0x80000, s1  }
0x572: {  	[hbm4b:s14+s18] =	stream.strided.scatter [tilespmem:s28], [sflag:$0x4], $0x1000, s19, s18, $0x38;
	[tilespmem:$0x1F210] =	vst v63  }
.Ltmp16:
0x573: {  	_ = 	snop;
	(pc) =	sbr.rel @p1 .LBB2_12-.Ltmp16, $4  }
0x574: {  	s21 =	sadd.s32 $0xC0000, s1  }
0x575: {  	[hbm4b:s21+s18] =	stream.strided.scatter [tilespmem:s29], [sflag:$0x4], $0x1000, s19, s18, $0x38;
	[tilespmem:$0x1F210] =	vst v63  }
0x576: {  	s1 =	sadd.s32 $0x100000, s1  }
0x577: {  	[hbm4b:s1+s18] =	stream.strided.scatter [tilespmem:s30], [sflag:$0x4], $0x1000, s19, s18, $0x38;
	[tilespmem:$0x1F210] =	vst v63  }
0x578: {  	_ =	swait.ge [sflag:s0], $0x5000  }
0x579: {  	[sflag:s0] =	ssyncset.done $0x0  }
0x57a: {  	[sflag:s0] =	ssyncadd.s32 $0xFFFFB000  }
0x57b: {  	_ =	swait.ge [sflag:s0], $0x5000  }
0x57c: {  	[sflag:s0] =	ssyncset.done $0x0  }
0x57d: {  	[sflag:s0] =	ssyncadd.s32 $0xFFFFB000  }
0x57e: {  	_ =	swait.ge [sflag:s7], $0x5000  }
0x57f: {  	[sflag:s7] =	ssyncset.done $0x0  }
0x580: {  	[sflag:s7] =	ssyncadd.s32 $0xFFFFB000  }
0x581: {  	_ =	swait.ge [sflag:s7], $0x5000  }
0x582: {  	s3 =	rddreg [dreg:$0xe]  }
0x583: {  	s1 =	rddreg [dreg:$0xc];
	s3 =	sadd.s32 $0x1, s3  }
0x584: {  	p1 =	sne.s32 s3, s1  }
.Ltmp17:
0x585: {  	_ = 	snop;
	(pc) =	sbr.rel @p1 .LBB2_1-.Ltmp17, $4  }
.Ltmp18:
0x586: {  	_ = 	snop;
	(pc) =	sbr.rel @!p1 .LBB2_32-.Ltmp18, $4  }
0x587: {  	_ = 	snop  }
0x588: {  	[sflag:s7] =	ssyncset.done $0x0  }
0x589: {  	[sflag:s7] =	ssyncadd.s32 $0xFFFFB000  }
0x58a: {  	_ = 	snop  }
.LBB2_4:
.Ltmp19:
0x58b: {  	(pc) =	sbr.rel .LBB2_7-.Ltmp19, $2  }
0x58c: {  	_ =	sdelay $0x2  }
0x58d: {  	s3 =	simm.s32 $0x0  }
.LBB2_32:
0x58e: {  	_ =	sfence.sel $0x180000  }
0x58f: {  	[bflag:$0x0] =	sbarrier.arrive $0xFFFF  }
0x590: {  	_ =	strace $0x90000047  }
0x591: {  	s0 =	stileid.u32;
	[bflag:$0x2] =	sbarrier.arrive $0xFFFF  }
0x592: {  	p0 =	sne.s32 s0, $0x0;
	s0 =	rddreg [dreg:$0x6]  }
0x593: {  	s0 =	sadd.s32 @!p0 $0x100000, s0  }
0x594: {  	[sflag:s0] =	ssyncadd.tile.s32 @!p0 $0x1;
	_ =	shalt  }
.Lfunc_end2:
_tile_overlayer_lowered:
.L_overlay_start_2:
0x595: {  	(tag) =	ssettag $0x2  }
0x596: {  	s0 =	rddreg [dreg:$0x0];
	s2 =	stileid.u32  }
0x597: {  	s1 =	rddreg [dreg:$0x1];
	p0 =	sne.s32 s2, $0x0  }
0x598: {  	s3 =	rddreg [dreg:$0x2];
	[bflag:$0x3] =	sbarrier.arrive $0xFFFF;
	s2 =	simm.s32 @!p0 $0x1C05  }
0x599: {  	[timem:s3], [sflag:s2] =	dma.local @!p0 [hbm:s0], s1  }
0x59a: {  	s0 =	simm.s32 @!p0 $0x5  }
0x59b: {  	_ =	swait.ge @!p0 [sflag:s0], s1  }
0x59c: {  	s1 =	ssub.s32 @!p0 $0x0, s1;
	[sflag:s0] =	ssyncset.done @!p0 $0x0  }
0x59d: {  	[sflag:s0] =	ssyncadd.s32 @!p0 s1  }
0x59e: {  	[bflag:$0x3] =	sbarrier.arrive $0xFFFF  }
0x59f: {  	_ =	shalt  }

</sc_bundles>
